<compile_context>
chip_gen: v7x
topology: tpu7x:2x2x1
jax: 0.10.2.dev20260603
libtpu: 0.0.44.dev20260713+nightly
codegen_flags: <defaults>
</compile_context>

<pallas_src>
import functools

import jax
import jax.numpy as jnp
from jax import lax
from jax.experimental import pallas as pl
from jax.experimental.pallas import tpu as pltpu
from jax.experimental.pallas import tpu_sc as plsc

D = 64
SUB = 128
NC = 2
NS = 16
NW = NC * NS
NI = 16384
NJ = 50
IBLK = NI // SUB
BPW = IBLK // NW
GRP = 2
NU = NJ * (BPW // GRP)


@functools.partial(
    pl.kernel,
    out_type=jax.ShapeDtypeStruct((NJ, 8, IBLK, 8, SUB), jnp.float32),
    mesh=plsc.VectorSubcoreMesh(core_axis_name="c", subcore_axis_name="s"),
    compiler_params=pltpu.CompilerParams(use_tc_tiling_on_sc=False,
                                         needs_layout_passes=False),
    scratch_types=[
        pltpu.VMEM((NJ, BPW, SUB), jnp.int32),
        pltpu.VMEM((GRP * SUB, D), jnp.float32),
        pltpu.VMEM((GRP * SUB, D), jnp.float32),
        pltpu.VMEM((8, GRP, 8, SUB + 1), jnp.float32),
        pltpu.VMEM((8, GRP, 8, SUB + 1), jnp.float32),
        pltpu.SemaphoreType.DMA,
        pltpu.SemaphoreType.DMA,
        pltpu.SemaphoreType.DMA,
        pltpu.SemaphoreType.DMA,
    ],
)
def _emb_gather(idx_hbm, table_hbm, out_hbm, idx_v, rows0, rows1,
                trans0, trans1, gsem0, gsem1, wsem0, wsem1):
    cid = lax.axis_index("c")
    sid = lax.axis_index("s")
    wid = sid * NC + cid
    blk0 = wid * BPW

    rows = (rows0, rows1)
    trans = (trans0, trans1)
    gsems = (gsem0, gsem1)
    wsems = (wsem0, wsem1)
    iota16 = lax.iota(jnp.int32, 16)

    def start_gathers(j, b):
        for blk in range(GRP):
            pltpu.async_copy(table_hbm.at[idx_v.at[j, GRP * b + blk]],
                             rows[b].at[pl.ds(blk * SUB, SUB)], gsems[b])

    def wait_gathers(b):
        for blk in range(GRP):
            pltpu.make_async_copy(table_hbm.at[idx_v.at[0, GRP * b + blk]],
                                  rows[b].at[pl.ds(blk * SUB, SUB)],
                                  gsems[b]).wait()

    d8vs = [iota16 // 8 + 2 * q for q in range(4)]
    dlv = iota16 % 8

    def transpose(b):
        rows_b, trans_b = rows[b], trans[b]
        for blk in range(GRP):
            blkv = jnp.full((16,), blk, jnp.int32)

            def body(il, blk=blk, blkv=blkv):
                ilv = jnp.full((16,), 0, jnp.int32) + il
                for q in range(4):
                    vec = rows_b[blk * SUB + il, pl.ds(16 * q, 16)]
                    plsc.store_scatter(trans_b, [d8vs[q], blkv, dlv, ilv],
                                       vec)

            plsc.parallel_loop(0, SUB)(body)

    def start_writes(j, b):
        for d8 in range(8):
            for blk in range(GRP):
                pltpu.async_copy(
                    trans[b].at[d8, blk, pl.ds(0, 8), pl.ds(0, SUB)],
                    out_hbm.at[j, d8, blk0 + GRP * b + blk], wsems[b])

    def wait_writes(b):
        for d8 in range(8):
            for blk in range(GRP):
                pltpu.make_async_copy(
                    trans[b].at[d8, blk, pl.ds(0, 8), pl.ds(0, SUB)],
                    out_hbm.at[0, d8, blk0], wsems[b]).wait()

    pltpu.sync_copy(idx_hbm.at[:, pl.ds(blk0, BPW)], idx_v)

    start_gathers(0, 0)

    def pair(k, carry):
        for b in (0, 1):
            u = 2 * k + b
            wait_gathers(b)

            @pl.when(u + 1 < NU)
            def _():
                start_gathers((u + 1) // 2, 1 - b)

            @pl.when(u >= 2)
            def _():
                wait_writes(b)

            transpose(b)
            start_writes(k, b)
        return carry

    lax.fori_loop(0, NU // 2, pair, 0)
    wait_writes(0)
    wait_writes(1)


def kernel(index, emb_weight):
    idx3 = jnp.transpose(index.astype(jnp.int32)).reshape(NJ, IBLK, SUB)
    out5 = _emb_gather(idx3, emb_weight)
    return out5.transpose(2, 4, 0, 1, 3).reshape(NI, NJ, D)

# --- scband reference (transcript-rebuilt; emitter-appended) ---
"""Pipeline reference for scband-customized-embedding-56418690400260 (READ-ONLY COPY).

The authoritative reference and input builder live on the scoring server;
editing this copy changes nothing except your own understanding.
"""

import jax, jax.numpy as jnp
import numpy as np

CONCEPT_NUM = 1000000
CONCEPT_DIM = 64
SCALE = 1.0

def setup_inputs(seed: int = 0) -> dict:
    key = jax.random.key(seed)
    k1, k2 = jax.random.split(key)
    index = jax.random.randint(k1, (16384, 50), 0, CONCEPT_NUM, dtype=jnp.int64 if jax.config.read('jax_enable_x64') else jnp.int32)
    # embedding table: (concept_num + 1, concept_dim), init N(0, 0.02)
    emb_weight = jax.random.normal(k2, (CONCEPT_NUM + 1, CONCEPT_DIM), dtype=jnp.float32) * 0.02
    return {"index": index, "emb_weight": emb_weight}

def reference(index, emb_weight):
    # concept_dim == gnn_dim, so no cpt_transform; pure embedding lookup * scale
    out = jnp.take(emb_weight, index, axis=0) * SCALE
    return out

if __name__ == "__main__":
    import jax
    _d = setup_inputs()
    print(jax.jit(kernel)(*tuple(_d.values())))

</pallas_src>

<mosaic_0001>
#map = affine_map<(d0, d1) -> (0, 0, 0)>
#map1 = affine_map<(d0, d1) -> (0, 0)>
#map2 = affine_map<(d0, d1) -> (0, 0, 0, 0, 0)>
module attributes {stable_mosaic.version = 14 : i64} {
  func.func @_emb_gather(%arg0: i32, %arg1: i32, %arg2: memref<50x128x128xi32, #tpu.memory_space<hbm>>, %arg3: memref<1000001x64xf32, #tpu.memory_space<hbm>>, %arg4: memref<50x8x128x8x128xf32, #tpu.memory_space<hbm>>, %arg5: memref<50x4x128xi32, #tpu.memory_space<vmem>>, %arg6: memref<256x64xf32, #tpu.memory_space<vmem>>, %arg7: memref<256x64xf32, #tpu.memory_space<vmem>>, %arg8: memref<8x2x8x129xf32, #tpu.memory_space<vmem>>, %arg9: memref<8x2x8x129xf32, #tpu.memory_space<vmem>>, %arg10: memref<!tpu.dma_semaphore, #tpu.memory_space<semaphore_mem>>, %arg11: memref<!tpu.dma_semaphore, #tpu.memory_space<semaphore_mem>>, %arg12: memref<!tpu.dma_semaphore, #tpu.memory_space<semaphore_mem>>, %arg13: memref<!tpu.dma_semaphore, #tpu.memory_space<semaphore_mem>>) attributes {dimension_semantics = [#tpu.dimension_semantics<core_parallel>, #tpu.dimension_semantics<subcore_parallel>], iteration_bounds = array<i64: 2, 16>, scalar_prefetch = 0 : i64, scratch_operands = 9 : i64, tpu.core_type = #tpu.core_type<sc_vector_subcore>, window_params = [{transform_indices = #map}, {transform_indices = #map1}, {transform_indices = #map2}]} {
    %mul3A = arith.constant 2 : i32
    %mul3A_0 = arith.muli %arg1, %mul3A : i32
    %add3A = arith.addi %mul3A_0, %arg0 : i32
    %mul3A_1 = arith.constant 4 : i32
    %mul3A_2 = arith.muli %add3A, %mul3A_1 : i32
    %iota3A = tpu.iota {dimensions = array<i32: 0>} : vector<16xi32>
    %jit3A = arith.constant 8 : i32
    %div3A = vector.broadcast %jit3A : i32 to vector<16xi32>
    %div3A_3 = arith.divsi %iota3A, %div3A : vector<16xi32>
    %sign3A = arith.constant 0 : i32
    %sign3A_4 = vector.broadcast %sign3A : i32 to vector<16xi32>
    %sign3A_5 = arith.cmpi sgt, %iota3A, %sign3A_4 : vector<16xi32>
    %sign3A_6 = arith.extui %sign3A_5 : vector<16xi1> to vector<16xi32>
    %sign3A_7 = arith.constant 0 : i32
    %sign3A_8 = vector.broadcast %sign3A_7 : i32 to vector<16xi32>
    %sign3A_9 = arith.cmpi slt, %iota3A, %sign3A_8 : vector<16xi32>
    %sign3A_10 = arith.extui %sign3A_9 : vector<16xi1> to vector<16xi32>
    %sign3A_11 = arith.subi %sign3A_6, %sign3A_10 : vector<16xi32>
    %sign3A_12 = arith.constant 0 : i32
    %sign3A_13 = arith.cmpi sgt, %jit3A, %sign3A_12 : i32
    %sign3A_14 = arith.extui %sign3A_13 : i1 to i32
    %sign3A_15 = arith.constant 0 : i32
    %sign3A_16 = arith.cmpi slt, %jit3A, %sign3A_15 : i32
    %sign3A_17 = arith.extui %sign3A_16 : i1 to i32
    %sign3A_18 = arith.subi %sign3A_14, %sign3A_17 : i32
    %ne3A = vector.broadcast %sign3A_18 : i32 to vector<16xi32>
    %ne3A_19 = arith.cmpi ne, %sign3A_11, %ne3A : vector<16xi32>
    %rem3A = vector.broadcast %jit3A : i32 to vector<16xi32>
    %rem3A_20 = arith.remsi %iota3A, %rem3A : vector<16xi32>
    %ne3A_21 = arith.constant 0 : i32
    %ne3A_22 = vector.broadcast %ne3A_21 : i32 to vector<16xi32>
    %ne3A_23 = arith.cmpi ne, %rem3A_20, %ne3A_22 : vector<16xi32>
    %and3A = arith.andi %ne3A_19, %ne3A_23 : vector<16xi1>
    %sub3A = arith.constant 1 : i32
    %sub3A_24 = vector.broadcast %sub3A : i32 to vector<16xi32>
    %sub3A_25 = arith.subi %div3A_3, %sub3A_24 : vector<16xi32>
    %select_n3A = arith.select %and3A, %sub3A_25, %div3A_3 : vector<16xi1>, vector<16xi32>
    %add3A_26 = arith.constant 0 : i32
    %add3A_27 = vector.broadcast %add3A_26 : i32 to vector<16xi32>
    %add3A_28 = arith.addi %select_n3A, %add3A_27 : vector<16xi32>
    %jit3A_29 = arith.constant 8 : i32
    %div3A_30 = vector.broadcast %jit3A_29 : i32 to vector<16xi32>
    %div3A_31 = arith.divsi %iota3A, %div3A_30 : vector<16xi32>
    %sign3A_32 = arith.constant 0 : i32
    %sign3A_33 = vector.broadcast %sign3A_32 : i32 to vector<16xi32>
    %sign3A_34 = arith.cmpi sgt, %iota3A, %sign3A_33 : vector<16xi32>
    %sign3A_35 = arith.extui %sign3A_34 : vector<16xi1> to vector<16xi32>
    %sign3A_36 = arith.constant 0 : i32
    %sign3A_37 = vector.broadcast %sign3A_36 : i32 to vector<16xi32>
    %sign3A_38 = arith.cmpi slt, %iota3A, %sign3A_37 : vector<16xi32>
    %sign3A_39 = arith.extui %sign3A_38 : vector<16xi1> to vector<16xi32>
    %sign3A_40 = arith.subi %sign3A_35, %sign3A_39 : vector<16xi32>
    %sign3A_41 = arith.constant 0 : i32
    %sign3A_42 = arith.cmpi sgt, %jit3A_29, %sign3A_41 : i32
    %sign3A_43 = arith.extui %sign3A_42 : i1 to i32
    %sign3A_44 = arith.constant 0 : i32
    %sign3A_45 = arith.cmpi slt, %jit3A_29, %sign3A_44 : i32
    %sign3A_46 = arith.extui %sign3A_45 : i1 to i32
    %sign3A_47 = arith.subi %sign3A_43, %sign3A_46 : i32
    %ne3A_48 = vector.broadcast %sign3A_47 : i32 to vector<16xi32>
    %ne3A_49 = arith.cmpi ne, %sign3A_40, %ne3A_48 : vector<16xi32>
    %rem3A_50 = vector.broadcast %jit3A_29 : i32 to vector<16xi32>
    %rem3A_51 = arith.remsi %iota3A, %rem3A_50 : vector<16xi32>
    %ne3A_52 = arith.constant 0 : i32
    %ne3A_53 = vector.broadcast %ne3A_52 : i32 to vector<16xi32>
    %ne3A_54 = arith.cmpi ne, %rem3A_51, %ne3A_53 : vector<16xi32>
    %and3A_55 = arith.andi %ne3A_49, %ne3A_54 : vector<16xi1>
    %sub3A_56 = arith.constant 1 : i32
    %sub3A_57 = vector.broadcast %sub3A_56 : i32 to vector<16xi32>
    %sub3A_58 = arith.subi %div3A_31, %sub3A_57 : vector<16xi32>
    %select_n3A_59 = arith.select %and3A_55, %sub3A_58, %div3A_31 : vector<16xi1>, vector<16xi32>
    %add3A_60 = arith.constant 2 : i32
    %add3A_61 = vector.broadcast %add3A_60 : i32 to vector<16xi32>
    %add3A_62 = arith.addi %select_n3A_59, %add3A_61 : vector<16xi32>
    %jit3A_63 = arith.constant 8 : i32
    %div3A_64 = vector.broadcast %jit3A_63 : i32 to vector<16xi32>
    %div3A_65 = arith.divsi %iota3A, %div3A_64 : vector<16xi32>
    %sign3A_66 = arith.constant 0 : i32
    %sign3A_67 = vector.broadcast %sign3A_66 : i32 to vector<16xi32>
    %sign3A_68 = arith.cmpi sgt, %iota3A, %sign3A_67 : vector<16xi32>
    %sign3A_69 = arith.extui %sign3A_68 : vector<16xi1> to vector<16xi32>
    %sign3A_70 = arith.constant 0 : i32
    %sign3A_71 = vector.broadcast %sign3A_70 : i32 to vector<16xi32>
    %sign3A_72 = arith.cmpi slt, %iota3A, %sign3A_71 : vector<16xi32>
    %sign3A_73 = arith.extui %sign3A_72 : vector<16xi1> to vector<16xi32>
    %sign3A_74 = arith.subi %sign3A_69, %sign3A_73 : vector<16xi32>
    %sign3A_75 = arith.constant 0 : i32
    %sign3A_76 = arith.cmpi sgt, %jit3A_63, %sign3A_75 : i32
    %sign3A_77 = arith.extui %sign3A_76 : i1 to i32
    %sign3A_78 = arith.constant 0 : i32
    %sign3A_79 = arith.cmpi slt, %jit3A_63, %sign3A_78 : i32
    %sign3A_80 = arith.extui %sign3A_79 : i1 to i32
    %sign3A_81 = arith.subi %sign3A_77, %sign3A_80 : i32
    %ne3A_82 = vector.broadcast %sign3A_81 : i32 to vector<16xi32>
    %ne3A_83 = arith.cmpi ne, %sign3A_74, %ne3A_82 : vector<16xi32>
    %rem3A_84 = vector.broadcast %jit3A_63 : i32 to vector<16xi32>
    %rem3A_85 = arith.remsi %iota3A, %rem3A_84 : vector<16xi32>
    %ne3A_86 = arith.constant 0 : i32
    %ne3A_87 = vector.broadcast %ne3A_86 : i32 to vector<16xi32>
    %ne3A_88 = arith.cmpi ne, %rem3A_85, %ne3A_87 : vector<16xi32>
    %and3A_89 = arith.andi %ne3A_83, %ne3A_88 : vector<16xi1>
    %sub3A_90 = arith.constant 1 : i32
    %sub3A_91 = vector.broadcast %sub3A_90 : i32 to vector<16xi32>
    %sub3A_92 = arith.subi %div3A_65, %sub3A_91 : vector<16xi32>
    %select_n3A_93 = arith.select %and3A_89, %sub3A_92, %div3A_65 : vector<16xi1>, vector<16xi32>
    %add3A_94 = arith.constant 4 : i32
    %add3A_95 = vector.broadcast %add3A_94 : i32 to vector<16xi32>
    %add3A_96 = arith.addi %select_n3A_93, %add3A_95 : vector<16xi32>
    %jit3A_97 = arith.constant 8 : i32
    %div3A_98 = vector.broadcast %jit3A_97 : i32 to vector<16xi32>
    %div3A_99 = arith.divsi %iota3A, %div3A_98 : vector<16xi32>
    %sign3A_100 = arith.constant 0 : i32
    %sign3A_101 = vector.broadcast %sign3A_100 : i32 to vector<16xi32>
    %sign3A_102 = arith.cmpi sgt, %iota3A, %sign3A_101 : vector<16xi32>
    %sign3A_103 = arith.extui %sign3A_102 : vector<16xi1> to vector<16xi32>
    %sign3A_104 = arith.constant 0 : i32
    %sign3A_105 = vector.broadcast %sign3A_104 : i32 to vector<16xi32>
    %sign3A_106 = arith.cmpi slt, %iota3A, %sign3A_105 : vector<16xi32>
    %sign3A_107 = arith.extui %sign3A_106 : vector<16xi1> to vector<16xi32>
    %sign3A_108 = arith.subi %sign3A_103, %sign3A_107 : vector<16xi32>
    %sign3A_109 = arith.constant 0 : i32
    %sign3A_110 = arith.cmpi sgt, %jit3A_97, %sign3A_109 : i32
    %sign3A_111 = arith.extui %sign3A_110 : i1 to i32
    %sign3A_112 = arith.constant 0 : i32
    %sign3A_113 = arith.cmpi slt, %jit3A_97, %sign3A_112 : i32
    %sign3A_114 = arith.extui %sign3A_113 : i1 to i32
    %sign3A_115 = arith.subi %sign3A_111, %sign3A_114 : i32
    %ne3A_116 = vector.broadcast %sign3A_115 : i32 to vector<16xi32>
    %ne3A_117 = arith.cmpi ne, %sign3A_108, %ne3A_116 : vector<16xi32>
    %rem3A_118 = vector.broadcast %jit3A_97 : i32 to vector<16xi32>
    %rem3A_119 = arith.remsi %iota3A, %rem3A_118 : vector<16xi32>
    %ne3A_120 = arith.constant 0 : i32
    %ne3A_121 = vector.broadcast %ne3A_120 : i32 to vector<16xi32>
    %ne3A_122 = arith.cmpi ne, %rem3A_119, %ne3A_121 : vector<16xi32>
    %and3A_123 = arith.andi %ne3A_117, %ne3A_122 : vector<16xi1>
    %sub3A_124 = arith.constant 1 : i32
    %sub3A_125 = vector.broadcast %sub3A_124 : i32 to vector<16xi32>
    %sub3A_126 = arith.subi %div3A_99, %sub3A_125 : vector<16xi32>
    %select_n3A_127 = arith.select %and3A_123, %sub3A_126, %div3A_99 : vector<16xi1>, vector<16xi32>
    %add3A_128 = arith.constant 6 : i32
    %add3A_129 = vector.broadcast %add3A_128 : i32 to vector<16xi32>
    %add3A_130 = arith.addi %select_n3A_127, %add3A_129 : vector<16xi32>
    %jit3A_131 = arith.constant 8 : i32
    %eq3A = arith.constant 0 : i32
    %eq3A_132 = arith.cmpi eq, %jit3A_131, %eq3A : i32
    %jit3A_133 = arith.constant 1 : i32
    %select_n3A_134 = arith.select %eq3A_132, %jit3A_133, %jit3A_131 : i32
    %rem3A_135 = vector.broadcast %select_n3A_134 : i32 to vector<16xi32>
    %rem3A_136 = arith.remsi %iota3A, %rem3A_135 : vector<16xi32>
    %ne3A_137 = arith.constant 0 : i32
    %ne3A_138 = vector.broadcast %ne3A_137 : i32 to vector<16xi32>
    %ne3A_139 = arith.cmpi ne, %rem3A_136, %ne3A_138 : vector<16xi32>
    %lt3A = arith.constant 0 : i32
    %lt3A_140 = vector.broadcast %lt3A : i32 to vector<16xi32>
    %lt3A_141 = arith.cmpi slt, %rem3A_136, %lt3A_140 : vector<16xi32>
    %lt3A_142 = arith.constant 0 : i32
    %lt3A_143 = arith.cmpi slt, %select_n3A_134, %lt3A_142 : i32
    %ne3A_144 = vector.broadcast %lt3A_143 : i1 to vector<16xi1>
    %ne3A_145 = vector.broadcast %ne3A_144 : vector<16xi1> to vector<16xi1>
    %ne3A_146 = arith.xori %lt3A_141, %ne3A_145 : vector<16xi1>
    %and3A_147 = arith.andi %ne3A_146, %ne3A_139 : vector<16xi1>
    %add3A_148 = vector.broadcast %select_n3A_134 : i32 to vector<16xi32>
    %add3A_149 = arith.addi %rem3A_136, %add3A_148 : vector<16xi32>
    %select_n3A_150 = arith.select %and3A_147, %add3A_149, %rem3A_136 : vector<16xi1>, vector<16xi32>
    "tpu.region"() ({
      %run_scoped3A = tpu.sem_alloc : memref<!tpu.dma_semaphore, #tpu.memory_space<semaphore_mem>>
      %dma_start3A_816 = arith.constant 0 : i32
      %dma_start3A_817 = arith.constant 0 : i32
      %dma_start3A_818 = tpu.memref_slice %arg2[%dma_start3A_816, %mul3A_2, %dma_start3A_817] : memref<50x128x128xi32, #tpu.memory_space<hbm>> -> memref<50x4x128xi32, #tpu.memory_space<hbm>>
      %dma_start3A_819 = arith.constant 0 : i32
      %dma_start3A_820 = arith.constant 0 : i32
      %dma_start3A_821 = tpu.memref_slice %arg2[%dma_start3A_819, %mul3A_2, %dma_start3A_820] : memref<50x128x128xi32, #tpu.memory_space<hbm>> -> memref<50x4x128xi32, #tpu.memory_space<hbm>>
      tpu.enqueue_dma source(%dma_start3A_821 : memref<50x4x128xi32, #tpu.memory_space<hbm>>) target(%arg5 : memref<50x4x128xi32, #tpu.memory_space<vmem>>) target_semaphore(%run_scoped3A : memref<!tpu.dma_semaphore, #tpu.memory_space<semaphore_mem>>)
      %dma_wait3A_822 = arith.constant 0 : i32
      %dma_wait3A_823 = arith.constant 0 : i32
      %dma_wait3A_824 = tpu.memref_slice %arg2[%dma_wait3A_822, %mul3A_2, %dma_wait3A_823] : memref<50x128x128xi32, #tpu.memory_space<hbm>> -> memref<50x4x128xi32, #tpu.memory_space<hbm>>
      %dma_wait3A_825 = arith.constant 0 : i32
      %dma_wait3A_826 = arith.constant 0 : i32
      %dma_wait3A_827 = tpu.memref_slice %arg2[%dma_wait3A_825, %mul3A_2, %dma_wait3A_826] : memref<50x128x128xi32, #tpu.memory_space<hbm>> -> memref<50x4x128xi32, #tpu.memory_space<hbm>>
      tpu.wait_dma2 semaphore(%run_scoped3A : memref<!tpu.dma_semaphore, #tpu.memory_space<semaphore_mem>>) src(%dma_wait3A_827 : memref<50x4x128xi32, #tpu.memory_space<hbm>>) dst(%arg5 : memref<50x4x128xi32, #tpu.memory_space<vmem>>)
      tpu.yield
    }) : () -> ()
    %dma_start3A = arith.constant 0 : i32
    %dma_start3A_151 = arith.constant 0 : i32
    %dma_start3A_152 = arith.constant 0 : i32
    %dma_start3A_153 = arith.constant 0 : i32
    %dma_start3A_154 = tpu.memref_slice %arg6[%dma_start3A_152, %dma_start3A_153] : memref<256x64xf32, #tpu.memory_space<vmem>> -> memref<128x64xf32, #tpu.memory_space<vmem>>
    %dma_start3A_155 = arith.constant 0 : i32
    %dma_start3A_156 = tpu.memref_slice %arg5[%dma_start3A, %dma_start3A_151, %dma_start3A_155] : memref<50x4x128xi32, #tpu.memory_space<vmem>> -> memref<1x1x128xi32, #tpu.memory_space<vmem>>
    %dma_start3A_157 = tpu.memref_squeeze %dma_start3A_156 : memref<1x1x128xi32, #tpu.memory_space<vmem>> -> memref<128xi32, #tpu.memory_space<vmem>>
    %dma_start3A_158 = arith.constant 0 : i32
    %dma_start3A_159 = arith.constant 0 : i32
    %dma_start3A_160 = tpu.memref_slice %arg3[%dma_start3A_158, %dma_start3A_159] : memref<1000001x64xf32, #tpu.memory_space<hbm>> -> memref<1000001x64xf32, #tpu.memory_space<hbm>>
    tpu.enqueue_indirect_dma source(%dma_start3A_160 : memref<1000001x64xf32, #tpu.memory_space<hbm>>) target(%dma_start3A_154 : memref<128x64xf32, #tpu.memory_space<vmem>>) offsets(%dma_start3A_157 : memref<128xi32, #tpu.memory_space<vmem>>) semaphore(%arg10 : memref<!tpu.dma_semaphore, #tpu.memory_space<semaphore_mem>>)
    %dma_start3A_161 = arith.constant 0 : i32
    %dma_start3A_162 = arith.constant 1 : i32
    %dma_start3A_163 = arith.constant 128 : i32
    %dma_start3A_164 = arith.constant 0 : i32
    %dma_start3A_165 = tpu.memref_slice %arg6[%dma_start3A_163, %dma_start3A_164] : memref<256x64xf32, #tpu.memory_space<vmem>> -> memref<128x64xf32, #tpu.memory_space<vmem>>
    %dma_start3A_166 = arith.constant 0 : i32
    %dma_start3A_167 = tpu.memref_slice %arg5[%dma_start3A_161, %dma_start3A_162, %dma_start3A_166] : memref<50x4x128xi32, #tpu.memory_space<vmem>> -> memref<1x1x128xi32, #tpu.memory_space<vmem>>
    %dma_start3A_168 = tpu.memref_squeeze %dma_start3A_167 : memref<1x1x128xi32, #tpu.memory_space<vmem>> -> memref<128xi32, #tpu.memory_space<vmem>>
    %dma_start3A_169 = arith.constant 0 : i32
    %dma_start3A_170 = arith.constant 0 : i32
    %dma_start3A_171 = tpu.memref_slice %arg3[%dma_start3A_169, %dma_start3A_170] : memref<1000001x64xf32, #tpu.memory_space<hbm>> -> memref<1000001x64xf32, #tpu.memory_space<hbm>>
    tpu.enqueue_indirect_dma source(%dma_start3A_171 : memref<1000001x64xf32, #tpu.memory_space<hbm>>) target(%dma_start3A_165 : memref<128x64xf32, #tpu.memory_space<vmem>>) offsets(%dma_start3A_168 : memref<128xi32, #tpu.memory_space<vmem>>) semaphore(%arg10 : memref<!tpu.dma_semaphore, #tpu.memory_space<semaphore_mem>>)
    %scan3A = arith.constant 0 : i32
    %scan3A_172 = arith.constant 0 : i32
    %scan3A_173 = arith.constant 50 : i32
    %scan3A_174 = arith.addi %scan3A_172, %scan3A_173 : i32
    %scan3A_175 = arith.constant 1 : i32
    scf.for %scan3A_816 = %scan3A_172 to %scan3A_174 step %scan3A_175  : i32 {
      %mul3A_817 = arith.constant 2 : i32
      %mul3A_818 = arith.muli %mul3A_817, %scan3A_816 : i32
      %add3A_819 = arith.constant 0 : i32
      %add3A_820 = arith.addi %mul3A_818, %add3A_819 : i32
      %dma_wait3A_821 = arith.constant 0 : i32
      %dma_wait3A_822 = arith.constant 0 : i32
      %dma_wait3A_823 = arith.constant 0 : i32
      %dma_wait3A_824 = arith.constant 0 : i32
      %dma_wait3A_825 = tpu.memref_slice %arg6[%dma_wait3A_823, %dma_wait3A_824] : memref<256x64xf32, #tpu.memory_space<vmem>> -> memref<128x64xf32, #tpu.memory_space<vmem>>
      %dma_wait3A_826 = arith.constant 0 : i32
      %dma_wait3A_827 = tpu.memref_slice %arg5[%dma_wait3A_821, %dma_wait3A_822, %dma_wait3A_826] : memref<50x4x128xi32, #tpu.memory_space<vmem>> -> memref<1x1x128xi32, #tpu.memory_space<vmem>>
      %dma_wait3A_828 = tpu.memref_squeeze %dma_wait3A_827 : memref<1x1x128xi32, #tpu.memory_space<vmem>> -> memref<128xi32, #tpu.memory_space<vmem>>
      %dma_wait3A_829 = arith.constant 0 : i32
      %dma_wait3A_830 = arith.constant 0 : i32
      %dma_wait3A_831 = tpu.memref_slice %arg3[%dma_wait3A_829, %dma_wait3A_830] : memref<1000001x64xf32, #tpu.memory_space<hbm>> -> memref<1000001x64xf32, #tpu.memory_space<hbm>>
      tpu.wait_indirect_dma semaphore(%arg10 : memref<!tpu.dma_semaphore, #tpu.memory_space<semaphore_mem>>) src(%dma_wait3A_831 : memref<1000001x64xf32, #tpu.memory_space<hbm>>) dst(%dma_wait3A_825 : memref<128x64xf32, #tpu.memory_space<vmem>>)
      %dma_wait3A_832 = arith.constant 0 : i32
      %dma_wait3A_833 = arith.constant 1 : i32
      %dma_wait3A_834 = arith.constant 128 : i32
      %dma_wait3A_835 = arith.constant 0 : i32
      %dma_wait3A_836 = tpu.memref_slice %arg6[%dma_wait3A_834, %dma_wait3A_835] : memref<256x64xf32, #tpu.memory_space<vmem>> -> memref<128x64xf32, #tpu.memory_space<vmem>>
      %dma_wait3A_837 = arith.constant 0 : i32
      %dma_wait3A_838 = tpu.memref_slice %arg5[%dma_wait3A_832, %dma_wait3A_833, %dma_wait3A_837] : memref<50x4x128xi32, #tpu.memory_space<vmem>> -> memref<1x1x128xi32, #tpu.memory_space<vmem>>
      %dma_wait3A_839 = tpu.memref_squeeze %dma_wait3A_838 : memref<1x1x128xi32, #tpu.memory_space<vmem>> -> memref<128xi32, #tpu.memory_space<vmem>>
      %dma_wait3A_840 = arith.constant 0 : i32
      %dma_wait3A_841 = arith.constant 0 : i32
      %dma_wait3A_842 = tpu.memref_slice %arg3[%dma_wait3A_840, %dma_wait3A_841] : memref<1000001x64xf32, #tpu.memory_space<hbm>> -> memref<1000001x64xf32, #tpu.memory_space<hbm>>
      tpu.wait_indirect_dma semaphore(%arg10 : memref<!tpu.dma_semaphore, #tpu.memory_space<semaphore_mem>>) src(%dma_wait3A_842 : memref<1000001x64xf32, #tpu.memory_space<hbm>>) dst(%dma_wait3A_836 : memref<128x64xf32, #tpu.memory_space<vmem>>)
      %add3A_843 = arith.constant 1 : i32
      %add3A_844 = arith.addi %add3A_820, %add3A_843 : i32
      %lt3A_845 = arith.constant 100 : i32
      %lt3A_846 = arith.cmpi slt, %add3A_844, %lt3A_845 : i32
      %convert_element_type3A = arith.extui %lt3A_846 : i1 to i32
      %cond3A = arith.constant 0 : i32
      %cond3A_847 = arith.cmpi ne, %convert_element_type3A, %cond3A : i32
      scf.if %cond3A_847 {
        %add3A_1644 = arith.constant 1 : i32
        %add3A_1645 = arith.addi %add3A_820, %add3A_1644 : i32
        %jit3A_1646 = arith.constant 2 : i32
        %div3A_1647 = arith.divsi %add3A_1645, %jit3A_1646 : i32
        %sign3A_1648 = arith.constant 0 : i32
        %sign3A_1649 = arith.cmpi sgt, %add3A_1645, %sign3A_1648 : i32
        %sign3A_1650 = arith.extui %sign3A_1649 : i1 to i32
        %sign3A_1651 = arith.constant 0 : i32
        %sign3A_1652 = arith.cmpi slt, %add3A_1645, %sign3A_1651 : i32
        %sign3A_1653 = arith.extui %sign3A_1652 : i1 to i32
        %sign3A_1654 = arith.subi %sign3A_1650, %sign3A_1653 : i32
        %sign3A_1655 = arith.constant 0 : i32
        %sign3A_1656 = arith.cmpi sgt, %jit3A_1646, %sign3A_1655 : i32
        %sign3A_1657 = arith.extui %sign3A_1656 : i1 to i32
        %sign3A_1658 = arith.constant 0 : i32
        %sign3A_1659 = arith.cmpi slt, %jit3A_1646, %sign3A_1658 : i32
        %sign3A_1660 = arith.extui %sign3A_1659 : i1 to i32
        %sign3A_1661 = arith.subi %sign3A_1657, %sign3A_1660 : i32
        %ne3A_1662 = arith.cmpi ne, %sign3A_1654, %sign3A_1661 : i32
        %rem3A_1663 = arith.remsi %add3A_1645, %jit3A_1646 : i32
        %ne3A_1664 = arith.constant 0 : i32
        %ne3A_1665 = arith.cmpi ne, %rem3A_1663, %ne3A_1664 : i32
        %and3A_1666 = arith.andi %ne3A_1662, %ne3A_1665 : i1
        %sub3A_1667 = arith.constant 1 : i32
        %sub3A_1668 = arith.subi %div3A_1647, %sub3A_1667 : i32
        %select_n3A_1669 = arith.select %and3A_1666, %sub3A_1668, %div3A_1647 : i32
        %dma_start3A_1670 = arith.constant 2 : i32
        %dma_start3A_1671 = arith.constant 0 : i32
        %dma_start3A_1672 = arith.constant 0 : i32
        %dma_start3A_1673 = tpu.memref_slice %arg7[%dma_start3A_1671, %dma_start3A_1672] : memref<256x64xf32, #tpu.memory_space<vmem>> -> memref<128x64xf32, #tpu.memory_space<vmem>>
        %dma_start3A_1674 = arith.constant 0 : i32
        %dma_start3A_1675 = tpu.memref_slice %arg5[%select_n3A_1669, %dma_start3A_1670, %dma_start3A_1674] : memref<50x4x128xi32, #tpu.memory_space<vmem>> -> memref<1x1x128xi32, #tpu.memory_space<vmem>>
        %dma_start3A_1676 = tpu.memref_squeeze %dma_start3A_1675 : memref<1x1x128xi32, #tpu.memory_space<vmem>> -> memref<128xi32, #tpu.memory_space<vmem>>
        %dma_start3A_1677 = arith.constant 0 : i32
        %dma_start3A_1678 = arith.constant 0 : i32
        %dma_start3A_1679 = tpu.memref_slice %arg3[%dma_start3A_1677, %dma_start3A_1678] : memref<1000001x64xf32, #tpu.memory_space<hbm>> -> memref<1000001x64xf32, #tpu.memory_space<hbm>>
        tpu.enqueue_indirect_dma source(%dma_start3A_1679 : memref<1000001x64xf32, #tpu.memory_space<hbm>>) target(%dma_start3A_1673 : memref<128x64xf32, #tpu.memory_space<vmem>>) offsets(%dma_start3A_1676 : memref<128xi32, #tpu.memory_space<vmem>>) semaphore(%arg11 : memref<!tpu.dma_semaphore, #tpu.memory_space<semaphore_mem>>)
        %dma_start3A_1680 = arith.constant 3 : i32
        %dma_start3A_1681 = arith.constant 128 : i32
        %dma_start3A_1682 = arith.constant 0 : i32
        %dma_start3A_1683 = tpu.memref_slice %arg7[%dma_start3A_1681, %dma_start3A_1682] : memref<256x64xf32, #tpu.memory_space<vmem>> -> memref<128x64xf32, #tpu.memory_space<vmem>>
        %dma_start3A_1684 = arith.constant 0 : i32
        %dma_start3A_1685 = tpu.memref_slice %arg5[%select_n3A_1669, %dma_start3A_1680, %dma_start3A_1684] : memref<50x4x128xi32, #tpu.memory_space<vmem>> -> memref<1x1x128xi32, #tpu.memory_space<vmem>>
        %dma_start3A_1686 = tpu.memref_squeeze %dma_start3A_1685 : memref<1x1x128xi32, #tpu.memory_space<vmem>> -> memref<128xi32, #tpu.memory_space<vmem>>
        %dma_start3A_1687 = arith.constant 0 : i32
        %dma_start3A_1688 = arith.constant 0 : i32
        %dma_start3A_1689 = tpu.memref_slice %arg3[%dma_start3A_1687, %dma_start3A_1688] : memref<1000001x64xf32, #tpu.memory_space<hbm>> -> memref<1000001x64xf32, #tpu.memory_space<hbm>>
        tpu.enqueue_indirect_dma source(%dma_start3A_1689 : memref<1000001x64xf32, #tpu.memory_space<hbm>>) target(%dma_start3A_1683 : memref<128x64xf32, #tpu.memory_space<vmem>>) offsets(%dma_start3A_1686 : memref<128xi32, #tpu.memory_space<vmem>>) semaphore(%arg11 : memref<!tpu.dma_semaphore, #tpu.memory_space<semaphore_mem>>)
      } else {
      }
      %ge3A = arith.constant 2 : i32
      %ge3A_848 = arith.cmpi sge, %add3A_820, %ge3A : i32
      %convert_element_type3A_849 = arith.extui %ge3A_848 : i1 to i32
      %cond3A_850 = arith.constant 0 : i32
      %cond3A_851 = arith.cmpi ne, %convert_element_type3A_849, %cond3A_850 : i32
      scf.if %cond3A_851 {
        %dma_wait3A_1644 = arith.constant 0 : i32
        %dma_wait3A_1645 = arith.constant 0 : i32
        %dma_wait3A_1646 = arith.constant 0 : i32
        %dma_wait3A_1647 = arith.constant 0 : i32
        %dma_wait3A_1648 = arith.constant 0 : i32
        %dma_wait3A_1649 = arith.constant 0 : i32
        %dma_wait3A_1650 = tpu.memref_slice %arg8[%dma_wait3A_1644, %dma_wait3A_1645, %dma_wait3A_1648, %dma_wait3A_1649] : memref<8x2x8x129xf32, #tpu.memory_space<vmem>> -> memref<1x1x8x128xf32, #tpu.memory_space<vmem>>
        %dma_wait3A_1651 = tpu.memref_squeeze %dma_wait3A_1650 : memref<1x1x8x128xf32, #tpu.memory_space<vmem>> -> memref<8x128xf32, #tpu.memory_space<vmem>>
        %dma_wait3A_1652 = arith.constant 0 : i32
        %dma_wait3A_1653 = arith.constant 0 : i32
        %dma_wait3A_1654 = tpu.memref_slice %arg4[%dma_wait3A_1646, %dma_wait3A_1647, %mul3A_2, %dma_wait3A_1652, %dma_wait3A_1653] : memref<50x8x128x8x128xf32, #tpu.memory_space<hbm>> -> memref<1x1x1x8x128xf32, #tpu.memory_space<hbm>>
        %dma_wait3A_1655 = tpu.memref_squeeze %dma_wait3A_1654 : memref<1x1x1x8x128xf32, #tpu.memory_space<hbm>> -> memref<8x128xf32, #tpu.memory_space<hbm>>
        %dma_wait3A_1656 = arith.constant 0 : i32
        %dma_wait3A_1657 = arith.constant 0 : i32
        %dma_wait3A_1658 = tpu.memref_slice %arg4[%dma_wait3A_1646, %dma_wait3A_1647, %mul3A_2, %dma_wait3A_1656, %dma_wait3A_1657] : memref<50x8x128x8x128xf32, #tpu.memory_space<hbm>> -> memref<1x1x1x8x128xf32, #tpu.memory_space<hbm>>
        %dma_wait3A_1659 = tpu.memref_squeeze %dma_wait3A_1658 : memref<1x1x1x8x128xf32, #tpu.memory_space<hbm>> -> memref<8x128xf32, #tpu.memory_space<hbm>>
        %dma_wait3A_1660 = arith.constant 0 : i32
        %dma_wait3A_1661 = arith.constant 0 : i32
        %dma_wait3A_1662 = tpu.memref_slice %arg8[%dma_wait3A_1644, %dma_wait3A_1645, %dma_wait3A_1660, %dma_wait3A_1661] : memref<8x2x8x129xf32, #tpu.memory_space<vmem>> -> memref<1x1x8x128xf32, #tpu.memory_space<vmem>>
        %dma_wait3A_1663 = tpu.memref_squeeze %dma_wait3A_1662 : memref<1x1x8x128xf32, #tpu.memory_space<vmem>> -> memref<8x128xf32, #tpu.memory_space<vmem>>
        tpu.wait_dma2 semaphore(%arg12 : memref<!tpu.dma_semaphore, #tpu.memory_space<semaphore_mem>>) src(%dma_wait3A_1663 : memref<8x128xf32, #tpu.memory_space<vmem>>) dst(%dma_wait3A_1659 : memref<8x128xf32, #tpu.memory_space<hbm>>)
        %dma_wait3A_1664 = arith.constant 0 : i32
        %dma_wait3A_1665 = arith.constant 1 : i32
        %dma_wait3A_1666 = arith.constant 0 : i32
        %dma_wait3A_1667 = arith.constant 0 : i32
        %dma_wait3A_1668 = arith.constant 0 : i32
        %dma_wait3A_1669 = arith.constant 0 : i32
        %dma_wait3A_1670 = tpu.memref_slice %arg8[%dma_wait3A_1664, %dma_wait3A_1665, %dma_wait3A_1668, %dma_wait3A_1669] : memref<8x2x8x129xf32, #tpu.memory_space<vmem>> -> memref<1x1x8x128xf32, #tpu.memory_space<vmem>>
        %dma_wait3A_1671 = tpu.memref_squeeze %dma_wait3A_1670 : memref<1x1x8x128xf32, #tpu.memory_space<vmem>> -> memref<8x128xf32, #tpu.memory_space<vmem>>
        %dma_wait3A_1672 = arith.constant 0 : i32
        %dma_wait3A_1673 = arith.constant 0 : i32
        %dma_wait3A_1674 = tpu.memref_slice %arg4[%dma_wait3A_1666, %dma_wait3A_1667, %mul3A_2, %dma_wait3A_1672, %dma_wait3A_1673] : memref<50x8x128x8x128xf32, #tpu.memory_space<hbm>> -> memref<1x1x1x8x128xf32, #tpu.memory_space<hbm>>
        %dma_wait3A_1675 = tpu.memref_squeeze %dma_wait3A_1674 : memref<1x1x1x8x128xf32, #tpu.memory_space<hbm>> -> memref<8x128xf32, #tpu.memory_space<hbm>>
        %dma_wait3A_1676 = arith.constant 0 : i32
        %dma_wait3A_1677 = arith.constant 0 : i32
        %dma_wait3A_1678 = tpu.memref_slice %arg4[%dma_wait3A_1666, %dma_wait3A_1667, %mul3A_2, %dma_wait3A_1676, %dma_wait3A_1677] : memref<50x8x128x8x128xf32, #tpu.memory_space<hbm>> -> memref<1x1x1x8x128xf32, #tpu.memory_space<hbm>>
        %dma_wait3A_1679 = tpu.memref_squeeze %dma_wait3A_1678 : memref<1x1x1x8x128xf32, #tpu.memory_space<hbm>> -> memref<8x128xf32, #tpu.memory_space<hbm>>
        %dma_wait3A_1680 = arith.constant 0 : i32
        %dma_wait3A_1681 = arith.constant 0 : i32
        %dma_wait3A_1682 = tpu.memref_slice %arg8[%dma_wait3A_1664, %dma_wait3A_1665, %dma_wait3A_1680, %dma_wait3A_1681] : memref<8x2x8x129xf32, #tpu.memory_space<vmem>> -> memref<1x1x8x128xf32, #tpu.memory_space<vmem>>
        %dma_wait3A_1683 = tpu.memref_squeeze %dma_wait3A_1682 : memref<1x1x8x128xf32, #tpu.memory_space<vmem>> -> memref<8x128xf32, #tpu.memory_space<vmem>>
        tpu.wait_dma2 semaphore(%arg12 : memref<!tpu.dma_semaphore, #tpu.memory_space<semaphore_mem>>) src(%dma_wait3A_1683 : memref<8x128xf32, #tpu.memory_space<vmem>>) dst(%dma_wait3A_1679 : memref<8x128xf32, #tpu.memory_space<hbm>>)
        %dma_wait3A_1684 = arith.constant 1 : i32
        %dma_wait3A_1685 = arith.constant 0 : i32
        %dma_wait3A_1686 = arith.constant 0 : i32
        %dma_wait3A_1687 = arith.constant 1 : i32
        %dma_wait3A_1688 = arith.constant 0 : i32
        %dma_wait3A_1689 = arith.constant 0 : i32
        %dma_wait3A_1690 = tpu.memref_slice %arg8[%dma_wait3A_1684, %dma_wait3A_1685, %dma_wait3A_1688, %dma_wait3A_1689] : memref<8x2x8x129xf32, #tpu.memory_space<vmem>> -> memref<1x1x8x128xf32, #tpu.memory_space<vmem>>
        %dma_wait3A_1691 = tpu.memref_squeeze %dma_wait3A_1690 : memref<1x1x8x128xf32, #tpu.memory_space<vmem>> -> memref<8x128xf32, #tpu.memory_space<vmem>>
        %dma_wait3A_1692 = arith.constant 0 : i32
        %dma_wait3A_1693 = arith.constant 0 : i32
        %dma_wait3A_1694 = tpu.memref_slice %arg4[%dma_wait3A_1686, %dma_wait3A_1687, %mul3A_2, %dma_wait3A_1692, %dma_wait3A_1693] : memref<50x8x128x8x128xf32, #tpu.memory_space<hbm>> -> memref<1x1x1x8x128xf32, #tpu.memory_space<hbm>>
        %dma_wait3A_1695 = tpu.memref_squeeze %dma_wait3A_1694 : memref<1x1x1x8x128xf32, #tpu.memory_space<hbm>> -> memref<8x128xf32, #tpu.memory_space<hbm>>
        %dma_wait3A_1696 = arith.constant 0 : i32
        %dma_wait3A_1697 = arith.constant 0 : i32
        %dma_wait3A_1698 = tpu.memref_slice %arg4[%dma_wait3A_1686, %dma_wait3A_1687, %mul3A_2, %dma_wait3A_1696, %dma_wait3A_1697] : memref<50x8x128x8x128xf32, #tpu.memory_space<hbm>> -> memref<1x1x1x8x128xf32, #tpu.memory_space<hbm>>
        %dma_wait3A_1699 = tpu.memref_squeeze %dma_wait3A_1698 : memref<1x1x1x8x128xf32, #tpu.memory_space<hbm>> -> memref<8x128xf32, #tpu.memory_space<hbm>>
        %dma_wait3A_1700 = arith.constant 0 : i32
        %dma_wait3A_1701 = arith.constant 0 : i32
        %dma_wait3A_1702 = tpu.memref_slice %arg8[%dma_wait3A_1684, %dma_wait3A_1685, %dma_wait3A_1700, %dma_wait3A_1701] : memref<8x2x8x129xf32, #tpu.memory_space<vmem>> -> memref<1x1x8x128xf32, #tpu.memory_space<vmem>>
        %dma_wait3A_1703 = tpu.memref_squeeze %dma_wait3A_1702 : memref<1x1x8x128xf32, #tpu.memory_space<vmem>> -> memref<8x128xf32, #tpu.memory_space<vmem>>
        tpu.wait_dma2 semaphore(%arg12 : memref<!tpu.dma_semaphore, #tpu.memory_space<semaphore_mem>>) src(%dma_wait3A_1703 : memref<8x128xf32, #tpu.memory_space<vmem>>) dst(%dma_wait3A_1699 : memref<8x128xf32, #tpu.memory_space<hbm>>)
        %dma_wait3A_1704 = arith.constant 1 : i32
        %dma_wait3A_1705 = arith.constant 1 : i32
        %dma_wait3A_1706 = arith.constant 0 : i32
        %dma_wait3A_1707 = arith.constant 1 : i32
        %dma_wait3A_1708 = arith.constant 0 : i32
        %dma_wait3A_1709 = arith.constant 0 : i32
        %dma_wait3A_1710 = tpu.memref_slice %arg8[%dma_wait3A_1704, %dma_wait3A_1705, %dma_wait3A_1708, %dma_wait3A_1709] : memref<8x2x8x129xf32, #tpu.memory_space<vmem>> -> memref<1x1x8x128xf32, #tpu.memory_space<vmem>>
        %dma_wait3A_1711 = tpu.memref_squeeze %dma_wait3A_1710 : memref<1x1x8x128xf32, #tpu.memory_space<vmem>> -> memref<8x128xf32, #tpu.memory_space<vmem>>
        %dma_wait3A_1712 = arith.constant 0 : i32
        %dma_wait3A_1713 = arith.constant 0 : i32
        %dma_wait3A_1714 = tpu.memref_slice %arg4[%dma_wait3A_1706, %dma_wait3A_1707, %mul3A_2, %dma_wait3A_1712, %dma_wait3A_1713] : memref<50x8x128x8x128xf32, #tpu.memory_space<hbm>> -> memref<1x1x1x8x128xf32, #tpu.memory_space<hbm>>
        %dma_wait3A_1715 = tpu.memref_squeeze %dma_wait3A_1714 : memref<1x1x1x8x128xf32, #tpu.memory_space<hbm>> -> memref<8x128xf32, #tpu.memory_space<hbm>>
        %dma_wait3A_1716 = arith.constant 0 : i32
        %dma_wait3A_1717 = arith.constant 0 : i32
        %dma_wait3A_1718 = tpu.memref_slice %arg4[%dma_wait3A_1706, %dma_wait3A_1707, %mul3A_2, %dma_wait3A_1716, %dma_wait3A_1717] : memref<50x8x128x8x128xf32, #tpu.memory_space<hbm>> -> memref<1x1x1x8x128xf32, #tpu.memory_space<hbm>>
        %dma_wait3A_1719 = tpu.memref_squeeze %dma_wait3A_1718 : memref<1x1x1x8x128xf32, #tpu.memory_space<hbm>> -> memref<8x128xf32, #tpu.memory_space<hbm>>
        %dma_wait3A_1720 = arith.constant 0 : i32
        %dma_wait3A_1721 = arith.constant 0 : i32
        %dma_wait3A_1722 = tpu.memref_slice %arg8[%dma_wait3A_1704, %dma_wait3A_1705, %dma_wait3A_1720, %dma_wait3A_1721] : memref<8x2x8x129xf32, #tpu.memory_space<vmem>> -> memref<1x1x8x128xf32, #tpu.memory_space<vmem>>
        %dma_wait3A_1723 = tpu.memref_squeeze %dma_wait3A_1722 : memref<1x1x8x128xf32, #tpu.memory_space<vmem>> -> memref<8x128xf32, #tpu.memory_space<vmem>>
        tpu.wait_dma2 semaphore(%arg12 : memref<!tpu.dma_semaphore, #tpu.memory_space<semaphore_mem>>) src(%dma_wait3A_1723 : memref<8x128xf32, #tpu.memory_space<vmem>>) dst(%dma_wait3A_1719 : memref<8x128xf32, #tpu.memory_space<hbm>>)
        %dma_wait3A_1724 = arith.constant 2 : i32
        %dma_wait3A_1725 = arith.constant 0 : i32
        %dma_wait3A_1726 = arith.constant 0 : i32
        %dma_wait3A_1727 = arith.constant 2 : i32
        %dma_wait3A_1728 = arith.constant 0 : i32
        %dma_wait3A_1729 = arith.constant 0 : i32
        %dma_wait3A_1730 = tpu.memref_slice %arg8[%dma_wait3A_1724, %dma_wait3A_1725, %dma_wait3A_1728, %dma_wait3A_1729] : memref<8x2x8x129xf32, #tpu.memory_space<vmem>> -> memref<1x1x8x128xf32, #tpu.memory_space<vmem>>
        %dma_wait3A_1731 = tpu.memref_squeeze %dma_wait3A_1730 : memref<1x1x8x128xf32, #tpu.memory_space<vmem>> -> memref<8x128xf32, #tpu.memory_space<vmem>>
        %dma_wait3A_1732 = arith.constant 0 : i32
        %dma_wait3A_1733 = arith.constant 0 : i32
        %dma_wait3A_1734 = tpu.memref_slice %arg4[%dma_wait3A_1726, %dma_wait3A_1727, %mul3A_2, %dma_wait3A_1732, %dma_wait3A_1733] : memref<50x8x128x8x128xf32, #tpu.memory_space<hbm>> -> memref<1x1x1x8x128xf32, #tpu.memory_space<hbm>>
        %dma_wait3A_1735 = tpu.memref_squeeze %dma_wait3A_1734 : memref<1x1x1x8x128xf32, #tpu.memory_space<hbm>> -> memref<8x128xf32, #tpu.memory_space<hbm>>
        %dma_wait3A_1736 = arith.constant 0 : i32
        %dma_wait3A_1737 = arith.constant 0 : i32
        %dma_wait3A_1738 = tpu.memref_slice %arg4[%dma_wait3A_1726, %dma_wait3A_1727, %mul3A_2, %dma_wait3A_1736, %dma_wait3A_1737] : memref<50x8x128x8x128xf32, #tpu.memory_space<hbm>> -> memref<1x1x1x8x128xf32, #tpu.memory_space<hbm>>
        %dma_wait3A_1739 = tpu.memref_squeeze %dma_wait3A_1738 : memref<1x1x1x8x128xf32, #tpu.memory_space<hbm>> -> memref<8x128xf32, #tpu.memory_space<hbm>>
        %dma_wait3A_1740 = arith.constant 0 : i32
        %dma_wait3A_1741 = arith.constant 0 : i32
        %dma_wait3A_1742 = tpu.memref_slice %arg8[%dma_wait3A_1724, %dma_wait3A_1725, %dma_wait3A_1740, %dma_wait3A_1741] : memref<8x2x8x129xf32, #tpu.memory_space<vmem>> -> memref<1x1x8x128xf32, #tpu.memory_space<vmem>>
        %dma_wait3A_1743 = tpu.memref_squeeze %dma_wait3A_1742 : memref<1x1x8x128xf32, #tpu.memory_space<vmem>> -> memref<8x128xf32, #tpu.memory_space<vmem>>
        tpu.wait_dma2 semaphore(%arg12 : memref<!tpu.dma_semaphore, #tpu.memory_space<semaphore_mem>>) src(%dma_wait3A_1743 : memref<8x128xf32, #tpu.memory_space<vmem>>) dst(%dma_wait3A_1739 : memref<8x128xf32, #tpu.memory_space<hbm>>)
        %dma_wait3A_1744 = arith.constant 2 : i32
        %dma_wait3A_1745 = arith.constant 1 : i32
        %dma_wait3A_1746 = arith.constant 0 : i32
        %dma_wait3A_1747 = arith.constant 2 : i32
        %dma_wait3A_1748 = arith.constant 0 : i32
        %dma_wait3A_1749 = arith.constant 0 : i32
        %dma_wait3A_1750 = tpu.memref_slice %arg8[%dma_wait3A_1744, %dma_wait3A_1745, %dma_wait3A_1748, %dma_wait3A_1749] : memref<8x2x8x129xf32, #tpu.memory_space<vmem>> -> memref<1x1x8x128xf32, #tpu.memory_space<vmem>>
        %dma_wait3A_1751 = tpu.memref_squeeze %dma_wait3A_1750 : memref<1x1x8x128xf32, #tpu.memory_space<vmem>> -> memref<8x128xf32, #tpu.memory_space<vmem>>
        %dma_wait3A_1752 = arith.constant 0 : i32
        %dma_wait3A_1753 = arith.constant 0 : i32
        %dma_wait3A_1754 = tpu.memref_slice %arg4[%dma_wait3A_1746, %dma_wait3A_1747, %mul3A_2, %dma_wait3A_1752, %dma_wait3A_1753] : memref<50x8x128x8x128xf32, #tpu.memory_space<hbm>> -> memref<1x1x1x8x128xf32, #tpu.memory_space<hbm>>
        %dma_wait3A_1755 = tpu.memref_squeeze %dma_wait3A_1754 : memref<1x1x1x8x128xf32, #tpu.memory_space<hbm>> -> memref<8x128xf32, #tpu.memory_space<hbm>>
        %dma_wait3A_1756 = arith.constant 0 : i32
        %dma_wait3A_1757 = arith.constant 0 : i32
        %dma_wait3A_1758 = tpu.memref_slice %arg4[%dma_wait3A_1746, %dma_wait3A_1747, %mul3A_2, %dma_wait3A_1756, %dma_wait3A_1757] : memref<50x8x128x8x128xf32, #tpu.memory_space<hbm>> -> memref<1x1x1x8x128xf32, #tpu.memory_space<hbm>>
        %dma_wait3A_1759 = tpu.memref_squeeze %dma_wait3A_1758 : memref<1x1x1x8x128xf32, #tpu.memory_space<hbm>> -> memref<8x128xf32, #tpu.memory_space<hbm>>
        %dma_wait3A_1760 = arith.constant 0 : i32
        %dma_wait3A_1761 = arith.constant 0 : i32
        %dma_wait3A_1762 = tpu.memref_slice %arg8[%dma_wait3A_1744, %dma_wait3A_1745, %dma_wait3A_1760, %dma_wait3A_1761] : memref<8x2x8x129xf32, #tpu.memory_space<vmem>> -> memref<1x1x8x128xf32, #tpu.memory_space<vmem>>
        %dma_wait3A_1763 = tpu.memref_squeeze %dma_wait3A_1762 : memref<1x1x8x128xf32, #tpu.memory_space<vmem>> -> memref<8x128xf32, #tpu.memory_space<vmem>>
        tpu.wait_dma2 semaphore(%arg12 : memref<!tpu.dma_semaphore, #tpu.memory_space<semaphore_mem>>) src(%dma_wait3A_1763 : memref<8x128xf32, #tpu.memory_space<vmem>>) dst(%dma_wait3A_1759 : memref<8x128xf32, #tpu.memory_space<hbm>>)
        %dma_wait3A_1764 = arith.constant 3 : i32
        %dma_wait3A_1765 = arith.constant 0 : i32
        %dma_wait3A_1766 = arith.constant 0 : i32
        %dma_wait3A_1767 = arith.constant 3 : i32
        %dma_wait3A_1768 = arith.constant 0 : i32
        %dma_wait3A_1769 = arith.constant 0 : i32
        %dma_wait3A_1770 = tpu.memref_slice %arg8[%dma_wait3A_1764, %dma_wait3A_1765, %dma_wait3A_1768, %dma_wait3A_1769] : memref<8x2x8x129xf32, #tpu.memory_space<vmem>> -> memref<1x1x8x128xf32, #tpu.memory_space<vmem>>
        %dma_wait3A_1771 = tpu.memref_squeeze %dma_wait3A_1770 : memref<1x1x8x128xf32, #tpu.memory_space<vmem>> -> memref<8x128xf32, #tpu.memory_space<vmem>>
        %dma_wait3A_1772 = arith.constant 0 : i32
        %dma_wait3A_1773 = arith.constant 0 : i32
        %dma_wait3A_1774 = tpu.memref_slice %arg4[%dma_wait3A_1766, %dma_wait3A_1767, %mul3A_2, %dma_wait3A_1772, %dma_wait3A_1773] : memref<50x8x128x8x128xf32, #tpu.memory_space<hbm>> -> memref<1x1x1x8x128xf32, #tpu.memory_space<hbm>>
        %dma_wait3A_1775 = tpu.memref_squeeze %dma_wait3A_1774 : memref<1x1x1x8x128xf32, #tpu.memory_space<hbm>> -> memref<8x128xf32, #tpu.memory_space<hbm>>
        %dma_wait3A_1776 = arith.constant 0 : i32
        %dma_wait3A_1777 = arith.constant 0 : i32
        %dma_wait3A_1778 = tpu.memref_slice %arg4[%dma_wait3A_1766, %dma_wait3A_1767, %mul3A_2, %dma_wait3A_1776, %dma_wait3A_1777] : memref<50x8x128x8x128xf32, #tpu.memory_space<hbm>> -> memref<1x1x1x8x128xf32, #tpu.memory_space<hbm>>
        %dma_wait3A_1779 = tpu.memref_squeeze %dma_wait3A_1778 : memref<1x1x1x8x128xf32, #tpu.memory_space<hbm>> -> memref<8x128xf32, #tpu.memory_space<hbm>>
        %dma_wait3A_1780 = arith.constant 0 : i32
        %dma_wait3A_1781 = arith.constant 0 : i32
        %dma_wait3A_1782 = tpu.memref_slice %arg8[%dma_wait3A_1764, %dma_wait3A_1765, %dma_wait3A_1780, %dma_wait3A_1781] : memref<8x2x8x129xf32, #tpu.memory_space<vmem>> -> memref<1x1x8x128xf32, #tpu.memory_space<vmem>>
        %dma_wait3A_1783 = tpu.memref_squeeze %dma_wait3A_1782 : memref<1x1x8x128xf32, #tpu.memory_space<vmem>> -> memref<8x128xf32, #tpu.memory_space<vmem>>
        tpu.wait_dma2 semaphore(%arg12 : memref<!tpu.dma_semaphore, #tpu.memory_space<semaphore_mem>>) src(%dma_wait3A_1783 : memref<8x128xf32, #tpu.memory_space<vmem>>) dst(%dma_wait3A_1779 : memref<8x128xf32, #tpu.memory_space<hbm>>)
        %dma_wait3A_1784 = arith.constant 3 : i32
        %dma_wait3A_1785 = arith.constant 1 : i32
        %dma_wait3A_1786 = arith.constant 0 : i32
        %dma_wait3A_1787 = arith.constant 3 : i32
        %dma_wait3A_1788 = arith.constant 0 : i32
        %dma_wait3A_1789 = arith.constant 0 : i32
        %dma_wait3A_1790 = tpu.memref_slice %arg8[%dma_wait3A_1784, %dma_wait3A_1785, %dma_wait3A_1788, %dma_wait3A_1789] : memref<8x2x8x129xf32, #tpu.memory_space<vmem>> -> memref<1x1x8x128xf32, #tpu.memory_space<vmem>>
        %dma_wait3A_1791 = tpu.memref_squeeze %dma_wait3A_1790 : memref<1x1x8x128xf32, #tpu.memory_space<vmem>> -> memref<8x128xf32, #tpu.memory_space<vmem>>
        %dma_wait3A_1792 = arith.constant 0 : i32
        %dma_wait3A_1793 = arith.constant 0 : i32
        %dma_wait3A_1794 = tpu.memref_slice %arg4[%dma_wait3A_1786, %dma_wait3A_1787, %mul3A_2, %dma_wait3A_1792, %dma_wait3A_1793] : memref<50x8x128x8x128xf32, #tpu.memory_space<hbm>> -> memref<1x1x1x8x128xf32, #tpu.memory_space<hbm>>
        %dma_wait3A_1795 = tpu.memref_squeeze %dma_wait3A_1794 : memref<1x1x1x8x128xf32, #tpu.memory_space<hbm>> -> memref<8x128xf32, #tpu.memory_space<hbm>>
        %dma_wait3A_1796 = arith.constant 0 : i32
        %dma_wait3A_1797 = arith.constant 0 : i32
        %dma_wait3A_1798 = tpu.memref_slice %arg4[%dma_wait3A_1786, %dma_wait3A_1787, %mul3A_2, %dma_wait3A_1796, %dma_wait3A_1797] : memref<50x8x128x8x128xf32, #tpu.memory_space<hbm>> -> memref<1x1x1x8x128xf32, #tpu.memory_space<hbm>>
        %dma_wait3A_1799 = tpu.memref_squeeze %dma_wait3A_1798 : memref<1x1x1x8x128xf32, #tpu.memory_space<hbm>> -> memref<8x128xf32, #tpu.memory_space<hbm>>
        %dma_wait3A_1800 = arith.constant 0 : i32
        %dma_wait3A_1801 = arith.constant 0 : i32
        %dma_wait3A_1802 = tpu.memref_slice %arg8[%dma_wait3A_1784, %dma_wait3A_1785, %dma_wait3A_1800, %dma_wait3A_1801] : memref<8x2x8x129xf32, #tpu.memory_space<vmem>> -> memref<1x1x8x128xf32, #tpu.memory_space<vmem>>
        %dma_wait3A_1803 = tpu.memref_squeeze %dma_wait3A_1802 : memref<1x1x8x128xf32, #tpu.memory_space<vmem>> -> memref<8x128xf32, #tpu.memory_space<vmem>>
        tpu.wait_dma2 semaphore(%arg12 : memref<!tpu.dma_semaphore, #tpu.memory_space<semaphore_mem>>) src(%dma_wait3A_1803 : memref<8x128xf32, #tpu.memory_space<vmem>>) dst(%dma_wait3A_1799 : memref<8x128xf32, #tpu.memory_space<hbm>>)
        %dma_wait3A_1804 = arith.constant 4 : i32
        %dma_wait3A_1805 = arith.constant 0 : i32
        %dma_wait3A_1806 = arith.constant 0 : i32
        %dma_wait3A_1807 = arith.constant 4 : i32
        %dma_wait3A_1808 = arith.constant 0 : i32
        %dma_wait3A_1809 = arith.constant 0 : i32
        %dma_wait3A_1810 = tpu.memref_slice %arg8[%dma_wait3A_1804, %dma_wait3A_1805, %dma_wait3A_1808, %dma_wait3A_1809] : memref<8x2x8x129xf32, #tpu.memory_space<vmem>> -> memref<1x1x8x128xf32, #tpu.memory_space<vmem>>
        %dma_wait3A_1811 = tpu.memref_squeeze %dma_wait3A_1810 : memref<1x1x8x128xf32, #tpu.memory_space<vmem>> -> memref<8x128xf32, #tpu.memory_space<vmem>>
        %dma_wait3A_1812 = arith.constant 0 : i32
        %dma_wait3A_1813 = arith.constant 0 : i32
        %dma_wait3A_1814 = tpu.memref_slice %arg4[%dma_wait3A_1806, %dma_wait3A_1807, %mul3A_2, %dma_wait3A_1812, %dma_wait3A_1813] : memref<50x8x128x8x128xf32, #tpu.memory_space<hbm>> -> memref<1x1x1x8x128xf32, #tpu.memory_space<hbm>>
        %dma_wait3A_1815 = tpu.memref_squeeze %dma_wait3A_1814 : memref<1x1x1x8x128xf32, #tpu.memory_space<hbm>> -> memref<8x128xf32, #tpu.memory_space<hbm>>
        %dma_wait3A_1816 = arith.constant 0 : i32
        %dma_wait3A_1817 = arith.constant 0 : i32
        %dma_wait3A_1818 = tpu.memref_slice %arg4[%dma_wait3A_1806, %dma_wait3A_1807, %mul3A_2, %dma_wait3A_1816, %dma_wait3A_1817] : memref<50x8x128x8x128xf32, #tpu.memory_space<hbm>> -> memref<1x1x1x8x128xf32, #tpu.memory_space<hbm>>
        %dma_wait3A_1819 = tpu.memref_squeeze %dma_wait3A_1818 : memref<1x1x1x8x128xf32, #tpu.memory_space<hbm>> -> memref<8x128xf32, #tpu.memory_space<hbm>>
        %dma_wait3A_1820 = arith.constant 0 : i32
        %dma_wait3A_1821 = arith.constant 0 : i32
        %dma_wait3A_1822 = tpu.memref_slice %arg8[%dma_wait3A_1804, %dma_wait3A_1805, %dma_wait3A_1820, %dma_wait3A_1821] : memref<8x2x8x129xf32, #tpu.memory_space<vmem>> -> memref<1x1x8x128xf32, #tpu.memory_space<vmem>>
        %dma_wait3A_1823 = tpu.memref_squeeze %dma_wait3A_1822 : memref<1x1x8x128xf32, #tpu.memory_space<vmem>> -> memref<8x128xf32, #tpu.memory_space<vmem>>
        tpu.wait_dma2 semaphore(%arg12 : memref<!tpu.dma_semaphore, #tpu.memory_space<semaphore_mem>>) src(%dma_wait3A_1823 : memref<8x128xf32, #tpu.memory_space<vmem>>) dst(%dma_wait3A_1819 : memref<8x128xf32, #tpu.memory_space<hbm>>)
        %dma_wait3A_1824 = arith.constant 4 : i32
        %dma_wait3A_1825 = arith.constant 1 : i32
        %dma_wait3A_1826 = arith.constant 0 : i32
        %dma_wait3A_1827 = arith.constant 4 : i32
        %dma_wait3A_1828 = arith.constant 0 : i32
        %dma_wait3A_1829 = arith.constant 0 : i32
        %dma_wait3A_1830 = tpu.memref_slice %arg8[%dma_wait3A_1824, %dma_wait3A_1825, %dma_wait3A_1828, %dma_wait3A_1829] : memref<8x2x8x129xf32, #tpu.memory_space<vmem>> -> memref<1x1x8x128xf32, #tpu.memory_space<vmem>>
        %dma_wait3A_1831 = tpu.memref_squeeze %dma_wait3A_1830 : memref<1x1x8x128xf32, #tpu.memory_space<vmem>> -> memref<8x128xf32, #tpu.memory_space<vmem>>
        %dma_wait3A_1832 = arith.constant 0 : i32
        %dma_wait3A_1833 = arith.constant 0 : i32
        %dma_wait3A_1834 = tpu.memref_slice %arg4[%dma_wait3A_1826, %dma_wait3A_1827, %mul3A_2, %dma_wait3A_1832, %dma_wait3A_1833] : memref<50x8x128x8x128xf32, #tpu.memory_space<hbm>> -> memref<1x1x1x8x128xf32, #tpu.memory_space<hbm>>
        %dma_wait3A_1835 = tpu.memref_squeeze %dma_wait3A_1834 : memref<1x1x1x8x128xf32, #tpu.memory_space<hbm>> -> memref<8x128xf32, #tpu.memory_space<hbm>>
        %dma_wait3A_1836 = arith.constant 0 : i32
        %dma_wait3A_1837 = arith.constant 0 : i32
        %dma_wait3A_1838 = tpu.memref_slice %arg4[%dma_wait3A_1826, %dma_wait3A_1827, %mul3A_2, %dma_wait3A_1836, %dma_wait3A_1837] : memref<50x8x128x8x128xf32, #tpu.memory_space<hbm>> -> memref<1x1x1x8x128xf32, #tpu.memory_space<hbm>>
        %dma_wait3A_1839 = tpu.memref_squeeze %dma_wait3A_1838 : memref<1x1x1x8x128xf32, #tpu.memory_space<hbm>> -> memref<8x128xf32, #tpu.memory_space<hbm>>
        %dma_wait3A_1840 = arith.constant 0 : i32
        %dma_wait3A_1841 = arith.constant 0 : i32
        %dma_wait3A_1842 = tpu.memref_slice %arg8[%dma_wait3A_1824, %dma_wait3A_1825, %dma_wait3A_1840, %dma_wait3A_1841] : memref<8x2x8x129xf32, #tpu.memory_space<vmem>> -> memref<1x1x8x128xf32, #tpu.memory_space<vmem>>
        %dma_wait3A_1843 = tpu.memref_squeeze %dma_wait3A_1842 : memref<1x1x8x128xf32, #tpu.memory_space<vmem>> -> memref<8x128xf32, #tpu.memory_space<vmem>>
        tpu.wait_dma2 semaphore(%arg12 : memref<!tpu.dma_semaphore, #tpu.memory_space<semaphore_mem>>) src(%dma_wait3A_1843 : memref<8x128xf32, #tpu.memory_space<vmem>>) dst(%dma_wait3A_1839 : memref<8x128xf32, #tpu.memory_space<hbm>>)
        %dma_wait3A_1844 = arith.constant 5 : i32
        %dma_wait3A_1845 = arith.constant 0 : i32
        %dma_wait3A_1846 = arith.constant 0 : i32
        %dma_wait3A_1847 = arith.constant 5 : i32
        %dma_wait3A_1848 = arith.constant 0 : i32
        %dma_wait3A_1849 = arith.constant 0 : i32
        %dma_wait3A_1850 = tpu.memref_slice %arg8[%dma_wait3A_1844, %dma_wait3A_1845, %dma_wait3A_1848, %dma_wait3A_1849] : memref<8x2x8x129xf32, #tpu.memory_space<vmem>> -> memref<1x1x8x128xf32, #tpu.memory_space<vmem>>
        %dma_wait3A_1851 = tpu.memref_squeeze %dma_wait3A_1850 : memref<1x1x8x128xf32, #tpu.memory_space<vmem>> -> memref<8x128xf32, #tpu.memory_space<vmem>>
        %dma_wait3A_1852 = arith.constant 0 : i32
        %dma_wait3A_1853 = arith.constant 0 : i32
        %dma_wait3A_1854 = tpu.memref_slice %arg4[%dma_wait3A_1846, %dma_wait3A_1847, %mul3A_2, %dma_wait3A_1852, %dma_wait3A_1853] : memref<50x8x128x8x128xf32, #tpu.memory_space<hbm>> -> memref<1x1x1x8x128xf32, #tpu.memory_space<hbm>>
        %dma_wait3A_1855 = tpu.memref_squeeze %dma_wait3A_1854 : memref<1x1x1x8x128xf32, #tpu.memory_space<hbm>> -> memref<8x128xf32, #tpu.memory_space<hbm>>
        %dma_wait3A_1856 = arith.constant 0 : i32
        %dma_wait3A_1857 = arith.constant 0 : i32
        %dma_wait3A_1858 = tpu.memref_slice %arg4[%dma_wait3A_1846, %dma_wait3A_1847, %mul3A_2, %dma_wait3A_1856, %dma_wait3A_1857] : memref<50x8x128x8x128xf32, #tpu.memory_space<hbm>> -> memref<1x1x1x8x128xf32, #tpu.memory_space<hbm>>
        %dma_wait3A_1859 = tpu.memref_squeeze %dma_wait3A_1858 : memref<1x1x1x8x128xf32, #tpu.memory_space<hbm>> -> memref<8x128xf32, #tpu.memory_space<hbm>>
        %dma_wait3A_1860 = arith.constant 0 : i32
        %dma_wait3A_1861 = arith.constant 0 : i32
        %dma_wait3A_1862 = tpu.memref_slice %arg8[%dma_wait3A_1844, %dma_wait3A_1845, %dma_wait3A_1860, %dma_wait3A_1861] : memref<8x2x8x129xf32, #tpu.memory_space<vmem>> -> memref<1x1x8x128xf32, #tpu.memory_space<vmem>>
        %dma_wait3A_1863 = tpu.memref_squeeze %dma_wait3A_1862 : memref<1x1x8x128xf32, #tpu.memory_space<vmem>> -> memref<8x128xf32, #tpu.memory_space<vmem>>
        tpu.wait_dma2 semaphore(%arg12 : memref<!tpu.dma_semaphore, #tpu.memory_space<semaphore_mem>>) src(%dma_wait3A_1863 : memref<8x128xf32, #tpu.memory_space<vmem>>) dst(%dma_wait3A_1859 : memref<8x128xf32, #tpu.memory_space<hbm>>)
        %dma_wait3A_1864 = arith.constant 5 : i32
        %dma_wait3A_1865 = arith.constant 1 : i32
        %dma_wait3A_1866 = arith.constant 0 : i32
        %dma_wait3A_1867 = arith.constant 5 : i32
        %dma_wait3A_1868 = arith.constant 0 : i32
        %dma_wait3A_1869 = arith.constant 0 : i32
        %dma_wait3A_1870 = tpu.memref_slice %arg8[%dma_wait3A_1864, %dma_wait3A_1865, %dma_wait3A_1868, %dma_wait3A_1869] : memref<8x2x8x129xf32, #tpu.memory_space<vmem>> -> memref<1x1x8x128xf32, #tpu.memory_space<vmem>>
        %dma_wait3A_1871 = tpu.memref_squeeze %dma_wait3A_1870 : memref<1x1x8x128xf32, #tpu.memory_space<vmem>> -> memref<8x128xf32, #tpu.memory_space<vmem>>
        %dma_wait3A_1872 = arith.constant 0 : i32
        %dma_wait3A_1873 = arith.constant 0 : i32
        %dma_wait3A_1874 = tpu.memref_slice %arg4[%dma_wait3A_1866, %dma_wait3A_1867, %mul3A_2, %dma_wait3A_1872, %dma_wait3A_1873] : memref<50x8x128x8x128xf32, #tpu.memory_space<hbm>> -> memref<1x1x1x8x128xf32, #tpu.memory_space<hbm>>
        %dma_wait3A_1875 = tpu.memref_squeeze %dma_wait3A_1874 : memref<1x1x1x8x128xf32, #tpu.memory_space<hbm>> -> memref<8x128xf32, #tpu.memory_space<hbm>>
        %dma_wait3A_1876 = arith.constant 0 : i32
        %dma_wait3A_1877 = arith.constant 0 : i32
        %dma_wait3A_1878 = tpu.memref_slice %arg4[%dma_wait3A_1866, %dma_wait3A_1867, %mul3A_2, %dma_wait3A_1876, %dma_wait3A_1877] : memref<50x8x128x8x128xf32, #tpu.memory_space<hbm>> -> memref<1x1x1x8x128xf32, #tpu.memory_space<hbm>>
        %dma_wait3A_1879 = tpu.memref_squeeze %dma_wait3A_1878 : memref<1x1x1x8x128xf32, #tpu.memory_space<hbm>> -> memref<8x128xf32, #tpu.memory_space<hbm>>
        %dma_wait3A_1880 = arith.constant 0 : i32
        %dma_wait3A_1881 = arith.constant 0 : i32
        %dma_wait3A_1882 = tpu.memref_slice %arg8[%dma_wait3A_1864, %dma_wait3A_1865, %dma_wait3A_1880, %dma_wait3A_1881] : memref<8x2x8x129xf32, #tpu.memory_space<vmem>> -> memref<1x1x8x128xf32, #tpu.memory_space<vmem>>
        %dma_wait3A_1883 = tpu.memref_squeeze %dma_wait3A_1882 : memref<1x1x8x128xf32, #tpu.memory_space<vmem>> -> memref<8x128xf32, #tpu.memory_space<vmem>>
        tpu.wait_dma2 semaphore(%arg12 : memref<!tpu.dma_semaphore, #tpu.memory_space<semaphore_mem>>) src(%dma_wait3A_1883 : memref<8x128xf32, #tpu.memory_space<vmem>>) dst(%dma_wait3A_1879 : memref<8x128xf32, #tpu.memory_space<hbm>>)
        %dma_wait3A_1884 = arith.constant 6 : i32
        %dma_wait3A_1885 = arith.constant 0 : i32
        %dma_wait3A_1886 = arith.constant 0 : i32
        %dma_wait3A_1887 = arith.constant 6 : i32
        %dma_wait3A_1888 = arith.constant 0 : i32
        %dma_wait3A_1889 = arith.constant 0 : i32
        %dma_wait3A_1890 = tpu.memref_slice %arg8[%dma_wait3A_1884, %dma_wait3A_1885, %dma_wait3A_1888, %dma_wait3A_1889] : memref<8x2x8x129xf32, #tpu.memory_space<vmem>> -> memref<1x1x8x128xf32, #tpu.memory_space<vmem>>
        %dma_wait3A_1891 = tpu.memref_squeeze %dma_wait3A_1890 : memref<1x1x8x128xf32, #tpu.memory_space<vmem>> -> memref<8x128xf32, #tpu.memory_space<vmem>>
        %dma_wait3A_1892 = arith.constant 0 : i32
        %dma_wait3A_1893 = arith.constant 0 : i32
        %dma_wait3A_1894 = tpu.memref_slice %arg4[%dma_wait3A_1886, %dma_wait3A_1887, %mul3A_2, %dma_wait3A_1892, %dma_wait3A_1893] : memref<50x8x128x8x128xf32, #tpu.memory_space<hbm>> -> memref<1x1x1x8x128xf32, #tpu.memory_space<hbm>>
        %dma_wait3A_1895 = tpu.memref_squeeze %dma_wait3A_1894 : memref<1x1x1x8x128xf32, #tpu.memory_space<hbm>> -> memref<8x128xf32, #tpu.memory_space<hbm>>
        %dma_wait3A_1896 = arith.constant 0 : i32
        %dma_wait3A_1897 = arith.constant 0 : i32
        %dma_wait3A_1898 = tpu.memref_slice %arg4[%dma_wait3A_1886, %dma_wait3A_1887, %mul3A_2, %dma_wait3A_1896, %dma_wait3A_1897] : memref<50x8x128x8x128xf32, #tpu.memory_space<hbm>> -> memref<1x1x1x8x128xf32, #tpu.memory_space<hbm>>
        %dma_wait3A_1899 = tpu.memref_squeeze %dma_wait3A_1898 : memref<1x1x1x8x128xf32, #tpu.memory_space<hbm>> -> memref<8x128xf32, #tpu.memory_space<hbm>>
        %dma_wait3A_1900 = arith.constant 0 : i32
        %dma_wait3A_1901 = arith.constant 0 : i32
        %dma_wait3A_1902 = tpu.memref_slice %arg8[%dma_wait3A_1884, %dma_wait3A_1885, %dma_wait3A_1900, %dma_wait3A_1901] : memref<8x2x8x129xf32, #tpu.memory_space<vmem>> -> memref<1x1x8x128xf32, #tpu.memory_space<vmem>>
        %dma_wait3A_1903 = tpu.memref_squeeze %dma_wait3A_1902 : memref<1x1x8x128xf32, #tpu.memory_space<vmem>> -> memref<8x128xf32, #tpu.memory_space<vmem>>
        tpu.wait_dma2 semaphore(%arg12 : memref<!tpu.dma_semaphore, #tpu.memory_space<semaphore_mem>>) src(%dma_wait3A_1903 : memref<8x128xf32, #tpu.memory_space<vmem>>) dst(%dma_wait3A_1899 : memref<8x128xf32, #tpu.memory_space<hbm>>)
        %dma_wait3A_1904 = arith.constant 6 : i32
        %dma_wait3A_1905 = arith.constant 1 : i32
        %dma_wait3A_1906 = arith.constant 0 : i32
        %dma_wait3A_1907 = arith.constant 6 : i32
        %dma_wait3A_1908 = arith.constant 0 : i32
        %dma_wait3A_1909 = arith.constant 0 : i32
        %dma_wait3A_1910 = tpu.memref_slice %arg8[%dma_wait3A_1904, %dma_wait3A_1905, %dma_wait3A_1908, %dma_wait3A_1909] : memref<8x2x8x129xf32, #tpu.memory_space<vmem>> -> memref<1x1x8x128xf32, #tpu.memory_space<vmem>>
        %dma_wait3A_1911 = tpu.memref_squeeze %dma_wait3A_1910 : memref<1x1x8x128xf32, #tpu.memory_space<vmem>> -> memref<8x128xf32, #tpu.memory_space<vmem>>
        %dma_wait3A_1912 = arith.constant 0 : i32
        %dma_wait3A_1913 = arith.constant 0 : i32
        %dma_wait3A_1914 = tpu.memref_slice %arg4[%dma_wait3A_1906, %dma_wait3A_1907, %mul3A_2, %dma_wait3A_1912, %dma_wait3A_1913] : memref<50x8x128x8x128xf32, #tpu.memory_space<hbm>> -> memref<1x1x1x8x128xf32, #tpu.memory_space<hbm>>
        %dma_wait3A_1915 = tpu.memref_squeeze %dma_wait3A_1914 : memref<1x1x1x8x128xf32, #tpu.memory_space<hbm>> -> memref<8x128xf32, #tpu.memory_space<hbm>>
        %dma_wait3A_1916 = arith.constant 0 : i32
        %dma_wait3A_1917 = arith.constant 0 : i32
        %dma_wait3A_1918 = tpu.memref_slice %arg4[%dma_wait3A_1906, %dma_wait3A_1907, %mul3A_2, %dma_wait3A_1916, %dma_wait3A_1917] : memref<50x8x128x8x128xf32, #tpu.memory_space<hbm>> -> memref<1x1x1x8x128xf32, #tpu.memory_space<hbm>>
        %dma_wait3A_1919 = tpu.memref_squeeze %dma_wait3A_1918 : memref<1x1x1x8x128xf32, #tpu.memory_space<hbm>> -> memref<8x128xf32, #tpu.memory_space<hbm>>
        %dma_wait3A_1920 = arith.constant 0 : i32
        %dma_wait3A_1921 = arith.constant 0 : i32
        %dma_wait3A_1922 = tpu.memref_slice %arg8[%dma_wait3A_1904, %dma_wait3A_1905, %dma_wait3A_1920, %dma_wait3A_1921] : memref<8x2x8x129xf32, #tpu.memory_space<vmem>> -> memref<1x1x8x128xf32, #tpu.memory_space<vmem>>
        %dma_wait3A_1923 = tpu.memref_squeeze %dma_wait3A_1922 : memref<1x1x8x128xf32, #tpu.memory_space<vmem>> -> memref<8x128xf32, #tpu.memory_space<vmem>>
        tpu.wait_dma2 semaphore(%arg12 : memref<!tpu.dma_semaphore, #tpu.memory_space<semaphore_mem>>) src(%dma_wait3A_1923 : memref<8x128xf32, #tpu.memory_space<vmem>>) dst(%dma_wait3A_1919 : memref<8x128xf32, #tpu.memory_space<hbm>>)
        %dma_wait3A_1924 = arith.constant 7 : i32
        %dma_wait3A_1925 = arith.constant 0 : i32
        %dma_wait3A_1926 = arith.constant 0 : i32
        %dma_wait3A_1927 = arith.constant 7 : i32
        %dma_wait3A_1928 = arith.constant 0 : i32
        %dma_wait3A_1929 = arith.constant 0 : i32
        %dma_wait3A_1930 = tpu.memref_slice %arg8[%dma_wait3A_1924, %dma_wait3A_1925, %dma_wait3A_1928, %dma_wait3A_1929] : memref<8x2x8x129xf32, #tpu.memory_space<vmem>> -> memref<1x1x8x128xf32, #tpu.memory_space<vmem>>
        %dma_wait3A_1931 = tpu.memref_squeeze %dma_wait3A_1930 : memref<1x1x8x128xf32, #tpu.memory_space<vmem>> -> memref<8x128xf32, #tpu.memory_space<vmem>>
        %dma_wait3A_1932 = arith.constant 0 : i32
        %dma_wait3A_1933 = arith.constant 0 : i32
        %dma_wait3A_1934 = tpu.memref_slice %arg4[%dma_wait3A_1926, %dma_wait3A_1927, %mul3A_2, %dma_wait3A_1932, %dma_wait3A_1933] : memref<50x8x128x8x128xf32, #tpu.memory_space<hbm>> -> memref<1x1x1x8x128xf32, #tpu.memory_space<hbm>>
        %dma_wait3A_1935 = tpu.memref_squeeze %dma_wait3A_1934 : memref<1x1x1x8x128xf32, #tpu.memory_space<hbm>> -> memref<8x128xf32, #tpu.memory_space<hbm>>
        %dma_wait3A_1936 = arith.constant 0 : i32
        %dma_wait3A_1937 = arith.constant 0 : i32
        %dma_wait3A_1938 = tpu.memref_slice %arg4[%dma_wait3A_1926, %dma_wait3A_1927, %mul3A_2, %dma_wait3A_1936, %dma_wait3A_1937] : memref<50x8x128x8x128xf32, #tpu.memory_space<hbm>> -> memref<1x1x1x8x128xf32, #tpu.memory_space<hbm>>
        %dma_wait3A_1939 = tpu.memref_squeeze %dma_wait3A_1938 : memref<1x1x1x8x128xf32, #tpu.memory_space<hbm>> -> memref<8x128xf32, #tpu.memory_space<hbm>>
        %dma_wait3A_1940 = arith.constant 0 : i32
        %dma_wait3A_1941 = arith.constant 0 : i32
        %dma_wait3A_1942 = tpu.memref_slice %arg8[%dma_wait3A_1924, %dma_wait3A_1925, %dma_wait3A_1940, %dma_wait3A_1941] : memref<8x2x8x129xf32, #tpu.memory_space<vmem>> -> memref<1x1x8x128xf32, #tpu.memory_space<vmem>>
        %dma_wait3A_1943 = tpu.memref_squeeze %dma_wait3A_1942 : memref<1x1x8x128xf32, #tpu.memory_space<vmem>> -> memref<8x128xf32, #tpu.memory_space<vmem>>
        tpu.wait_dma2 semaphore(%arg12 : memref<!tpu.dma_semaphore, #tpu.memory_space<semaphore_mem>>) src(%dma_wait3A_1943 : memref<8x128xf32, #tpu.memory_space<vmem>>) dst(%dma_wait3A_1939 : memref<8x128xf32, #tpu.memory_space<hbm>>)
        %dma_wait3A_1944 = arith.constant 7 : i32
        %dma_wait3A_1945 = arith.constant 1 : i32
        %dma_wait3A_1946 = arith.constant 0 : i32
        %dma_wait3A_1947 = arith.constant 7 : i32
        %dma_wait3A_1948 = arith.constant 0 : i32
        %dma_wait3A_1949 = arith.constant 0 : i32
        %dma_wait3A_1950 = tpu.memref_slice %arg8[%dma_wait3A_1944, %dma_wait3A_1945, %dma_wait3A_1948, %dma_wait3A_1949] : memref<8x2x8x129xf32, #tpu.memory_space<vmem>> -> memref<1x1x8x128xf32, #tpu.memory_space<vmem>>
        %dma_wait3A_1951 = tpu.memref_squeeze %dma_wait3A_1950 : memref<1x1x8x128xf32, #tpu.memory_space<vmem>> -> memref<8x128xf32, #tpu.memory_space<vmem>>
        %dma_wait3A_1952 = arith.constant 0 : i32
        %dma_wait3A_1953 = arith.constant 0 : i32
        %dma_wait3A_1954 = tpu.memref_slice %arg4[%dma_wait3A_1946, %dma_wait3A_1947, %mul3A_2, %dma_wait3A_1952, %dma_wait3A_1953] : memref<50x8x128x8x128xf32, #tpu.memory_space<hbm>> -> memref<1x1x1x8x128xf32, #tpu.memory_space<hbm>>
        %dma_wait3A_1955 = tpu.memref_squeeze %dma_wait3A_1954 : memref<1x1x1x8x128xf32, #tpu.memory_space<hbm>> -> memref<8x128xf32, #tpu.memory_space<hbm>>
        %dma_wait3A_1956 = arith.constant 0 : i32
        %dma_wait3A_1957 = arith.constant 0 : i32
        %dma_wait3A_1958 = tpu.memref_slice %arg4[%dma_wait3A_1946, %dma_wait3A_1947, %mul3A_2, %dma_wait3A_1956, %dma_wait3A_1957] : memref<50x8x128x8x128xf32, #tpu.memory_space<hbm>> -> memref<1x1x1x8x128xf32, #tpu.memory_space<hbm>>
        %dma_wait3A_1959 = tpu.memref_squeeze %dma_wait3A_1958 : memref<1x1x1x8x128xf32, #tpu.memory_space<hbm>> -> memref<8x128xf32, #tpu.memory_space<hbm>>
        %dma_wait3A_1960 = arith.constant 0 : i32
        %dma_wait3A_1961 = arith.constant 0 : i32
        %dma_wait3A_1962 = tpu.memref_slice %arg8[%dma_wait3A_1944, %dma_wait3A_1945, %dma_wait3A_1960, %dma_wait3A_1961] : memref<8x2x8x129xf32, #tpu.memory_space<vmem>> -> memref<1x1x8x128xf32, #tpu.memory_space<vmem>>
        %dma_wait3A_1963 = tpu.memref_squeeze %dma_wait3A_1962 : memref<1x1x8x128xf32, #tpu.memory_space<vmem>> -> memref<8x128xf32, #tpu.memory_space<vmem>>
        tpu.wait_dma2 semaphore(%arg12 : memref<!tpu.dma_semaphore, #tpu.memory_space<semaphore_mem>>) src(%dma_wait3A_1963 : memref<8x128xf32, #tpu.memory_space<vmem>>) dst(%dma_wait3A_1959 : memref<8x128xf32, #tpu.memory_space<hbm>>)
      } else {
      }
      %broadcast_in_dim3A = arith.constant 0 : i32
      %broadcast_in_dim3A_852 = vector.broadcast %broadcast_in_dim3A : i32 to vector<16xi32>
      %parallel_loop3A = arith.constant 0 : i32
      %parallel_loop3A_853 = arith.constant 128 : i32
      %parallel_loop3A_854 = arith.constant 1 : i32
      scf.for %parallel_loop3A_1644 = %parallel_loop3A to %parallel_loop3A_853 step %parallel_loop3A_854  : i32 {
        %parallel_loop3A_1645 = arith.constant 0 : i32
        %parallel_loop3A_1646 = vector.broadcast %parallel_loop3A_1645 : i32 to vector<16xi32>
        %parallel_loop3A_1647 = vector.broadcast %parallel_loop3A_1644 : i32 to vector<16xi32>
        %parallel_loop3A_1648 = arith.addi %parallel_loop3A_1646, %parallel_loop3A_1647 : vector<16xi32>
        %parallel_loop3A_1649 = arith.constant 0 : i32
        %parallel_loop3A_1650 = arith.addi %parallel_loop3A_1649, %parallel_loop3A_1644 : i32
        %parallel_loop3A_1651 = arith.index_cast %parallel_loop3A_1650 : i32 to index
        %parallel_loop3A_1652 = arith.constant 0 : index
        %parallel_loop3A_1653 = tpu.vector_load %arg6[%parallel_loop3A_1651, %parallel_loop3A_1652] {strides = array<i32>} : memref<256x64xf32, #tpu.memory_space<vmem>>, vector<16xf32>,
        tpu.vector_store_idx %arg8[%add3A_28, %broadcast_in_dim3A_852, %select_n3A_150, %parallel_loop3A_1648], %parallel_loop3A_1653 : memref<8x2x8x129xf32, #tpu.memory_space<vmem>>[vector<16xi32>, vector<16xi32>, vector<16xi32>, vector<16xi32>], vector<16xf32>,
        %parallel_loop3A_1654 = arith.constant 0 : i32
        %parallel_loop3A_1655 = arith.addi %parallel_loop3A_1654, %parallel_loop3A_1644 : i32
        %parallel_loop3A_1656 = arith.index_cast %parallel_loop3A_1655 : i32 to index
        %parallel_loop3A_1657 = arith.constant 16 : index
        %parallel_loop3A_1658 = tpu.vector_load %arg6[%parallel_loop3A_1656, %parallel_loop3A_1657] {strides = array<i32>} : memref<256x64xf32, #tpu.memory_space<vmem>>, vector<16xf32>,
        tpu.vector_store_idx %arg8[%add3A_62, %broadcast_in_dim3A_852, %select_n3A_150, %parallel_loop3A_1648], %parallel_loop3A_1658 : memref<8x2x8x129xf32, #tpu.memory_space<vmem>>[vector<16xi32>, vector<16xi32>, vector<16xi32>, vector<16xi32>], vector<16xf32>,
        %parallel_loop3A_1659 = arith.constant 0 : i32
        %parallel_loop3A_1660 = arith.addi %parallel_loop3A_1659, %parallel_loop3A_1644 : i32
        %parallel_loop3A_1661 = arith.index_cast %parallel_loop3A_1660 : i32 to index
        %parallel_loop3A_1662 = arith.constant 32 : index
        %parallel_loop3A_1663 = tpu.vector_load %arg6[%parallel_loop3A_1661, %parallel_loop3A_1662] {strides = array<i32>} : memref<256x64xf32, #tpu.memory_space<vmem>>, vector<16xf32>,
        tpu.vector_store_idx %arg8[%add3A_96, %broadcast_in_dim3A_852, %select_n3A_150, %parallel_loop3A_1648], %parallel_loop3A_1663 : memref<8x2x8x129xf32, #tpu.memory_space<vmem>>[vector<16xi32>, vector<16xi32>, vector<16xi32>, vector<16xi32>], vector<16xf32>,
        %parallel_loop3A_1664 = arith.constant 0 : i32
        %parallel_loop3A_1665 = arith.addi %parallel_loop3A_1664, %parallel_loop3A_1644 : i32
        %parallel_loop3A_1666 = arith.index_cast %parallel_loop3A_1665 : i32 to index
        %parallel_loop3A_1667 = arith.constant 48 : index
        %parallel_loop3A_1668 = tpu.vector_load %arg6[%parallel_loop3A_1666, %parallel_loop3A_1667] {strides = array<i32>} : memref<256x64xf32, #tpu.memory_space<vmem>>, vector<16xf32>,
        tpu.vector_store_idx %arg8[%add3A_130, %broadcast_in_dim3A_852, %select_n3A_150, %parallel_loop3A_1648], %parallel_loop3A_1668 : memref<8x2x8x129xf32, #tpu.memory_space<vmem>>[vector<16xi32>, vector<16xi32>, vector<16xi32>, vector<16xi32>], vector<16xf32>,
      } {sc.loop_unroll_factor = 1 : i64, sc.parallel_access}
      %broadcast_in_dim3A_855 = arith.constant 1 : i32
      %broadcast_in_dim3A_856 = vector.broadcast %broadcast_in_dim3A_855 : i32 to vector<16xi32>
      %parallel_loop3A_857 = arith.constant 0 : i32
      %parallel_loop3A_858 = arith.constant 128 : i32
      %parallel_loop3A_859 = arith.constant 1 : i32
      scf.for %parallel_loop3A_1644 = %parallel_loop3A_857 to %parallel_loop3A_858 step %parallel_loop3A_859  : i32 {
        %parallel_loop3A_1645 = arith.constant 0 : i32
        %parallel_loop3A_1646 = vector.broadcast %parallel_loop3A_1645 : i32 to vector<16xi32>
        %parallel_loop3A_1647 = vector.broadcast %parallel_loop3A_1644 : i32 to vector<16xi32>
        %parallel_loop3A_1648 = arith.addi %parallel_loop3A_1646, %parallel_loop3A_1647 : vector<16xi32>
        %parallel_loop3A_1649 = arith.constant 128 : i32
        %parallel_loop3A_1650 = arith.addi %parallel_loop3A_1649, %parallel_loop3A_1644 : i32
        %parallel_loop3A_1651 = arith.index_cast %parallel_loop3A_1650 : i32 to index
        %parallel_loop3A_1652 = arith.constant 0 : index
        %parallel_loop3A_1653 = tpu.vector_load %arg6[%parallel_loop3A_1651, %parallel_loop3A_1652] {strides = array<i32>} : memref<256x64xf32, #tpu.memory_space<vmem>>, vector<16xf32>,
        tpu.vector_store_idx %arg8[%add3A_28, %broadcast_in_dim3A_856, %select_n3A_150, %parallel_loop3A_1648], %parallel_loop3A_1653 : memref<8x2x8x129xf32, #tpu.memory_space<vmem>>[vector<16xi32>, vector<16xi32>, vector<16xi32>, vector<16xi32>], vector<16xf32>,
        %parallel_loop3A_1654 = arith.constant 128 : i32
        %parallel_loop3A_1655 = arith.addi %parallel_loop3A_1654, %parallel_loop3A_1644 : i32
        %parallel_loop3A_1656 = arith.index_cast %parallel_loop3A_1655 : i32 to index
        %parallel_loop3A_1657 = arith.constant 16 : index
        %parallel_loop3A_1658 = tpu.vector_load %arg6[%parallel_loop3A_1656, %parallel_loop3A_1657] {strides = array<i32>} : memref<256x64xf32, #tpu.memory_space<vmem>>, vector<16xf32>,
        tpu.vector_store_idx %arg8[%add3A_62, %broadcast_in_dim3A_856, %select_n3A_150, %parallel_loop3A_1648], %parallel_loop3A_1658 : memref<8x2x8x129xf32, #tpu.memory_space<vmem>>[vector<16xi32>, vector<16xi32>, vector<16xi32>, vector<16xi32>], vector<16xf32>,
        %parallel_loop3A_1659 = arith.constant 128 : i32
        %parallel_loop3A_1660 = arith.addi %parallel_loop3A_1659, %parallel_loop3A_1644 : i32
        %parallel_loop3A_1661 = arith.index_cast %parallel_loop3A_1660 : i32 to index
        %parallel_loop3A_1662 = arith.constant 32 : index
        %parallel_loop3A_1663 = tpu.vector_load %arg6[%parallel_loop3A_1661, %parallel_loop3A_1662] {strides = array<i32>} : memref<256x64xf32, #tpu.memory_space<vmem>>, vector<16xf32>,
        tpu.vector_store_idx %arg8[%add3A_96, %broadcast_in_dim3A_856, %select_n3A_150, %parallel_loop3A_1648], %parallel_loop3A_1663 : memref<8x2x8x129xf32, #tpu.memory_space<vmem>>[vector<16xi32>, vector<16xi32>, vector<16xi32>, vector<16xi32>], vector<16xf32>,
        %parallel_loop3A_1664 = arith.constant 128 : i32
        %parallel_loop3A_1665 = arith.addi %parallel_loop3A_1664, %parallel_loop3A_1644 : i32
        %parallel_loop3A_1666 = arith.index_cast %parallel_loop3A_1665 : i32 to index
        %parallel_loop3A_1667 = arith.constant 48 : index
        %parallel_loop3A_1668 = tpu.vector_load %arg6[%parallel_loop3A_1666, %parallel_loop3A_1667] {strides = array<i32>} : memref<256x64xf32, #tpu.memory_space<vmem>>, vector<16xf32>,
        tpu.vector_store_idx %arg8[%add3A_130, %broadcast_in_dim3A_856, %select_n3A_150, %parallel_loop3A_1648], %parallel_loop3A_1668 : memref<8x2x8x129xf32, #tpu.memory_space<vmem>>[vector<16xi32>, vector<16xi32>, vector<16xi32>, vector<16xi32>], vector<16xf32>,
      } {sc.loop_unroll_factor = 1 : i64, sc.parallel_access}
      %add3A_860 = arith.constant 0 : i32
      %add3A_861 = arith.addi %mul3A_2, %add3A_860 : i32
      %add3A_862 = arith.constant 0 : i32
      %add3A_863 = arith.addi %add3A_861, %add3A_862 : i32
      %dma_start3A_864 = arith.constant 0 : i32
      %dma_start3A_865 = arith.constant 0 : i32
      %dma_start3A_866 = arith.constant 0 : i32
      %dma_start3A_867 = arith.constant 0 : i32
      %dma_start3A_868 = arith.constant 0 : i32
      %dma_start3A_869 = tpu.memref_slice %arg8[%dma_start3A_864, %dma_start3A_865, %dma_start3A_867, %dma_start3A_868] : memref<8x2x8x129xf32, #tpu.memory_space<vmem>> -> memref<1x1x8x128xf32, #tpu.memory_space<vmem>>
      %dma_start3A_870 = tpu.memref_squeeze %dma_start3A_869 : memref<1x1x8x128xf32, #tpu.memory_space<vmem>> -> memref<8x128xf32, #tpu.memory_space<vmem>>
      %dma_start3A_871 = arith.constant 0 : i32
      %dma_start3A_872 = arith.constant 0 : i32
      %dma_start3A_873 = tpu.memref_slice %arg4[%scan3A_816, %dma_start3A_866, %add3A_863, %dma_start3A_871, %dma_start3A_872] : memref<50x8x128x8x128xf32, #tpu.memory_space<hbm>> -> memref<1x1x1x8x128xf32, #tpu.memory_space<hbm>>
      %dma_start3A_874 = tpu.memref_squeeze %dma_start3A_873 : memref<1x1x1x8x128xf32, #tpu.memory_space<hbm>> -> memref<8x128xf32, #tpu.memory_space<hbm>>
      %dma_start3A_875 = arith.constant 0 : i32
      %dma_start3A_876 = arith.constant 0 : i32
      %dma_start3A_877 = tpu.memref_slice %arg4[%scan3A_816, %dma_start3A_866, %add3A_863, %dma_start3A_875, %dma_start3A_876] : memref<50x8x128x8x128xf32, #tpu.memory_space<hbm>> -> memref<1x1x1x8x128xf32, #tpu.memory_space<hbm>>
      %dma_start3A_878 = tpu.memref_squeeze %dma_start3A_877 : memref<1x1x1x8x128xf32, #tpu.memory_space<hbm>> -> memref<8x128xf32, #tpu.memory_space<hbm>>
      %dma_start3A_879 = arith.constant 0 : i32
      %dma_start3A_880 = arith.constant 0 : i32
      %dma_start3A_881 = tpu.memref_slice %arg8[%dma_start3A_864, %dma_start3A_865, %dma_start3A_879, %dma_start3A_880] : memref<8x2x8x129xf32, #tpu.memory_space<vmem>> -> memref<1x1x8x128xf32, #tpu.memory_space<vmem>>
      %dma_start3A_882 = tpu.memref_squeeze %dma_start3A_881 : memref<1x1x8x128xf32, #tpu.memory_space<vmem>> -> memref<8x128xf32, #tpu.memory_space<vmem>>
      tpu.enqueue_dma source(%dma_start3A_882 : memref<8x128xf32, #tpu.memory_space<vmem>>) target(%dma_start3A_878 : memref<8x128xf32, #tpu.memory_space<hbm>>) target_semaphore(%arg12 : memref<!tpu.dma_semaphore, #tpu.memory_space<semaphore_mem>>)
      %add3A_883 = arith.constant 0 : i32
      %add3A_884 = arith.addi %mul3A_2, %add3A_883 : i32
      %add3A_885 = arith.constant 1 : i32
      %add3A_886 = arith.addi %add3A_884, %add3A_885 : i32
      %dma_start3A_887 = arith.constant 0 : i32
      %dma_start3A_888 = arith.constant 1 : i32
      %dma_start3A_889 = arith.constant 0 : i32
      %dma_start3A_890 = arith.constant 0 : i32
      %dma_start3A_891 = arith.constant 0 : i32
      %dma_start3A_892 = tpu.memref_slice %arg8[%dma_start3A_887, %dma_start3A_888, %dma_start3A_890, %dma_start3A_891] : memref<8x2x8x129xf32, #tpu.memory_space<vmem>> -> memref<1x1x8x128xf32, #tpu.memory_space<vmem>>
      %dma_start3A_893 = tpu.memref_squeeze %dma_start3A_892 : memref<1x1x8x128xf32, #tpu.memory_space<vmem>> -> memref<8x128xf32, #tpu.memory_space<vmem>>
      %dma_start3A_894 = arith.constant 0 : i32
      %dma_start3A_895 = arith.constant 0 : i32
      %dma_start3A_896 = tpu.memref_slice %arg4[%scan3A_816, %dma_start3A_889, %add3A_886, %dma_start3A_894, %dma_start3A_895] : memref<50x8x128x8x128xf32, #tpu.memory_space<hbm>> -> memref<1x1x1x8x128xf32, #tpu.memory_space<hbm>>
      %dma_start3A_897 = tpu.memref_squeeze %dma_start3A_896 : memref<1x1x1x8x128xf32, #tpu.memory_space<hbm>> -> memref<8x128xf32, #tpu.memory_space<hbm>>
      %dma_start3A_898 = arith.constant 0 : i32
      %dma_start3A_899 = arith.constant 0 : i32
      %dma_start3A_900 = tpu.memref_slice %arg4[%scan3A_816, %dma_start3A_889, %add3A_886, %dma_start3A_898, %dma_start3A_899] : memref<50x8x128x8x128xf32, #tpu.memory_space<hbm>> -> memref<1x1x1x8x128xf32, #tpu.memory_space<hbm>>
      %dma_start3A_901 = tpu.memref_squeeze %dma_start3A_900 : memref<1x1x1x8x128xf32, #tpu.memory_space<hbm>> -> memref<8x128xf32, #tpu.memory_space<hbm>>
      %dma_start3A_902 = arith.constant 0 : i32
      %dma_start3A_903 = arith.constant 0 : i32
      %dma_start3A_904 = tpu.memref_slice %arg8[%dma_start3A_887, %dma_start3A_888, %dma_start3A_902, %dma_start3A_903] : memref<8x2x8x129xf32, #tpu.memory_space<vmem>> -> memref<1x1x8x128xf32, #tpu.memory_space<vmem>>
      %dma_start3A_905 = tpu.memref_squeeze %dma_start3A_904 : memref<1x1x8x128xf32, #tpu.memory_space<vmem>> -> memref<8x128xf32, #tpu.memory_space<vmem>>
      tpu.enqueue_dma source(%dma_start3A_905 : memref<8x128xf32, #tpu.memory_space<vmem>>) target(%dma_start3A_901 : memref<8x128xf32, #tpu.memory_space<hbm>>) target_semaphore(%arg12 : memref<!tpu.dma_semaphore, #tpu.memory_space<semaphore_mem>>)
      %add3A_906 = arith.constant 0 : i32
      %add3A_907 = arith.addi %mul3A_2, %add3A_906 : i32
      %add3A_908 = arith.constant 0 : i32
      %add3A_909 = arith.addi %add3A_907, %add3A_908 : i32
      %dma_start3A_910 = arith.constant 1 : i32
      %dma_start3A_911 = arith.constant 0 : i32
      %dma_start3A_912 = arith.constant 1 : i32
      %dma_start3A_913 = arith.constant 0 : i32
      %dma_start3A_914 = arith.constant 0 : i32
      %dma_start3A_915 = tpu.memref_slice %arg8[%dma_start3A_910, %dma_start3A_911, %dma_start3A_913, %dma_start3A_914] : memref<8x2x8x129xf32, #tpu.memory_space<vmem>> -> memref<1x1x8x128xf32, #tpu.memory_space<vmem>>
      %dma_start3A_916 = tpu.memref_squeeze %dma_start3A_915 : memref<1x1x8x128xf32, #tpu.memory_space<vmem>> -> memref<8x128xf32, #tpu.memory_space<vmem>>
      %dma_start3A_917 = arith.constant 0 : i32
      %dma_start3A_918 = arith.constant 0 : i32
      %dma_start3A_919 = tpu.memref_slice %arg4[%scan3A_816, %dma_start3A_912, %add3A_909, %dma_start3A_917, %dma_start3A_918] : memref<50x8x128x8x128xf32, #tpu.memory_space<hbm>> -> memref<1x1x1x8x128xf32, #tpu.memory_space<hbm>>
      %dma_start3A_920 = tpu.memref_squeeze %dma_start3A_919 : memref<1x1x1x8x128xf32, #tpu.memory_space<hbm>> -> memref<8x128xf32, #tpu.memory_space<hbm>>
      %dma_start3A_921 = arith.constant 0 : i32
      %dma_start3A_922 = arith.constant 0 : i32
      %dma_start3A_923 = tpu.memref_slice %arg4[%scan3A_816, %dma_start3A_912, %add3A_909, %dma_start3A_921, %dma_start3A_922] : memref<50x8x128x8x128xf32, #tpu.memory_space<hbm>> -> memref<1x1x1x8x128xf32, #tpu.memory_space<hbm>>
      %dma_start3A_924 = tpu.memref_squeeze %dma_start3A_923 : memref<1x1x1x8x128xf32, #tpu.memory_space<hbm>> -> memref<8x128xf32, #tpu.memory_space<hbm>>
      %dma_start3A_925 = arith.constant 0 : i32
      %dma_start3A_926 = arith.constant 0 : i32
      %dma_start3A_927 = tpu.memref_slice %arg8[%dma_start3A_910, %dma_start3A_911, %dma_start3A_925, %dma_start3A_926] : memref<8x2x8x129xf32, #tpu.memory_space<vmem>> -> memref<1x1x8x128xf32, #tpu.memory_space<vmem>>
      %dma_start3A_928 = tpu.memref_squeeze %dma_start3A_927 : memref<1x1x8x128xf32, #tpu.memory_space<vmem>> -> memref<8x128xf32, #tpu.memory_space<vmem>>
      tpu.enqueue_dma source(%dma_start3A_928 : memref<8x128xf32, #tpu.memory_space<vmem>>) target(%dma_start3A_924 : memref<8x128xf32, #tpu.memory_space<hbm>>) target_semaphore(%arg12 : memref<!tpu.dma_semaphore, #tpu.memory_space<semaphore_mem>>)
      %add3A_929 = arith.constant 0 : i32
      %add3A_930 = arith.addi %mul3A_2, %add3A_929 : i32
      %add3A_931 = arith.constant 1 : i32
      %add3A_932 = arith.addi %add3A_930, %add3A_931 : i32
      %dma_start3A_933 = arith.constant 1 : i32
      %dma_start3A_934 = arith.constant 1 : i32
      %dma_start3A_935 = arith.constant 1 : i32
      %dma_start3A_936 = arith.constant 0 : i32
      %dma_start3A_937 = arith.constant 0 : i32
      %dma_start3A_938 = tpu.memref_slice %arg8[%dma_start3A_933, %dma_start3A_934, %dma_start3A_936, %dma_start3A_937] : memref<8x2x8x129xf32, #tpu.memory_space<vmem>> -> memref<1x1x8x128xf32, #tpu.memory_space<vmem>>
      %dma_start3A_939 = tpu.memref_squeeze %dma_start3A_938 : memref<1x1x8x128xf32, #tpu.memory_space<vmem>> -> memref<8x128xf32, #tpu.memory_space<vmem>>
      %dma_start3A_940 = arith.constant 0 : i32
      %dma_start3A_941 = arith.constant 0 : i32
      %dma_start3A_942 = tpu.memref_slice %arg4[%scan3A_816, %dma_start3A_935, %add3A_932, %dma_start3A_940, %dma_start3A_941] : memref<50x8x128x8x128xf32, #tpu.memory_space<hbm>> -> memref<1x1x1x8x128xf32, #tpu.memory_space<hbm>>
      %dma_start3A_943 = tpu.memref_squeeze %dma_start3A_942 : memref<1x1x1x8x128xf32, #tpu.memory_space<hbm>> -> memref<8x128xf32, #tpu.memory_space<hbm>>
      %dma_start3A_944 = arith.constant 0 : i32
      %dma_start3A_945 = arith.constant 0 : i32
      %dma_start3A_946 = tpu.memref_slice %arg4[%scan3A_816, %dma_start3A_935, %add3A_932, %dma_start3A_944, %dma_start3A_945] : memref<50x8x128x8x128xf32, #tpu.memory_space<hbm>> -> memref<1x1x1x8x128xf32, #tpu.memory_space<hbm>>
      %dma_start3A_947 = tpu.memref_squeeze %dma_start3A_946 : memref<1x1x1x8x128xf32, #tpu.memory_space<hbm>> -> memref<8x128xf32, #tpu.memory_space<hbm>>
      %dma_start3A_948 = arith.constant 0 : i32
      %dma_start3A_949 = arith.constant 0 : i32
      %dma_start3A_950 = tpu.memref_slice %arg8[%dma_start3A_933, %dma_start3A_934, %dma_start3A_948, %dma_start3A_949] : memref<8x2x8x129xf32, #tpu.memory_space<vmem>> -> memref<1x1x8x128xf32, #tpu.memory_space<vmem>>
      %dma_start3A_951 = tpu.memref_squeeze %dma_start3A_950 : memref<1x1x8x128xf32, #tpu.memory_space<vmem>> -> memref<8x128xf32, #tpu.memory_space<vmem>>
      tpu.enqueue_dma source(%dma_start3A_951 : memref<8x128xf32, #tpu.memory_space<vmem>>) target(%dma_start3A_947 : memref<8x128xf32, #tpu.memory_space<hbm>>) target_semaphore(%arg12 : memref<!tpu.dma_semaphore, #tpu.memory_space<semaphore_mem>>)
      %add3A_952 = arith.constant 0 : i32
      %add3A_953 = arith.addi %mul3A_2, %add3A_952 : i32
      %add3A_954 = arith.constant 0 : i32
      %add3A_955 = arith.addi %add3A_953, %add3A_954 : i32
      %dma_start3A_956 = arith.constant 2 : i32
      %dma_start3A_957 = arith.constant 0 : i32
      %dma_start3A_958 = arith.constant 2 : i32
      %dma_start3A_959 = arith.constant 0 : i32
      %dma_start3A_960 = arith.constant 0 : i32
      %dma_start3A_961 = tpu.memref_slice %arg8[%dma_start3A_956, %dma_start3A_957, %dma_start3A_959, %dma_start3A_960] : memref<8x2x8x129xf32, #tpu.memory_space<vmem>> -> memref<1x1x8x128xf32, #tpu.memory_space<vmem>>
      %dma_start3A_962 = tpu.memref_squeeze %dma_start3A_961 : memref<1x1x8x128xf32, #tpu.memory_space<vmem>> -> memref<8x128xf32, #tpu.memory_space<vmem>>
      %dma_start3A_963 = arith.constant 0 : i32
      %dma_start3A_964 = arith.constant 0 : i32
      %dma_start3A_965 = tpu.memref_slice %arg4[%scan3A_816, %dma_start3A_958, %add3A_955, %dma_start3A_963, %dma_start3A_964] : memref<50x8x128x8x128xf32, #tpu.memory_space<hbm>> -> memref<1x1x1x8x128xf32, #tpu.memory_space<hbm>>
      %dma_start3A_966 = tpu.memref_squeeze %dma_start3A_965 : memref<1x1x1x8x128xf32, #tpu.memory_space<hbm>> -> memref<8x128xf32, #tpu.memory_space<hbm>>
      %dma_start3A_967 = arith.constant 0 : i32
      %dma_start3A_968 = arith.constant 0 : i32
      %dma_start3A_969 = tpu.memref_slice %arg4[%scan3A_816, %dma_start3A_958, %add3A_955, %dma_start3A_967, %dma_start3A_968] : memref<50x8x128x8x128xf32, #tpu.memory_space<hbm>> -> memref<1x1x1x8x128xf32, #tpu.memory_space<hbm>>
      %dma_start3A_970 = tpu.memref_squeeze %dma_start3A_969 : memref<1x1x1x8x128xf32, #tpu.memory_space<hbm>> -> memref<8x128xf32, #tpu.memory_space<hbm>>
      %dma_start3A_971 = arith.constant 0 : i32
      %dma_start3A_972 = arith.constant 0 : i32
      %dma_start3A_973 = tpu.memref_slice %arg8[%dma_start3A_956, %dma_start3A_957, %dma_start3A_971, %dma_start3A_972] : memref<8x2x8x129xf32, #tpu.memory_space<vmem>> -> memref<1x1x8x128xf32, #tpu.memory_space<vmem>>
      %dma_start3A_974 = tpu.memref_squeeze %dma_start3A_973 : memref<1x1x8x128xf32, #tpu.memory_space<vmem>> -> memref<8x128xf32, #tpu.memory_space<vmem>>
      tpu.enqueue_dma source(%dma_start3A_974 : memref<8x128xf32, #tpu.memory_space<vmem>>) target(%dma_start3A_970 : memref<8x128xf32, #tpu.memory_space<hbm>>) target_semaphore(%arg12 : memref<!tpu.dma_semaphore, #tpu.memory_space<semaphore_mem>>)
      %add3A_975 = arith.constant 0 : i32
      %add3A_976 = arith.addi %mul3A_2, %add3A_975 : i32
      %add3A_977 = arith.constant 1 : i32
      %add3A_978 = arith.addi %add3A_976, %add3A_977 : i32
      %dma_start3A_979 = arith.constant 2 : i32
      %dma_start3A_980 = arith.constant 1 : i32
      %dma_start3A_981 = arith.constant 2 : i32
      %dma_start3A_982 = arith.constant 0 : i32
      %dma_start3A_983 = arith.constant 0 : i32
      %dma_start3A_984 = tpu.memref_slice %arg8[%dma_start3A_979, %dma_start3A_980, %dma_start3A_982, %dma_start3A_983] : memref<8x2x8x129xf32, #tpu.memory_space<vmem>> -> memref<1x1x8x128xf32, #tpu.memory_space<vmem>>
      %dma_start3A_985 = tpu.memref_squeeze %dma_start3A_984 : memref<1x1x8x128xf32, #tpu.memory_space<vmem>> -> memref<8x128xf32, #tpu.memory_space<vmem>>
      %dma_start3A_986 = arith.constant 0 : i32
      %dma_start3A_987 = arith.constant 0 : i32
      %dma_start3A_988 = tpu.memref_slice %arg4[%scan3A_816, %dma_start3A_981, %add3A_978, %dma_start3A_986, %dma_start3A_987] : memref<50x8x128x8x128xf32, #tpu.memory_space<hbm>> -> memref<1x1x1x8x128xf32, #tpu.memory_space<hbm>>
      %dma_start3A_989 = tpu.memref_squeeze %dma_start3A_988 : memref<1x1x1x8x128xf32, #tpu.memory_space<hbm>> -> memref<8x128xf32, #tpu.memory_space<hbm>>
      %dma_start3A_990 = arith.constant 0 : i32
      %dma_start3A_991 = arith.constant 0 : i32
      %dma_start3A_992 = tpu.memref_slice %arg4[%scan3A_816, %dma_start3A_981, %add3A_978, %dma_start3A_990, %dma_start3A_991] : memref<50x8x128x8x128xf32, #tpu.memory_space<hbm>> -> memref<1x1x1x8x128xf32, #tpu.memory_space<hbm>>
      %dma_start3A_993 = tpu.memref_squeeze %dma_start3A_992 : memref<1x1x1x8x128xf32, #tpu.memory_space<hbm>> -> memref<8x128xf32, #tpu.memory_space<hbm>>
      %dma_start3A_994 = arith.constant 0 : i32
      %dma_start3A_995 = arith.constant 0 : i32
      %dma_start3A_996 = tpu.memref_slice %arg8[%dma_start3A_979, %dma_start3A_980, %dma_start3A_994, %dma_start3A_995] : memref<8x2x8x129xf32, #tpu.memory_space<vmem>> -> memref<1x1x8x128xf32, #tpu.memory_space<vmem>>
      %dma_start3A_997 = tpu.memref_squeeze %dma_start3A_996 : memref<1x1x8x128xf32, #tpu.memory_space<vmem>> -> memref<8x128xf32, #tpu.memory_space<vmem>>
      tpu.enqueue_dma source(%dma_start3A_997 : memref<8x128xf32, #tpu.memory_space<vmem>>) target(%dma_start3A_993 : memref<8x128xf32, #tpu.memory_space<hbm>>) target_semaphore(%arg12 : memref<!tpu.dma_semaphore, #tpu.memory_space<semaphore_mem>>)
      %add3A_998 = arith.constant 0 : i32
      %add3A_999 = arith.addi %mul3A_2, %add3A_998 : i32
      %add3A_1000 = arith.constant 0 : i32
      %add3A_1001 = arith.addi %add3A_999, %add3A_1000 : i32
      %dma_start3A_1002 = arith.constant 3 : i32
      %dma_start3A_1003 = arith.constant 0 : i32
      %dma_start3A_1004 = arith.constant 3 : i32
      %dma_start3A_1005 = arith.constant 0 : i32
      %dma_start3A_1006 = arith.constant 0 : i32
      %dma_start3A_1007 = tpu.memref_slice %arg8[%dma_start3A_1002, %dma_start3A_1003, %dma_start3A_1005, %dma_start3A_1006] : memref<8x2x8x129xf32, #tpu.memory_space<vmem>> -> memref<1x1x8x128xf32, #tpu.memory_space<vmem>>
      %dma_start3A_1008 = tpu.memref_squeeze %dma_start3A_1007 : memref<1x1x8x128xf32, #tpu.memory_space<vmem>> -> memref<8x128xf32, #tpu.memory_space<vmem>>
      %dma_start3A_1009 = arith.constant 0 : i32
      %dma_start3A_1010 = arith.constant 0 : i32
      %dma_start3A_1011 = tpu.memref_slice %arg4[%scan3A_816, %dma_start3A_1004, %add3A_1001, %dma_start3A_1009, %dma_start3A_1010] : memref<50x8x128x8x128xf32, #tpu.memory_space<hbm>> -> memref<1x1x1x8x128xf32, #tpu.memory_space<hbm>>
      %dma_start3A_1012 = tpu.memref_squeeze %dma_start3A_1011 : memref<1x1x1x8x128xf32, #tpu.memory_space<hbm>> -> memref<8x128xf32, #tpu.memory_space<hbm>>
      %dma_start3A_1013 = arith.constant 0 : i32
      %dma_start3A_1014 = arith.constant 0 : i32
      %dma_start3A_1015 = tpu.memref_slice %arg4[%scan3A_816, %dma_start3A_1004, %add3A_1001, %dma_start3A_1013, %dma_start3A_1014] : memref<50x8x128x8x128xf32, #tpu.memory_space<hbm>> -> memref<1x1x1x8x128xf32, #tpu.memory_space<hbm>>
      %dma_start3A_1016 = tpu.memref_squeeze %dma_start3A_1015 : memref<1x1x1x8x128xf32, #tpu.memory_space<hbm>> -> memref<8x128xf32, #tpu.memory_space<hbm>>
      %dma_start3A_1017 = arith.constant 0 : i32
      %dma_start3A_1018 = arith.constant 0 : i32
      %dma_start3A_1019 = tpu.memref_slice %arg8[%dma_start3A_1002, %dma_start3A_1003, %dma_start3A_1017, %dma_start3A_1018] : memref<8x2x8x129xf32, #tpu.memory_space<vmem>> -> memref<1x1x8x128xf32, #tpu.memory_space<vmem>>
      %dma_start3A_1020 = tpu.memref_squeeze %dma_start3A_1019 : memref<1x1x8x128xf32, #tpu.memory_space<vmem>> -> memref<8x128xf32, #tpu.memory_space<vmem>>
      tpu.enqueue_dma source(%dma_start3A_1020 : memref<8x128xf32, #tpu.memory_space<vmem>>) target(%dma_start3A_1016 : memref<8x128xf32, #tpu.memory_space<hbm>>) target_semaphore(%arg12 : memref<!tpu.dma_semaphore, #tpu.memory_space<semaphore_mem>>)
      %add3A_1021 = arith.constant 0 : i32
      %add3A_1022 = arith.addi %mul3A_2, %add3A_1021 : i32
      %add3A_1023 = arith.constant 1 : i32
      %add3A_1024 = arith.addi %add3A_1022, %add3A_1023 : i32
      %dma_start3A_1025 = arith.constant 3 : i32
      %dma_start3A_1026 = arith.constant 1 : i32
      %dma_start3A_1027 = arith.constant 3 : i32
      %dma_start3A_1028 = arith.constant 0 : i32
      %dma_start3A_1029 = arith.constant 0 : i32
      %dma_start3A_1030 = tpu.memref_slice %arg8[%dma_start3A_1025, %dma_start3A_1026, %dma_start3A_1028, %dma_start3A_1029] : memref<8x2x8x129xf32, #tpu.memory_space<vmem>> -> memref<1x1x8x128xf32, #tpu.memory_space<vmem>>
      %dma_start3A_1031 = tpu.memref_squeeze %dma_start3A_1030 : memref<1x1x8x128xf32, #tpu.memory_space<vmem>> -> memref<8x128xf32, #tpu.memory_space<vmem>>
      %dma_start3A_1032 = arith.constant 0 : i32
      %dma_start3A_1033 = arith.constant 0 : i32
      %dma_start3A_1034 = tpu.memref_slice %arg4[%scan3A_816, %dma_start3A_1027, %add3A_1024, %dma_start3A_1032, %dma_start3A_1033] : memref<50x8x128x8x128xf32, #tpu.memory_space<hbm>> -> memref<1x1x1x8x128xf32, #tpu.memory_space<hbm>>
      %dma_start3A_1035 = tpu.memref_squeeze %dma_start3A_1034 : memref<1x1x1x8x128xf32, #tpu.memory_space<hbm>> -> memref<8x128xf32, #tpu.memory_space<hbm>>
      %dma_start3A_1036 = arith.constant 0 : i32
      %dma_start3A_1037 = arith.constant 0 : i32
      %dma_start3A_1038 = tpu.memref_slice %arg4[%scan3A_816, %dma_start3A_1027, %add3A_1024, %dma_start3A_1036, %dma_start3A_1037] : memref<50x8x128x8x128xf32, #tpu.memory_space<hbm>> -> memref<1x1x1x8x128xf32, #tpu.memory_space<hbm>>
      %dma_start3A_1039 = tpu.memref_squeeze %dma_start3A_1038 : memref<1x1x1x8x128xf32, #tpu.memory_space<hbm>> -> memref<8x128xf32, #tpu.memory_space<hbm>>
      %dma_start3A_1040 = arith.constant 0 : i32
      %dma_start3A_1041 = arith.constant 0 : i32
      %dma_start3A_1042 = tpu.memref_slice %arg8[%dma_start3A_1025, %dma_start3A_1026, %dma_start3A_1040, %dma_start3A_1041] : memref<8x2x8x129xf32, #tpu.memory_space<vmem>> -> memref<1x1x8x128xf32, #tpu.memory_space<vmem>>
      %dma_start3A_1043 = tpu.memref_squeeze %dma_start3A_1042 : memref<1x1x8x128xf32, #tpu.memory_space<vmem>> -> memref<8x128xf32, #tpu.memory_space<vmem>>
      tpu.enqueue_dma source(%dma_start3A_1043 : memref<8x128xf32, #tpu.memory_space<vmem>>) target(%dma_start3A_1039 : memref<8x128xf32, #tpu.memory_space<hbm>>) target_semaphore(%arg12 : memref<!tpu.dma_semaphore, #tpu.memory_space<semaphore_mem>>)
      %add3A_1044 = arith.constant 0 : i32
      %add3A_1045 = arith.addi %mul3A_2, %add3A_1044 : i32
      %add3A_1046 = arith.constant 0 : i32
      %add3A_1047 = arith.addi %add3A_1045, %add3A_1046 : i32
      %dma_start3A_1048 = arith.constant 4 : i32
      %dma_start3A_1049 = arith.constant 0 : i32
      %dma_start3A_1050 = arith.constant 4 : i32
      %dma_start3A_1051 = arith.constant 0 : i32
      %dma_start3A_1052 = arith.constant 0 : i32
      %dma_start3A_1053 = tpu.memref_slice %arg8[%dma_start3A_1048, %dma_start3A_1049, %dma_start3A_1051, %dma_start3A_1052] : memref<8x2x8x129xf32, #tpu.memory_space<vmem>> -> memref<1x1x8x128xf32, #tpu.memory_space<vmem>>
      %dma_start3A_1054 = tpu.memref_squeeze %dma_start3A_1053 : memref<1x1x8x128xf32, #tpu.memory_space<vmem>> -> memref<8x128xf32, #tpu.memory_space<vmem>>
      %dma_start3A_1055 = arith.constant 0 : i32
      %dma_start3A_1056 = arith.constant 0 : i32
      %dma_start3A_1057 = tpu.memref_slice %arg4[%scan3A_816, %dma_start3A_1050, %add3A_1047, %dma_start3A_1055, %dma_start3A_1056] : memref<50x8x128x8x128xf32, #tpu.memory_space<hbm>> -> memref<1x1x1x8x128xf32, #tpu.memory_space<hbm>>
      %dma_start3A_1058 = tpu.memref_squeeze %dma_start3A_1057 : memref<1x1x1x8x128xf32, #tpu.memory_space<hbm>> -> memref<8x128xf32, #tpu.memory_space<hbm>>
      %dma_start3A_1059 = arith.constant 0 : i32
      %dma_start3A_1060 = arith.constant 0 : i32
      %dma_start3A_1061 = tpu.memref_slice %arg4[%scan3A_816, %dma_start3A_1050, %add3A_1047, %dma_start3A_1059, %dma_start3A_1060] : memref<50x8x128x8x128xf32, #tpu.memory_space<hbm>> -> memref<1x1x1x8x128xf32, #tpu.memory_space<hbm>>
      %dma_start3A_1062 = tpu.memref_squeeze %dma_start3A_1061 : memref<1x1x1x8x128xf32, #tpu.memory_space<hbm>> -> memref<8x128xf32, #tpu.memory_space<hbm>>
      %dma_start3A_1063 = arith.constant 0 : i32
      %dma_start3A_1064 = arith.constant 0 : i32
      %dma_start3A_1065 = tpu.memref_slice %arg8[%dma_start3A_1048, %dma_start3A_1049, %dma_start3A_1063, %dma_start3A_1064] : memref<8x2x8x129xf32, #tpu.memory_space<vmem>> -> memref<1x1x8x128xf32, #tpu.memory_space<vmem>>
      %dma_start3A_1066 = tpu.memref_squeeze %dma_start3A_1065 : memref<1x1x8x128xf32, #tpu.memory_space<vmem>> -> memref<8x128xf32, #tpu.memory_space<vmem>>
      tpu.enqueue_dma source(%dma_start3A_1066 : memref<8x128xf32, #tpu.memory_space<vmem>>) target(%dma_start3A_1062 : memref<8x128xf32, #tpu.memory_space<hbm>>) target_semaphore(%arg12 : memref<!tpu.dma_semaphore, #tpu.memory_space<semaphore_mem>>)
      %add3A_1067 = arith.constant 0 : i32
      %add3A_1068 = arith.addi %mul3A_2, %add3A_1067 : i32
      %add3A_1069 = arith.constant 1 : i32
      %add3A_1070 = arith.addi %add3A_1068, %add3A_1069 : i32
      %dma_start3A_1071 = arith.constant 4 : i32
      %dma_start3A_1072 = arith.constant 1 : i32
      %dma_start3A_1073 = arith.constant 4 : i32
      %dma_start3A_1074 = arith.constant 0 : i32
      %dma_start3A_1075 = arith.constant 0 : i32
      %dma_start3A_1076 = tpu.memref_slice %arg8[%dma_start3A_1071, %dma_start3A_1072, %dma_start3A_1074, %dma_start3A_1075] : memref<8x2x8x129xf32, #tpu.memory_space<vmem>> -> memref<1x1x8x128xf32, #tpu.memory_space<vmem>>
      %dma_start3A_1077 = tpu.memref_squeeze %dma_start3A_1076 : memref<1x1x8x128xf32, #tpu.memory_space<vmem>> -> memref<8x128xf32, #tpu.memory_space<vmem>>
      %dma_start3A_1078 = arith.constant 0 : i32
      %dma_start3A_1079 = arith.constant 0 : i32
      %dma_start3A_1080 = tpu.memref_slice %arg4[%scan3A_816, %dma_start3A_1073, %add3A_1070, %dma_start3A_1078, %dma_start3A_1079] : memref<50x8x128x8x128xf32, #tpu.memory_space<hbm>> -> memref<1x1x1x8x128xf32, #tpu.memory_space<hbm>>
      %dma_start3A_1081 = tpu.memref_squeeze %dma_start3A_1080 : memref<1x1x1x8x128xf32, #tpu.memory_space<hbm>> -> memref<8x128xf32, #tpu.memory_space<hbm>>
      %dma_start3A_1082 = arith.constant 0 : i32
      %dma_start3A_1083 = arith.constant 0 : i32
      %dma_start3A_1084 = tpu.memref_slice %arg4[%scan3A_816, %dma_start3A_1073, %add3A_1070, %dma_start3A_1082, %dma_start3A_1083] : memref<50x8x128x8x128xf32, #tpu.memory_space<hbm>> -> memref<1x1x1x8x128xf32, #tpu.memory_space<hbm>>
      %dma_start3A_1085 = tpu.memref_squeeze %dma_start3A_1084 : memref<1x1x1x8x128xf32, #tpu.memory_space<hbm>> -> memref<8x128xf32, #tpu.memory_space<hbm>>
      %dma_start3A_1086 = arith.constant 0 : i32
      %dma_start3A_1087 = arith.constant 0 : i32
      %dma_start3A_1088 = tpu.memref_slice %arg8[%dma_start3A_1071, %dma_start3A_1072, %dma_start3A_1086, %dma_start3A_1087] : memref<8x2x8x129xf32, #tpu.memory_space<vmem>> -> memref<1x1x8x128xf32, #tpu.memory_space<vmem>>
      %dma_start3A_1089 = tpu.memref_squeeze %dma_start3A_1088 : memref<1x1x8x128xf32, #tpu.memory_space<vmem>> -> memref<8x128xf32, #tpu.memory_space<vmem>>
      tpu.enqueue_dma source(%dma_start3A_1089 : memref<8x128xf32, #tpu.memory_space<vmem>>) target(%dma_start3A_1085 : memref<8x128xf32, #tpu.memory_space<hbm>>) target_semaphore(%arg12 : memref<!tpu.dma_semaphore, #tpu.memory_space<semaphore_mem>>)
      %add3A_1090 = arith.constant 0 : i32
      %add3A_1091 = arith.addi %mul3A_2, %add3A_1090 : i32
      %add3A_1092 = arith.constant 0 : i32
      %add3A_1093 = arith.addi %add3A_1091, %add3A_1092 : i32
      %dma_start3A_1094 = arith.constant 5 : i32
      %dma_start3A_1095 = arith.constant 0 : i32
      %dma_start3A_1096 = arith.constant 5 : i32
      %dma_start3A_1097 = arith.constant 0 : i32
      %dma_start3A_1098 = arith.constant 0 : i32
      %dma_start3A_1099 = tpu.memref_slice %arg8[%dma_start3A_1094, %dma_start3A_1095, %dma_start3A_1097, %dma_start3A_1098] : memref<8x2x8x129xf32, #tpu.memory_space<vmem>> -> memref<1x1x8x128xf32, #tpu.memory_space<vmem>>
      %dma_start3A_1100 = tpu.memref_squeeze %dma_start3A_1099 : memref<1x1x8x128xf32, #tpu.memory_space<vmem>> -> memref<8x128xf32, #tpu.memory_space<vmem>>
      %dma_start3A_1101 = arith.constant 0 : i32
      %dma_start3A_1102 = arith.constant 0 : i32
      %dma_start3A_1103 = tpu.memref_slice %arg4[%scan3A_816, %dma_start3A_1096, %add3A_1093, %dma_start3A_1101, %dma_start3A_1102] : memref<50x8x128x8x128xf32, #tpu.memory_space<hbm>> -> memref<1x1x1x8x128xf32, #tpu.memory_space<hbm>>
      %dma_start3A_1104 = tpu.memref_squeeze %dma_start3A_1103 : memref<1x1x1x8x128xf32, #tpu.memory_space<hbm>> -> memref<8x128xf32, #tpu.memory_space<hbm>>
      %dma_start3A_1105 = arith.constant 0 : i32
      %dma_start3A_1106 = arith.constant 0 : i32
      %dma_start3A_1107 = tpu.memref_slice %arg4[%scan3A_816, %dma_start3A_1096, %add3A_1093, %dma_start3A_1105, %dma_start3A_1106] : memref<50x8x128x8x128xf32, #tpu.memory_space<hbm>> -> memref<1x1x1x8x128xf32, #tpu.memory_space<hbm>>
      %dma_start3A_1108 = tpu.memref_squeeze %dma_start3A_1107 : memref<1x1x1x8x128xf32, #tpu.memory_space<hbm>> -> memref<8x128xf32, #tpu.memory_space<hbm>>
      %dma_start3A_1109 = arith.constant 0 : i32
      %dma_start3A_1110 = arith.constant 0 : i32
      %dma_start3A_1111 = tpu.memref_slice %arg8[%dma_start3A_1094, %dma_start3A_1095, %dma_start3A_1109, %dma_start3A_1110] : memref<8x2x8x129xf32, #tpu.memory_space<vmem>> -> memref<1x1x8x128xf32, #tpu.memory_space<vmem>>
      %dma_start3A_1112 = tpu.memref_squeeze %dma_start3A_1111 : memref<1x1x8x128xf32, #tpu.memory_space<vmem>> -> memref<8x128xf32, #tpu.memory_space<vmem>>
      tpu.enqueue_dma source(%dma_start3A_1112 : memref<8x128xf32, #tpu.memory_space<vmem>>) target(%dma_start3A_1108 : memref<8x128xf32, #tpu.memory_space<hbm>>) target_semaphore(%arg12 : memref<!tpu.dma_semaphore, #tpu.memory_space<semaphore_mem>>)
      %add3A_1113 = arith.constant 0 : i32
      %add3A_1114 = arith.addi %mul3A_2, %add3A_1113 : i32
      %add3A_1115 = arith.constant 1 : i32
      %add3A_1116 = arith.addi %add3A_1114, %add3A_1115 : i32
      %dma_start3A_1117 = arith.constant 5 : i32
      %dma_start3A_1118 = arith.constant 1 : i32
      %dma_start3A_1119 = arith.constant 5 : i32
      %dma_start3A_1120 = arith.constant 0 : i32
      %dma_start3A_1121 = arith.constant 0 : i32
      %dma_start3A_1122 = tpu.memref_slice %arg8[%dma_start3A_1117, %dma_start3A_1118, %dma_start3A_1120, %dma_start3A_1121] : memref<8x2x8x129xf32, #tpu.memory_space<vmem>> -> memref<1x1x8x128xf32, #tpu.memory_space<vmem>>
      %dma_start3A_1123 = tpu.memref_squeeze %dma_start3A_1122 : memref<1x1x8x128xf32, #tpu.memory_space<vmem>> -> memref<8x128xf32, #tpu.memory_space<vmem>>
      %dma_start3A_1124 = arith.constant 0 : i32
      %dma_start3A_1125 = arith.constant 0 : i32
      %dma_start3A_1126 = tpu.memref_slice %arg4[%scan3A_816, %dma_start3A_1119, %add3A_1116, %dma_start3A_1124, %dma_start3A_1125] : memref<50x8x128x8x128xf32, #tpu.memory_space<hbm>> -> memref<1x1x1x8x128xf32, #tpu.memory_space<hbm>>
      %dma_start3A_1127 = tpu.memref_squeeze %dma_start3A_1126 : memref<1x1x1x8x128xf32, #tpu.memory_space<hbm>> -> memref<8x128xf32, #tpu.memory_space<hbm>>
      %dma_start3A_1128 = arith.constant 0 : i32
      %dma_start3A_1129 = arith.constant 0 : i32
      %dma_start3A_1130 = tpu.memref_slice %arg4[%scan3A_816, %dma_start3A_1119, %add3A_1116, %dma_start3A_1128, %dma_start3A_1129] : memref<50x8x128x8x128xf32, #tpu.memory_space<hbm>> -> memref<1x1x1x8x128xf32, #tpu.memory_space<hbm>>
      %dma_start3A_1131 = tpu.memref_squeeze %dma_start3A_1130 : memref<1x1x1x8x128xf32, #tpu.memory_space<hbm>> -> memref<8x128xf32, #tpu.memory_space<hbm>>
      %dma_start3A_1132 = arith.constant 0 : i32
      %dma_start3A_1133 = arith.constant 0 : i32
      %dma_start3A_1134 = tpu.memref_slice %arg8[%dma_start3A_1117, %dma_start3A_1118, %dma_start3A_1132, %dma_start3A_1133] : memref<8x2x8x129xf32, #tpu.memory_space<vmem>> -> memref<1x1x8x128xf32, #tpu.memory_space<vmem>>
      %dma_start3A_1135 = tpu.memref_squeeze %dma_start3A_1134 : memref<1x1x8x128xf32, #tpu.memory_space<vmem>> -> memref<8x128xf32, #tpu.memory_space<vmem>>
      tpu.enqueue_dma source(%dma_start3A_1135 : memref<8x128xf32, #tpu.memory_space<vmem>>) target(%dma_start3A_1131 : memref<8x128xf32, #tpu.memory_space<hbm>>) target_semaphore(%arg12 : memref<!tpu.dma_semaphore, #tpu.memory_space<semaphore_mem>>)
      %add3A_1136 = arith.constant 0 : i32
      %add3A_1137 = arith.addi %mul3A_2, %add3A_1136 : i32
      %add3A_1138 = arith.constant 0 : i32
      %add3A_1139 = arith.addi %add3A_1137, %add3A_1138 : i32
      %dma_start3A_1140 = arith.constant 6 : i32
      %dma_start3A_1141 = arith.constant 0 : i32
      %dma_start3A_1142 = arith.constant 6 : i32
      %dma_start3A_1143 = arith.constant 0 : i32
      %dma_start3A_1144 = arith.constant 0 : i32
      %dma_start3A_1145 = tpu.memref_slice %arg8[%dma_start3A_1140, %dma_start3A_1141, %dma_start3A_1143, %dma_start3A_1144] : memref<8x2x8x129xf32, #tpu.memory_space<vmem>> -> memref<1x1x8x128xf32, #tpu.memory_space<vmem>>
      %dma_start3A_1146 = tpu.memref_squeeze %dma_start3A_1145 : memref<1x1x8x128xf32, #tpu.memory_space<vmem>> -> memref<8x128xf32, #tpu.memory_space<vmem>>
      %dma_start3A_1147 = arith.constant 0 : i32
      %dma_start3A_1148 = arith.constant 0 : i32
      %dma_start3A_1149 = tpu.memref_slice %arg4[%scan3A_816, %dma_start3A_1142, %add3A_1139, %dma_start3A_1147, %dma_start3A_1148] : memref<50x8x128x8x128xf32, #tpu.memory_space<hbm>> -> memref<1x1x1x8x128xf32, #tpu.memory_space<hbm>>
      %dma_start3A_1150 = tpu.memref_squeeze %dma_start3A_1149 : memref<1x1x1x8x128xf32, #tpu.memory_space<hbm>> -> memref<8x128xf32, #tpu.memory_space<hbm>>
      %dma_start3A_1151 = arith.constant 0 : i32
      %dma_start3A_1152 = arith.constant 0 : i32
      %dma_start3A_1153 = tpu.memref_slice %arg4[%scan3A_816, %dma_start3A_1142, %add3A_1139, %dma_start3A_1151, %dma_start3A_1152] : memref<50x8x128x8x128xf32, #tpu.memory_space<hbm>> -> memref<1x1x1x8x128xf32, #tpu.memory_space<hbm>>
      %dma_start3A_1154 = tpu.memref_squeeze %dma_start3A_1153 : memref<1x1x1x8x128xf32, #tpu.memory_space<hbm>> -> memref<8x128xf32, #tpu.memory_space<hbm>>
      %dma_start3A_1155 = arith.constant 0 : i32
      %dma_start3A_1156 = arith.constant 0 : i32
      %dma_start3A_1157 = tpu.memref_slice %arg8[%dma_start3A_1140, %dma_start3A_1141, %dma_start3A_1155, %dma_start3A_1156] : memref<8x2x8x129xf32, #tpu.memory_space<vmem>> -> memref<1x1x8x128xf32, #tpu.memory_space<vmem>>
      %dma_start3A_1158 = tpu.memref_squeeze %dma_start3A_1157 : memref<1x1x8x128xf32, #tpu.memory_space<vmem>> -> memref<8x128xf32, #tpu.memory_space<vmem>>
      tpu.enqueue_dma source(%dma_start3A_1158 : memref<8x128xf32, #tpu.memory_space<vmem>>) target(%dma_start3A_1154 : memref<8x128xf32, #tpu.memory_space<hbm>>) target_semaphore(%arg12 : memref<!tpu.dma_semaphore, #tpu.memory_space<semaphore_mem>>)
      %add3A_1159 = arith.constant 0 : i32
      %add3A_1160 = arith.addi %mul3A_2, %add3A_1159 : i32
      %add3A_1161 = arith.constant 1 : i32
      %add3A_1162 = arith.addi %add3A_1160, %add3A_1161 : i32
      %dma_start3A_1163 = arith.constant 6 : i32
      %dma_start3A_1164 = arith.constant 1 : i32
      %dma_start3A_1165 = arith.constant 6 : i32
      %dma_start3A_1166 = arith.constant 0 : i32
      %dma_start3A_1167 = arith.constant 0 : i32
      %dma_start3A_1168 = tpu.memref_slice %arg8[%dma_start3A_1163, %dma_start3A_1164, %dma_start3A_1166, %dma_start3A_1167] : memref<8x2x8x129xf32, #tpu.memory_space<vmem>> -> memref<1x1x8x128xf32, #tpu.memory_space<vmem>>
      %dma_start3A_1169 = tpu.memref_squeeze %dma_start3A_1168 : memref<1x1x8x128xf32, #tpu.memory_space<vmem>> -> memref<8x128xf32, #tpu.memory_space<vmem>>
      %dma_start3A_1170 = arith.constant 0 : i32
      %dma_start3A_1171 = arith.constant 0 : i32
      %dma_start3A_1172 = tpu.memref_slice %arg4[%scan3A_816, %dma_start3A_1165, %add3A_1162, %dma_start3A_1170, %dma_start3A_1171] : memref<50x8x128x8x128xf32, #tpu.memory_space<hbm>> -> memref<1x1x1x8x128xf32, #tpu.memory_space<hbm>>
      %dma_start3A_1173 = tpu.memref_squeeze %dma_start3A_1172 : memref<1x1x1x8x128xf32, #tpu.memory_space<hbm>> -> memref<8x128xf32, #tpu.memory_space<hbm>>
      %dma_start3A_1174 = arith.constant 0 : i32
      %dma_start3A_1175 = arith.constant 0 : i32
      %dma_start3A_1176 = tpu.memref_slice %arg4[%scan3A_816, %dma_start3A_1165, %add3A_1162, %dma_start3A_1174, %dma_start3A_1175] : memref<50x8x128x8x128xf32, #tpu.memory_space<hbm>> -> memref<1x1x1x8x128xf32, #tpu.memory_space<hbm>>
      %dma_start3A_1177 = tpu.memref_squeeze %dma_start3A_1176 : memref<1x1x1x8x128xf32, #tpu.memory_space<hbm>> -> memref<8x128xf32, #tpu.memory_space<hbm>>
      %dma_start3A_1178 = arith.constant 0 : i32
      %dma_start3A_1179 = arith.constant 0 : i32
      %dma_start3A_1180 = tpu.memref_slice %arg8[%dma_start3A_1163, %dma_start3A_1164, %dma_start3A_1178, %dma_start3A_1179] : memref<8x2x8x129xf32, #tpu.memory_space<vmem>> -> memref<1x1x8x128xf32, #tpu.memory_space<vmem>>
      %dma_start3A_1181 = tpu.memref_squeeze %dma_start3A_1180 : memref<1x1x8x128xf32, #tpu.memory_space<vmem>> -> memref<8x128xf32, #tpu.memory_space<vmem>>
      tpu.enqueue_dma source(%dma_start3A_1181 : memref<8x128xf32, #tpu.memory_space<vmem>>) target(%dma_start3A_1177 : memref<8x128xf32, #tpu.memory_space<hbm>>) target_semaphore(%arg12 : memref<!tpu.dma_semaphore, #tpu.memory_space<semaphore_mem>>)
      %add3A_1182 = arith.constant 0 : i32
      %add3A_1183 = arith.addi %mul3A_2, %add3A_1182 : i32
      %add3A_1184 = arith.constant 0 : i32
      %add3A_1185 = arith.addi %add3A_1183, %add3A_1184 : i32
      %dma_start3A_1186 = arith.constant 7 : i32
      %dma_start3A_1187 = arith.constant 0 : i32
      %dma_start3A_1188 = arith.constant 7 : i32
      %dma_start3A_1189 = arith.constant 0 : i32
      %dma_start3A_1190 = arith.constant 0 : i32
      %dma_start3A_1191 = tpu.memref_slice %arg8[%dma_start3A_1186, %dma_start3A_1187, %dma_start3A_1189, %dma_start3A_1190] : memref<8x2x8x129xf32, #tpu.memory_space<vmem>> -> memref<1x1x8x128xf32, #tpu.memory_space<vmem>>
      %dma_start3A_1192 = tpu.memref_squeeze %dma_start3A_1191 : memref<1x1x8x128xf32, #tpu.memory_space<vmem>> -> memref<8x128xf32, #tpu.memory_space<vmem>>
      %dma_start3A_1193 = arith.constant 0 : i32
      %dma_start3A_1194 = arith.constant 0 : i32
      %dma_start3A_1195 = tpu.memref_slice %arg4[%scan3A_816, %dma_start3A_1188, %add3A_1185, %dma_start3A_1193, %dma_start3A_1194] : memref<50x8x128x8x128xf32, #tpu.memory_space<hbm>> -> memref<1x1x1x8x128xf32, #tpu.memory_space<hbm>>
      %dma_start3A_1196 = tpu.memref_squeeze %dma_start3A_1195 : memref<1x1x1x8x128xf32, #tpu.memory_space<hbm>> -> memref<8x128xf32, #tpu.memory_space<hbm>>
      %dma_start3A_1197 = arith.constant 0 : i32
      %dma_start3A_1198 = arith.constant 0 : i32
      %dma_start3A_1199 = tpu.memref_slice %arg4[%scan3A_816, %dma_start3A_1188, %add3A_1185, %dma_start3A_1197, %dma_start3A_1198] : memref<50x8x128x8x128xf32, #tpu.memory_space<hbm>> -> memref<1x1x1x8x128xf32, #tpu.memory_space<hbm>>
      %dma_start3A_1200 = tpu.memref_squeeze %dma_start3A_1199 : memref<1x1x1x8x128xf32, #tpu.memory_space<hbm>> -> memref<8x128xf32, #tpu.memory_space<hbm>>
      %dma_start3A_1201 = arith.constant 0 : i32
      %dma_start3A_1202 = arith.constant 0 : i32
      %dma_start3A_1203 = tpu.memref_slice %arg8[%dma_start3A_1186, %dma_start3A_1187, %dma_start3A_1201, %dma_start3A_1202] : memref<8x2x8x129xf32, #tpu.memory_space<vmem>> -> memref<1x1x8x128xf32, #tpu.memory_space<vmem>>
      %dma_start3A_1204 = tpu.memref_squeeze %dma_start3A_1203 : memref<1x1x8x128xf32, #tpu.memory_space<vmem>> -> memref<8x128xf32, #tpu.memory_space<vmem>>
      tpu.enqueue_dma source(%dma_start3A_1204 : memref<8x128xf32, #tpu.memory_space<vmem>>) target(%dma_start3A_1200 : memref<8x128xf32, #tpu.memory_space<hbm>>) target_semaphore(%arg12 : memref<!tpu.dma_semaphore, #tpu.memory_space<semaphore_mem>>)
      %add3A_1205 = arith.constant 0 : i32
      %add3A_1206 = arith.addi %mul3A_2, %add3A_1205 : i32
      %add3A_1207 = arith.constant 1 : i32
      %add3A_1208 = arith.addi %add3A_1206, %add3A_1207 : i32
      %dma_start3A_1209 = arith.constant 7 : i32
      %dma_start3A_1210 = arith.constant 1 : i32
      %dma_start3A_1211 = arith.constant 7 : i32
      %dma_start3A_1212 = arith.constant 0 : i32
      %dma_start3A_1213 = arith.constant 0 : i32
      %dma_start3A_1214 = tpu.memref_slice %arg8[%dma_start3A_1209, %dma_start3A_1210, %dma_start3A_1212, %dma_start3A_1213] : memref<8x2x8x129xf32, #tpu.memory_space<vmem>> -> memref<1x1x8x128xf32, #tpu.memory_space<vmem>>
      %dma_start3A_1215 = tpu.memref_squeeze %dma_start3A_1214 : memref<1x1x8x128xf32, #tpu.memory_space<vmem>> -> memref<8x128xf32, #tpu.memory_space<vmem>>
      %dma_start3A_1216 = arith.constant 0 : i32
      %dma_start3A_1217 = arith.constant 0 : i32
      %dma_start3A_1218 = tpu.memref_slice %arg4[%scan3A_816, %dma_start3A_1211, %add3A_1208, %dma_start3A_1216, %dma_start3A_1217] : memref<50x8x128x8x128xf32, #tpu.memory_space<hbm>> -> memref<1x1x1x8x128xf32, #tpu.memory_space<hbm>>
      %dma_start3A_1219 = tpu.memref_squeeze %dma_start3A_1218 : memref<1x1x1x8x128xf32, #tpu.memory_space<hbm>> -> memref<8x128xf32, #tpu.memory_space<hbm>>
      %dma_start3A_1220 = arith.constant 0 : i32
      %dma_start3A_1221 = arith.constant 0 : i32
      %dma_start3A_1222 = tpu.memref_slice %arg4[%scan3A_816, %dma_start3A_1211, %add3A_1208, %dma_start3A_1220, %dma_start3A_1221] : memref<50x8x128x8x128xf32, #tpu.memory_space<hbm>> -> memref<1x1x1x8x128xf32, #tpu.memory_space<hbm>>
      %dma_start3A_1223 = tpu.memref_squeeze %dma_start3A_1222 : memref<1x1x1x8x128xf32, #tpu.memory_space<hbm>> -> memref<8x128xf32, #tpu.memory_space<hbm>>
      %dma_start3A_1224 = arith.constant 0 : i32
      %dma_start3A_1225 = arith.constant 0 : i32
      %dma_start3A_1226 = tpu.memref_slice %arg8[%dma_start3A_1209, %dma_start3A_1210, %dma_start3A_1224, %dma_start3A_1225] : memref<8x2x8x129xf32, #tpu.memory_space<vmem>> -> memref<1x1x8x128xf32, #tpu.memory_space<vmem>>
      %dma_start3A_1227 = tpu.memref_squeeze %dma_start3A_1226 : memref<1x1x8x128xf32, #tpu.memory_space<vmem>> -> memref<8x128xf32, #tpu.memory_space<vmem>>
      tpu.enqueue_dma source(%dma_start3A_1227 : memref<8x128xf32, #tpu.memory_space<vmem>>) target(%dma_start3A_1223 : memref<8x128xf32, #tpu.memory_space<hbm>>) target_semaphore(%arg12 : memref<!tpu.dma_semaphore, #tpu.memory_space<semaphore_mem>>)
      %mul3A_1228 = arith.constant 2 : i32
      %mul3A_1229 = arith.muli %mul3A_1228, %scan3A_816 : i32
      %add3A_1230 = arith.constant 1 : i32
      %add3A_1231 = arith.addi %mul3A_1229, %add3A_1230 : i32
      %dma_wait3A_1232 = arith.constant 0 : i32
      %dma_wait3A_1233 = arith.constant 2 : i32
      %dma_wait3A_1234 = arith.constant 0 : i32
      %dma_wait3A_1235 = arith.constant 0 : i32
      %dma_wait3A_1236 = tpu.memref_slice %arg7[%dma_wait3A_1234, %dma_wait3A_1235] : memref<256x64xf32, #tpu.memory_space<vmem>> -> memref<128x64xf32, #tpu.memory_space<vmem>>
      %dma_wait3A_1237 = arith.constant 0 : i32
      %dma_wait3A_1238 = tpu.memref_slice %arg5[%dma_wait3A_1232, %dma_wait3A_1233, %dma_wait3A_1237] : memref<50x4x128xi32, #tpu.memory_space<vmem>> -> memref<1x1x128xi32, #tpu.memory_space<vmem>>
      %dma_wait3A_1239 = tpu.memref_squeeze %dma_wait3A_1238 : memref<1x1x128xi32, #tpu.memory_space<vmem>> -> memref<128xi32, #tpu.memory_space<vmem>>
      %dma_wait3A_1240 = arith.constant 0 : i32
      %dma_wait3A_1241 = arith.constant 0 : i32
      %dma_wait3A_1242 = tpu.memref_slice %arg3[%dma_wait3A_1240, %dma_wait3A_1241] : memref<1000001x64xf32, #tpu.memory_space<hbm>> -> memref<1000001x64xf32, #tpu.memory_space<hbm>>
      tpu.wait_indirect_dma semaphore(%arg11 : memref<!tpu.dma_semaphore, #tpu.memory_space<semaphore_mem>>) src(%dma_wait3A_1242 : memref<1000001x64xf32, #tpu.memory_space<hbm>>) dst(%dma_wait3A_1236 : memref<128x64xf32, #tpu.memory_space<vmem>>)
      %dma_wait3A_1243 = arith.constant 0 : i32
      %dma_wait3A_1244 = arith.constant 3 : i32
      %dma_wait3A_1245 = arith.constant 128 : i32
      %dma_wait3A_1246 = arith.constant 0 : i32
      %dma_wait3A_1247 = tpu.memref_slice %arg7[%dma_wait3A_1245, %dma_wait3A_1246] : memref<256x64xf32, #tpu.memory_space<vmem>> -> memref<128x64xf32, #tpu.memory_space<vmem>>
      %dma_wait3A_1248 = arith.constant 0 : i32
      %dma_wait3A_1249 = tpu.memref_slice %arg5[%dma_wait3A_1243, %dma_wait3A_1244, %dma_wait3A_1248] : memref<50x4x128xi32, #tpu.memory_space<vmem>> -> memref<1x1x128xi32, #tpu.memory_space<vmem>>
      %dma_wait3A_1250 = tpu.memref_squeeze %dma_wait3A_1249 : memref<1x1x128xi32, #tpu.memory_space<vmem>> -> memref<128xi32, #tpu.memory_space<vmem>>
      %dma_wait3A_1251 = arith.constant 0 : i32
      %dma_wait3A_1252 = arith.constant 0 : i32
      %dma_wait3A_1253 = tpu.memref_slice %arg3[%dma_wait3A_1251, %dma_wait3A_1252] : memref<1000001x64xf32, #tpu.memory_space<hbm>> -> memref<1000001x64xf32, #tpu.memory_space<hbm>>
      tpu.wait_indirect_dma semaphore(%arg11 : memref<!tpu.dma_semaphore, #tpu.memory_space<semaphore_mem>>) src(%dma_wait3A_1253 : memref<1000001x64xf32, #tpu.memory_space<hbm>>) dst(%dma_wait3A_1247 : memref<128x64xf32, #tpu.memory_space<vmem>>)
      %add3A_1254 = arith.constant 1 : i32
      %add3A_1255 = arith.addi %add3A_1231, %add3A_1254 : i32
      %lt3A_1256 = arith.constant 100 : i32
      %lt3A_1257 = arith.cmpi slt, %add3A_1255, %lt3A_1256 : i32
      %convert_element_type3A_1258 = arith.extui %lt3A_1257 : i1 to i32
      %cond3A_1259 = arith.constant 0 : i32
      %cond3A_1260 = arith.cmpi ne, %convert_element_type3A_1258, %cond3A_1259 : i32
      scf.if %cond3A_1260 {
        %add3A_1644 = arith.constant 1 : i32
        %add3A_1645 = arith.addi %add3A_1231, %add3A_1644 : i32
        %jit3A_1646 = arith.constant 2 : i32
        %div3A_1647 = arith.divsi %add3A_1645, %jit3A_1646 : i32
        %sign3A_1648 = arith.constant 0 : i32
        %sign3A_1649 = arith.cmpi sgt, %add3A_1645, %sign3A_1648 : i32
        %sign3A_1650 = arith.extui %sign3A_1649 : i1 to i32
        %sign3A_1651 = arith.constant 0 : i32
        %sign3A_1652 = arith.cmpi slt, %add3A_1645, %sign3A_1651 : i32
        %sign3A_1653 = arith.extui %sign3A_1652 : i1 to i32
        %sign3A_1654 = arith.subi %sign3A_1650, %sign3A_1653 : i32
        %sign3A_1655 = arith.constant 0 : i32
        %sign3A_1656 = arith.cmpi sgt, %jit3A_1646, %sign3A_1655 : i32
        %sign3A_1657 = arith.extui %sign3A_1656 : i1 to i32
        %sign3A_1658 = arith.constant 0 : i32
        %sign3A_1659 = arith.cmpi slt, %jit3A_1646, %sign3A_1658 : i32
        %sign3A_1660 = arith.extui %sign3A_1659 : i1 to i32
        %sign3A_1661 = arith.subi %sign3A_1657, %sign3A_1660 : i32
        %ne3A_1662 = arith.cmpi ne, %sign3A_1654, %sign3A_1661 : i32
        %rem3A_1663 = arith.remsi %add3A_1645, %jit3A_1646 : i32
        %ne3A_1664 = arith.constant 0 : i32
        %ne3A_1665 = arith.cmpi ne, %rem3A_1663, %ne3A_1664 : i32
        %and3A_1666 = arith.andi %ne3A_1662, %ne3A_1665 : i1
        %sub3A_1667 = arith.constant 1 : i32
        %sub3A_1668 = arith.subi %div3A_1647, %sub3A_1667 : i32
        %select_n3A_1669 = arith.select %and3A_1666, %sub3A_1668, %div3A_1647 : i32
        %dma_start3A_1670 = arith.constant 0 : i32
        %dma_start3A_1671 = arith.constant 0 : i32
        %dma_start3A_1672 = arith.constant 0 : i32
        %dma_start3A_1673 = tpu.memref_slice %arg6[%dma_start3A_1671, %dma_start3A_1672] : memref<256x64xf32, #tpu.memory_space<vmem>> -> memref<128x64xf32, #tpu.memory_space<vmem>>
        %dma_start3A_1674 = arith.constant 0 : i32
        %dma_start3A_1675 = tpu.memref_slice %arg5[%select_n3A_1669, %dma_start3A_1670, %dma_start3A_1674] : memref<50x4x128xi32, #tpu.memory_space<vmem>> -> memref<1x1x128xi32, #tpu.memory_space<vmem>>
        %dma_start3A_1676 = tpu.memref_squeeze %dma_start3A_1675 : memref<1x1x128xi32, #tpu.memory_space<vmem>> -> memref<128xi32, #tpu.memory_space<vmem>>
        %dma_start3A_1677 = arith.constant 0 : i32
        %dma_start3A_1678 = arith.constant 0 : i32
        %dma_start3A_1679 = tpu.memref_slice %arg3[%dma_start3A_1677, %dma_start3A_1678] : memref<1000001x64xf32, #tpu.memory_space<hbm>> -> memref<1000001x64xf32, #tpu.memory_space<hbm>>
        tpu.enqueue_indirect_dma source(%dma_start3A_1679 : memref<1000001x64xf32, #tpu.memory_space<hbm>>) target(%dma_start3A_1673 : memref<128x64xf32, #tpu.memory_space<vmem>>) offsets(%dma_start3A_1676 : memref<128xi32, #tpu.memory_space<vmem>>) semaphore(%arg10 : memref<!tpu.dma_semaphore, #tpu.memory_space<semaphore_mem>>)
        %dma_start3A_1680 = arith.constant 1 : i32
        %dma_start3A_1681 = arith.constant 128 : i32
        %dma_start3A_1682 = arith.constant 0 : i32
        %dma_start3A_1683 = tpu.memref_slice %arg6[%dma_start3A_1681, %dma_start3A_1682] : memref<256x64xf32, #tpu.memory_space<vmem>> -> memref<128x64xf32, #tpu.memory_space<vmem>>
        %dma_start3A_1684 = arith.constant 0 : i32
        %dma_start3A_1685 = tpu.memref_slice %arg5[%select_n3A_1669, %dma_start3A_1680, %dma_start3A_1684] : memref<50x4x128xi32, #tpu.memory_space<vmem>> -> memref<1x1x128xi32, #tpu.memory_space<vmem>>
        %dma_start3A_1686 = tpu.memref_squeeze %dma_start3A_1685 : memref<1x1x128xi32, #tpu.memory_space<vmem>> -> memref<128xi32, #tpu.memory_space<vmem>>
        %dma_start3A_1687 = arith.constant 0 : i32
        %dma_start3A_1688 = arith.constant 0 : i32
        %dma_start3A_1689 = tpu.memref_slice %arg3[%dma_start3A_1687, %dma_start3A_1688] : memref<1000001x64xf32, #tpu.memory_space<hbm>> -> memref<1000001x64xf32, #tpu.memory_space<hbm>>
        tpu.enqueue_indirect_dma source(%dma_start3A_1689 : memref<1000001x64xf32, #tpu.memory_space<hbm>>) target(%dma_start3A_1683 : memref<128x64xf32, #tpu.memory_space<vmem>>) offsets(%dma_start3A_1686 : memref<128xi32, #tpu.memory_space<vmem>>) semaphore(%arg10 : memref<!tpu.dma_semaphore, #tpu.memory_space<semaphore_mem>>)
      } else {
      }
      %ge3A_1261 = arith.constant 2 : i32
      %ge3A_1262 = arith.cmpi sge, %add3A_1231, %ge3A_1261 : i32
      %convert_element_type3A_1263 = arith.extui %ge3A_1262 : i1 to i32
      %cond3A_1264 = arith.constant 0 : i32
      %cond3A_1265 = arith.cmpi ne, %convert_element_type3A_1263, %cond3A_1264 : i32
      scf.if %cond3A_1265 {
        %dma_wait3A_1644 = arith.constant 0 : i32
        %dma_wait3A_1645 = arith.constant 0 : i32
        %dma_wait3A_1646 = arith.constant 0 : i32
        %dma_wait3A_1647 = arith.constant 0 : i32
        %dma_wait3A_1648 = arith.constant 0 : i32
        %dma_wait3A_1649 = arith.constant 0 : i32
        %dma_wait3A_1650 = tpu.memref_slice %arg9[%dma_wait3A_1644, %dma_wait3A_1645, %dma_wait3A_1648, %dma_wait3A_1649] : memref<8x2x8x129xf32, #tpu.memory_space<vmem>> -> memref<1x1x8x128xf32, #tpu.memory_space<vmem>>
        %dma_wait3A_1651 = tpu.memref_squeeze %dma_wait3A_1650 : memref<1x1x8x128xf32, #tpu.memory_space<vmem>> -> memref<8x128xf32, #tpu.memory_space<vmem>>
        %dma_wait3A_1652 = arith.constant 0 : i32
        %dma_wait3A_1653 = arith.constant 0 : i32
        %dma_wait3A_1654 = tpu.memref_slice %arg4[%dma_wait3A_1646, %dma_wait3A_1647, %mul3A_2, %dma_wait3A_1652, %dma_wait3A_1653] : memref<50x8x128x8x128xf32, #tpu.memory_space<hbm>> -> memref<1x1x1x8x128xf32, #tpu.memory_space<hbm>>
        %dma_wait3A_1655 = tpu.memref_squeeze %dma_wait3A_1654 : memref<1x1x1x8x128xf32, #tpu.memory_space<hbm>> -> memref<8x128xf32, #tpu.memory_space<hbm>>
        %dma_wait3A_1656 = arith.constant 0 : i32
        %dma_wait3A_1657 = arith.constant 0 : i32
        %dma_wait3A_1658 = tpu.memref_slice %arg4[%dma_wait3A_1646, %dma_wait3A_1647, %mul3A_2, %dma_wait3A_1656, %dma_wait3A_1657] : memref<50x8x128x8x128xf32, #tpu.memory_space<hbm>> -> memref<1x1x1x8x128xf32, #tpu.memory_space<hbm>>
        %dma_wait3A_1659 = tpu.memref_squeeze %dma_wait3A_1658 : memref<1x1x1x8x128xf32, #tpu.memory_space<hbm>> -> memref<8x128xf32, #tpu.memory_space<hbm>>
        %dma_wait3A_1660 = arith.constant 0 : i32
        %dma_wait3A_1661 = arith.constant 0 : i32
        %dma_wait3A_1662 = tpu.memref_slice %arg9[%dma_wait3A_1644, %dma_wait3A_1645, %dma_wait3A_1660, %dma_wait3A_1661] : memref<8x2x8x129xf32, #tpu.memory_space<vmem>> -> memref<1x1x8x128xf32, #tpu.memory_space<vmem>>
        %dma_wait3A_1663 = tpu.memref_squeeze %dma_wait3A_1662 : memref<1x1x8x128xf32, #tpu.memory_space<vmem>> -> memref<8x128xf32, #tpu.memory_space<vmem>>
        tpu.wait_dma2 semaphore(%arg13 : memref<!tpu.dma_semaphore, #tpu.memory_space<semaphore_mem>>) src(%dma_wait3A_1663 : memref<8x128xf32, #tpu.memory_space<vmem>>) dst(%dma_wait3A_1659 : memref<8x128xf32, #tpu.memory_space<hbm>>)
        %dma_wait3A_1664 = arith.constant 0 : i32
        %dma_wait3A_1665 = arith.constant 1 : i32
        %dma_wait3A_1666 = arith.constant 0 : i32
        %dma_wait3A_1667 = arith.constant 0 : i32
        %dma_wait3A_1668 = arith.constant 0 : i32
        %dma_wait3A_1669 = arith.constant 0 : i32
        %dma_wait3A_1670 = tpu.memref_slice %arg9[%dma_wait3A_1664, %dma_wait3A_1665, %dma_wait3A_1668, %dma_wait3A_1669] : memref<8x2x8x129xf32, #tpu.memory_space<vmem>> -> memref<1x1x8x128xf32, #tpu.memory_space<vmem>>
        %dma_wait3A_1671 = tpu.memref_squeeze %dma_wait3A_1670 : memref<1x1x8x128xf32, #tpu.memory_space<vmem>> -> memref<8x128xf32, #tpu.memory_space<vmem>>
        %dma_wait3A_1672 = arith.constant 0 : i32
        %dma_wait3A_1673 = arith.constant 0 : i32
        %dma_wait3A_1674 = tpu.memref_slice %arg4[%dma_wait3A_1666, %dma_wait3A_1667, %mul3A_2, %dma_wait3A_1672, %dma_wait3A_1673] : memref<50x8x128x8x128xf32, #tpu.memory_space<hbm>> -> memref<1x1x1x8x128xf32, #tpu.memory_space<hbm>>
        %dma_wait3A_1675 = tpu.memref_squeeze %dma_wait3A_1674 : memref<1x1x1x8x128xf32, #tpu.memory_space<hbm>> -> memref<8x128xf32, #tpu.memory_space<hbm>>
        %dma_wait3A_1676 = arith.constant 0 : i32
        %dma_wait3A_1677 = arith.constant 0 : i32
        %dma_wait3A_1678 = tpu.memref_slice %arg4[%dma_wait3A_1666, %dma_wait3A_1667, %mul3A_2, %dma_wait3A_1676, %dma_wait3A_1677] : memref<50x8x128x8x128xf32, #tpu.memory_space<hbm>> -> memref<1x1x1x8x128xf32, #tpu.memory_space<hbm>>
        %dma_wait3A_1679 = tpu.memref_squeeze %dma_wait3A_1678 : memref<1x1x1x8x128xf32, #tpu.memory_space<hbm>> -> memref<8x128xf32, #tpu.memory_space<hbm>>
        %dma_wait3A_1680 = arith.constant 0 : i32
        %dma_wait3A_1681 = arith.constant 0 : i32
        %dma_wait3A_1682 = tpu.memref_slice %arg9[%dma_wait3A_1664, %dma_wait3A_1665, %dma_wait3A_1680, %dma_wait3A_1681] : memref<8x2x8x129xf32, #tpu.memory_space<vmem>> -> memref<1x1x8x128xf32, #tpu.memory_space<vmem>>
        %dma_wait3A_1683 = tpu.memref_squeeze %dma_wait3A_1682 : memref<1x1x8x128xf32, #tpu.memory_space<vmem>> -> memref<8x128xf32, #tpu.memory_space<vmem>>
        tpu.wait_dma2 semaphore(%arg13 : memref<!tpu.dma_semaphore, #tpu.memory_space<semaphore_mem>>) src(%dma_wait3A_1683 : memref<8x128xf32, #tpu.memory_space<vmem>>) dst(%dma_wait3A_1679 : memref<8x128xf32, #tpu.memory_space<hbm>>)
        %dma_wait3A_1684 = arith.constant 1 : i32
        %dma_wait3A_1685 = arith.constant 0 : i32
        %dma_wait3A_1686 = arith.constant 0 : i32
        %dma_wait3A_1687 = arith.constant 1 : i32
        %dma_wait3A_1688 = arith.constant 0 : i32
        %dma_wait3A_1689 = arith.constant 0 : i32
        %dma_wait3A_1690 = tpu.memref_slice %arg9[%dma_wait3A_1684, %dma_wait3A_1685, %dma_wait3A_1688, %dma_wait3A_1689] : memref<8x2x8x129xf32, #tpu.memory_space<vmem>> -> memref<1x1x8x128xf32, #tpu.memory_space<vmem>>
        %dma_wait3A_1691 = tpu.memref_squeeze %dma_wait3A_1690 : memref<1x1x8x128xf32, #tpu.memory_space<vmem>> -> memref<8x128xf32, #tpu.memory_space<vmem>>
        %dma_wait3A_1692 = arith.constant 0 : i32
        %dma_wait3A_1693 = arith.constant 0 : i32
        %dma_wait3A_1694 = tpu.memref_slice %arg4[%dma_wait3A_1686, %dma_wait3A_1687, %mul3A_2, %dma_wait3A_1692, %dma_wait3A_1693] : memref<50x8x128x8x128xf32, #tpu.memory_space<hbm>> -> memref<1x1x1x8x128xf32, #tpu.memory_space<hbm>>
        %dma_wait3A_1695 = tpu.memref_squeeze %dma_wait3A_1694 : memref<1x1x1x8x128xf32, #tpu.memory_space<hbm>> -> memref<8x128xf32, #tpu.memory_space<hbm>>
        %dma_wait3A_1696 = arith.constant 0 : i32
        %dma_wait3A_1697 = arith.constant 0 : i32
        %dma_wait3A_1698 = tpu.memref_slice %arg4[%dma_wait3A_1686, %dma_wait3A_1687, %mul3A_2, %dma_wait3A_1696, %dma_wait3A_1697] : memref<50x8x128x8x128xf32, #tpu.memory_space<hbm>> -> memref<1x1x1x8x128xf32, #tpu.memory_space<hbm>>
        %dma_wait3A_1699 = tpu.memref_squeeze %dma_wait3A_1698 : memref<1x1x1x8x128xf32, #tpu.memory_space<hbm>> -> memref<8x128xf32, #tpu.memory_space<hbm>>
        %dma_wait3A_1700 = arith.constant 0 : i32
        %dma_wait3A_1701 = arith.constant 0 : i32
        %dma_wait3A_1702 = tpu.memref_slice %arg9[%dma_wait3A_1684, %dma_wait3A_1685, %dma_wait3A_1700, %dma_wait3A_1701] : memref<8x2x8x129xf32, #tpu.memory_space<vmem>> -> memref<1x1x8x128xf32, #tpu.memory_space<vmem>>
        %dma_wait3A_1703 = tpu.memref_squeeze %dma_wait3A_1702 : memref<1x1x8x128xf32, #tpu.memory_space<vmem>> -> memref<8x128xf32, #tpu.memory_space<vmem>>
        tpu.wait_dma2 semaphore(%arg13 : memref<!tpu.dma_semaphore, #tpu.memory_space<semaphore_mem>>) src(%dma_wait3A_1703 : memref<8x128xf32, #tpu.memory_space<vmem>>) dst(%dma_wait3A_1699 : memref<8x128xf32, #tpu.memory_space<hbm>>)
        %dma_wait3A_1704 = arith.constant 1 : i32
        %dma_wait3A_1705 = arith.constant 1 : i32
        %dma_wait3A_1706 = arith.constant 0 : i32
        %dma_wait3A_1707 = arith.constant 1 : i32
        %dma_wait3A_1708 = arith.constant 0 : i32
        %dma_wait3A_1709 = arith.constant 0 : i32
        %dma_wait3A_1710 = tpu.memref_slice %arg9[%dma_wait3A_1704, %dma_wait3A_1705, %dma_wait3A_1708, %dma_wait3A_1709] : memref<8x2x8x129xf32, #tpu.memory_space<vmem>> -> memref<1x1x8x128xf32, #tpu.memory_space<vmem>>
        %dma_wait3A_1711 = tpu.memref_squeeze %dma_wait3A_1710 : memref<1x1x8x128xf32, #tpu.memory_space<vmem>> -> memref<8x128xf32, #tpu.memory_space<vmem>>
        %dma_wait3A_1712 = arith.constant 0 : i32
        %dma_wait3A_1713 = arith.constant 0 : i32
        %dma_wait3A_1714 = tpu.memref_slice %arg4[%dma_wait3A_1706, %dma_wait3A_1707, %mul3A_2, %dma_wait3A_1712, %dma_wait3A_1713] : memref<50x8x128x8x128xf32, #tpu.memory_space<hbm>> -> memref<1x1x1x8x128xf32, #tpu.memory_space<hbm>>
        %dma_wait3A_1715 = tpu.memref_squeeze %dma_wait3A_1714 : memref<1x1x1x8x128xf32, #tpu.memory_space<hbm>> -> memref<8x128xf32, #tpu.memory_space<hbm>>
        %dma_wait3A_1716 = arith.constant 0 : i32
        %dma_wait3A_1717 = arith.constant 0 : i32
        %dma_wait3A_1718 = tpu.memref_slice %arg4[%dma_wait3A_1706, %dma_wait3A_1707, %mul3A_2, %dma_wait3A_1716, %dma_wait3A_1717] : memref<50x8x128x8x128xf32, #tpu.memory_space<hbm>> -> memref<1x1x1x8x128xf32, #tpu.memory_space<hbm>>
        %dma_wait3A_1719 = tpu.memref_squeeze %dma_wait3A_1718 : memref<1x1x1x8x128xf32, #tpu.memory_space<hbm>> -> memref<8x128xf32, #tpu.memory_space<hbm>>
        %dma_wait3A_1720 = arith.constant 0 : i32
        %dma_wait3A_1721 = arith.constant 0 : i32
        %dma_wait3A_1722 = tpu.memref_slice %arg9[%dma_wait3A_1704, %dma_wait3A_1705, %dma_wait3A_1720, %dma_wait3A_1721] : memref<8x2x8x129xf32, #tpu.memory_space<vmem>> -> memref<1x1x8x128xf32, #tpu.memory_space<vmem>>
        %dma_wait3A_1723 = tpu.memref_squeeze %dma_wait3A_1722 : memref<1x1x8x128xf32, #tpu.memory_space<vmem>> -> memref<8x128xf32, #tpu.memory_space<vmem>>
        tpu.wait_dma2 semaphore(%arg13 : memref<!tpu.dma_semaphore, #tpu.memory_space<semaphore_mem>>) src(%dma_wait3A_1723 : memref<8x128xf32, #tpu.memory_space<vmem>>) dst(%dma_wait3A_1719 : memref<8x128xf32, #tpu.memory_space<hbm>>)
        %dma_wait3A_1724 = arith.constant 2 : i32
        %dma_wait3A_1725 = arith.constant 0 : i32
        %dma_wait3A_1726 = arith.constant 0 : i32
        %dma_wait3A_1727 = arith.constant 2 : i32
        %dma_wait3A_1728 = arith.constant 0 : i32
        %dma_wait3A_1729 = arith.constant 0 : i32
        %dma_wait3A_1730 = tpu.memref_slice %arg9[%dma_wait3A_1724, %dma_wait3A_1725, %dma_wait3A_1728, %dma_wait3A_1729] : memref<8x2x8x129xf32, #tpu.memory_space<vmem>> -> memref<1x1x8x128xf32, #tpu.memory_space<vmem>>
        %dma_wait3A_1731 = tpu.memref_squeeze %dma_wait3A_1730 : memref<1x1x8x128xf32, #tpu.memory_space<vmem>> -> memref<8x128xf32, #tpu.memory_space<vmem>>
        %dma_wait3A_1732 = arith.constant 0 : i32
        %dma_wait3A_1733 = arith.constant 0 : i32
        %dma_wait3A_1734 = tpu.memref_slice %arg4[%dma_wait3A_1726, %dma_wait3A_1727, %mul3A_2, %dma_wait3A_1732, %dma_wait3A_1733] : memref<50x8x128x8x128xf32, #tpu.memory_space<hbm>> -> memref<1x1x1x8x128xf32, #tpu.memory_space<hbm>>
        %dma_wait3A_1735 = tpu.memref_squeeze %dma_wait3A_1734 : memref<1x1x1x8x128xf32, #tpu.memory_space<hbm>> -> memref<8x128xf32, #tpu.memory_space<hbm>>
        %dma_wait3A_1736 = arith.constant 0 : i32
        %dma_wait3A_1737 = arith.constant 0 : i32
        %dma_wait3A_1738 = tpu.memref_slice %arg4[%dma_wait3A_1726, %dma_wait3A_1727, %mul3A_2, %dma_wait3A_1736, %dma_wait3A_1737] : memref<50x8x128x8x128xf32, #tpu.memory_space<hbm>> -> memref<1x1x1x8x128xf32, #tpu.memory_space<hbm>>
        %dma_wait3A_1739 = tpu.memref_squeeze %dma_wait3A_1738 : memref<1x1x1x8x128xf32, #tpu.memory_space<hbm>> -> memref<8x128xf32, #tpu.memory_space<hbm>>
        %dma_wait3A_1740 = arith.constant 0 : i32
        %dma_wait3A_1741 = arith.constant 0 : i32
        %dma_wait3A_1742 = tpu.memref_slice %arg9[%dma_wait3A_1724, %dma_wait3A_1725, %dma_wait3A_1740, %dma_wait3A_1741] : memref<8x2x8x129xf32, #tpu.memory_space<vmem>> -> memref<1x1x8x128xf32, #tpu.memory_space<vmem>>
        %dma_wait3A_1743 = tpu.memref_squeeze %dma_wait3A_1742 : memref<1x1x8x128xf32, #tpu.memory_space<vmem>> -> memref<8x128xf32, #tpu.memory_space<vmem>>
        tpu.wait_dma2 semaphore(%arg13 : memref<!tpu.dma_semaphore, #tpu.memory_space<semaphore_mem>>) src(%dma_wait3A_1743 : memref<8x128xf32, #tpu.memory_space<vmem>>) dst(%dma_wait3A_1739 : memref<8x128xf32, #tpu.memory_space<hbm>>)
        %dma_wait3A_1744 = arith.constant 2 : i32
        %dma_wait3A_1745 = arith.constant 1 : i32
        %dma_wait3A_1746 = arith.constant 0 : i32
        %dma_wait3A_1747 = arith.constant 2 : i32
        %dma_wait3A_1748 = arith.constant 0 : i32
        %dma_wait3A_1749 = arith.constant 0 : i32
        %dma_wait3A_1750 = tpu.memref_slice %arg9[%dma_wait3A_1744, %dma_wait3A_1745, %dma_wait3A_1748, %dma_wait3A_1749] : memref<8x2x8x129xf32, #tpu.memory_space<vmem>> -> memref<1x1x8x128xf32, #tpu.memory_space<vmem>>
        %dma_wait3A_1751 = tpu.memref_squeeze %dma_wait3A_1750 : memref<1x1x8x128xf32, #tpu.memory_space<vmem>> -> memref<8x128xf32, #tpu.memory_space<vmem>>
        %dma_wait3A_1752 = arith.constant 0 : i32
        %dma_wait3A_1753 = arith.constant 0 : i32
        %dma_wait3A_1754 = tpu.memref_slice %arg4[%dma_wait3A_1746, %dma_wait3A_1747, %mul3A_2, %dma_wait3A_1752, %dma_wait3A_1753] : memref<50x8x128x8x128xf32, #tpu.memory_space<hbm>> -> memref<1x1x1x8x128xf32, #tpu.memory_space<hbm>>
        %dma_wait3A_1755 = tpu.memref_squeeze %dma_wait3A_1754 : memref<1x1x1x8x128xf32, #tpu.memory_space<hbm>> -> memref<8x128xf32, #tpu.memory_space<hbm>>
        %dma_wait3A_1756 = arith.constant 0 : i32
        %dma_wait3A_1757 = arith.constant 0 : i32
        %dma_wait3A_1758 = tpu.memref_slice %arg4[%dma_wait3A_1746, %dma_wait3A_1747, %mul3A_2, %dma_wait3A_1756, %dma_wait3A_1757] : memref<50x8x128x8x128xf32, #tpu.memory_space<hbm>> -> memref<1x1x1x8x128xf32, #tpu.memory_space<hbm>>
        %dma_wait3A_1759 = tpu.memref_squeeze %dma_wait3A_1758 : memref<1x1x1x8x128xf32, #tpu.memory_space<hbm>> -> memref<8x128xf32, #tpu.memory_space<hbm>>
        %dma_wait3A_1760 = arith.constant 0 : i32
        %dma_wait3A_1761 = arith.constant 0 : i32
        %dma_wait3A_1762 = tpu.memref_slice %arg9[%dma_wait3A_1744, %dma_wait3A_1745, %dma_wait3A_1760, %dma_wait3A_1761] : memref<8x2x8x129xf32, #tpu.memory_space<vmem>> -> memref<1x1x8x128xf32, #tpu.memory_space<vmem>>
        %dma_wait3A_1763 = tpu.memref_squeeze %dma_wait3A_1762 : memref<1x1x8x128xf32, #tpu.memory_space<vmem>> -> memref<8x128xf32, #tpu.memory_space<vmem>>
        tpu.wait_dma2 semaphore(%arg13 : memref<!tpu.dma_semaphore, #tpu.memory_space<semaphore_mem>>) src(%dma_wait3A_1763 : memref<8x128xf32, #tpu.memory_space<vmem>>) dst(%dma_wait3A_1759 : memref<8x128xf32, #tpu.memory_space<hbm>>)
        %dma_wait3A_1764 = arith.constant 3 : i32
        %dma_wait3A_1765 = arith.constant 0 : i32
        %dma_wait3A_1766 = arith.constant 0 : i32
        %dma_wait3A_1767 = arith.constant 3 : i32
        %dma_wait3A_1768 = arith.constant 0 : i32
        %dma_wait3A_1769 = arith.constant 0 : i32
        %dma_wait3A_1770 = tpu.memref_slice %arg9[%dma_wait3A_1764, %dma_wait3A_1765, %dma_wait3A_1768, %dma_wait3A_1769] : memref<8x2x8x129xf32, #tpu.memory_space<vmem>> -> memref<1x1x8x128xf32, #tpu.memory_space<vmem>>
        %dma_wait3A_1771 = tpu.memref_squeeze %dma_wait3A_1770 : memref<1x1x8x128xf32, #tpu.memory_space<vmem>> -> memref<8x128xf32, #tpu.memory_space<vmem>>
        %dma_wait3A_1772 = arith.constant 0 : i32
        %dma_wait3A_1773 = arith.constant 0 : i32
        %dma_wait3A_1774 = tpu.memref_slice %arg4[%dma_wait3A_1766, %dma_wait3A_1767, %mul3A_2, %dma_wait3A_1772, %dma_wait3A_1773] : memref<50x8x128x8x128xf32, #tpu.memory_space<hbm>> -> memref<1x1x1x8x128xf32, #tpu.memory_space<hbm>>
        %dma_wait3A_1775 = tpu.memref_squeeze %dma_wait3A_1774 : memref<1x1x1x8x128xf32, #tpu.memory_space<hbm>> -> memref<8x128xf32, #tpu.memory_space<hbm>>
        %dma_wait3A_1776 = arith.constant 0 : i32
        %dma_wait3A_1777 = arith.constant 0 : i32
        %dma_wait3A_1778 = tpu.memref_slice %arg4[%dma_wait3A_1766, %dma_wait3A_1767, %mul3A_2, %dma_wait3A_1776, %dma_wait3A_1777] : memref<50x8x128x8x128xf32, #tpu.memory_space<hbm>> -> memref<1x1x1x8x128xf32, #tpu.memory_space<hbm>>
        %dma_wait3A_1779 = tpu.memref_squeeze %dma_wait3A_1778 : memref<1x1x1x8x128xf32, #tpu.memory_space<hbm>> -> memref<8x128xf32, #tpu.memory_space<hbm>>
        %dma_wait3A_1780 = arith.constant 0 : i32
        %dma_wait3A_1781 = arith.constant 0 : i32
        %dma_wait3A_1782 = tpu.memref_slice %arg9[%dma_wait3A_1764, %dma_wait3A_1765, %dma_wait3A_1780, %dma_wait3A_1781] : memref<8x2x8x129xf32, #tpu.memory_space<vmem>> -> memref<1x1x8x128xf32, #tpu.memory_space<vmem>>
        %dma_wait3A_1783 = tpu.memref_squeeze %dma_wait3A_1782 : memref<1x1x8x128xf32, #tpu.memory_space<vmem>> -> memref<8x128xf32, #tpu.memory_space<vmem>>
        tpu.wait_dma2 semaphore(%arg13 : memref<!tpu.dma_semaphore, #tpu.memory_space<semaphore_mem>>) src(%dma_wait3A_1783 : memref<8x128xf32, #tpu.memory_space<vmem>>) dst(%dma_wait3A_1779 : memref<8x128xf32, #tpu.memory_space<hbm>>)
        %dma_wait3A_1784 = arith.constant 3 : i32
        %dma_wait3A_1785 = arith.constant 1 : i32
        %dma_wait3A_1786 = arith.constant 0 : i32
        %dma_wait3A_1787 = arith.constant 3 : i32
        %dma_wait3A_1788 = arith.constant 0 : i32
        %dma_wait3A_1789 = arith.constant 0 : i32
        %dma_wait3A_1790 = tpu.memref_slice %arg9[%dma_wait3A_1784, %dma_wait3A_1785, %dma_wait3A_1788, %dma_wait3A_1789] : memref<8x2x8x129xf32, #tpu.memory_space<vmem>> -> memref<1x1x8x128xf32, #tpu.memory_space<vmem>>
        %dma_wait3A_1791 = tpu.memref_squeeze %dma_wait3A_1790 : memref<1x1x8x128xf32, #tpu.memory_space<vmem>> -> memref<8x128xf32, #tpu.memory_space<vmem>>
        %dma_wait3A_1792 = arith.constant 0 : i32
        %dma_wait3A_1793 = arith.constant 0 : i32
        %dma_wait3A_1794 = tpu.memref_slice %arg4[%dma_wait3A_1786, %dma_wait3A_1787, %mul3A_2, %dma_wait3A_1792, %dma_wait3A_1793] : memref<50x8x128x8x128xf32, #tpu.memory_space<hbm>> -> memref<1x1x1x8x128xf32, #tpu.memory_space<hbm>>
        %dma_wait3A_1795 = tpu.memref_squeeze %dma_wait3A_1794 : memref<1x1x1x8x128xf32, #tpu.memory_space<hbm>> -> memref<8x128xf32, #tpu.memory_space<hbm>>
        %dma_wait3A_1796 = arith.constant 0 : i32
        %dma_wait3A_1797 = arith.constant 0 : i32
        %dma_wait3A_1798 = tpu.memref_slice %arg4[%dma_wait3A_1786, %dma_wait3A_1787, %mul3A_2, %dma_wait3A_1796, %dma_wait3A_1797] : memref<50x8x128x8x128xf32, #tpu.memory_space<hbm>> -> memref<1x1x1x8x128xf32, #tpu.memory_space<hbm>>
        %dma_wait3A_1799 = tpu.memref_squeeze %dma_wait3A_1798 : memref<1x1x1x8x128xf32, #tpu.memory_space<hbm>> -> memref<8x128xf32, #tpu.memory_space<hbm>>
        %dma_wait3A_1800 = arith.constant 0 : i32
        %dma_wait3A_1801 = arith.constant 0 : i32
        %dma_wait3A_1802 = tpu.memref_slice %arg9[%dma_wait3A_1784, %dma_wait3A_1785, %dma_wait3A_1800, %dma_wait3A_1801] : memref<8x2x8x129xf32, #tpu.memory_space<vmem>> -> memref<1x1x8x128xf32, #tpu.memory_space<vmem>>
        %dma_wait3A_1803 = tpu.memref_squeeze %dma_wait3A_1802 : memref<1x1x8x128xf32, #tpu.memory_space<vmem>> -> memref<8x128xf32, #tpu.memory_space<vmem>>
        tpu.wait_dma2 semaphore(%arg13 : memref<!tpu.dma_semaphore, #tpu.memory_space<semaphore_mem>>) src(%dma_wait3A_1803 : memref<8x128xf32, #tpu.memory_space<vmem>>) dst(%dma_wait3A_1799 : memref<8x128xf32, #tpu.memory_space<hbm>>)
        %dma_wait3A_1804 = arith.constant 4 : i32
        %dma_wait3A_1805 = arith.constant 0 : i32
        %dma_wait3A_1806 = arith.constant 0 : i32
        %dma_wait3A_1807 = arith.constant 4 : i32
        %dma_wait3A_1808 = arith.constant 0 : i32
        %dma_wait3A_1809 = arith.constant 0 : i32
        %dma_wait3A_1810 = tpu.memref_slice %arg9[%dma_wait3A_1804, %dma_wait3A_1805, %dma_wait3A_1808, %dma_wait3A_1809] : memref<8x2x8x129xf32, #tpu.memory_space<vmem>> -> memref<1x1x8x128xf32, #tpu.memory_space<vmem>>
        %dma_wait3A_1811 = tpu.memref_squeeze %dma_wait3A_1810 : memref<1x1x8x128xf32, #tpu.memory_space<vmem>> -> memref<8x128xf32, #tpu.memory_space<vmem>>
        %dma_wait3A_1812 = arith.constant 0 : i32
        %dma_wait3A_1813 = arith.constant 0 : i32
        %dma_wait3A_1814 = tpu.memref_slice %arg4[%dma_wait3A_1806, %dma_wait3A_1807, %mul3A_2, %dma_wait3A_1812, %dma_wait3A_1813] : memref<50x8x128x8x128xf32, #tpu.memory_space<hbm>> -> memref<1x1x1x8x128xf32, #tpu.memory_space<hbm>>
        %dma_wait3A_1815 = tpu.memref_squeeze %dma_wait3A_1814 : memref<1x1x1x8x128xf32, #tpu.memory_space<hbm>> -> memref<8x128xf32, #tpu.memory_space<hbm>>
        %dma_wait3A_1816 = arith.constant 0 : i32
        %dma_wait3A_1817 = arith.constant 0 : i32
        %dma_wait3A_1818 = tpu.memref_slice %arg4[%dma_wait3A_1806, %dma_wait3A_1807, %mul3A_2, %dma_wait3A_1816, %dma_wait3A_1817] : memref<50x8x128x8x128xf32, #tpu.memory_space<hbm>> -> memref<1x1x1x8x128xf32, #tpu.memory_space<hbm>>
        %dma_wait3A_1819 = tpu.memref_squeeze %dma_wait3A_1818 : memref<1x1x1x8x128xf32, #tpu.memory_space<hbm>> -> memref<8x128xf32, #tpu.memory_space<hbm>>
        %dma_wait3A_1820 = arith.constant 0 : i32
        %dma_wait3A_1821 = arith.constant 0 : i32
        %dma_wait3A_1822 = tpu.memref_slice %arg9[%dma_wait3A_1804, %dma_wait3A_1805, %dma_wait3A_1820, %dma_wait3A_1821] : memref<8x2x8x129xf32, #tpu.memory_space<vmem>> -> memref<1x1x8x128xf32, #tpu.memory_space<vmem>>
        %dma_wait3A_1823 = tpu.memref_squeeze %dma_wait3A_1822 : memref<1x1x8x128xf32, #tpu.memory_space<vmem>> -> memref<8x128xf32, #tpu.memory_space<vmem>>
        tpu.wait_dma2 semaphore(%arg13 : memref<!tpu.dma_semaphore, #tpu.memory_space<semaphore_mem>>) src(%dma_wait3A_1823 : memref<8x128xf32, #tpu.memory_space<vmem>>) dst(%dma_wait3A_1819 : memref<8x128xf32, #tpu.memory_space<hbm>>)
        %dma_wait3A_1824 = arith.constant 4 : i32
        %dma_wait3A_1825 = arith.constant 1 : i32
        %dma_wait3A_1826 = arith.constant 0 : i32
        %dma_wait3A_1827 = arith.constant 4 : i32
        %dma_wait3A_1828 = arith.constant 0 : i32
        %dma_wait3A_1829 = arith.constant 0 : i32
        %dma_wait3A_1830 = tpu.memref_slice %arg9[%dma_wait3A_1824, %dma_wait3A_1825, %dma_wait3A_1828, %dma_wait3A_1829] : memref<8x2x8x129xf32, #tpu.memory_space<vmem>> -> memref<1x1x8x128xf32, #tpu.memory_space<vmem>>
        %dma_wait3A_1831 = tpu.memref_squeeze %dma_wait3A_1830 : memref<1x1x8x128xf32, #tpu.memory_space<vmem>> -> memref<8x128xf32, #tpu.memory_space<vmem>>
        %dma_wait3A_1832 = arith.constant 0 : i32
        %dma_wait3A_1833 = arith.constant 0 : i32
        %dma_wait3A_1834 = tpu.memref_slice %arg4[%dma_wait3A_1826, %dma_wait3A_1827, %mul3A_2, %dma_wait3A_1832, %dma_wait3A_1833] : memref<50x8x128x8x128xf32, #tpu.memory_space<hbm>> -> memref<1x1x1x8x128xf32, #tpu.memory_space<hbm>>
        %dma_wait3A_1835 = tpu.memref_squeeze %dma_wait3A_1834 : memref<1x1x1x8x128xf32, #tpu.memory_space<hbm>> -> memref<8x128xf32, #tpu.memory_space<hbm>>
        %dma_wait3A_1836 = arith.constant 0 : i32
        %dma_wait3A_1837 = arith.constant 0 : i32
        %dma_wait3A_1838 = tpu.memref_slice %arg4[%dma_wait3A_1826, %dma_wait3A_1827, %mul3A_2, %dma_wait3A_1836, %dma_wait3A_1837] : memref<50x8x128x8x128xf32, #tpu.memory_space<hbm>> -> memref<1x1x1x8x128xf32, #tpu.memory_space<hbm>>
        %dma_wait3A_1839 = tpu.memref_squeeze %dma_wait3A_1838 : memref<1x1x1x8x128xf32, #tpu.memory_space<hbm>> -> memref<8x128xf32, #tpu.memory_space<hbm>>
        %dma_wait3A_1840 = arith.constant 0 : i32
        %dma_wait3A_1841 = arith.constant 0 : i32
        %dma_wait3A_1842 = tpu.memref_slice %arg9[%dma_wait3A_1824, %dma_wait3A_1825, %dma_wait3A_1840, %dma_wait3A_1841] : memref<8x2x8x129xf32, #tpu.memory_space<vmem>> -> memref<1x1x8x128xf32, #tpu.memory_space<vmem>>
        %dma_wait3A_1843 = tpu.memref_squeeze %dma_wait3A_1842 : memref<1x1x8x128xf32, #tpu.memory_space<vmem>> -> memref<8x128xf32, #tpu.memory_space<vmem>>
        tpu.wait_dma2 semaphore(%arg13 : memref<!tpu.dma_semaphore, #tpu.memory_space<semaphore_mem>>) src(%dma_wait3A_1843 : memref<8x128xf32, #tpu.memory_space<vmem>>) dst(%dma_wait3A_1839 : memref<8x128xf32, #tpu.memory_space<hbm>>)
        %dma_wait3A_1844 = arith.constant 5 : i32
        %dma_wait3A_1845 = arith.constant 0 : i32
        %dma_wait3A_1846 = arith.constant 0 : i32
        %dma_wait3A_1847 = arith.constant 5 : i32
        %dma_wait3A_1848 = arith.constant 0 : i32
        %dma_wait3A_1849 = arith.constant 0 : i32
        %dma_wait3A_1850 = tpu.memref_slice %arg9[%dma_wait3A_1844, %dma_wait3A_1845, %dma_wait3A_1848, %dma_wait3A_1849] : memref<8x2x8x129xf32, #tpu.memory_space<vmem>> -> memref<1x1x8x128xf32, #tpu.memory_space<vmem>>
        %dma_wait3A_1851 = tpu.memref_squeeze %dma_wait3A_1850 : memref<1x1x8x128xf32, #tpu.memory_space<vmem>> -> memref<8x128xf32, #tpu.memory_space<vmem>>
        %dma_wait3A_1852 = arith.constant 0 : i32
        %dma_wait3A_1853 = arith.constant 0 : i32
        %dma_wait3A_1854 = tpu.memref_slice %arg4[%dma_wait3A_1846, %dma_wait3A_1847, %mul3A_2, %dma_wait3A_1852, %dma_wait3A_1853] : memref<50x8x128x8x128xf32, #tpu.memory_space<hbm>> -> memref<1x1x1x8x128xf32, #tpu.memory_space<hbm>>
        %dma_wait3A_1855 = tpu.memref_squeeze %dma_wait3A_1854 : memref<1x1x1x8x128xf32, #tpu.memory_space<hbm>> -> memref<8x128xf32, #tpu.memory_space<hbm>>
        %dma_wait3A_1856 = arith.constant 0 : i32
        %dma_wait3A_1857 = arith.constant 0 : i32
        %dma_wait3A_1858 = tpu.memref_slice %arg4[%dma_wait3A_1846, %dma_wait3A_1847, %mul3A_2, %dma_wait3A_1856, %dma_wait3A_1857] : memref<50x8x128x8x128xf32, #tpu.memory_space<hbm>> -> memref<1x1x1x8x128xf32, #tpu.memory_space<hbm>>
        %dma_wait3A_1859 = tpu.memref_squeeze %dma_wait3A_1858 : memref<1x1x1x8x128xf32, #tpu.memory_space<hbm>> -> memref<8x128xf32, #tpu.memory_space<hbm>>
        %dma_wait3A_1860 = arith.constant 0 : i32
        %dma_wait3A_1861 = arith.constant 0 : i32
        %dma_wait3A_1862 = tpu.memref_slice %arg9[%dma_wait3A_1844, %dma_wait3A_1845, %dma_wait3A_1860, %dma_wait3A_1861] : memref<8x2x8x129xf32, #tpu.memory_space<vmem>> -> memref<1x1x8x128xf32, #tpu.memory_space<vmem>>
        %dma_wait3A_1863 = tpu.memref_squeeze %dma_wait3A_1862 : memref<1x1x8x128xf32, #tpu.memory_space<vmem>> -> memref<8x128xf32, #tpu.memory_space<vmem>>
        tpu.wait_dma2 semaphore(%arg13 : memref<!tpu.dma_semaphore, #tpu.memory_space<semaphore_mem>>) src(%dma_wait3A_1863 : memref<8x128xf32, #tpu.memory_space<vmem>>) dst(%dma_wait3A_1859 : memref<8x128xf32, #tpu.memory_space<hbm>>)
        %dma_wait3A_1864 = arith.constant 5 : i32
        %dma_wait3A_1865 = arith.constant 1 : i32
        %dma_wait3A_1866 = arith.constant 0 : i32
        %dma_wait3A_1867 = arith.constant 5 : i32
        %dma_wait3A_1868 = arith.constant 0 : i32
        %dma_wait3A_1869 = arith.constant 0 : i32
        %dma_wait3A_1870 = tpu.memref_slice %arg9[%dma_wait3A_1864, %dma_wait3A_1865, %dma_wait3A_1868, %dma_wait3A_1869] : memref<8x2x8x129xf32, #tpu.memory_space<vmem>> -> memref<1x1x8x128xf32, #tpu.memory_space<vmem>>
        %dma_wait3A_1871 = tpu.memref_squeeze %dma_wait3A_1870 : memref<1x1x8x128xf32, #tpu.memory_space<vmem>> -> memref<8x128xf32, #tpu.memory_space<vmem>>
        %dma_wait3A_1872 = arith.constant 0 : i32
        %dma_wait3A_1873 = arith.constant 0 : i32
        %dma_wait3A_1874 = tpu.memref_slice %arg4[%dma_wait3A_1866, %dma_wait3A_1867, %mul3A_2, %dma_wait3A_1872, %dma_wait3A_1873] : memref<50x8x128x8x128xf32, #tpu.memory_space<hbm>> -> memref<1x1x1x8x128xf32, #tpu.memory_space<hbm>>
        %dma_wait3A_1875 = tpu.memref_squeeze %dma_wait3A_1874 : memref<1x1x1x8x128xf32, #tpu.memory_space<hbm>> -> memref<8x128xf32, #tpu.memory_space<hbm>>
        %dma_wait3A_1876 = arith.constant 0 : i32
        %dma_wait3A_1877 = arith.constant 0 : i32
        %dma_wait3A_1878 = tpu.memref_slice %arg4[%dma_wait3A_1866, %dma_wait3A_1867, %mul3A_2, %dma_wait3A_1876, %dma_wait3A_1877] : memref<50x8x128x8x128xf32, #tpu.memory_space<hbm>> -> memref<1x1x1x8x128xf32, #tpu.memory_space<hbm>>
        %dma_wait3A_1879 = tpu.memref_squeeze %dma_wait3A_1878 : memref<1x1x1x8x128xf32, #tpu.memory_space<hbm>> -> memref<8x128xf32, #tpu.memory_space<hbm>>
        %dma_wait3A_1880 = arith.constant 0 : i32
        %dma_wait3A_1881 = arith.constant 0 : i32
        %dma_wait3A_1882 = tpu.memref_slice %arg9[%dma_wait3A_1864, %dma_wait3A_1865, %dma_wait3A_1880, %dma_wait3A_1881] : memref<8x2x8x129xf32, #tpu.memory_space<vmem>> -> memref<1x1x8x128xf32, #tpu.memory_space<vmem>>
        %dma_wait3A_1883 = tpu.memref_squeeze %dma_wait3A_1882 : memref<1x1x8x128xf32, #tpu.memory_space<vmem>> -> memref<8x128xf32, #tpu.memory_space<vmem>>
        tpu.wait_dma2 semaphore(%arg13 : memref<!tpu.dma_semaphore, #tpu.memory_space<semaphore_mem>>) src(%dma_wait3A_1883 : memref<8x128xf32, #tpu.memory_space<vmem>>) dst(%dma_wait3A_1879 : memref<8x128xf32, #tpu.memory_space<hbm>>)
        %dma_wait3A_1884 = arith.constant 6 : i32
        %dma_wait3A_1885 = arith.constant 0 : i32
        %dma_wait3A_1886 = arith.constant 0 : i32
        %dma_wait3A_1887 = arith.constant 6 : i32
        %dma_wait3A_1888 = arith.constant 0 : i32
        %dma_wait3A_1889 = arith.constant 0 : i32
        %dma_wait3A_1890 = tpu.memref_slice %arg9[%dma_wait3A_1884, %dma_wait3A_1885, %dma_wait3A_1888, %dma_wait3A_1889] : memref<8x2x8x129xf32, #tpu.memory_space<vmem>> -> memref<1x1x8x128xf32, #tpu.memory_space<vmem>>
        %dma_wait3A_1891 = tpu.memref_squeeze %dma_wait3A_1890 : memref<1x1x8x128xf32, #tpu.memory_space<vmem>> -> memref<8x128xf32, #tpu.memory_space<vmem>>
        %dma_wait3A_1892 = arith.constant 0 : i32
        %dma_wait3A_1893 = arith.constant 0 : i32
        %dma_wait3A_1894 = tpu.memref_slice %arg4[%dma_wait3A_1886, %dma_wait3A_1887, %mul3A_2, %dma_wait3A_1892, %dma_wait3A_1893] : memref<50x8x128x8x128xf32, #tpu.memory_space<hbm>> -> memref<1x1x1x8x128xf32, #tpu.memory_space<hbm>>
        %dma_wait3A_1895 = tpu.memref_squeeze %dma_wait3A_1894 : memref<1x1x1x8x128xf32, #tpu.memory_space<hbm>> -> memref<8x128xf32, #tpu.memory_space<hbm>>
        %dma_wait3A_1896 = arith.constant 0 : i32
        %dma_wait3A_1897 = arith.constant 0 : i32
        %dma_wait3A_1898 = tpu.memref_slice %arg4[%dma_wait3A_1886, %dma_wait3A_1887, %mul3A_2, %dma_wait3A_1896, %dma_wait3A_1897] : memref<50x8x128x8x128xf32, #tpu.memory_space<hbm>> -> memref<1x1x1x8x128xf32, #tpu.memory_space<hbm>>
        %dma_wait3A_1899 = tpu.memref_squeeze %dma_wait3A_1898 : memref<1x1x1x8x128xf32, #tpu.memory_space<hbm>> -> memref<8x128xf32, #tpu.memory_space<hbm>>
        %dma_wait3A_1900 = arith.constant 0 : i32
        %dma_wait3A_1901 = arith.constant 0 : i32
        %dma_wait3A_1902 = tpu.memref_slice %arg9[%dma_wait3A_1884, %dma_wait3A_1885, %dma_wait3A_1900, %dma_wait3A_1901] : memref<8x2x8x129xf32, #tpu.memory_space<vmem>> -> memref<1x1x8x128xf32, #tpu.memory_space<vmem>>
        %dma_wait3A_1903 = tpu.memref_squeeze %dma_wait3A_1902 : memref<1x1x8x128xf32, #tpu.memory_space<vmem>> -> memref<8x128xf32, #tpu.memory_space<vmem>>
        tpu.wait_dma2 semaphore(%arg13 : memref<!tpu.dma_semaphore, #tpu.memory_space<semaphore_mem>>) src(%dma_wait3A_1903 : memref<8x128xf32, #tpu.memory_space<vmem>>) dst(%dma_wait3A_1899 : memref<8x128xf32, #tpu.memory_space<hbm>>)
        %dma_wait3A_1904 = arith.constant 6 : i32
        %dma_wait3A_1905 = arith.constant 1 : i32
        %dma_wait3A_1906 = arith.constant 0 : i32
        %dma_wait3A_1907 = arith.constant 6 : i32
        %dma_wait3A_1908 = arith.constant 0 : i32
        %dma_wait3A_1909 = arith.constant 0 : i32
        %dma_wait3A_1910 = tpu.memref_slice %arg9[%dma_wait3A_1904, %dma_wait3A_1905, %dma_wait3A_1908, %dma_wait3A_1909] : memref<8x2x8x129xf32, #tpu.memory_space<vmem>> -> memref<1x1x8x128xf32, #tpu.memory_space<vmem>>
        %dma_wait3A_1911 = tpu.memref_squeeze %dma_wait3A_1910 : memref<1x1x8x128xf32, #tpu.memory_space<vmem>> -> memref<8x128xf32, #tpu.memory_space<vmem>>
        %dma_wait3A_1912 = arith.constant 0 : i32
        %dma_wait3A_1913 = arith.constant 0 : i32
        %dma_wait3A_1914 = tpu.memref_slice %arg4[%dma_wait3A_1906, %dma_wait3A_1907, %mul3A_2, %dma_wait3A_1912, %dma_wait3A_1913] : memref<50x8x128x8x128xf32, #tpu.memory_space<hbm>> -> memref<1x1x1x8x128xf32, #tpu.memory_space<hbm>>
        %dma_wait3A_1915 = tpu.memref_squeeze %dma_wait3A_1914 : memref<1x1x1x8x128xf32, #tpu.memory_space<hbm>> -> memref<8x128xf32, #tpu.memory_space<hbm>>
        %dma_wait3A_1916 = arith.constant 0 : i32
        %dma_wait3A_1917 = arith.constant 0 : i32
        %dma_wait3A_1918 = tpu.memref_slice %arg4[%dma_wait3A_1906, %dma_wait3A_1907, %mul3A_2, %dma_wait3A_1916, %dma_wait3A_1917] : memref<50x8x128x8x128xf32, #tpu.memory_space<hbm>> -> memref<1x1x1x8x128xf32, #tpu.memory_space<hbm>>
        %dma_wait3A_1919 = tpu.memref_squeeze %dma_wait3A_1918 : memref<1x1x1x8x128xf32, #tpu.memory_space<hbm>> -> memref<8x128xf32, #tpu.memory_space<hbm>>
        %dma_wait3A_1920 = arith.constant 0 : i32
        %dma_wait3A_1921 = arith.constant 0 : i32
        %dma_wait3A_1922 = tpu.memref_slice %arg9[%dma_wait3A_1904, %dma_wait3A_1905, %dma_wait3A_1920, %dma_wait3A_1921] : memref<8x2x8x129xf32, #tpu.memory_space<vmem>> -> memref<1x1x8x128xf32, #tpu.memory_space<vmem>>
        %dma_wait3A_1923 = tpu.memref_squeeze %dma_wait3A_1922 : memref<1x1x8x128xf32, #tpu.memory_space<vmem>> -> memref<8x128xf32, #tpu.memory_space<vmem>>
        tpu.wait_dma2 semaphore(%arg13 : memref<!tpu.dma_semaphore, #tpu.memory_space<semaphore_mem>>) src(%dma_wait3A_1923 : memref<8x128xf32, #tpu.memory_space<vmem>>) dst(%dma_wait3A_1919 : memref<8x128xf32, #tpu.memory_space<hbm>>)
        %dma_wait3A_1924 = arith.constant 7 : i32
        %dma_wait3A_1925 = arith.constant 0 : i32
        %dma_wait3A_1926 = arith.constant 0 : i32
        %dma_wait3A_1927 = arith.constant 7 : i32
        %dma_wait3A_1928 = arith.constant 0 : i32
        %dma_wait3A_1929 = arith.constant 0 : i32
        %dma_wait3A_1930 = tpu.memref_slice %arg9[%dma_wait3A_1924, %dma_wait3A_1925, %dma_wait3A_1928, %dma_wait3A_1929] : memref<8x2x8x129xf32, #tpu.memory_space<vmem>> -> memref<1x1x8x128xf32, #tpu.memory_space<vmem>>
        %dma_wait3A_1931 = tpu.memref_squeeze %dma_wait3A_1930 : memref<1x1x8x128xf32, #tpu.memory_space<vmem>> -> memref<8x128xf32, #tpu.memory_space<vmem>>
        %dma_wait3A_1932 = arith.constant 0 : i32
        %dma_wait3A_1933 = arith.constant 0 : i32
        %dma_wait3A_1934 = tpu.memref_slice %arg4[%dma_wait3A_1926, %dma_wait3A_1927, %mul3A_2, %dma_wait3A_1932, %dma_wait3A_1933] : memref<50x8x128x8x128xf32, #tpu.memory_space<hbm>> -> memref<1x1x1x8x128xf32, #tpu.memory_space<hbm>>
        %dma_wait3A_1935 = tpu.memref_squeeze %dma_wait3A_1934 : memref<1x1x1x8x128xf32, #tpu.memory_space<hbm>> -> memref<8x128xf32, #tpu.memory_space<hbm>>
        %dma_wait3A_1936 = arith.constant 0 : i32
        %dma_wait3A_1937 = arith.constant 0 : i32
        %dma_wait3A_1938 = tpu.memref_slice %arg4[%dma_wait3A_1926, %dma_wait3A_1927, %mul3A_2, %dma_wait3A_1936, %dma_wait3A_1937] : memref<50x8x128x8x128xf32, #tpu.memory_space<hbm>> -> memref<1x1x1x8x128xf32, #tpu.memory_space<hbm>>
        %dma_wait3A_1939 = tpu.memref_squeeze %dma_wait3A_1938 : memref<1x1x1x8x128xf32, #tpu.memory_space<hbm>> -> memref<8x128xf32, #tpu.memory_space<hbm>>
        %dma_wait3A_1940 = arith.constant 0 : i32
        %dma_wait3A_1941 = arith.constant 0 : i32
        %dma_wait3A_1942 = tpu.memref_slice %arg9[%dma_wait3A_1924, %dma_wait3A_1925, %dma_wait3A_1940, %dma_wait3A_1941] : memref<8x2x8x129xf32, #tpu.memory_space<vmem>> -> memref<1x1x8x128xf32, #tpu.memory_space<vmem>>
        %dma_wait3A_1943 = tpu.memref_squeeze %dma_wait3A_1942 : memref<1x1x8x128xf32, #tpu.memory_space<vmem>> -> memref<8x128xf32, #tpu.memory_space<vmem>>
        tpu.wait_dma2 semaphore(%arg13 : memref<!tpu.dma_semaphore, #tpu.memory_space<semaphore_mem>>) src(%dma_wait3A_1943 : memref<8x128xf32, #tpu.memory_space<vmem>>) dst(%dma_wait3A_1939 : memref<8x128xf32, #tpu.memory_space<hbm>>)
        %dma_wait3A_1944 = arith.constant 7 : i32
        %dma_wait3A_1945 = arith.constant 1 : i32
        %dma_wait3A_1946 = arith.constant 0 : i32
        %dma_wait3A_1947 = arith.constant 7 : i32
        %dma_wait3A_1948 = arith.constant 0 : i32
        %dma_wait3A_1949 = arith.constant 0 : i32
        %dma_wait3A_1950 = tpu.memref_slice %arg9[%dma_wait3A_1944, %dma_wait3A_1945, %dma_wait3A_1948, %dma_wait3A_1949] : memref<8x2x8x129xf32, #tpu.memory_space<vmem>> -> memref<1x1x8x128xf32, #tpu.memory_space<vmem>>
        %dma_wait3A_1951 = tpu.memref_squeeze %dma_wait3A_1950 : memref<1x1x8x128xf32, #tpu.memory_space<vmem>> -> memref<8x128xf32, #tpu.memory_space<vmem>>
        %dma_wait3A_1952 = arith.constant 0 : i32
        %dma_wait3A_1953 = arith.constant 0 : i32
        %dma_wait3A_1954 = tpu.memref_slice %arg4[%dma_wait3A_1946, %dma_wait3A_1947, %mul3A_2, %dma_wait3A_1952, %dma_wait3A_1953] : memref<50x8x128x8x128xf32, #tpu.memory_space<hbm>> -> memref<1x1x1x8x128xf32, #tpu.memory_space<hbm>>
        %dma_wait3A_1955 = tpu.memref_squeeze %dma_wait3A_1954 : memref<1x1x1x8x128xf32, #tpu.memory_space<hbm>> -> memref<8x128xf32, #tpu.memory_space<hbm>>
        %dma_wait3A_1956 = arith.constant 0 : i32
        %dma_wait3A_1957 = arith.constant 0 : i32
        %dma_wait3A_1958 = tpu.memref_slice %arg4[%dma_wait3A_1946, %dma_wait3A_1947, %mul3A_2, %dma_wait3A_1956, %dma_wait3A_1957] : memref<50x8x128x8x128xf32, #tpu.memory_space<hbm>> -> memref<1x1x1x8x128xf32, #tpu.memory_space<hbm>>
        %dma_wait3A_1959 = tpu.memref_squeeze %dma_wait3A_1958 : memref<1x1x1x8x128xf32, #tpu.memory_space<hbm>> -> memref<8x128xf32, #tpu.memory_space<hbm>>
        %dma_wait3A_1960 = arith.constant 0 : i32
        %dma_wait3A_1961 = arith.constant 0 : i32
        %dma_wait3A_1962 = tpu.memref_slice %arg9[%dma_wait3A_1944, %dma_wait3A_1945, %dma_wait3A_1960, %dma_wait3A_1961] : memref<8x2x8x129xf32, #tpu.memory_space<vmem>> -> memref<1x1x8x128xf32, #tpu.memory_space<vmem>>
        %dma_wait3A_1963 = tpu.memref_squeeze %dma_wait3A_1962 : memref<1x1x8x128xf32, #tpu.memory_space<vmem>> -> memref<8x128xf32, #tpu.memory_space<vmem>>
        tpu.wait_dma2 semaphore(%arg13 : memref<!tpu.dma_semaphore, #tpu.memory_space<semaphore_mem>>) src(%dma_wait3A_1963 : memref<8x128xf32, #tpu.memory_space<vmem>>) dst(%dma_wait3A_1959 : memref<8x128xf32, #tpu.memory_space<hbm>>)
      } else {
      }
      %broadcast_in_dim3A_1266 = arith.constant 0 : i32
      %broadcast_in_dim3A_1267 = vector.broadcast %broadcast_in_dim3A_1266 : i32 to vector<16xi32>
      %parallel_loop3A_1268 = arith.constant 0 : i32
      %parallel_loop3A_1269 = arith.constant 128 : i32
      %parallel_loop3A_1270 = arith.constant 1 : i32
      scf.for %parallel_loop3A_1644 = %parallel_loop3A_1268 to %parallel_loop3A_1269 step %parallel_loop3A_1270  : i32 {
        %parallel_loop3A_1645 = arith.constant 0 : i32
        %parallel_loop3A_1646 = vector.broadcast %parallel_loop3A_1645 : i32 to vector<16xi32>
        %parallel_loop3A_1647 = vector.broadcast %parallel_loop3A_1644 : i32 to vector<16xi32>
        %parallel_loop3A_1648 = arith.addi %parallel_loop3A_1646, %parallel_loop3A_1647 : vector<16xi32>
        %parallel_loop3A_1649 = arith.constant 0 : i32
        %parallel_loop3A_1650 = arith.addi %parallel_loop3A_1649, %parallel_loop3A_1644 : i32
        %parallel_loop3A_1651 = arith.index_cast %parallel_loop3A_1650 : i32 to index
        %parallel_loop3A_1652 = arith.constant 0 : index
        %parallel_loop3A_1653 = tpu.vector_load %arg7[%parallel_loop3A_1651, %parallel_loop3A_1652] {strides = array<i32>} : memref<256x64xf32, #tpu.memory_space<vmem>>, vector<16xf32>,
        tpu.vector_store_idx %arg9[%add3A_28, %broadcast_in_dim3A_1267, %select_n3A_150, %parallel_loop3A_1648], %parallel_loop3A_1653 : memref<8x2x8x129xf32, #tpu.memory_space<vmem>>[vector<16xi32>, vector<16xi32>, vector<16xi32>, vector<16xi32>], vector<16xf32>,
        %parallel_loop3A_1654 = arith.constant 0 : i32
        %parallel_loop3A_1655 = arith.addi %parallel_loop3A_1654, %parallel_loop3A_1644 : i32
        %parallel_loop3A_1656 = arith.index_cast %parallel_loop3A_1655 : i32 to index
        %parallel_loop3A_1657 = arith.constant 16 : index
        %parallel_loop3A_1658 = tpu.vector_load %arg7[%parallel_loop3A_1656, %parallel_loop3A_1657] {strides = array<i32>} : memref<256x64xf32, #tpu.memory_space<vmem>>, vector<16xf32>,
        tpu.vector_store_idx %arg9[%add3A_62, %broadcast_in_dim3A_1267, %select_n3A_150, %parallel_loop3A_1648], %parallel_loop3A_1658 : memref<8x2x8x129xf32, #tpu.memory_space<vmem>>[vector<16xi32>, vector<16xi32>, vector<16xi32>, vector<16xi32>], vector<16xf32>,
        %parallel_loop3A_1659 = arith.constant 0 : i32
        %parallel_loop3A_1660 = arith.addi %parallel_loop3A_1659, %parallel_loop3A_1644 : i32
        %parallel_loop3A_1661 = arith.index_cast %parallel_loop3A_1660 : i32 to index
        %parallel_loop3A_1662 = arith.constant 32 : index
        %parallel_loop3A_1663 = tpu.vector_load %arg7[%parallel_loop3A_1661, %parallel_loop3A_1662] {strides = array<i32>} : memref<256x64xf32, #tpu.memory_space<vmem>>, vector<16xf32>,
        tpu.vector_store_idx %arg9[%add3A_96, %broadcast_in_dim3A_1267, %select_n3A_150, %parallel_loop3A_1648], %parallel_loop3A_1663 : memref<8x2x8x129xf32, #tpu.memory_space<vmem>>[vector<16xi32>, vector<16xi32>, vector<16xi32>, vector<16xi32>], vector<16xf32>,
        %parallel_loop3A_1664 = arith.constant 0 : i32
        %parallel_loop3A_1665 = arith.addi %parallel_loop3A_1664, %parallel_loop3A_1644 : i32
        %parallel_loop3A_1666 = arith.index_cast %parallel_loop3A_1665 : i32 to index
        %parallel_loop3A_1667 = arith.constant 48 : index
        %parallel_loop3A_1668 = tpu.vector_load %arg7[%parallel_loop3A_1666, %parallel_loop3A_1667] {strides = array<i32>} : memref<256x64xf32, #tpu.memory_space<vmem>>, vector<16xf32>,
        tpu.vector_store_idx %arg9[%add3A_130, %broadcast_in_dim3A_1267, %select_n3A_150, %parallel_loop3A_1648], %parallel_loop3A_1668 : memref<8x2x8x129xf32, #tpu.memory_space<vmem>>[vector<16xi32>, vector<16xi32>, vector<16xi32>, vector<16xi32>], vector<16xf32>,
      } {sc.loop_unroll_factor = 1 : i64, sc.parallel_access}
      %broadcast_in_dim3A_1271 = arith.constant 1 : i32
      %broadcast_in_dim3A_1272 = vector.broadcast %broadcast_in_dim3A_1271 : i32 to vector<16xi32>
      %parallel_loop3A_1273 = arith.constant 0 : i32
      %parallel_loop3A_1274 = arith.constant 128 : i32
      %parallel_loop3A_1275 = arith.constant 1 : i32
      scf.for %parallel_loop3A_1644 = %parallel_loop3A_1273 to %parallel_loop3A_1274 step %parallel_loop3A_1275  : i32 {
        %parallel_loop3A_1645 = arith.constant 0 : i32
        %parallel_loop3A_1646 = vector.broadcast %parallel_loop3A_1645 : i32 to vector<16xi32>
        %parallel_loop3A_1647 = vector.broadcast %parallel_loop3A_1644 : i32 to vector<16xi32>
        %parallel_loop3A_1648 = arith.addi %parallel_loop3A_1646, %parallel_loop3A_1647 : vector<16xi32>
        %parallel_loop3A_1649 = arith.constant 128 : i32
        %parallel_loop3A_1650 = arith.addi %parallel_loop3A_1649, %parallel_loop3A_1644 : i32
        %parallel_loop3A_1651 = arith.index_cast %parallel_loop3A_1650 : i32 to index
        %parallel_loop3A_1652 = arith.constant 0 : index
        %parallel_loop3A_1653 = tpu.vector_load %arg7[%parallel_loop3A_1651, %parallel_loop3A_1652] {strides = array<i32>} : memref<256x64xf32, #tpu.memory_space<vmem>>, vector<16xf32>,
        tpu.vector_store_idx %arg9[%add3A_28, %broadcast_in_dim3A_1272, %select_n3A_150, %parallel_loop3A_1648], %parallel_loop3A_1653 : memref<8x2x8x129xf32, #tpu.memory_space<vmem>>[vector<16xi32>, vector<16xi32>, vector<16xi32>, vector<16xi32>], vector<16xf32>,
        %parallel_loop3A_1654 = arith.constant 128 : i32
        %parallel_loop3A_1655 = arith.addi %parallel_loop3A_1654, %parallel_loop3A_1644 : i32
        %parallel_loop3A_1656 = arith.index_cast %parallel_loop3A_1655 : i32 to index
        %parallel_loop3A_1657 = arith.constant 16 : index
        %parallel_loop3A_1658 = tpu.vector_load %arg7[%parallel_loop3A_1656, %parallel_loop3A_1657] {strides = array<i32>} : memref<256x64xf32, #tpu.memory_space<vmem>>, vector<16xf32>,
        tpu.vector_store_idx %arg9[%add3A_62, %broadcast_in_dim3A_1272, %select_n3A_150, %parallel_loop3A_1648], %parallel_loop3A_1658 : memref<8x2x8x129xf32, #tpu.memory_space<vmem>>[vector<16xi32>, vector<16xi32>, vector<16xi32>, vector<16xi32>], vector<16xf32>,
        %parallel_loop3A_1659 = arith.constant 128 : i32
        %parallel_loop3A_1660 = arith.addi %parallel_loop3A_1659, %parallel_loop3A_1644 : i32
        %parallel_loop3A_1661 = arith.index_cast %parallel_loop3A_1660 : i32 to index
        %parallel_loop3A_1662 = arith.constant 32 : index
        %parallel_loop3A_1663 = tpu.vector_load %arg7[%parallel_loop3A_1661, %parallel_loop3A_1662] {strides = array<i32>} : memref<256x64xf32, #tpu.memory_space<vmem>>, vector<16xf32>,
        tpu.vector_store_idx %arg9[%add3A_96, %broadcast_in_dim3A_1272, %select_n3A_150, %parallel_loop3A_1648], %parallel_loop3A_1663 : memref<8x2x8x129xf32, #tpu.memory_space<vmem>>[vector<16xi32>, vector<16xi32>, vector<16xi32>, vector<16xi32>], vector<16xf32>,
        %parallel_loop3A_1664 = arith.constant 128 : i32
        %parallel_loop3A_1665 = arith.addi %parallel_loop3A_1664, %parallel_loop3A_1644 : i32
        %parallel_loop3A_1666 = arith.index_cast %parallel_loop3A_1665 : i32 to index
        %parallel_loop3A_1667 = arith.constant 48 : index
        %parallel_loop3A_1668 = tpu.vector_load %arg7[%parallel_loop3A_1666, %parallel_loop3A_1667] {strides = array<i32>} : memref<256x64xf32, #tpu.memory_space<vmem>>, vector<16xf32>,
        tpu.vector_store_idx %arg9[%add3A_130, %broadcast_in_dim3A_1272, %select_n3A_150, %parallel_loop3A_1648], %parallel_loop3A_1668 : memref<8x2x8x129xf32, #tpu.memory_space<vmem>>[vector<16xi32>, vector<16xi32>, vector<16xi32>, vector<16xi32>], vector<16xf32>,
      } {sc.loop_unroll_factor = 1 : i64, sc.parallel_access}
      %add3A_1276 = arith.constant 2 : i32
      %add3A_1277 = arith.addi %mul3A_2, %add3A_1276 : i32
      %add3A_1278 = arith.constant 0 : i32
      %add3A_1279 = arith.addi %add3A_1277, %add3A_1278 : i32
      %dma_start3A_1280 = arith.constant 0 : i32
      %dma_start3A_1281 = arith.constant 0 : i32
      %dma_start3A_1282 = arith.constant 0 : i32
      %dma_start3A_1283 = arith.constant 0 : i32
      %dma_start3A_1284 = arith.constant 0 : i32
      %dma_start3A_1285 = tpu.memref_slice %arg9[%dma_start3A_1280, %dma_start3A_1281, %dma_start3A_1283, %dma_start3A_1284] : memref<8x2x8x129xf32, #tpu.memory_space<vmem>> -> memref<1x1x8x128xf32, #tpu.memory_space<vmem>>
      %dma_start3A_1286 = tpu.memref_squeeze %dma_start3A_1285 : memref<1x1x8x128xf32, #tpu.memory_space<vmem>> -> memref<8x128xf32, #tpu.memory_space<vmem>>
      %dma_start3A_1287 = arith.constant 0 : i32
      %dma_start3A_1288 = arith.constant 0 : i32
      %dma_start3A_1289 = tpu.memref_slice %arg4[%scan3A_816, %dma_start3A_1282, %add3A_1279, %dma_start3A_1287, %dma_start3A_1288] : memref<50x8x128x8x128xf32, #tpu.memory_space<hbm>> -> memref<1x1x1x8x128xf32, #tpu.memory_space<hbm>>
      %dma_start3A_1290 = tpu.memref_squeeze %dma_start3A_1289 : memref<1x1x1x8x128xf32, #tpu.memory_space<hbm>> -> memref<8x128xf32, #tpu.memory_space<hbm>>
      %dma_start3A_1291 = arith.constant 0 : i32
      %dma_start3A_1292 = arith.constant 0 : i32
      %dma_start3A_1293 = tpu.memref_slice %arg4[%scan3A_816, %dma_start3A_1282, %add3A_1279, %dma_start3A_1291, %dma_start3A_1292] : memref<50x8x128x8x128xf32, #tpu.memory_space<hbm>> -> memref<1x1x1x8x128xf32, #tpu.memory_space<hbm>>
      %dma_start3A_1294 = tpu.memref_squeeze %dma_start3A_1293 : memref<1x1x1x8x128xf32, #tpu.memory_space<hbm>> -> memref<8x128xf32, #tpu.memory_space<hbm>>
      %dma_start3A_1295 = arith.constant 0 : i32
      %dma_start3A_1296 = arith.constant 0 : i32
      %dma_start3A_1297 = tpu.memref_slice %arg9[%dma_start3A_1280, %dma_start3A_1281, %dma_start3A_1295, %dma_start3A_1296] : memref<8x2x8x129xf32, #tpu.memory_space<vmem>> -> memref<1x1x8x128xf32, #tpu.memory_space<vmem>>
      %dma_start3A_1298 = tpu.memref_squeeze %dma_start3A_1297 : memref<1x1x8x128xf32, #tpu.memory_space<vmem>> -> memref<8x128xf32, #tpu.memory_space<vmem>>
      tpu.enqueue_dma source(%dma_start3A_1298 : memref<8x128xf32, #tpu.memory_space<vmem>>) target(%dma_start3A_1294 : memref<8x128xf32, #tpu.memory_space<hbm>>) target_semaphore(%arg13 : memref<!tpu.dma_semaphore, #tpu.memory_space<semaphore_mem>>)
      %add3A_1299 = arith.constant 2 : i32
      %add3A_1300 = arith.addi %mul3A_2, %add3A_1299 : i32
      %add3A_1301 = arith.constant 1 : i32
      %add3A_1302 = arith.addi %add3A_1300, %add3A_1301 : i32
      %dma_start3A_1303 = arith.constant 0 : i32
      %dma_start3A_1304 = arith.constant 1 : i32
      %dma_start3A_1305 = arith.constant 0 : i32
      %dma_start3A_1306 = arith.constant 0 : i32
      %dma_start3A_1307 = arith.constant 0 : i32
      %dma_start3A_1308 = tpu.memref_slice %arg9[%dma_start3A_1303, %dma_start3A_1304, %dma_start3A_1306, %dma_start3A_1307] : memref<8x2x8x129xf32, #tpu.memory_space<vmem>> -> memref<1x1x8x128xf32, #tpu.memory_space<vmem>>
      %dma_start3A_1309 = tpu.memref_squeeze %dma_start3A_1308 : memref<1x1x8x128xf32, #tpu.memory_space<vmem>> -> memref<8x128xf32, #tpu.memory_space<vmem>>
      %dma_start3A_1310 = arith.constant 0 : i32
      %dma_start3A_1311 = arith.constant 0 : i32
      %dma_start3A_1312 = tpu.memref_slice %arg4[%scan3A_816, %dma_start3A_1305, %add3A_1302, %dma_start3A_1310, %dma_start3A_1311] : memref<50x8x128x8x128xf32, #tpu.memory_space<hbm>> -> memref<1x1x1x8x128xf32, #tpu.memory_space<hbm>>
      %dma_start3A_1313 = tpu.memref_squeeze %dma_start3A_1312 : memref<1x1x1x8x128xf32, #tpu.memory_space<hbm>> -> memref<8x128xf32, #tpu.memory_space<hbm>>
      %dma_start3A_1314 = arith.constant 0 : i32
      %dma_start3A_1315 = arith.constant 0 : i32
      %dma_start3A_1316 = tpu.memref_slice %arg4[%scan3A_816, %dma_start3A_1305, %add3A_1302, %dma_start3A_1314, %dma_start3A_1315] : memref<50x8x128x8x128xf32, #tpu.memory_space<hbm>> -> memref<1x1x1x8x128xf32, #tpu.memory_space<hbm>>
      %dma_start3A_1317 = tpu.memref_squeeze %dma_start3A_1316 : memref<1x1x1x8x128xf32, #tpu.memory_space<hbm>> -> memref<8x128xf32, #tpu.memory_space<hbm>>
      %dma_start3A_1318 = arith.constant 0 : i32
      %dma_start3A_1319 = arith.constant 0 : i32
      %dma_start3A_1320 = tpu.memref_slice %arg9[%dma_start3A_1303, %dma_start3A_1304, %dma_start3A_1318, %dma_start3A_1319] : memref<8x2x8x129xf32, #tpu.memory_space<vmem>> -> memref<1x1x8x128xf32, #tpu.memory_space<vmem>>
      %dma_start3A_1321 = tpu.memref_squeeze %dma_start3A_1320 : memref<1x1x8x128xf32, #tpu.memory_space<vmem>> -> memref<8x128xf32, #tpu.memory_space<vmem>>
      tpu.enqueue_dma source(%dma_start3A_1321 : memref<8x128xf32, #tpu.memory_space<vmem>>) target(%dma_start3A_1317 : memref<8x128xf32, #tpu.memory_space<hbm>>) target_semaphore(%arg13 : memref<!tpu.dma_semaphore, #tpu.memory_space<semaphore_mem>>)
      %add3A_1322 = arith.constant 2 : i32
      %add3A_1323 = arith.addi %mul3A_2, %add3A_1322 : i32
      %add3A_1324 = arith.constant 0 : i32
      %add3A_1325 = arith.addi %add3A_1323, %add3A_1324 : i32
      %dma_start3A_1326 = arith.constant 1 : i32
      %dma_start3A_1327 = arith.constant 0 : i32
      %dma_start3A_1328 = arith.constant 1 : i32
      %dma_start3A_1329 = arith.constant 0 : i32
      %dma_start3A_1330 = arith.constant 0 : i32
      %dma_start3A_1331 = tpu.memref_slice %arg9[%dma_start3A_1326, %dma_start3A_1327, %dma_start3A_1329, %dma_start3A_1330] : memref<8x2x8x129xf32, #tpu.memory_space<vmem>> -> memref<1x1x8x128xf32, #tpu.memory_space<vmem>>
      %dma_start3A_1332 = tpu.memref_squeeze %dma_start3A_1331 : memref<1x1x8x128xf32, #tpu.memory_space<vmem>> -> memref<8x128xf32, #tpu.memory_space<vmem>>
      %dma_start3A_1333 = arith.constant 0 : i32
      %dma_start3A_1334 = arith.constant 0 : i32
      %dma_start3A_1335 = tpu.memref_slice %arg4[%scan3A_816, %dma_start3A_1328, %add3A_1325, %dma_start3A_1333, %dma_start3A_1334] : memref<50x8x128x8x128xf32, #tpu.memory_space<hbm>> -> memref<1x1x1x8x128xf32, #tpu.memory_space<hbm>>
      %dma_start3A_1336 = tpu.memref_squeeze %dma_start3A_1335 : memref<1x1x1x8x128xf32, #tpu.memory_space<hbm>> -> memref<8x128xf32, #tpu.memory_space<hbm>>
      %dma_start3A_1337 = arith.constant 0 : i32
      %dma_start3A_1338 = arith.constant 0 : i32
      %dma_start3A_1339 = tpu.memref_slice %arg4[%scan3A_816, %dma_start3A_1328, %add3A_1325, %dma_start3A_1337, %dma_start3A_1338] : memref<50x8x128x8x128xf32, #tpu.memory_space<hbm>> -> memref<1x1x1x8x128xf32, #tpu.memory_space<hbm>>
      %dma_start3A_1340 = tpu.memref_squeeze %dma_start3A_1339 : memref<1x1x1x8x128xf32, #tpu.memory_space<hbm>> -> memref<8x128xf32, #tpu.memory_space<hbm>>
      %dma_start3A_1341 = arith.constant 0 : i32
      %dma_start3A_1342 = arith.constant 0 : i32
      %dma_start3A_1343 = tpu.memref_slice %arg9[%dma_start3A_1326, %dma_start3A_1327, %dma_start3A_1341, %dma_start3A_1342] : memref<8x2x8x129xf32, #tpu.memory_space<vmem>> -> memref<1x1x8x128xf32, #tpu.memory_space<vmem>>
      %dma_start3A_1344 = tpu.memref_squeeze %dma_start3A_1343 : memref<1x1x8x128xf32, #tpu.memory_space<vmem>> -> memref<8x128xf32, #tpu.memory_space<vmem>>
      tpu.enqueue_dma source(%dma_start3A_1344 : memref<8x128xf32, #tpu.memory_space<vmem>>) target(%dma_start3A_1340 : memref<8x128xf32, #tpu.memory_space<hbm>>) target_semaphore(%arg13 : memref<!tpu.dma_semaphore, #tpu.memory_space<semaphore_mem>>)
      %add3A_1345 = arith.constant 2 : i32
      %add3A_1346 = arith.addi %mul3A_2, %add3A_1345 : i32
      %add3A_1347 = arith.constant 1 : i32
      %add3A_1348 = arith.addi %add3A_1346, %add3A_1347 : i32
      %dma_start3A_1349 = arith.constant 1 : i32
      %dma_start3A_1350 = arith.constant 1 : i32
      %dma_start3A_1351 = arith.constant 1 : i32
      %dma_start3A_1352 = arith.constant 0 : i32
      %dma_start3A_1353 = arith.constant 0 : i32
      %dma_start3A_1354 = tpu.memref_slice %arg9[%dma_start3A_1349, %dma_start3A_1350, %dma_start3A_1352, %dma_start3A_1353] : memref<8x2x8x129xf32, #tpu.memory_space<vmem>> -> memref<1x1x8x128xf32, #tpu.memory_space<vmem>>
      %dma_start3A_1355 = tpu.memref_squeeze %dma_start3A_1354 : memref<1x1x8x128xf32, #tpu.memory_space<vmem>> -> memref<8x128xf32, #tpu.memory_space<vmem>>
      %dma_start3A_1356 = arith.constant 0 : i32
      %dma_start3A_1357 = arith.constant 0 : i32
      %dma_start3A_1358 = tpu.memref_slice %arg4[%scan3A_816, %dma_start3A_1351, %add3A_1348, %dma_start3A_1356, %dma_start3A_1357] : memref<50x8x128x8x128xf32, #tpu.memory_space<hbm>> -> memref<1x1x1x8x128xf32, #tpu.memory_space<hbm>>
      %dma_start3A_1359 = tpu.memref_squeeze %dma_start3A_1358 : memref<1x1x1x8x128xf32, #tpu.memory_space<hbm>> -> memref<8x128xf32, #tpu.memory_space<hbm>>
      %dma_start3A_1360 = arith.constant 0 : i32
      %dma_start3A_1361 = arith.constant 0 : i32
      %dma_start3A_1362 = tpu.memref_slice %arg4[%scan3A_816, %dma_start3A_1351, %add3A_1348, %dma_start3A_1360, %dma_start3A_1361] : memref<50x8x128x8x128xf32, #tpu.memory_space<hbm>> -> memref<1x1x1x8x128xf32, #tpu.memory_space<hbm>>
      %dma_start3A_1363 = tpu.memref_squeeze %dma_start3A_1362 : memref<1x1x1x8x128xf32, #tpu.memory_space<hbm>> -> memref<8x128xf32, #tpu.memory_space<hbm>>
      %dma_start3A_1364 = arith.constant 0 : i32
      %dma_start3A_1365 = arith.constant 0 : i32
      %dma_start3A_1366 = tpu.memref_slice %arg9[%dma_start3A_1349, %dma_start3A_1350, %dma_start3A_1364, %dma_start3A_1365] : memref<8x2x8x129xf32, #tpu.memory_space<vmem>> -> memref<1x1x8x128xf32, #tpu.memory_space<vmem>>
      %dma_start3A_1367 = tpu.memref_squeeze %dma_start3A_1366 : memref<1x1x8x128xf32, #tpu.memory_space<vmem>> -> memref<8x128xf32, #tpu.memory_space<vmem>>
      tpu.enqueue_dma source(%dma_start3A_1367 : memref<8x128xf32, #tpu.memory_space<vmem>>) target(%dma_start3A_1363 : memref<8x128xf32, #tpu.memory_space<hbm>>) target_semaphore(%arg13 : memref<!tpu.dma_semaphore, #tpu.memory_space<semaphore_mem>>)
      %add3A_1368 = arith.constant 2 : i32
      %add3A_1369 = arith.addi %mul3A_2, %add3A_1368 : i32
      %add3A_1370 = arith.constant 0 : i32
      %add3A_1371 = arith.addi %add3A_1369, %add3A_1370 : i32
      %dma_start3A_1372 = arith.constant 2 : i32
      %dma_start3A_1373 = arith.constant 0 : i32
      %dma_start3A_1374 = arith.constant 2 : i32
      %dma_start3A_1375 = arith.constant 0 : i32
      %dma_start3A_1376 = arith.constant 0 : i32
      %dma_start3A_1377 = tpu.memref_slice %arg9[%dma_start3A_1372, %dma_start3A_1373, %dma_start3A_1375, %dma_start3A_1376] : memref<8x2x8x129xf32, #tpu.memory_space<vmem>> -> memref<1x1x8x128xf32, #tpu.memory_space<vmem>>
      %dma_start3A_1378 = tpu.memref_squeeze %dma_start3A_1377 : memref<1x1x8x128xf32, #tpu.memory_space<vmem>> -> memref<8x128xf32, #tpu.memory_space<vmem>>
      %dma_start3A_1379 = arith.constant 0 : i32
      %dma_start3A_1380 = arith.constant 0 : i32
      %dma_start3A_1381 = tpu.memref_slice %arg4[%scan3A_816, %dma_start3A_1374, %add3A_1371, %dma_start3A_1379, %dma_start3A_1380] : memref<50x8x128x8x128xf32, #tpu.memory_space<hbm>> -> memref<1x1x1x8x128xf32, #tpu.memory_space<hbm>>
      %dma_start3A_1382 = tpu.memref_squeeze %dma_start3A_1381 : memref<1x1x1x8x128xf32, #tpu.memory_space<hbm>> -> memref<8x128xf32, #tpu.memory_space<hbm>>
      %dma_start3A_1383 = arith.constant 0 : i32
      %dma_start3A_1384 = arith.constant 0 : i32
      %dma_start3A_1385 = tpu.memref_slice %arg4[%scan3A_816, %dma_start3A_1374, %add3A_1371, %dma_start3A_1383, %dma_start3A_1384] : memref<50x8x128x8x128xf32, #tpu.memory_space<hbm>> -> memref<1x1x1x8x128xf32, #tpu.memory_space<hbm>>
      %dma_start3A_1386 = tpu.memref_squeeze %dma_start3A_1385 : memref<1x1x1x8x128xf32, #tpu.memory_space<hbm>> -> memref<8x128xf32, #tpu.memory_space<hbm>>
      %dma_start3A_1387 = arith.constant 0 : i32
      %dma_start3A_1388 = arith.constant 0 : i32
      %dma_start3A_1389 = tpu.memref_slice %arg9[%dma_start3A_1372, %dma_start3A_1373, %dma_start3A_1387, %dma_start3A_1388] : memref<8x2x8x129xf32, #tpu.memory_space<vmem>> -> memref<1x1x8x128xf32, #tpu.memory_space<vmem>>
      %dma_start3A_1390 = tpu.memref_squeeze %dma_start3A_1389 : memref<1x1x8x128xf32, #tpu.memory_space<vmem>> -> memref<8x128xf32, #tpu.memory_space<vmem>>
      tpu.enqueue_dma source(%dma_start3A_1390 : memref<8x128xf32, #tpu.memory_space<vmem>>) target(%dma_start3A_1386 : memref<8x128xf32, #tpu.memory_space<hbm>>) target_semaphore(%arg13 : memref<!tpu.dma_semaphore, #tpu.memory_space<semaphore_mem>>)
      %add3A_1391 = arith.constant 2 : i32
      %add3A_1392 = arith.addi %mul3A_2, %add3A_1391 : i32
      %add3A_1393 = arith.constant 1 : i32
      %add3A_1394 = arith.addi %add3A_1392, %add3A_1393 : i32
      %dma_start3A_1395 = arith.constant 2 : i32
      %dma_start3A_1396 = arith.constant 1 : i32
      %dma_start3A_1397 = arith.constant 2 : i32
      %dma_start3A_1398 = arith.constant 0 : i32
      %dma_start3A_1399 = arith.constant 0 : i32
      %dma_start3A_1400 = tpu.memref_slice %arg9[%dma_start3A_1395, %dma_start3A_1396, %dma_start3A_1398, %dma_start3A_1399] : memref<8x2x8x129xf32, #tpu.memory_space<vmem>> -> memref<1x1x8x128xf32, #tpu.memory_space<vmem>>
      %dma_start3A_1401 = tpu.memref_squeeze %dma_start3A_1400 : memref<1x1x8x128xf32, #tpu.memory_space<vmem>> -> memref<8x128xf32, #tpu.memory_space<vmem>>
      %dma_start3A_1402 = arith.constant 0 : i32
      %dma_start3A_1403 = arith.constant 0 : i32
      %dma_start3A_1404 = tpu.memref_slice %arg4[%scan3A_816, %dma_start3A_1397, %add3A_1394, %dma_start3A_1402, %dma_start3A_1403] : memref<50x8x128x8x128xf32, #tpu.memory_space<hbm>> -> memref<1x1x1x8x128xf32, #tpu.memory_space<hbm>>
      %dma_start3A_1405 = tpu.memref_squeeze %dma_start3A_1404 : memref<1x1x1x8x128xf32, #tpu.memory_space<hbm>> -> memref<8x128xf32, #tpu.memory_space<hbm>>
      %dma_start3A_1406 = arith.constant 0 : i32
      %dma_start3A_1407 = arith.constant 0 : i32
      %dma_start3A_1408 = tpu.memref_slice %arg4[%scan3A_816, %dma_start3A_1397, %add3A_1394, %dma_start3A_1406, %dma_start3A_1407] : memref<50x8x128x8x128xf32, #tpu.memory_space<hbm>> -> memref<1x1x1x8x128xf32, #tpu.memory_space<hbm>>
      %dma_start3A_1409 = tpu.memref_squeeze %dma_start3A_1408 : memref<1x1x1x8x128xf32, #tpu.memory_space<hbm>> -> memref<8x128xf32, #tpu.memory_space<hbm>>
      %dma_start3A_1410 = arith.constant 0 : i32
      %dma_start3A_1411 = arith.constant 0 : i32
      %dma_start3A_1412 = tpu.memref_slice %arg9[%dma_start3A_1395, %dma_start3A_1396, %dma_start3A_1410, %dma_start3A_1411] : memref<8x2x8x129xf32, #tpu.memory_space<vmem>> -> memref<1x1x8x128xf32, #tpu.memory_space<vmem>>
      %dma_start3A_1413 = tpu.memref_squeeze %dma_start3A_1412 : memref<1x1x8x128xf32, #tpu.memory_space<vmem>> -> memref<8x128xf32, #tpu.memory_space<vmem>>
      tpu.enqueue_dma source(%dma_start3A_1413 : memref<8x128xf32, #tpu.memory_space<vmem>>) target(%dma_start3A_1409 : memref<8x128xf32, #tpu.memory_space<hbm>>) target_semaphore(%arg13 : memref<!tpu.dma_semaphore, #tpu.memory_space<semaphore_mem>>)
      %add3A_1414 = arith.constant 2 : i32
      %add3A_1415 = arith.addi %mul3A_2, %add3A_1414 : i32
      %add3A_1416 = arith.constant 0 : i32
      %add3A_1417 = arith.addi %add3A_1415, %add3A_1416 : i32
      %dma_start3A_1418 = arith.constant 3 : i32
      %dma_start3A_1419 = arith.constant 0 : i32
      %dma_start3A_1420 = arith.constant 3 : i32
      %dma_start3A_1421 = arith.constant 0 : i32
      %dma_start3A_1422 = arith.constant 0 : i32
      %dma_start3A_1423 = tpu.memref_slice %arg9[%dma_start3A_1418, %dma_start3A_1419, %dma_start3A_1421, %dma_start3A_1422] : memref<8x2x8x129xf32, #tpu.memory_space<vmem>> -> memref<1x1x8x128xf32, #tpu.memory_space<vmem>>
      %dma_start3A_1424 = tpu.memref_squeeze %dma_start3A_1423 : memref<1x1x8x128xf32, #tpu.memory_space<vmem>> -> memref<8x128xf32, #tpu.memory_space<vmem>>
      %dma_start3A_1425 = arith.constant 0 : i32
      %dma_start3A_1426 = arith.constant 0 : i32
      %dma_start3A_1427 = tpu.memref_slice %arg4[%scan3A_816, %dma_start3A_1420, %add3A_1417, %dma_start3A_1425, %dma_start3A_1426] : memref<50x8x128x8x128xf32, #tpu.memory_space<hbm>> -> memref<1x1x1x8x128xf32, #tpu.memory_space<hbm>>
      %dma_start3A_1428 = tpu.memref_squeeze %dma_start3A_1427 : memref<1x1x1x8x128xf32, #tpu.memory_space<hbm>> -> memref<8x128xf32, #tpu.memory_space<hbm>>
      %dma_start3A_1429 = arith.constant 0 : i32
      %dma_start3A_1430 = arith.constant 0 : i32
      %dma_start3A_1431 = tpu.memref_slice %arg4[%scan3A_816, %dma_start3A_1420, %add3A_1417, %dma_start3A_1429, %dma_start3A_1430] : memref<50x8x128x8x128xf32, #tpu.memory_space<hbm>> -> memref<1x1x1x8x128xf32, #tpu.memory_space<hbm>>
      %dma_start3A_1432 = tpu.memref_squeeze %dma_start3A_1431 : memref<1x1x1x8x128xf32, #tpu.memory_space<hbm>> -> memref<8x128xf32, #tpu.memory_space<hbm>>
      %dma_start3A_1433 = arith.constant 0 : i32
      %dma_start3A_1434 = arith.constant 0 : i32
      %dma_start3A_1435 = tpu.memref_slice %arg9[%dma_start3A_1418, %dma_start3A_1419, %dma_start3A_1433, %dma_start3A_1434] : memref<8x2x8x129xf32, #tpu.memory_space<vmem>> -> memref<1x1x8x128xf32, #tpu.memory_space<vmem>>
      %dma_start3A_1436 = tpu.memref_squeeze %dma_start3A_1435 : memref<1x1x8x128xf32, #tpu.memory_space<vmem>> -> memref<8x128xf32, #tpu.memory_space<vmem>>
      tpu.enqueue_dma source(%dma_start3A_1436 : memref<8x128xf32, #tpu.memory_space<vmem>>) target(%dma_start3A_1432 : memref<8x128xf32, #tpu.memory_space<hbm>>) target_semaphore(%arg13 : memref<!tpu.dma_semaphore, #tpu.memory_space<semaphore_mem>>)
      %add3A_1437 = arith.constant 2 : i32
      %add3A_1438 = arith.addi %mul3A_2, %add3A_1437 : i32
      %add3A_1439 = arith.constant 1 : i32
      %add3A_1440 = arith.addi %add3A_1438, %add3A_1439 : i32
      %dma_start3A_1441 = arith.constant 3 : i32
      %dma_start3A_1442 = arith.constant 1 : i32
      %dma_start3A_1443 = arith.constant 3 : i32
      %dma_start3A_1444 = arith.constant 0 : i32
      %dma_start3A_1445 = arith.constant 0 : i32
      %dma_start3A_1446 = tpu.memref_slice %arg9[%dma_start3A_1441, %dma_start3A_1442, %dma_start3A_1444, %dma_start3A_1445] : memref<8x2x8x129xf32, #tpu.memory_space<vmem>> -> memref<1x1x8x128xf32, #tpu.memory_space<vmem>>
      %dma_start3A_1447 = tpu.memref_squeeze %dma_start3A_1446 : memref<1x1x8x128xf32, #tpu.memory_space<vmem>> -> memref<8x128xf32, #tpu.memory_space<vmem>>
      %dma_start3A_1448 = arith.constant 0 : i32
      %dma_start3A_1449 = arith.constant 0 : i32
      %dma_start3A_1450 = tpu.memref_slice %arg4[%scan3A_816, %dma_start3A_1443, %add3A_1440, %dma_start3A_1448, %dma_start3A_1449] : memref<50x8x128x8x128xf32, #tpu.memory_space<hbm>> -> memref<1x1x1x8x128xf32, #tpu.memory_space<hbm>>
      %dma_start3A_1451 = tpu.memref_squeeze %dma_start3A_1450 : memref<1x1x1x8x128xf32, #tpu.memory_space<hbm>> -> memref<8x128xf32, #tpu.memory_space<hbm>>
      %dma_start3A_1452 = arith.constant 0 : i32
      %dma_start3A_1453 = arith.constant 0 : i32
      %dma_start3A_1454 = tpu.memref_slice %arg4[%scan3A_816, %dma_start3A_1443, %add3A_1440, %dma_start3A_1452, %dma_start3A_1453] : memref<50x8x128x8x128xf32, #tpu.memory_space<hbm>> -> memref<1x1x1x8x128xf32, #tpu.memory_space<hbm>>
      %dma_start3A_1455 = tpu.memref_squeeze %dma_start3A_1454 : memref<1x1x1x8x128xf32, #tpu.memory_space<hbm>> -> memref<8x128xf32, #tpu.memory_space<hbm>>
      %dma_start3A_1456 = arith.constant 0 : i32
      %dma_start3A_1457 = arith.constant 0 : i32
      %dma_start3A_1458 = tpu.memref_slice %arg9[%dma_start3A_1441, %dma_start3A_1442, %dma_start3A_1456, %dma_start3A_1457] : memref<8x2x8x129xf32, #tpu.memory_space<vmem>> -> memref<1x1x8x128xf32, #tpu.memory_space<vmem>>
      %dma_start3A_1459 = tpu.memref_squeeze %dma_start3A_1458 : memref<1x1x8x128xf32, #tpu.memory_space<vmem>> -> memref<8x128xf32, #tpu.memory_space<vmem>>
      tpu.enqueue_dma source(%dma_start3A_1459 : memref<8x128xf32, #tpu.memory_space<vmem>>) target(%dma_start3A_1455 : memref<8x128xf32, #tpu.memory_space<hbm>>) target_semaphore(%arg13 : memref<!tpu.dma_semaphore, #tpu.memory_space<semaphore_mem>>)
      %add3A_1460 = arith.constant 2 : i32
      %add3A_1461 = arith.addi %mul3A_2, %add3A_1460 : i32
      %add3A_1462 = arith.constant 0 : i32
      %add3A_1463 = arith.addi %add3A_1461, %add3A_1462 : i32
      %dma_start3A_1464 = arith.constant 4 : i32
      %dma_start3A_1465 = arith.constant 0 : i32
      %dma_start3A_1466 = arith.constant 4 : i32
      %dma_start3A_1467 = arith.constant 0 : i32
      %dma_start3A_1468 = arith.constant 0 : i32
      %dma_start3A_1469 = tpu.memref_slice %arg9[%dma_start3A_1464, %dma_start3A_1465, %dma_start3A_1467, %dma_start3A_1468] : memref<8x2x8x129xf32, #tpu.memory_space<vmem>> -> memref<1x1x8x128xf32, #tpu.memory_space<vmem>>
      %dma_start3A_1470 = tpu.memref_squeeze %dma_start3A_1469 : memref<1x1x8x128xf32, #tpu.memory_space<vmem>> -> memref<8x128xf32, #tpu.memory_space<vmem>>
      %dma_start3A_1471 = arith.constant 0 : i32
      %dma_start3A_1472 = arith.constant 0 : i32
      %dma_start3A_1473 = tpu.memref_slice %arg4[%scan3A_816, %dma_start3A_1466, %add3A_1463, %dma_start3A_1471, %dma_start3A_1472] : memref<50x8x128x8x128xf32, #tpu.memory_space<hbm>> -> memref<1x1x1x8x128xf32, #tpu.memory_space<hbm>>
      %dma_start3A_1474 = tpu.memref_squeeze %dma_start3A_1473 : memref<1x1x1x8x128xf32, #tpu.memory_space<hbm>> -> memref<8x128xf32, #tpu.memory_space<hbm>>
      %dma_start3A_1475 = arith.constant 0 : i32
      %dma_start3A_1476 = arith.constant 0 : i32
      %dma_start3A_1477 = tpu.memref_slice %arg4[%scan3A_816, %dma_start3A_1466, %add3A_1463, %dma_start3A_1475, %dma_start3A_1476] : memref<50x8x128x8x128xf32, #tpu.memory_space<hbm>> -> memref<1x1x1x8x128xf32, #tpu.memory_space<hbm>>
      %dma_start3A_1478 = tpu.memref_squeeze %dma_start3A_1477 : memref<1x1x1x8x128xf32, #tpu.memory_space<hbm>> -> memref<8x128xf32, #tpu.memory_space<hbm>>
      %dma_start3A_1479 = arith.constant 0 : i32
      %dma_start3A_1480 = arith.constant 0 : i32
      %dma_start3A_1481 = tpu.memref_slice %arg9[%dma_start3A_1464, %dma_start3A_1465, %dma_start3A_1479, %dma_start3A_1480] : memref<8x2x8x129xf32, #tpu.memory_space<vmem>> -> memref<1x1x8x128xf32, #tpu.memory_space<vmem>>
      %dma_start3A_1482 = tpu.memref_squeeze %dma_start3A_1481 : memref<1x1x8x128xf32, #tpu.memory_space<vmem>> -> memref<8x128xf32, #tpu.memory_space<vmem>>
      tpu.enqueue_dma source(%dma_start3A_1482 : memref<8x128xf32, #tpu.memory_space<vmem>>) target(%dma_start3A_1478 : memref<8x128xf32, #tpu.memory_space<hbm>>) target_semaphore(%arg13 : memref<!tpu.dma_semaphore, #tpu.memory_space<semaphore_mem>>)
      %add3A_1483 = arith.constant 2 : i32
      %add3A_1484 = arith.addi %mul3A_2, %add3A_1483 : i32
      %add3A_1485 = arith.constant 1 : i32
      %add3A_1486 = arith.addi %add3A_1484, %add3A_1485 : i32
      %dma_start3A_1487 = arith.constant 4 : i32
      %dma_start3A_1488 = arith.constant 1 : i32
      %dma_start3A_1489 = arith.constant 4 : i32
      %dma_start3A_1490 = arith.constant 0 : i32
      %dma_start3A_1491 = arith.constant 0 : i32
      %dma_start3A_1492 = tpu.memref_slice %arg9[%dma_start3A_1487, %dma_start3A_1488, %dma_start3A_1490, %dma_start3A_1491] : memref<8x2x8x129xf32, #tpu.memory_space<vmem>> -> memref<1x1x8x128xf32, #tpu.memory_space<vmem>>
      %dma_start3A_1493 = tpu.memref_squeeze %dma_start3A_1492 : memref<1x1x8x128xf32, #tpu.memory_space<vmem>> -> memref<8x128xf32, #tpu.memory_space<vmem>>
      %dma_start3A_1494 = arith.constant 0 : i32
      %dma_start3A_1495 = arith.constant 0 : i32
      %dma_start3A_1496 = tpu.memref_slice %arg4[%scan3A_816, %dma_start3A_1489, %add3A_1486, %dma_start3A_1494, %dma_start3A_1495] : memref<50x8x128x8x128xf32, #tpu.memory_space<hbm>> -> memref<1x1x1x8x128xf32, #tpu.memory_space<hbm>>
      %dma_start3A_1497 = tpu.memref_squeeze %dma_start3A_1496 : memref<1x1x1x8x128xf32, #tpu.memory_space<hbm>> -> memref<8x128xf32, #tpu.memory_space<hbm>>
      %dma_start3A_1498 = arith.constant 0 : i32
      %dma_start3A_1499 = arith.constant 0 : i32
      %dma_start3A_1500 = tpu.memref_slice %arg4[%scan3A_816, %dma_start3A_1489, %add3A_1486, %dma_start3A_1498, %dma_start3A_1499] : memref<50x8x128x8x128xf32, #tpu.memory_space<hbm>> -> memref<1x1x1x8x128xf32, #tpu.memory_space<hbm>>
      %dma_start3A_1501 = tpu.memref_squeeze %dma_start3A_1500 : memref<1x1x1x8x128xf32, #tpu.memory_space<hbm>> -> memref<8x128xf32, #tpu.memory_space<hbm>>
      %dma_start3A_1502 = arith.constant 0 : i32
      %dma_start3A_1503 = arith.constant 0 : i32
      %dma_start3A_1504 = tpu.memref_slice %arg9[%dma_start3A_1487, %dma_start3A_1488, %dma_start3A_1502, %dma_start3A_1503] : memref<8x2x8x129xf32, #tpu.memory_space<vmem>> -> memref<1x1x8x128xf32, #tpu.memory_space<vmem>>
      %dma_start3A_1505 = tpu.memref_squeeze %dma_start3A_1504 : memref<1x1x8x128xf32, #tpu.memory_space<vmem>> -> memref<8x128xf32, #tpu.memory_space<vmem>>
      tpu.enqueue_dma source(%dma_start3A_1505 : memref<8x128xf32, #tpu.memory_space<vmem>>) target(%dma_start3A_1501 : memref<8x128xf32, #tpu.memory_space<hbm>>) target_semaphore(%arg13 : memref<!tpu.dma_semaphore, #tpu.memory_space<semaphore_mem>>)
      %add3A_1506 = arith.constant 2 : i32
      %add3A_1507 = arith.addi %mul3A_2, %add3A_1506 : i32
      %add3A_1508 = arith.constant 0 : i32
      %add3A_1509 = arith.addi %add3A_1507, %add3A_1508 : i32
      %dma_start3A_1510 = arith.constant 5 : i32
      %dma_start3A_1511 = arith.constant 0 : i32
      %dma_start3A_1512 = arith.constant 5 : i32
      %dma_start3A_1513 = arith.constant 0 : i32
      %dma_start3A_1514 = arith.constant 0 : i32
      %dma_start3A_1515 = tpu.memref_slice %arg9[%dma_start3A_1510, %dma_start3A_1511, %dma_start3A_1513, %dma_start3A_1514] : memref<8x2x8x129xf32, #tpu.memory_space<vmem>> -> memref<1x1x8x128xf32, #tpu.memory_space<vmem>>
      %dma_start3A_1516 = tpu.memref_squeeze %dma_start3A_1515 : memref<1x1x8x128xf32, #tpu.memory_space<vmem>> -> memref<8x128xf32, #tpu.memory_space<vmem>>
      %dma_start3A_1517 = arith.constant 0 : i32
      %dma_start3A_1518 = arith.constant 0 : i32
      %dma_start3A_1519 = tpu.memref_slice %arg4[%scan3A_816, %dma_start3A_1512, %add3A_1509, %dma_start3A_1517, %dma_start3A_1518] : memref<50x8x128x8x128xf32, #tpu.memory_space<hbm>> -> memref<1x1x1x8x128xf32, #tpu.memory_space<hbm>>
      %dma_start3A_1520 = tpu.memref_squeeze %dma_start3A_1519 : memref<1x1x1x8x128xf32, #tpu.memory_space<hbm>> -> memref<8x128xf32, #tpu.memory_space<hbm>>
      %dma_start3A_1521 = arith.constant 0 : i32
      %dma_start3A_1522 = arith.constant 0 : i32
      %dma_start3A_1523 = tpu.memref_slice %arg4[%scan3A_816, %dma_start3A_1512, %add3A_1509, %dma_start3A_1521, %dma_start3A_1522] : memref<50x8x128x8x128xf32, #tpu.memory_space<hbm>> -> memref<1x1x1x8x128xf32, #tpu.memory_space<hbm>>
      %dma_start3A_1524 = tpu.memref_squeeze %dma_start3A_1523 : memref<1x1x1x8x128xf32, #tpu.memory_space<hbm>> -> memref<8x128xf32, #tpu.memory_space<hbm>>
      %dma_start3A_1525 = arith.constant 0 : i32
      %dma_start3A_1526 = arith.constant 0 : i32
      %dma_start3A_1527 = tpu.memref_slice %arg9[%dma_start3A_1510, %dma_start3A_1511, %dma_start3A_1525, %dma_start3A_1526] : memref<8x2x8x129xf32, #tpu.memory_space<vmem>> -> memref<1x1x8x128xf32, #tpu.memory_space<vmem>>
      %dma_start3A_1528 = tpu.memref_squeeze %dma_start3A_1527 : memref<1x1x8x128xf32, #tpu.memory_space<vmem>> -> memref<8x128xf32, #tpu.memory_space<vmem>>
      tpu.enqueue_dma source(%dma_start3A_1528 : memref<8x128xf32, #tpu.memory_space<vmem>>) target(%dma_start3A_1524 : memref<8x128xf32, #tpu.memory_space<hbm>>) target_semaphore(%arg13 : memref<!tpu.dma_semaphore, #tpu.memory_space<semaphore_mem>>)
      %add3A_1529 = arith.constant 2 : i32
      %add3A_1530 = arith.addi %mul3A_2, %add3A_1529 : i32
      %add3A_1531 = arith.constant 1 : i32
      %add3A_1532 = arith.addi %add3A_1530, %add3A_1531 : i32
      %dma_start3A_1533 = arith.constant 5 : i32
      %dma_start3A_1534 = arith.constant 1 : i32
      %dma_start3A_1535 = arith.constant 5 : i32
      %dma_start3A_1536 = arith.constant 0 : i32
      %dma_start3A_1537 = arith.constant 0 : i32
      %dma_start3A_1538 = tpu.memref_slice %arg9[%dma_start3A_1533, %dma_start3A_1534, %dma_start3A_1536, %dma_start3A_1537] : memref<8x2x8x129xf32, #tpu.memory_space<vmem>> -> memref<1x1x8x128xf32, #tpu.memory_space<vmem>>
      %dma_start3A_1539 = tpu.memref_squeeze %dma_start3A_1538 : memref<1x1x8x128xf32, #tpu.memory_space<vmem>> -> memref<8x128xf32, #tpu.memory_space<vmem>>
      %dma_start3A_1540 = arith.constant 0 : i32
      %dma_start3A_1541 = arith.constant 0 : i32
      %dma_start3A_1542 = tpu.memref_slice %arg4[%scan3A_816, %dma_start3A_1535, %add3A_1532, %dma_start3A_1540, %dma_start3A_1541] : memref<50x8x128x8x128xf32, #tpu.memory_space<hbm>> -> memref<1x1x1x8x128xf32, #tpu.memory_space<hbm>>
      %dma_start3A_1543 = tpu.memref_squeeze %dma_start3A_1542 : memref<1x1x1x8x128xf32, #tpu.memory_space<hbm>> -> memref<8x128xf32, #tpu.memory_space<hbm>>
      %dma_start3A_1544 = arith.constant 0 : i32
      %dma_start3A_1545 = arith.constant 0 : i32
      %dma_start3A_1546 = tpu.memref_slice %arg4[%scan3A_816, %dma_start3A_1535, %add3A_1532, %dma_start3A_1544, %dma_start3A_1545] : memref<50x8x128x8x128xf32, #tpu.memory_space<hbm>> -> memref<1x1x1x8x128xf32, #tpu.memory_space<hbm>>
      %dma_start3A_1547 = tpu.memref_squeeze %dma_start3A_1546 : memref<1x1x1x8x128xf32, #tpu.memory_space<hbm>> -> memref<8x128xf32, #tpu.memory_space<hbm>>
      %dma_start3A_1548 = arith.constant 0 : i32
      %dma_start3A_1549 = arith.constant 0 : i32
      %dma_start3A_1550 = tpu.memref_slice %arg9[%dma_start3A_1533, %dma_start3A_1534, %dma_start3A_1548, %dma_start3A_1549] : memref<8x2x8x129xf32, #tpu.memory_space<vmem>> -> memref<1x1x8x128xf32, #tpu.memory_space<vmem>>
      %dma_start3A_1551 = tpu.memref_squeeze %dma_start3A_1550 : memref<1x1x8x128xf32, #tpu.memory_space<vmem>> -> memref<8x128xf32, #tpu.memory_space<vmem>>
      tpu.enqueue_dma source(%dma_start3A_1551 : memref<8x128xf32, #tpu.memory_space<vmem>>) target(%dma_start3A_1547 : memref<8x128xf32, #tpu.memory_space<hbm>>) target_semaphore(%arg13 : memref<!tpu.dma_semaphore, #tpu.memory_space<semaphore_mem>>)
      %add3A_1552 = arith.constant 2 : i32
      %add3A_1553 = arith.addi %mul3A_2, %add3A_1552 : i32
      %add3A_1554 = arith.constant 0 : i32
      %add3A_1555 = arith.addi %add3A_1553, %add3A_1554 : i32
      %dma_start3A_1556 = arith.constant 6 : i32
      %dma_start3A_1557 = arith.constant 0 : i32
      %dma_start3A_1558 = arith.constant 6 : i32
      %dma_start3A_1559 = arith.constant 0 : i32
      %dma_start3A_1560 = arith.constant 0 : i32
      %dma_start3A_1561 = tpu.memref_slice %arg9[%dma_start3A_1556, %dma_start3A_1557, %dma_start3A_1559, %dma_start3A_1560] : memref<8x2x8x129xf32, #tpu.memory_space<vmem>> -> memref<1x1x8x128xf32, #tpu.memory_space<vmem>>
      %dma_start3A_1562 = tpu.memref_squeeze %dma_start3A_1561 : memref<1x1x8x128xf32, #tpu.memory_space<vmem>> -> memref<8x128xf32, #tpu.memory_space<vmem>>
      %dma_start3A_1563 = arith.constant 0 : i32
      %dma_start3A_1564 = arith.constant 0 : i32
      %dma_start3A_1565 = tpu.memref_slice %arg4[%scan3A_816, %dma_start3A_1558, %add3A_1555, %dma_start3A_1563, %dma_start3A_1564] : memref<50x8x128x8x128xf32, #tpu.memory_space<hbm>> -> memref<1x1x1x8x128xf32, #tpu.memory_space<hbm>>
      %dma_start3A_1566 = tpu.memref_squeeze %dma_start3A_1565 : memref<1x1x1x8x128xf32, #tpu.memory_space<hbm>> -> memref<8x128xf32, #tpu.memory_space<hbm>>
      %dma_start3A_1567 = arith.constant 0 : i32
      %dma_start3A_1568 = arith.constant 0 : i32
      %dma_start3A_1569 = tpu.memref_slice %arg4[%scan3A_816, %dma_start3A_1558, %add3A_1555, %dma_start3A_1567, %dma_start3A_1568] : memref<50x8x128x8x128xf32, #tpu.memory_space<hbm>> -> memref<1x1x1x8x128xf32, #tpu.memory_space<hbm>>
      %dma_start3A_1570 = tpu.memref_squeeze %dma_start3A_1569 : memref<1x1x1x8x128xf32, #tpu.memory_space<hbm>> -> memref<8x128xf32, #tpu.memory_space<hbm>>
      %dma_start3A_1571 = arith.constant 0 : i32
      %dma_start3A_1572 = arith.constant 0 : i32
      %dma_start3A_1573 = tpu.memref_slice %arg9[%dma_start3A_1556, %dma_start3A_1557, %dma_start3A_1571, %dma_start3A_1572] : memref<8x2x8x129xf32, #tpu.memory_space<vmem>> -> memref<1x1x8x128xf32, #tpu.memory_space<vmem>>
      %dma_start3A_1574 = tpu.memref_squeeze %dma_start3A_1573 : memref<1x1x8x128xf32, #tpu.memory_space<vmem>> -> memref<8x128xf32, #tpu.memory_space<vmem>>
      tpu.enqueue_dma source(%dma_start3A_1574 : memref<8x128xf32, #tpu.memory_space<vmem>>) target(%dma_start3A_1570 : memref<8x128xf32, #tpu.memory_space<hbm>>) target_semaphore(%arg13 : memref<!tpu.dma_semaphore, #tpu.memory_space<semaphore_mem>>)
      %add3A_1575 = arith.constant 2 : i32
      %add3A_1576 = arith.addi %mul3A_2, %add3A_1575 : i32
      %add3A_1577 = arith.constant 1 : i32
      %add3A_1578 = arith.addi %add3A_1576, %add3A_1577 : i32
      %dma_start3A_1579 = arith.constant 6 : i32
      %dma_start3A_1580 = arith.constant 1 : i32
      %dma_start3A_1581 = arith.constant 6 : i32
      %dma_start3A_1582 = arith.constant 0 : i32
      %dma_start3A_1583 = arith.constant 0 : i32
      %dma_start3A_1584 = tpu.memref_slice %arg9[%dma_start3A_1579, %dma_start3A_1580, %dma_start3A_1582, %dma_start3A_1583] : memref<8x2x8x129xf32, #tpu.memory_space<vmem>> -> memref<1x1x8x128xf32, #tpu.memory_space<vmem>>
      %dma_start3A_1585 = tpu.memref_squeeze %dma_start3A_1584 : memref<1x1x8x128xf32, #tpu.memory_space<vmem>> -> memref<8x128xf32, #tpu.memory_space<vmem>>
      %dma_start3A_1586 = arith.constant 0 : i32
      %dma_start3A_1587 = arith.constant 0 : i32
      %dma_start3A_1588 = tpu.memref_slice %arg4[%scan3A_816, %dma_start3A_1581, %add3A_1578, %dma_start3A_1586, %dma_start3A_1587] : memref<50x8x128x8x128xf32, #tpu.memory_space<hbm>> -> memref<1x1x1x8x128xf32, #tpu.memory_space<hbm>>
      %dma_start3A_1589 = tpu.memref_squeeze %dma_start3A_1588 : memref<1x1x1x8x128xf32, #tpu.memory_space<hbm>> -> memref<8x128xf32, #tpu.memory_space<hbm>>
      %dma_start3A_1590 = arith.constant 0 : i32
      %dma_start3A_1591 = arith.constant 0 : i32
      %dma_start3A_1592 = tpu.memref_slice %arg4[%scan3A_816, %dma_start3A_1581, %add3A_1578, %dma_start3A_1590, %dma_start3A_1591] : memref<50x8x128x8x128xf32, #tpu.memory_space<hbm>> -> memref<1x1x1x8x128xf32, #tpu.memory_space<hbm>>
      %dma_start3A_1593 = tpu.memref_squeeze %dma_start3A_1592 : memref<1x1x1x8x128xf32, #tpu.memory_space<hbm>> -> memref<8x128xf32, #tpu.memory_space<hbm>>
      %dma_start3A_1594 = arith.constant 0 : i32
      %dma_start3A_1595 = arith.constant 0 : i32
      %dma_start3A_1596 = tpu.memref_slice %arg9[%dma_start3A_1579, %dma_start3A_1580, %dma_start3A_1594, %dma_start3A_1595] : memref<8x2x8x129xf32, #tpu.memory_space<vmem>> -> memref<1x1x8x128xf32, #tpu.memory_space<vmem>>
      %dma_start3A_1597 = tpu.memref_squeeze %dma_start3A_1596 : memref<1x1x8x128xf32, #tpu.memory_space<vmem>> -> memref<8x128xf32, #tpu.memory_space<vmem>>
      tpu.enqueue_dma source(%dma_start3A_1597 : memref<8x128xf32, #tpu.memory_space<vmem>>) target(%dma_start3A_1593 : memref<8x128xf32, #tpu.memory_space<hbm>>) target_semaphore(%arg13 : memref<!tpu.dma_semaphore, #tpu.memory_space<semaphore_mem>>)
      %add3A_1598 = arith.constant 2 : i32
      %add3A_1599 = arith.addi %mul3A_2, %add3A_1598 : i32
      %add3A_1600 = arith.constant 0 : i32
      %add3A_1601 = arith.addi %add3A_1599, %add3A_1600 : i32
      %dma_start3A_1602 = arith.constant 7 : i32
      %dma_start3A_1603 = arith.constant 0 : i32
      %dma_start3A_1604 = arith.constant 7 : i32
      %dma_start3A_1605 = arith.constant 0 : i32
      %dma_start3A_1606 = arith.constant 0 : i32
      %dma_start3A_1607 = tpu.memref_slice %arg9[%dma_start3A_1602, %dma_start3A_1603, %dma_start3A_1605, %dma_start3A_1606] : memref<8x2x8x129xf32, #tpu.memory_space<vmem>> -> memref<1x1x8x128xf32, #tpu.memory_space<vmem>>
      %dma_start3A_1608 = tpu.memref_squeeze %dma_start3A_1607 : memref<1x1x8x128xf32, #tpu.memory_space<vmem>> -> memref<8x128xf32, #tpu.memory_space<vmem>>
      %dma_start3A_1609 = arith.constant 0 : i32
      %dma_start3A_1610 = arith.constant 0 : i32
      %dma_start3A_1611 = tpu.memref_slice %arg4[%scan3A_816, %dma_start3A_1604, %add3A_1601, %dma_start3A_1609, %dma_start3A_1610] : memref<50x8x128x8x128xf32, #tpu.memory_space<hbm>> -> memref<1x1x1x8x128xf32, #tpu.memory_space<hbm>>
      %dma_start3A_1612 = tpu.memref_squeeze %dma_start3A_1611 : memref<1x1x1x8x128xf32, #tpu.memory_space<hbm>> -> memref<8x128xf32, #tpu.memory_space<hbm>>
      %dma_start3A_1613 = arith.constant 0 : i32
      %dma_start3A_1614 = arith.constant 0 : i32
      %dma_start3A_1615 = tpu.memref_slice %arg4[%scan3A_816, %dma_start3A_1604, %add3A_1601, %dma_start3A_1613, %dma_start3A_1614] : memref<50x8x128x8x128xf32, #tpu.memory_space<hbm>> -> memref<1x1x1x8x128xf32, #tpu.memory_space<hbm>>
      %dma_start3A_1616 = tpu.memref_squeeze %dma_start3A_1615 : memref<1x1x1x8x128xf32, #tpu.memory_space<hbm>> -> memref<8x128xf32, #tpu.memory_space<hbm>>
      %dma_start3A_1617 = arith.constant 0 : i32
      %dma_start3A_1618 = arith.constant 0 : i32
      %dma_start3A_1619 = tpu.memref_slice %arg9[%dma_start3A_1602, %dma_start3A_1603, %dma_start3A_1617, %dma_start3A_1618] : memref<8x2x8x129xf32, #tpu.memory_space<vmem>> -> memref<1x1x8x128xf32, #tpu.memory_space<vmem>>
      %dma_start3A_1620 = tpu.memref_squeeze %dma_start3A_1619 : memref<1x1x8x128xf32, #tpu.memory_space<vmem>> -> memref<8x128xf32, #tpu.memory_space<vmem>>
      tpu.enqueue_dma source(%dma_start3A_1620 : memref<8x128xf32, #tpu.memory_space<vmem>>) target(%dma_start3A_1616 : memref<8x128xf32, #tpu.memory_space<hbm>>) target_semaphore(%arg13 : memref<!tpu.dma_semaphore, #tpu.memory_space<semaphore_mem>>)
      %add3A_1621 = arith.constant 2 : i32
      %add3A_1622 = arith.addi %mul3A_2, %add3A_1621 : i32
      %add3A_1623 = arith.constant 1 : i32
      %add3A_1624 = arith.addi %add3A_1622, %add3A_1623 : i32
      %dma_start3A_1625 = arith.constant 7 : i32
      %dma_start3A_1626 = arith.constant 1 : i32
      %dma_start3A_1627 = arith.constant 7 : i32
      %dma_start3A_1628 = arith.constant 0 : i32
      %dma_start3A_1629 = arith.constant 0 : i32
      %dma_start3A_1630 = tpu.memref_slice %arg9[%dma_start3A_1625, %dma_start3A_1626, %dma_start3A_1628, %dma_start3A_1629] : memref<8x2x8x129xf32, #tpu.memory_space<vmem>> -> memref<1x1x8x128xf32, #tpu.memory_space<vmem>>
      %dma_start3A_1631 = tpu.memref_squeeze %dma_start3A_1630 : memref<1x1x8x128xf32, #tpu.memory_space<vmem>> -> memref<8x128xf32, #tpu.memory_space<vmem>>
      %dma_start3A_1632 = arith.constant 0 : i32
      %dma_start3A_1633 = arith.constant 0 : i32
      %dma_start3A_1634 = tpu.memref_slice %arg4[%scan3A_816, %dma_start3A_1627, %add3A_1624, %dma_start3A_1632, %dma_start3A_1633] : memref<50x8x128x8x128xf32, #tpu.memory_space<hbm>> -> memref<1x1x1x8x128xf32, #tpu.memory_space<hbm>>
      %dma_start3A_1635 = tpu.memref_squeeze %dma_start3A_1634 : memref<1x1x1x8x128xf32, #tpu.memory_space<hbm>> -> memref<8x128xf32, #tpu.memory_space<hbm>>
      %dma_start3A_1636 = arith.constant 0 : i32
      %dma_start3A_1637 = arith.constant 0 : i32
      %dma_start3A_1638 = tpu.memref_slice %arg4[%scan3A_816, %dma_start3A_1627, %add3A_1624, %dma_start3A_1636, %dma_start3A_1637] : memref<50x8x128x8x128xf32, #tpu.memory_space<hbm>> -> memref<1x1x1x8x128xf32, #tpu.memory_space<hbm>>
      %dma_start3A_1639 = tpu.memref_squeeze %dma_start3A_1638 : memref<1x1x1x8x128xf32, #tpu.memory_space<hbm>> -> memref<8x128xf32, #tpu.memory_space<hbm>>
      %dma_start3A_1640 = arith.constant 0 : i32
      %dma_start3A_1641 = arith.constant 0 : i32
      %dma_start3A_1642 = tpu.memref_slice %arg9[%dma_start3A_1625, %dma_start3A_1626, %dma_start3A_1640, %dma_start3A_1641] : memref<8x2x8x129xf32, #tpu.memory_space<vmem>> -> memref<1x1x8x128xf32, #tpu.memory_space<vmem>>
      %dma_start3A_1643 = tpu.memref_squeeze %dma_start3A_1642 : memref<1x1x8x128xf32, #tpu.memory_space<vmem>> -> memref<8x128xf32, #tpu.memory_space<vmem>>
      tpu.enqueue_dma source(%dma_start3A_1643 : memref<8x128xf32, #tpu.memory_space<vmem>>) target(%dma_start3A_1639 : memref<8x128xf32, #tpu.memory_space<hbm>>) target_semaphore(%arg13 : memref<!tpu.dma_semaphore, #tpu.memory_space<semaphore_mem>>)
    }
    %scan3A_176 = arith.constant 50 : i32
    %dma_wait3A = arith.constant 0 : i32
    %dma_wait3A_177 = arith.constant 0 : i32
    %dma_wait3A_178 = arith.constant 0 : i32
    %dma_wait3A_179 = arith.constant 0 : i32
    %dma_wait3A_180 = arith.constant 0 : i32
    %dma_wait3A_181 = arith.constant 0 : i32
    %dma_wait3A_182 = tpu.memref_slice %arg8[%dma_wait3A, %dma_wait3A_177, %dma_wait3A_180, %dma_wait3A_181] : memref<8x2x8x129xf32, #tpu.memory_space<vmem>> -> memref<1x1x8x128xf32, #tpu.memory_space<vmem>>
    %dma_wait3A_183 = tpu.memref_squeeze %dma_wait3A_182 : memref<1x1x8x128xf32, #tpu.memory_space<vmem>> -> memref<8x128xf32, #tpu.memory_space<vmem>>
    %dma_wait3A_184 = arith.constant 0 : i32
    %dma_wait3A_185 = arith.constant 0 : i32
    %dma_wait3A_186 = tpu.memref_slice %arg4[%dma_wait3A_178, %dma_wait3A_179, %mul3A_2, %dma_wait3A_184, %dma_wait3A_185] : memref<50x8x128x8x128xf32, #tpu.memory_space<hbm>> -> memref<1x1x1x8x128xf32, #tpu.memory_space<hbm>>
    %dma_wait3A_187 = tpu.memref_squeeze %dma_wait3A_186 : memref<1x1x1x8x128xf32, #tpu.memory_space<hbm>> -> memref<8x128xf32, #tpu.memory_space<hbm>>
    %dma_wait3A_188 = arith.constant 0 : i32
    %dma_wait3A_189 = arith.constant 0 : i32
    %dma_wait3A_190 = tpu.memref_slice %arg4[%dma_wait3A_178, %dma_wait3A_179, %mul3A_2, %dma_wait3A_188, %dma_wait3A_189] : memref<50x8x128x8x128xf32, #tpu.memory_space<hbm>> -> memref<1x1x1x8x128xf32, #tpu.memory_space<hbm>>
    %dma_wait3A_191 = tpu.memref_squeeze %dma_wait3A_190 : memref<1x1x1x8x128xf32, #tpu.memory_space<hbm>> -> memref<8x128xf32, #tpu.memory_space<hbm>>
    %dma_wait3A_192 = arith.constant 0 : i32
    %dma_wait3A_193 = arith.constant 0 : i32
    %dma_wait3A_194 = tpu.memref_slice %arg8[%dma_wait3A, %dma_wait3A_177, %dma_wait3A_192, %dma_wait3A_193] : memref<8x2x8x129xf32, #tpu.memory_space<vmem>> -> memref<1x1x8x128xf32, #tpu.memory_space<vmem>>
    %dma_wait3A_195 = tpu.memref_squeeze %dma_wait3A_194 : memref<1x1x8x128xf32, #tpu.memory_space<vmem>> -> memref<8x128xf32, #tpu.memory_space<vmem>>
    tpu.wait_dma2 semaphore(%arg12 : memref<!tpu.dma_semaphore, #tpu.memory_space<semaphore_mem>>) src(%dma_wait3A_195 : memref<8x128xf32, #tpu.memory_space<vmem>>) dst(%dma_wait3A_191 : memref<8x128xf32, #tpu.memory_space<hbm>>)
    %dma_wait3A_196 = arith.constant 0 : i32
    %dma_wait3A_197 = arith.constant 1 : i32
    %dma_wait3A_198 = arith.constant 0 : i32
    %dma_wait3A_199 = arith.constant 0 : i32
    %dma_wait3A_200 = arith.constant 0 : i32
    %dma_wait3A_201 = arith.constant 0 : i32
    %dma_wait3A_202 = tpu.memref_slice %arg8[%dma_wait3A_196, %dma_wait3A_197, %dma_wait3A_200, %dma_wait3A_201] : memref<8x2x8x129xf32, #tpu.memory_space<vmem>> -> memref<1x1x8x128xf32, #tpu.memory_space<vmem>>
    %dma_wait3A_203 = tpu.memref_squeeze %dma_wait3A_202 : memref<1x1x8x128xf32, #tpu.memory_space<vmem>> -> memref<8x128xf32, #tpu.memory_space<vmem>>
    %dma_wait3A_204 = arith.constant 0 : i32
    %dma_wait3A_205 = arith.constant 0 : i32
    %dma_wait3A_206 = tpu.memref_slice %arg4[%dma_wait3A_198, %dma_wait3A_199, %mul3A_2, %dma_wait3A_204, %dma_wait3A_205] : memref<50x8x128x8x128xf32, #tpu.memory_space<hbm>> -> memref<1x1x1x8x128xf32, #tpu.memory_space<hbm>>
    %dma_wait3A_207 = tpu.memref_squeeze %dma_wait3A_206 : memref<1x1x1x8x128xf32, #tpu.memory_space<hbm>> -> memref<8x128xf32, #tpu.memory_space<hbm>>
    %dma_wait3A_208 = arith.constant 0 : i32
    %dma_wait3A_209 = arith.constant 0 : i32
    %dma_wait3A_210 = tpu.memref_slice %arg4[%dma_wait3A_198, %dma_wait3A_199, %mul3A_2, %dma_wait3A_208, %dma_wait3A_209] : memref<50x8x128x8x128xf32, #tpu.memory_space<hbm>> -> memref<1x1x1x8x128xf32, #tpu.memory_space<hbm>>
    %dma_wait3A_211 = tpu.memref_squeeze %dma_wait3A_210 : memref<1x1x1x8x128xf32, #tpu.memory_space<hbm>> -> memref<8x128xf32, #tpu.memory_space<hbm>>
    %dma_wait3A_212 = arith.constant 0 : i32
    %dma_wait3A_213 = arith.constant 0 : i32
    %dma_wait3A_214 = tpu.memref_slice %arg8[%dma_wait3A_196, %dma_wait3A_197, %dma_wait3A_212, %dma_wait3A_213] : memref<8x2x8x129xf32, #tpu.memory_space<vmem>> -> memref<1x1x8x128xf32, #tpu.memory_space<vmem>>
    %dma_wait3A_215 = tpu.memref_squeeze %dma_wait3A_214 : memref<1x1x8x128xf32, #tpu.memory_space<vmem>> -> memref<8x128xf32, #tpu.memory_space<vmem>>
    tpu.wait_dma2 semaphore(%arg12 : memref<!tpu.dma_semaphore, #tpu.memory_space<semaphore_mem>>) src(%dma_wait3A_215 : memref<8x128xf32, #tpu.memory_space<vmem>>) dst(%dma_wait3A_211 : memref<8x128xf32, #tpu.memory_space<hbm>>)
    %dma_wait3A_216 = arith.constant 1 : i32
    %dma_wait3A_217 = arith.constant 0 : i32
    %dma_wait3A_218 = arith.constant 0 : i32
    %dma_wait3A_219 = arith.constant 1 : i32
    %dma_wait3A_220 = arith.constant 0 : i32
    %dma_wait3A_221 = arith.constant 0 : i32
    %dma_wait3A_222 = tpu.memref_slice %arg8[%dma_wait3A_216, %dma_wait3A_217, %dma_wait3A_220, %dma_wait3A_221] : memref<8x2x8x129xf32, #tpu.memory_space<vmem>> -> memref<1x1x8x128xf32, #tpu.memory_space<vmem>>
    %dma_wait3A_223 = tpu.memref_squeeze %dma_wait3A_222 : memref<1x1x8x128xf32, #tpu.memory_space<vmem>> -> memref<8x128xf32, #tpu.memory_space<vmem>>
    %dma_wait3A_224 = arith.constant 0 : i32
    %dma_wait3A_225 = arith.constant 0 : i32
    %dma_wait3A_226 = tpu.memref_slice %arg4[%dma_wait3A_218, %dma_wait3A_219, %mul3A_2, %dma_wait3A_224, %dma_wait3A_225] : memref<50x8x128x8x128xf32, #tpu.memory_space<hbm>> -> memref<1x1x1x8x128xf32, #tpu.memory_space<hbm>>
    %dma_wait3A_227 = tpu.memref_squeeze %dma_wait3A_226 : memref<1x1x1x8x128xf32, #tpu.memory_space<hbm>> -> memref<8x128xf32, #tpu.memory_space<hbm>>
    %dma_wait3A_228 = arith.constant 0 : i32
    %dma_wait3A_229 = arith.constant 0 : i32
    %dma_wait3A_230 = tpu.memref_slice %arg4[%dma_wait3A_218, %dma_wait3A_219, %mul3A_2, %dma_wait3A_228, %dma_wait3A_229] : memref<50x8x128x8x128xf32, #tpu.memory_space<hbm>> -> memref<1x1x1x8x128xf32, #tpu.memory_space<hbm>>
    %dma_wait3A_231 = tpu.memref_squeeze %dma_wait3A_230 : memref<1x1x1x8x128xf32, #tpu.memory_space<hbm>> -> memref<8x128xf32, #tpu.memory_space<hbm>>
    %dma_wait3A_232 = arith.constant 0 : i32
    %dma_wait3A_233 = arith.constant 0 : i32
    %dma_wait3A_234 = tpu.memref_slice %arg8[%dma_wait3A_216, %dma_wait3A_217, %dma_wait3A_232, %dma_wait3A_233] : memref<8x2x8x129xf32, #tpu.memory_space<vmem>> -> memref<1x1x8x128xf32, #tpu.memory_space<vmem>>
    %dma_wait3A_235 = tpu.memref_squeeze %dma_wait3A_234 : memref<1x1x8x128xf32, #tpu.memory_space<vmem>> -> memref<8x128xf32, #tpu.memory_space<vmem>>
    tpu.wait_dma2 semaphore(%arg12 : memref<!tpu.dma_semaphore, #tpu.memory_space<semaphore_mem>>) src(%dma_wait3A_235 : memref<8x128xf32, #tpu.memory_space<vmem>>) dst(%dma_wait3A_231 : memref<8x128xf32, #tpu.memory_space<hbm>>)
    %dma_wait3A_236 = arith.constant 1 : i32
    %dma_wait3A_237 = arith.constant 1 : i32
    %dma_wait3A_238 = arith.constant 0 : i32
    %dma_wait3A_239 = arith.constant 1 : i32
    %dma_wait3A_240 = arith.constant 0 : i32
    %dma_wait3A_241 = arith.constant 0 : i32
    %dma_wait3A_242 = tpu.memref_slice %arg8[%dma_wait3A_236, %dma_wait3A_237, %dma_wait3A_240, %dma_wait3A_241] : memref<8x2x8x129xf32, #tpu.memory_space<vmem>> -> memref<1x1x8x128xf32, #tpu.memory_space<vmem>>
    %dma_wait3A_243 = tpu.memref_squeeze %dma_wait3A_242 : memref<1x1x8x128xf32, #tpu.memory_space<vmem>> -> memref<8x128xf32, #tpu.memory_space<vmem>>
    %dma_wait3A_244 = arith.constant 0 : i32
    %dma_wait3A_245 = arith.constant 0 : i32
    %dma_wait3A_246 = tpu.memref_slice %arg4[%dma_wait3A_238, %dma_wait3A_239, %mul3A_2, %dma_wait3A_244, %dma_wait3A_245] : memref<50x8x128x8x128xf32, #tpu.memory_space<hbm>> -> memref<1x1x1x8x128xf32, #tpu.memory_space<hbm>>
    %dma_wait3A_247 = tpu.memref_squeeze %dma_wait3A_246 : memref<1x1x1x8x128xf32, #tpu.memory_space<hbm>> -> memref<8x128xf32, #tpu.memory_space<hbm>>
    %dma_wait3A_248 = arith.constant 0 : i32
    %dma_wait3A_249 = arith.constant 0 : i32
    %dma_wait3A_250 = tpu.memref_slice %arg4[%dma_wait3A_238, %dma_wait3A_239, %mul3A_2, %dma_wait3A_248, %dma_wait3A_249] : memref<50x8x128x8x128xf32, #tpu.memory_space<hbm>> -> memref<1x1x1x8x128xf32, #tpu.memory_space<hbm>>
    %dma_wait3A_251 = tpu.memref_squeeze %dma_wait3A_250 : memref<1x1x1x8x128xf32, #tpu.memory_space<hbm>> -> memref<8x128xf32, #tpu.memory_space<hbm>>
    %dma_wait3A_252 = arith.constant 0 : i32
    %dma_wait3A_253 = arith.constant 0 : i32
    %dma_wait3A_254 = tpu.memref_slice %arg8[%dma_wait3A_236, %dma_wait3A_237, %dma_wait3A_252, %dma_wait3A_253] : memref<8x2x8x129xf32, #tpu.memory_space<vmem>> -> memref<1x1x8x128xf32, #tpu.memory_space<vmem>>
    %dma_wait3A_255 = tpu.memref_squeeze %dma_wait3A_254 : memref<1x1x8x128xf32, #tpu.memory_space<vmem>> -> memref<8x128xf32, #tpu.memory_space<vmem>>
    tpu.wait_dma2 semaphore(%arg12 : memref<!tpu.dma_semaphore, #tpu.memory_space<semaphore_mem>>) src(%dma_wait3A_255 : memref<8x128xf32, #tpu.memory_space<vmem>>) dst(%dma_wait3A_251 : memref<8x128xf32, #tpu.memory_space<hbm>>)
    %dma_wait3A_256 = arith.constant 2 : i32
    %dma_wait3A_257 = arith.constant 0 : i32
    %dma_wait3A_258 = arith.constant 0 : i32
    %dma_wait3A_259 = arith.constant 2 : i32
    %dma_wait3A_260 = arith.constant 0 : i32
    %dma_wait3A_261 = arith.constant 0 : i32
    %dma_wait3A_262 = tpu.memref_slice %arg8[%dma_wait3A_256, %dma_wait3A_257, %dma_wait3A_260, %dma_wait3A_261] : memref<8x2x8x129xf32, #tpu.memory_space<vmem>> -> memref<1x1x8x128xf32, #tpu.memory_space<vmem>>
    %dma_wait3A_263 = tpu.memref_squeeze %dma_wait3A_262 : memref<1x1x8x128xf32, #tpu.memory_space<vmem>> -> memref<8x128xf32, #tpu.memory_space<vmem>>
    %dma_wait3A_264 = arith.constant 0 : i32
    %dma_wait3A_265 = arith.constant 0 : i32
    %dma_wait3A_266 = tpu.memref_slice %arg4[%dma_wait3A_258, %dma_wait3A_259, %mul3A_2, %dma_wait3A_264, %dma_wait3A_265] : memref<50x8x128x8x128xf32, #tpu.memory_space<hbm>> -> memref<1x1x1x8x128xf32, #tpu.memory_space<hbm>>
    %dma_wait3A_267 = tpu.memref_squeeze %dma_wait3A_266 : memref<1x1x1x8x128xf32, #tpu.memory_space<hbm>> -> memref<8x128xf32, #tpu.memory_space<hbm>>
    %dma_wait3A_268 = arith.constant 0 : i32
    %dma_wait3A_269 = arith.constant 0 : i32
    %dma_wait3A_270 = tpu.memref_slice %arg4[%dma_wait3A_258, %dma_wait3A_259, %mul3A_2, %dma_wait3A_268, %dma_wait3A_269] : memref<50x8x128x8x128xf32, #tpu.memory_space<hbm>> -> memref<1x1x1x8x128xf32, #tpu.memory_space<hbm>>
    %dma_wait3A_271 = tpu.memref_squeeze %dma_wait3A_270 : memref<1x1x1x8x128xf32, #tpu.memory_space<hbm>> -> memref<8x128xf32, #tpu.memory_space<hbm>>
    %dma_wait3A_272 = arith.constant 0 : i32
    %dma_wait3A_273 = arith.constant 0 : i32
    %dma_wait3A_274 = tpu.memref_slice %arg8[%dma_wait3A_256, %dma_wait3A_257, %dma_wait3A_272, %dma_wait3A_273] : memref<8x2x8x129xf32, #tpu.memory_space<vmem>> -> memref<1x1x8x128xf32, #tpu.memory_space<vmem>>
    %dma_wait3A_275 = tpu.memref_squeeze %dma_wait3A_274 : memref<1x1x8x128xf32, #tpu.memory_space<vmem>> -> memref<8x128xf32, #tpu.memory_space<vmem>>
    tpu.wait_dma2 semaphore(%arg12 : memref<!tpu.dma_semaphore, #tpu.memory_space<semaphore_mem>>) src(%dma_wait3A_275 : memref<8x128xf32, #tpu.memory_space<vmem>>) dst(%dma_wait3A_271 : memref<8x128xf32, #tpu.memory_space<hbm>>)
    %dma_wait3A_276 = arith.constant 2 : i32
    %dma_wait3A_277 = arith.constant 1 : i32
    %dma_wait3A_278 = arith.constant 0 : i32
    %dma_wait3A_279 = arith.constant 2 : i32
    %dma_wait3A_280 = arith.constant 0 : i32
    %dma_wait3A_281 = arith.constant 0 : i32
    %dma_wait3A_282 = tpu.memref_slice %arg8[%dma_wait3A_276, %dma_wait3A_277, %dma_wait3A_280, %dma_wait3A_281] : memref<8x2x8x129xf32, #tpu.memory_space<vmem>> -> memref<1x1x8x128xf32, #tpu.memory_space<vmem>>
    %dma_wait3A_283 = tpu.memref_squeeze %dma_wait3A_282 : memref<1x1x8x128xf32, #tpu.memory_space<vmem>> -> memref<8x128xf32, #tpu.memory_space<vmem>>
    %dma_wait3A_284 = arith.constant 0 : i32
    %dma_wait3A_285 = arith.constant 0 : i32
    %dma_wait3A_286 = tpu.memref_slice %arg4[%dma_wait3A_278, %dma_wait3A_279, %mul3A_2, %dma_wait3A_284, %dma_wait3A_285] : memref<50x8x128x8x128xf32, #tpu.memory_space<hbm>> -> memref<1x1x1x8x128xf32, #tpu.memory_space<hbm>>
    %dma_wait3A_287 = tpu.memref_squeeze %dma_wait3A_286 : memref<1x1x1x8x128xf32, #tpu.memory_space<hbm>> -> memref<8x128xf32, #tpu.memory_space<hbm>>
    %dma_wait3A_288 = arith.constant 0 : i32
    %dma_wait3A_289 = arith.constant 0 : i32
    %dma_wait3A_290 = tpu.memref_slice %arg4[%dma_wait3A_278, %dma_wait3A_279, %mul3A_2, %dma_wait3A_288, %dma_wait3A_289] : memref<50x8x128x8x128xf32, #tpu.memory_space<hbm>> -> memref<1x1x1x8x128xf32, #tpu.memory_space<hbm>>
    %dma_wait3A_291 = tpu.memref_squeeze %dma_wait3A_290 : memref<1x1x1x8x128xf32, #tpu.memory_space<hbm>> -> memref<8x128xf32, #tpu.memory_space<hbm>>
    %dma_wait3A_292 = arith.constant 0 : i32
    %dma_wait3A_293 = arith.constant 0 : i32
    %dma_wait3A_294 = tpu.memref_slice %arg8[%dma_wait3A_276, %dma_wait3A_277, %dma_wait3A_292, %dma_wait3A_293] : memref<8x2x8x129xf32, #tpu.memory_space<vmem>> -> memref<1x1x8x128xf32, #tpu.memory_space<vmem>>
    %dma_wait3A_295 = tpu.memref_squeeze %dma_wait3A_294 : memref<1x1x8x128xf32, #tpu.memory_space<vmem>> -> memref<8x128xf32, #tpu.memory_space<vmem>>
    tpu.wait_dma2 semaphore(%arg12 : memref<!tpu.dma_semaphore, #tpu.memory_space<semaphore_mem>>) src(%dma_wait3A_295 : memref<8x128xf32, #tpu.memory_space<vmem>>) dst(%dma_wait3A_291 : memref<8x128xf32, #tpu.memory_space<hbm>>)
    %dma_wait3A_296 = arith.constant 3 : i32
    %dma_wait3A_297 = arith.constant 0 : i32
    %dma_wait3A_298 = arith.constant 0 : i32
    %dma_wait3A_299 = arith.constant 3 : i32
    %dma_wait3A_300 = arith.constant 0 : i32
    %dma_wait3A_301 = arith.constant 0 : i32
    %dma_wait3A_302 = tpu.memref_slice %arg8[%dma_wait3A_296, %dma_wait3A_297, %dma_wait3A_300, %dma_wait3A_301] : memref<8x2x8x129xf32, #tpu.memory_space<vmem>> -> memref<1x1x8x128xf32, #tpu.memory_space<vmem>>
    %dma_wait3A_303 = tpu.memref_squeeze %dma_wait3A_302 : memref<1x1x8x128xf32, #tpu.memory_space<vmem>> -> memref<8x128xf32, #tpu.memory_space<vmem>>
    %dma_wait3A_304 = arith.constant 0 : i32
    %dma_wait3A_305 = arith.constant 0 : i32
    %dma_wait3A_306 = tpu.memref_slice %arg4[%dma_wait3A_298, %dma_wait3A_299, %mul3A_2, %dma_wait3A_304, %dma_wait3A_305] : memref<50x8x128x8x128xf32, #tpu.memory_space<hbm>> -> memref<1x1x1x8x128xf32, #tpu.memory_space<hbm>>
    %dma_wait3A_307 = tpu.memref_squeeze %dma_wait3A_306 : memref<1x1x1x8x128xf32, #tpu.memory_space<hbm>> -> memref<8x128xf32, #tpu.memory_space<hbm>>
    %dma_wait3A_308 = arith.constant 0 : i32
    %dma_wait3A_309 = arith.constant 0 : i32
    %dma_wait3A_310 = tpu.memref_slice %arg4[%dma_wait3A_298, %dma_wait3A_299, %mul3A_2, %dma_wait3A_308, %dma_wait3A_309] : memref<50x8x128x8x128xf32, #tpu.memory_space<hbm>> -> memref<1x1x1x8x128xf32, #tpu.memory_space<hbm>>
    %dma_wait3A_311 = tpu.memref_squeeze %dma_wait3A_310 : memref<1x1x1x8x128xf32, #tpu.memory_space<hbm>> -> memref<8x128xf32, #tpu.memory_space<hbm>>
    %dma_wait3A_312 = arith.constant 0 : i32
    %dma_wait3A_313 = arith.constant 0 : i32
    %dma_wait3A_314 = tpu.memref_slice %arg8[%dma_wait3A_296, %dma_wait3A_297, %dma_wait3A_312, %dma_wait3A_313] : memref<8x2x8x129xf32, #tpu.memory_space<vmem>> -> memref<1x1x8x128xf32, #tpu.memory_space<vmem>>
    %dma_wait3A_315 = tpu.memref_squeeze %dma_wait3A_314 : memref<1x1x8x128xf32, #tpu.memory_space<vmem>> -> memref<8x128xf32, #tpu.memory_space<vmem>>
    tpu.wait_dma2 semaphore(%arg12 : memref<!tpu.dma_semaphore, #tpu.memory_space<semaphore_mem>>) src(%dma_wait3A_315 : memref<8x128xf32, #tpu.memory_space<vmem>>) dst(%dma_wait3A_311 : memref<8x128xf32, #tpu.memory_space<hbm>>)
    %dma_wait3A_316 = arith.constant 3 : i32
    %dma_wait3A_317 = arith.constant 1 : i32
    %dma_wait3A_318 = arith.constant 0 : i32
    %dma_wait3A_319 = arith.constant 3 : i32
    %dma_wait3A_320 = arith.constant 0 : i32
    %dma_wait3A_321 = arith.constant 0 : i32
    %dma_wait3A_322 = tpu.memref_slice %arg8[%dma_wait3A_316, %dma_wait3A_317, %dma_wait3A_320, %dma_wait3A_321] : memref<8x2x8x129xf32, #tpu.memory_space<vmem>> -> memref<1x1x8x128xf32, #tpu.memory_space<vmem>>
    %dma_wait3A_323 = tpu.memref_squeeze %dma_wait3A_322 : memref<1x1x8x128xf32, #tpu.memory_space<vmem>> -> memref<8x128xf32, #tpu.memory_space<vmem>>
    %dma_wait3A_324 = arith.constant 0 : i32
    %dma_wait3A_325 = arith.constant 0 : i32
    %dma_wait3A_326 = tpu.memref_slice %arg4[%dma_wait3A_318, %dma_wait3A_319, %mul3A_2, %dma_wait3A_324, %dma_wait3A_325] : memref<50x8x128x8x128xf32, #tpu.memory_space<hbm>> -> memref<1x1x1x8x128xf32, #tpu.memory_space<hbm>>
    %dma_wait3A_327 = tpu.memref_squeeze %dma_wait3A_326 : memref<1x1x1x8x128xf32, #tpu.memory_space<hbm>> -> memref<8x128xf32, #tpu.memory_space<hbm>>
    %dma_wait3A_328 = arith.constant 0 : i32
    %dma_wait3A_329 = arith.constant 0 : i32
    %dma_wait3A_330 = tpu.memref_slice %arg4[%dma_wait3A_318, %dma_wait3A_319, %mul3A_2, %dma_wait3A_328, %dma_wait3A_329] : memref<50x8x128x8x128xf32, #tpu.memory_space<hbm>> -> memref<1x1x1x8x128xf32, #tpu.memory_space<hbm>>
    %dma_wait3A_331 = tpu.memref_squeeze %dma_wait3A_330 : memref<1x1x1x8x128xf32, #tpu.memory_space<hbm>> -> memref<8x128xf32, #tpu.memory_space<hbm>>
    %dma_wait3A_332 = arith.constant 0 : i32
    %dma_wait3A_333 = arith.constant 0 : i32
    %dma_wait3A_334 = tpu.memref_slice %arg8[%dma_wait3A_316, %dma_wait3A_317, %dma_wait3A_332, %dma_wait3A_333] : memref<8x2x8x129xf32, #tpu.memory_space<vmem>> -> memref<1x1x8x128xf32, #tpu.memory_space<vmem>>
    %dma_wait3A_335 = tpu.memref_squeeze %dma_wait3A_334 : memref<1x1x8x128xf32, #tpu.memory_space<vmem>> -> memref<8x128xf32, #tpu.memory_space<vmem>>
    tpu.wait_dma2 semaphore(%arg12 : memref<!tpu.dma_semaphore, #tpu.memory_space<semaphore_mem>>) src(%dma_wait3A_335 : memref<8x128xf32, #tpu.memory_space<vmem>>) dst(%dma_wait3A_331 : memref<8x128xf32, #tpu.memory_space<hbm>>)
    %dma_wait3A_336 = arith.constant 4 : i32
    %dma_wait3A_337 = arith.constant 0 : i32
    %dma_wait3A_338 = arith.constant 0 : i32
    %dma_wait3A_339 = arith.constant 4 : i32
    %dma_wait3A_340 = arith.constant 0 : i32
    %dma_wait3A_341 = arith.constant 0 : i32
    %dma_wait3A_342 = tpu.memref_slice %arg8[%dma_wait3A_336, %dma_wait3A_337, %dma_wait3A_340, %dma_wait3A_341] : memref<8x2x8x129xf32, #tpu.memory_space<vmem>> -> memref<1x1x8x128xf32, #tpu.memory_space<vmem>>
    %dma_wait3A_343 = tpu.memref_squeeze %dma_wait3A_342 : memref<1x1x8x128xf32, #tpu.memory_space<vmem>> -> memref<8x128xf32, #tpu.memory_space<vmem>>
    %dma_wait3A_344 = arith.constant 0 : i32
    %dma_wait3A_345 = arith.constant 0 : i32
    %dma_wait3A_346 = tpu.memref_slice %arg4[%dma_wait3A_338, %dma_wait3A_339, %mul3A_2, %dma_wait3A_344, %dma_wait3A_345] : memref<50x8x128x8x128xf32, #tpu.memory_space<hbm>> -> memref<1x1x1x8x128xf32, #tpu.memory_space<hbm>>
    %dma_wait3A_347 = tpu.memref_squeeze %dma_wait3A_346 : memref<1x1x1x8x128xf32, #tpu.memory_space<hbm>> -> memref<8x128xf32, #tpu.memory_space<hbm>>
    %dma_wait3A_348 = arith.constant 0 : i32
    %dma_wait3A_349 = arith.constant 0 : i32
    %dma_wait3A_350 = tpu.memref_slice %arg4[%dma_wait3A_338, %dma_wait3A_339, %mul3A_2, %dma_wait3A_348, %dma_wait3A_349] : memref<50x8x128x8x128xf32, #tpu.memory_space<hbm>> -> memref<1x1x1x8x128xf32, #tpu.memory_space<hbm>>
    %dma_wait3A_351 = tpu.memref_squeeze %dma_wait3A_350 : memref<1x1x1x8x128xf32, #tpu.memory_space<hbm>> -> memref<8x128xf32, #tpu.memory_space<hbm>>
    %dma_wait3A_352 = arith.constant 0 : i32
    %dma_wait3A_353 = arith.constant 0 : i32
    %dma_wait3A_354 = tpu.memref_slice %arg8[%dma_wait3A_336, %dma_wait3A_337, %dma_wait3A_352, %dma_wait3A_353] : memref<8x2x8x129xf32, #tpu.memory_space<vmem>> -> memref<1x1x8x128xf32, #tpu.memory_space<vmem>>
    %dma_wait3A_355 = tpu.memref_squeeze %dma_wait3A_354 : memref<1x1x8x128xf32, #tpu.memory_space<vmem>> -> memref<8x128xf32, #tpu.memory_space<vmem>>
    tpu.wait_dma2 semaphore(%arg12 : memref<!tpu.dma_semaphore, #tpu.memory_space<semaphore_mem>>) src(%dma_wait3A_355 : memref<8x128xf32, #tpu.memory_space<vmem>>) dst(%dma_wait3A_351 : memref<8x128xf32, #tpu.memory_space<hbm>>)
    %dma_wait3A_356 = arith.constant 4 : i32
    %dma_wait3A_357 = arith.constant 1 : i32
    %dma_wait3A_358 = arith.constant 0 : i32
    %dma_wait3A_359 = arith.constant 4 : i32
    %dma_wait3A_360 = arith.constant 0 : i32
    %dma_wait3A_361 = arith.constant 0 : i32
    %dma_wait3A_362 = tpu.memref_slice %arg8[%dma_wait3A_356, %dma_wait3A_357, %dma_wait3A_360, %dma_wait3A_361] : memref<8x2x8x129xf32, #tpu.memory_space<vmem>> -> memref<1x1x8x128xf32, #tpu.memory_space<vmem>>
    %dma_wait3A_363 = tpu.memref_squeeze %dma_wait3A_362 : memref<1x1x8x128xf32, #tpu.memory_space<vmem>> -> memref<8x128xf32, #tpu.memory_space<vmem>>
    %dma_wait3A_364 = arith.constant 0 : i32
    %dma_wait3A_365 = arith.constant 0 : i32
    %dma_wait3A_366 = tpu.memref_slice %arg4[%dma_wait3A_358, %dma_wait3A_359, %mul3A_2, %dma_wait3A_364, %dma_wait3A_365] : memref<50x8x128x8x128xf32, #tpu.memory_space<hbm>> -> memref<1x1x1x8x128xf32, #tpu.memory_space<hbm>>
    %dma_wait3A_367 = tpu.memref_squeeze %dma_wait3A_366 : memref<1x1x1x8x128xf32, #tpu.memory_space<hbm>> -> memref<8x128xf32, #tpu.memory_space<hbm>>
    %dma_wait3A_368 = arith.constant 0 : i32
    %dma_wait3A_369 = arith.constant 0 : i32
    %dma_wait3A_370 = tpu.memref_slice %arg4[%dma_wait3A_358, %dma_wait3A_359, %mul3A_2, %dma_wait3A_368, %dma_wait3A_369] : memref<50x8x128x8x128xf32, #tpu.memory_space<hbm>> -> memref<1x1x1x8x128xf32, #tpu.memory_space<hbm>>
    %dma_wait3A_371 = tpu.memref_squeeze %dma_wait3A_370 : memref<1x1x1x8x128xf32, #tpu.memory_space<hbm>> -> memref<8x128xf32, #tpu.memory_space<hbm>>
    %dma_wait3A_372 = arith.constant 0 : i32
    %dma_wait3A_373 = arith.constant 0 : i32
    %dma_wait3A_374 = tpu.memref_slice %arg8[%dma_wait3A_356, %dma_wait3A_357, %dma_wait3A_372, %dma_wait3A_373] : memref<8x2x8x129xf32, #tpu.memory_space<vmem>> -> memref<1x1x8x128xf32, #tpu.memory_space<vmem>>
    %dma_wait3A_375 = tpu.memref_squeeze %dma_wait3A_374 : memref<1x1x8x128xf32, #tpu.memory_space<vmem>> -> memref<8x128xf32, #tpu.memory_space<vmem>>
    tpu.wait_dma2 semaphore(%arg12 : memref<!tpu.dma_semaphore, #tpu.memory_space<semaphore_mem>>) src(%dma_wait3A_375 : memref<8x128xf32, #tpu.memory_space<vmem>>) dst(%dma_wait3A_371 : memref<8x128xf32, #tpu.memory_space<hbm>>)
    %dma_wait3A_376 = arith.constant 5 : i32
    %dma_wait3A_377 = arith.constant 0 : i32
    %dma_wait3A_378 = arith.constant 0 : i32
    %dma_wait3A_379 = arith.constant 5 : i32
    %dma_wait3A_380 = arith.constant 0 : i32
    %dma_wait3A_381 = arith.constant 0 : i32
    %dma_wait3A_382 = tpu.memref_slice %arg8[%dma_wait3A_376, %dma_wait3A_377, %dma_wait3A_380, %dma_wait3A_381] : memref<8x2x8x129xf32, #tpu.memory_space<vmem>> -> memref<1x1x8x128xf32, #tpu.memory_space<vmem>>
    %dma_wait3A_383 = tpu.memref_squeeze %dma_wait3A_382 : memref<1x1x8x128xf32, #tpu.memory_space<vmem>> -> memref<8x128xf32, #tpu.memory_space<vmem>>
    %dma_wait3A_384 = arith.constant 0 : i32
    %dma_wait3A_385 = arith.constant 0 : i32
    %dma_wait3A_386 = tpu.memref_slice %arg4[%dma_wait3A_378, %dma_wait3A_379, %mul3A_2, %dma_wait3A_384, %dma_wait3A_385] : memref<50x8x128x8x128xf32, #tpu.memory_space<hbm>> -> memref<1x1x1x8x128xf32, #tpu.memory_space<hbm>>
    %dma_wait3A_387 = tpu.memref_squeeze %dma_wait3A_386 : memref<1x1x1x8x128xf32, #tpu.memory_space<hbm>> -> memref<8x128xf32, #tpu.memory_space<hbm>>
    %dma_wait3A_388 = arith.constant 0 : i32
    %dma_wait3A_389 = arith.constant 0 : i32
    %dma_wait3A_390 = tpu.memref_slice %arg4[%dma_wait3A_378, %dma_wait3A_379, %mul3A_2, %dma_wait3A_388, %dma_wait3A_389] : memref<50x8x128x8x128xf32, #tpu.memory_space<hbm>> -> memref<1x1x1x8x128xf32, #tpu.memory_space<hbm>>
    %dma_wait3A_391 = tpu.memref_squeeze %dma_wait3A_390 : memref<1x1x1x8x128xf32, #tpu.memory_space<hbm>> -> memref<8x128xf32, #tpu.memory_space<hbm>>
    %dma_wait3A_392 = arith.constant 0 : i32
    %dma_wait3A_393 = arith.constant 0 : i32
    %dma_wait3A_394 = tpu.memref_slice %arg8[%dma_wait3A_376, %dma_wait3A_377, %dma_wait3A_392, %dma_wait3A_393] : memref<8x2x8x129xf32, #tpu.memory_space<vmem>> -> memref<1x1x8x128xf32, #tpu.memory_space<vmem>>
    %dma_wait3A_395 = tpu.memref_squeeze %dma_wait3A_394 : memref<1x1x8x128xf32, #tpu.memory_space<vmem>> -> memref<8x128xf32, #tpu.memory_space<vmem>>
    tpu.wait_dma2 semaphore(%arg12 : memref<!tpu.dma_semaphore, #tpu.memory_space<semaphore_mem>>) src(%dma_wait3A_395 : memref<8x128xf32, #tpu.memory_space<vmem>>) dst(%dma_wait3A_391 : memref<8x128xf32, #tpu.memory_space<hbm>>)
    %dma_wait3A_396 = arith.constant 5 : i32
    %dma_wait3A_397 = arith.constant 1 : i32
    %dma_wait3A_398 = arith.constant 0 : i32
    %dma_wait3A_399 = arith.constant 5 : i32
    %dma_wait3A_400 = arith.constant 0 : i32
    %dma_wait3A_401 = arith.constant 0 : i32
    %dma_wait3A_402 = tpu.memref_slice %arg8[%dma_wait3A_396, %dma_wait3A_397, %dma_wait3A_400, %dma_wait3A_401] : memref<8x2x8x129xf32, #tpu.memory_space<vmem>> -> memref<1x1x8x128xf32, #tpu.memory_space<vmem>>
    %dma_wait3A_403 = tpu.memref_squeeze %dma_wait3A_402 : memref<1x1x8x128xf32, #tpu.memory_space<vmem>> -> memref<8x128xf32, #tpu.memory_space<vmem>>
    %dma_wait3A_404 = arith.constant 0 : i32
    %dma_wait3A_405 = arith.constant 0 : i32
    %dma_wait3A_406 = tpu.memref_slice %arg4[%dma_wait3A_398, %dma_wait3A_399, %mul3A_2, %dma_wait3A_404, %dma_wait3A_405] : memref<50x8x128x8x128xf32, #tpu.memory_space<hbm>> -> memref<1x1x1x8x128xf32, #tpu.memory_space<hbm>>
    %dma_wait3A_407 = tpu.memref_squeeze %dma_wait3A_406 : memref<1x1x1x8x128xf32, #tpu.memory_space<hbm>> -> memref<8x128xf32, #tpu.memory_space<hbm>>
    %dma_wait3A_408 = arith.constant 0 : i32
    %dma_wait3A_409 = arith.constant 0 : i32
    %dma_wait3A_410 = tpu.memref_slice %arg4[%dma_wait3A_398, %dma_wait3A_399, %mul3A_2, %dma_wait3A_408, %dma_wait3A_409] : memref<50x8x128x8x128xf32, #tpu.memory_space<hbm>> -> memref<1x1x1x8x128xf32, #tpu.memory_space<hbm>>
    %dma_wait3A_411 = tpu.memref_squeeze %dma_wait3A_410 : memref<1x1x1x8x128xf32, #tpu.memory_space<hbm>> -> memref<8x128xf32, #tpu.memory_space<hbm>>
    %dma_wait3A_412 = arith.constant 0 : i32
    %dma_wait3A_413 = arith.constant 0 : i32
    %dma_wait3A_414 = tpu.memref_slice %arg8[%dma_wait3A_396, %dma_wait3A_397, %dma_wait3A_412, %dma_wait3A_413] : memref<8x2x8x129xf32, #tpu.memory_space<vmem>> -> memref<1x1x8x128xf32, #tpu.memory_space<vmem>>
    %dma_wait3A_415 = tpu.memref_squeeze %dma_wait3A_414 : memref<1x1x8x128xf32, #tpu.memory_space<vmem>> -> memref<8x128xf32, #tpu.memory_space<vmem>>
    tpu.wait_dma2 semaphore(%arg12 : memref<!tpu.dma_semaphore, #tpu.memory_space<semaphore_mem>>) src(%dma_wait3A_415 : memref<8x128xf32, #tpu.memory_space<vmem>>) dst(%dma_wait3A_411 : memref<8x128xf32, #tpu.memory_space<hbm>>)
    %dma_wait3A_416 = arith.constant 6 : i32
    %dma_wait3A_417 = arith.constant 0 : i32
    %dma_wait3A_418 = arith.constant 0 : i32
    %dma_wait3A_419 = arith.constant 6 : i32
    %dma_wait3A_420 = arith.constant 0 : i32
    %dma_wait3A_421 = arith.constant 0 : i32
    %dma_wait3A_422 = tpu.memref_slice %arg8[%dma_wait3A_416, %dma_wait3A_417, %dma_wait3A_420, %dma_wait3A_421] : memref<8x2x8x129xf32, #tpu.memory_space<vmem>> -> memref<1x1x8x128xf32, #tpu.memory_space<vmem>>
    %dma_wait3A_423 = tpu.memref_squeeze %dma_wait3A_422 : memref<1x1x8x128xf32, #tpu.memory_space<vmem>> -> memref<8x128xf32, #tpu.memory_space<vmem>>
    %dma_wait3A_424 = arith.constant 0 : i32
    %dma_wait3A_425 = arith.constant 0 : i32
    %dma_wait3A_426 = tpu.memref_slice %arg4[%dma_wait3A_418, %dma_wait3A_419, %mul3A_2, %dma_wait3A_424, %dma_wait3A_425] : memref<50x8x128x8x128xf32, #tpu.memory_space<hbm>> -> memref<1x1x1x8x128xf32, #tpu.memory_space<hbm>>
    %dma_wait3A_427 = tpu.memref_squeeze %dma_wait3A_426 : memref<1x1x1x8x128xf32, #tpu.memory_space<hbm>> -> memref<8x128xf32, #tpu.memory_space<hbm>>
    %dma_wait3A_428 = arith.constant 0 : i32
    %dma_wait3A_429 = arith.constant 0 : i32
    %dma_wait3A_430 = tpu.memref_slice %arg4[%dma_wait3A_418, %dma_wait3A_419, %mul3A_2, %dma_wait3A_428, %dma_wait3A_429] : memref<50x8x128x8x128xf32, #tpu.memory_space<hbm>> -> memref<1x1x1x8x128xf32, #tpu.memory_space<hbm>>
    %dma_wait3A_431 = tpu.memref_squeeze %dma_wait3A_430 : memref<1x1x1x8x128xf32, #tpu.memory_space<hbm>> -> memref<8x128xf32, #tpu.memory_space<hbm>>
    %dma_wait3A_432 = arith.constant 0 : i32
    %dma_wait3A_433 = arith.constant 0 : i32
    %dma_wait3A_434 = tpu.memref_slice %arg8[%dma_wait3A_416, %dma_wait3A_417, %dma_wait3A_432, %dma_wait3A_433] : memref<8x2x8x129xf32, #tpu.memory_space<vmem>> -> memref<1x1x8x128xf32, #tpu.memory_space<vmem>>
    %dma_wait3A_435 = tpu.memref_squeeze %dma_wait3A_434 : memref<1x1x8x128xf32, #tpu.memory_space<vmem>> -> memref<8x128xf32, #tpu.memory_space<vmem>>
    tpu.wait_dma2 semaphore(%arg12 : memref<!tpu.dma_semaphore, #tpu.memory_space<semaphore_mem>>) src(%dma_wait3A_435 : memref<8x128xf32, #tpu.memory_space<vmem>>) dst(%dma_wait3A_431 : memref<8x128xf32, #tpu.memory_space<hbm>>)
    %dma_wait3A_436 = arith.constant 6 : i32
    %dma_wait3A_437 = arith.constant 1 : i32
    %dma_wait3A_438 = arith.constant 0 : i32
    %dma_wait3A_439 = arith.constant 6 : i32
    %dma_wait3A_440 = arith.constant 0 : i32
    %dma_wait3A_441 = arith.constant 0 : i32
    %dma_wait3A_442 = tpu.memref_slice %arg8[%dma_wait3A_436, %dma_wait3A_437, %dma_wait3A_440, %dma_wait3A_441] : memref<8x2x8x129xf32, #tpu.memory_space<vmem>> -> memref<1x1x8x128xf32, #tpu.memory_space<vmem>>
    %dma_wait3A_443 = tpu.memref_squeeze %dma_wait3A_442 : memref<1x1x8x128xf32, #tpu.memory_space<vmem>> -> memref<8x128xf32, #tpu.memory_space<vmem>>
    %dma_wait3A_444 = arith.constant 0 : i32
    %dma_wait3A_445 = arith.constant 0 : i32
    %dma_wait3A_446 = tpu.memref_slice %arg4[%dma_wait3A_438, %dma_wait3A_439, %mul3A_2, %dma_wait3A_444, %dma_wait3A_445] : memref<50x8x128x8x128xf32, #tpu.memory_space<hbm>> -> memref<1x1x1x8x128xf32, #tpu.memory_space<hbm>>
    %dma_wait3A_447 = tpu.memref_squeeze %dma_wait3A_446 : memref<1x1x1x8x128xf32, #tpu.memory_space<hbm>> -> memref<8x128xf32, #tpu.memory_space<hbm>>
    %dma_wait3A_448 = arith.constant 0 : i32
    %dma_wait3A_449 = arith.constant 0 : i32
    %dma_wait3A_450 = tpu.memref_slice %arg4[%dma_wait3A_438, %dma_wait3A_439, %mul3A_2, %dma_wait3A_448, %dma_wait3A_449] : memref<50x8x128x8x128xf32, #tpu.memory_space<hbm>> -> memref<1x1x1x8x128xf32, #tpu.memory_space<hbm>>
    %dma_wait3A_451 = tpu.memref_squeeze %dma_wait3A_450 : memref<1x1x1x8x128xf32, #tpu.memory_space<hbm>> -> memref<8x128xf32, #tpu.memory_space<hbm>>
    %dma_wait3A_452 = arith.constant 0 : i32
    %dma_wait3A_453 = arith.constant 0 : i32
    %dma_wait3A_454 = tpu.memref_slice %arg8[%dma_wait3A_436, %dma_wait3A_437, %dma_wait3A_452, %dma_wait3A_453] : memref<8x2x8x129xf32, #tpu.memory_space<vmem>> -> memref<1x1x8x128xf32, #tpu.memory_space<vmem>>
    %dma_wait3A_455 = tpu.memref_squeeze %dma_wait3A_454 : memref<1x1x8x128xf32, #tpu.memory_space<vmem>> -> memref<8x128xf32, #tpu.memory_space<vmem>>
    tpu.wait_dma2 semaphore(%arg12 : memref<!tpu.dma_semaphore, #tpu.memory_space<semaphore_mem>>) src(%dma_wait3A_455 : memref<8x128xf32, #tpu.memory_space<vmem>>) dst(%dma_wait3A_451 : memref<8x128xf32, #tpu.memory_space<hbm>>)
    %dma_wait3A_456 = arith.constant 7 : i32
    %dma_wait3A_457 = arith.constant 0 : i32
    %dma_wait3A_458 = arith.constant 0 : i32
    %dma_wait3A_459 = arith.constant 7 : i32
    %dma_wait3A_460 = arith.constant 0 : i32
    %dma_wait3A_461 = arith.constant 0 : i32
    %dma_wait3A_462 = tpu.memref_slice %arg8[%dma_wait3A_456, %dma_wait3A_457, %dma_wait3A_460, %dma_wait3A_461] : memref<8x2x8x129xf32, #tpu.memory_space<vmem>> -> memref<1x1x8x128xf32, #tpu.memory_space<vmem>>
    %dma_wait3A_463 = tpu.memref_squeeze %dma_wait3A_462 : memref<1x1x8x128xf32, #tpu.memory_space<vmem>> -> memref<8x128xf32, #tpu.memory_space<vmem>>
    %dma_wait3A_464 = arith.constant 0 : i32
    %dma_wait3A_465 = arith.constant 0 : i32
    %dma_wait3A_466 = tpu.memref_slice %arg4[%dma_wait3A_458, %dma_wait3A_459, %mul3A_2, %dma_wait3A_464, %dma_wait3A_465] : memref<50x8x128x8x128xf32, #tpu.memory_space<hbm>> -> memref<1x1x1x8x128xf32, #tpu.memory_space<hbm>>
    %dma_wait3A_467 = tpu.memref_squeeze %dma_wait3A_466 : memref<1x1x1x8x128xf32, #tpu.memory_space<hbm>> -> memref<8x128xf32, #tpu.memory_space<hbm>>
    %dma_wait3A_468 = arith.constant 0 : i32
    %dma_wait3A_469 = arith.constant 0 : i32
    %dma_wait3A_470 = tpu.memref_slice %arg4[%dma_wait3A_458, %dma_wait3A_459, %mul3A_2, %dma_wait3A_468, %dma_wait3A_469] : memref<50x8x128x8x128xf32, #tpu.memory_space<hbm>> -> memref<1x1x1x8x128xf32, #tpu.memory_space<hbm>>
    %dma_wait3A_471 = tpu.memref_squeeze %dma_wait3A_470 : memref<1x1x1x8x128xf32, #tpu.memory_space<hbm>> -> memref<8x128xf32, #tpu.memory_space<hbm>>
    %dma_wait3A_472 = arith.constant 0 : i32
    %dma_wait3A_473 = arith.constant 0 : i32
    %dma_wait3A_474 = tpu.memref_slice %arg8[%dma_wait3A_456, %dma_wait3A_457, %dma_wait3A_472, %dma_wait3A_473] : memref<8x2x8x129xf32, #tpu.memory_space<vmem>> -> memref<1x1x8x128xf32, #tpu.memory_space<vmem>>
    %dma_wait3A_475 = tpu.memref_squeeze %dma_wait3A_474 : memref<1x1x8x128xf32, #tpu.memory_space<vmem>> -> memref<8x128xf32, #tpu.memory_space<vmem>>
    tpu.wait_dma2 semaphore(%arg12 : memref<!tpu.dma_semaphore, #tpu.memory_space<semaphore_mem>>) src(%dma_wait3A_475 : memref<8x128xf32, #tpu.memory_space<vmem>>) dst(%dma_wait3A_471 : memref<8x128xf32, #tpu.memory_space<hbm>>)
    %dma_wait3A_476 = arith.constant 7 : i32
    %dma_wait3A_477 = arith.constant 1 : i32
    %dma_wait3A_478 = arith.constant 0 : i32
    %dma_wait3A_479 = arith.constant 7 : i32
    %dma_wait3A_480 = arith.constant 0 : i32
    %dma_wait3A_481 = arith.constant 0 : i32
    %dma_wait3A_482 = tpu.memref_slice %arg8[%dma_wait3A_476, %dma_wait3A_477, %dma_wait3A_480, %dma_wait3A_481] : memref<8x2x8x129xf32, #tpu.memory_space<vmem>> -> memref<1x1x8x128xf32, #tpu.memory_space<vmem>>
    %dma_wait3A_483 = tpu.memref_squeeze %dma_wait3A_482 : memref<1x1x8x128xf32, #tpu.memory_space<vmem>> -> memref<8x128xf32, #tpu.memory_space<vmem>>
    %dma_wait3A_484 = arith.constant 0 : i32
    %dma_wait3A_485 = arith.constant 0 : i32
    %dma_wait3A_486 = tpu.memref_slice %arg4[%dma_wait3A_478, %dma_wait3A_479, %mul3A_2, %dma_wait3A_484, %dma_wait3A_485] : memref<50x8x128x8x128xf32, #tpu.memory_space<hbm>> -> memref<1x1x1x8x128xf32, #tpu.memory_space<hbm>>
    %dma_wait3A_487 = tpu.memref_squeeze %dma_wait3A_486 : memref<1x1x1x8x128xf32, #tpu.memory_space<hbm>> -> memref<8x128xf32, #tpu.memory_space<hbm>>
    %dma_wait3A_488 = arith.constant 0 : i32
    %dma_wait3A_489 = arith.constant 0 : i32
    %dma_wait3A_490 = tpu.memref_slice %arg4[%dma_wait3A_478, %dma_wait3A_479, %mul3A_2, %dma_wait3A_488, %dma_wait3A_489] : memref<50x8x128x8x128xf32, #tpu.memory_space<hbm>> -> memref<1x1x1x8x128xf32, #tpu.memory_space<hbm>>
    %dma_wait3A_491 = tpu.memref_squeeze %dma_wait3A_490 : memref<1x1x1x8x128xf32, #tpu.memory_space<hbm>> -> memref<8x128xf32, #tpu.memory_space<hbm>>
    %dma_wait3A_492 = arith.constant 0 : i32
    %dma_wait3A_493 = arith.constant 0 : i32
    %dma_wait3A_494 = tpu.memref_slice %arg8[%dma_wait3A_476, %dma_wait3A_477, %dma_wait3A_492, %dma_wait3A_493] : memref<8x2x8x129xf32, #tpu.memory_space<vmem>> -> memref<1x1x8x128xf32, #tpu.memory_space<vmem>>
    %dma_wait3A_495 = tpu.memref_squeeze %dma_wait3A_494 : memref<1x1x8x128xf32, #tpu.memory_space<vmem>> -> memref<8x128xf32, #tpu.memory_space<vmem>>
    tpu.wait_dma2 semaphore(%arg12 : memref<!tpu.dma_semaphore, #tpu.memory_space<semaphore_mem>>) src(%dma_wait3A_495 : memref<8x128xf32, #tpu.memory_space<vmem>>) dst(%dma_wait3A_491 : memref<8x128xf32, #tpu.memory_space<hbm>>)
    %dma_wait3A_496 = arith.constant 0 : i32
    %dma_wait3A_497 = arith.constant 0 : i32
    %dma_wait3A_498 = arith.constant 0 : i32
    %dma_wait3A_499 = arith.constant 0 : i32
    %dma_wait3A_500 = arith.constant 0 : i32
    %dma_wait3A_501 = arith.constant 0 : i32
    %dma_wait3A_502 = tpu.memref_slice %arg9[%dma_wait3A_496, %dma_wait3A_497, %dma_wait3A_500, %dma_wait3A_501] : memref<8x2x8x129xf32, #tpu.memory_space<vmem>> -> memref<1x1x8x128xf32, #tpu.memory_space<vmem>>
    %dma_wait3A_503 = tpu.memref_squeeze %dma_wait3A_502 : memref<1x1x8x128xf32, #tpu.memory_space<vmem>> -> memref<8x128xf32, #tpu.memory_space<vmem>>
    %dma_wait3A_504 = arith.constant 0 : i32
    %dma_wait3A_505 = arith.constant 0 : i32
    %dma_wait3A_506 = tpu.memref_slice %arg4[%dma_wait3A_498, %dma_wait3A_499, %mul3A_2, %dma_wait3A_504, %dma_wait3A_505] : memref<50x8x128x8x128xf32, #tpu.memory_space<hbm>> -> memref<1x1x1x8x128xf32, #tpu.memory_space<hbm>>
    %dma_wait3A_507 = tpu.memref_squeeze %dma_wait3A_506 : memref<1x1x1x8x128xf32, #tpu.memory_space<hbm>> -> memref<8x128xf32, #tpu.memory_space<hbm>>
    %dma_wait3A_508 = arith.constant 0 : i32
    %dma_wait3A_509 = arith.constant 0 : i32
    %dma_wait3A_510 = tpu.memref_slice %arg4[%dma_wait3A_498, %dma_wait3A_499, %mul3A_2, %dma_wait3A_508, %dma_wait3A_509] : memref<50x8x128x8x128xf32, #tpu.memory_space<hbm>> -> memref<1x1x1x8x128xf32, #tpu.memory_space<hbm>>
    %dma_wait3A_511 = tpu.memref_squeeze %dma_wait3A_510 : memref<1x1x1x8x128xf32, #tpu.memory_space<hbm>> -> memref<8x128xf32, #tpu.memory_space<hbm>>
    %dma_wait3A_512 = arith.constant 0 : i32
    %dma_wait3A_513 = arith.constant 0 : i32
    %dma_wait3A_514 = tpu.memref_slice %arg9[%dma_wait3A_496, %dma_wait3A_497, %dma_wait3A_512, %dma_wait3A_513] : memref<8x2x8x129xf32, #tpu.memory_space<vmem>> -> memref<1x1x8x128xf32, #tpu.memory_space<vmem>>
    %dma_wait3A_515 = tpu.memref_squeeze %dma_wait3A_514 : memref<1x1x8x128xf32, #tpu.memory_space<vmem>> -> memref<8x128xf32, #tpu.memory_space<vmem>>
    tpu.wait_dma2 semaphore(%arg13 : memref<!tpu.dma_semaphore, #tpu.memory_space<semaphore_mem>>) src(%dma_wait3A_515 : memref<8x128xf32, #tpu.memory_space<vmem>>) dst(%dma_wait3A_511 : memref<8x128xf32, #tpu.memory_space<hbm>>)
    %dma_wait3A_516 = arith.constant 0 : i32
    %dma_wait3A_517 = arith.constant 1 : i32
    %dma_wait3A_518 = arith.constant 0 : i32
    %dma_wait3A_519 = arith.constant 0 : i32
    %dma_wait3A_520 = arith.constant 0 : i32
    %dma_wait3A_521 = arith.constant 0 : i32
    %dma_wait3A_522 = tpu.memref_slice %arg9[%dma_wait3A_516, %dma_wait3A_517, %dma_wait3A_520, %dma_wait3A_521] : memref<8x2x8x129xf32, #tpu.memory_space<vmem>> -> memref<1x1x8x128xf32, #tpu.memory_space<vmem>>
    %dma_wait3A_523 = tpu.memref_squeeze %dma_wait3A_522 : memref<1x1x8x128xf32, #tpu.memory_space<vmem>> -> memref<8x128xf32, #tpu.memory_space<vmem>>
    %dma_wait3A_524 = arith.constant 0 : i32
    %dma_wait3A_525 = arith.constant 0 : i32
    %dma_wait3A_526 = tpu.memref_slice %arg4[%dma_wait3A_518, %dma_wait3A_519, %mul3A_2, %dma_wait3A_524, %dma_wait3A_525] : memref<50x8x128x8x128xf32, #tpu.memory_space<hbm>> -> memref<1x1x1x8x128xf32, #tpu.memory_space<hbm>>
    %dma_wait3A_527 = tpu.memref_squeeze %dma_wait3A_526 : memref<1x1x1x8x128xf32, #tpu.memory_space<hbm>> -> memref<8x128xf32, #tpu.memory_space<hbm>>
    %dma_wait3A_528 = arith.constant 0 : i32
    %dma_wait3A_529 = arith.constant 0 : i32
    %dma_wait3A_530 = tpu.memref_slice %arg4[%dma_wait3A_518, %dma_wait3A_519, %mul3A_2, %dma_wait3A_528, %dma_wait3A_529] : memref<50x8x128x8x128xf32, #tpu.memory_space<hbm>> -> memref<1x1x1x8x128xf32, #tpu.memory_space<hbm>>
    %dma_wait3A_531 = tpu.memref_squeeze %dma_wait3A_530 : memref<1x1x1x8x128xf32, #tpu.memory_space<hbm>> -> memref<8x128xf32, #tpu.memory_space<hbm>>
    %dma_wait3A_532 = arith.constant 0 : i32
    %dma_wait3A_533 = arith.constant 0 : i32
    %dma_wait3A_534 = tpu.memref_slice %arg9[%dma_wait3A_516, %dma_wait3A_517, %dma_wait3A_532, %dma_wait3A_533] : memref<8x2x8x129xf32, #tpu.memory_space<vmem>> -> memref<1x1x8x128xf32, #tpu.memory_space<vmem>>
    %dma_wait3A_535 = tpu.memref_squeeze %dma_wait3A_534 : memref<1x1x8x128xf32, #tpu.memory_space<vmem>> -> memref<8x128xf32, #tpu.memory_space<vmem>>
    tpu.wait_dma2 semaphore(%arg13 : memref<!tpu.dma_semaphore, #tpu.memory_space<semaphore_mem>>) src(%dma_wait3A_535 : memref<8x128xf32, #tpu.memory_space<vmem>>) dst(%dma_wait3A_531 : memref<8x128xf32, #tpu.memory_space<hbm>>)
    %dma_wait3A_536 = arith.constant 1 : i32
    %dma_wait3A_537 = arith.constant 0 : i32
    %dma_wait3A_538 = arith.constant 0 : i32
    %dma_wait3A_539 = arith.constant 1 : i32
    %dma_wait3A_540 = arith.constant 0 : i32
    %dma_wait3A_541 = arith.constant 0 : i32
    %dma_wait3A_542 = tpu.memref_slice %arg9[%dma_wait3A_536, %dma_wait3A_537, %dma_wait3A_540, %dma_wait3A_541] : memref<8x2x8x129xf32, #tpu.memory_space<vmem>> -> memref<1x1x8x128xf32, #tpu.memory_space<vmem>>
    %dma_wait3A_543 = tpu.memref_squeeze %dma_wait3A_542 : memref<1x1x8x128xf32, #tpu.memory_space<vmem>> -> memref<8x128xf32, #tpu.memory_space<vmem>>
    %dma_wait3A_544 = arith.constant 0 : i32
    %dma_wait3A_545 = arith.constant 0 : i32
    %dma_wait3A_546 = tpu.memref_slice %arg4[%dma_wait3A_538, %dma_wait3A_539, %mul3A_2, %dma_wait3A_544, %dma_wait3A_545] : memref<50x8x128x8x128xf32, #tpu.memory_space<hbm>> -> memref<1x1x1x8x128xf32, #tpu.memory_space<hbm>>
    %dma_wait3A_547 = tpu.memref_squeeze %dma_wait3A_546 : memref<1x1x1x8x128xf32, #tpu.memory_space<hbm>> -> memref<8x128xf32, #tpu.memory_space<hbm>>
    %dma_wait3A_548 = arith.constant 0 : i32
    %dma_wait3A_549 = arith.constant 0 : i32
    %dma_wait3A_550 = tpu.memref_slice %arg4[%dma_wait3A_538, %dma_wait3A_539, %mul3A_2, %dma_wait3A_548, %dma_wait3A_549] : memref<50x8x128x8x128xf32, #tpu.memory_space<hbm>> -> memref<1x1x1x8x128xf32, #tpu.memory_space<hbm>>
    %dma_wait3A_551 = tpu.memref_squeeze %dma_wait3A_550 : memref<1x1x1x8x128xf32, #tpu.memory_space<hbm>> -> memref<8x128xf32, #tpu.memory_space<hbm>>
    %dma_wait3A_552 = arith.constant 0 : i32
    %dma_wait3A_553 = arith.constant 0 : i32
    %dma_wait3A_554 = tpu.memref_slice %arg9[%dma_wait3A_536, %dma_wait3A_537, %dma_wait3A_552, %dma_wait3A_553] : memref<8x2x8x129xf32, #tpu.memory_space<vmem>> -> memref<1x1x8x128xf32, #tpu.memory_space<vmem>>
    %dma_wait3A_555 = tpu.memref_squeeze %dma_wait3A_554 : memref<1x1x8x128xf32, #tpu.memory_space<vmem>> -> memref<8x128xf32, #tpu.memory_space<vmem>>
    tpu.wait_dma2 semaphore(%arg13 : memref<!tpu.dma_semaphore, #tpu.memory_space<semaphore_mem>>) src(%dma_wait3A_555 : memref<8x128xf32, #tpu.memory_space<vmem>>) dst(%dma_wait3A_551 : memref<8x128xf32, #tpu.memory_space<hbm>>)
    %dma_wait3A_556 = arith.constant 1 : i32
    %dma_wait3A_557 = arith.constant 1 : i32
    %dma_wait3A_558 = arith.constant 0 : i32
    %dma_wait3A_559 = arith.constant 1 : i32
    %dma_wait3A_560 = arith.constant 0 : i32
    %dma_wait3A_561 = arith.constant 0 : i32
    %dma_wait3A_562 = tpu.memref_slice %arg9[%dma_wait3A_556, %dma_wait3A_557, %dma_wait3A_560, %dma_wait3A_561] : memref<8x2x8x129xf32, #tpu.memory_space<vmem>> -> memref<1x1x8x128xf32, #tpu.memory_space<vmem>>
    %dma_wait3A_563 = tpu.memref_squeeze %dma_wait3A_562 : memref<1x1x8x128xf32, #tpu.memory_space<vmem>> -> memref<8x128xf32, #tpu.memory_space<vmem>>
    %dma_wait3A_564 = arith.constant 0 : i32
    %dma_wait3A_565 = arith.constant 0 : i32
    %dma_wait3A_566 = tpu.memref_slice %arg4[%dma_wait3A_558, %dma_wait3A_559, %mul3A_2, %dma_wait3A_564, %dma_wait3A_565] : memref<50x8x128x8x128xf32, #tpu.memory_space<hbm>> -> memref<1x1x1x8x128xf32, #tpu.memory_space<hbm>>
    %dma_wait3A_567 = tpu.memref_squeeze %dma_wait3A_566 : memref<1x1x1x8x128xf32, #tpu.memory_space<hbm>> -> memref<8x128xf32, #tpu.memory_space<hbm>>
    %dma_wait3A_568 = arith.constant 0 : i32
    %dma_wait3A_569 = arith.constant 0 : i32
    %dma_wait3A_570 = tpu.memref_slice %arg4[%dma_wait3A_558, %dma_wait3A_559, %mul3A_2, %dma_wait3A_568, %dma_wait3A_569] : memref<50x8x128x8x128xf32, #tpu.memory_space<hbm>> -> memref<1x1x1x8x128xf32, #tpu.memory_space<hbm>>
    %dma_wait3A_571 = tpu.memref_squeeze %dma_wait3A_570 : memref<1x1x1x8x128xf32, #tpu.memory_space<hbm>> -> memref<8x128xf32, #tpu.memory_space<hbm>>
    %dma_wait3A_572 = arith.constant 0 : i32
    %dma_wait3A_573 = arith.constant 0 : i32
    %dma_wait3A_574 = tpu.memref_slice %arg9[%dma_wait3A_556, %dma_wait3A_557, %dma_wait3A_572, %dma_wait3A_573] : memref<8x2x8x129xf32, #tpu.memory_space<vmem>> -> memref<1x1x8x128xf32, #tpu.memory_space<vmem>>
    %dma_wait3A_575 = tpu.memref_squeeze %dma_wait3A_574 : memref<1x1x8x128xf32, #tpu.memory_space<vmem>> -> memref<8x128xf32, #tpu.memory_space<vmem>>
    tpu.wait_dma2 semaphore(%arg13 : memref<!tpu.dma_semaphore, #tpu.memory_space<semaphore_mem>>) src(%dma_wait3A_575 : memref<8x128xf32, #tpu.memory_space<vmem>>) dst(%dma_wait3A_571 : memref<8x128xf32, #tpu.memory_space<hbm>>)
    %dma_wait3A_576 = arith.constant 2 : i32
    %dma_wait3A_577 = arith.constant 0 : i32
    %dma_wait3A_578 = arith.constant 0 : i32
    %dma_wait3A_579 = arith.constant 2 : i32
    %dma_wait3A_580 = arith.constant 0 : i32
    %dma_wait3A_581 = arith.constant 0 : i32
    %dma_wait3A_582 = tpu.memref_slice %arg9[%dma_wait3A_576, %dma_wait3A_577, %dma_wait3A_580, %dma_wait3A_581] : memref<8x2x8x129xf32, #tpu.memory_space<vmem>> -> memref<1x1x8x128xf32, #tpu.memory_space<vmem>>
    %dma_wait3A_583 = tpu.memref_squeeze %dma_wait3A_582 : memref<1x1x8x128xf32, #tpu.memory_space<vmem>> -> memref<8x128xf32, #tpu.memory_space<vmem>>
    %dma_wait3A_584 = arith.constant 0 : i32
    %dma_wait3A_585 = arith.constant 0 : i32
    %dma_wait3A_586 = tpu.memref_slice %arg4[%dma_wait3A_578, %dma_wait3A_579, %mul3A_2, %dma_wait3A_584, %dma_wait3A_585] : memref<50x8x128x8x128xf32, #tpu.memory_space<hbm>> -> memref<1x1x1x8x128xf32, #tpu.memory_space<hbm>>
    %dma_wait3A_587 = tpu.memref_squeeze %dma_wait3A_586 : memref<1x1x1x8x128xf32, #tpu.memory_space<hbm>> -> memref<8x128xf32, #tpu.memory_space<hbm>>
    %dma_wait3A_588 = arith.constant 0 : i32
    %dma_wait3A_589 = arith.constant 0 : i32
    %dma_wait3A_590 = tpu.memref_slice %arg4[%dma_wait3A_578, %dma_wait3A_579, %mul3A_2, %dma_wait3A_588, %dma_wait3A_589] : memref<50x8x128x8x128xf32, #tpu.memory_space<hbm>> -> memref<1x1x1x8x128xf32, #tpu.memory_space<hbm>>
    %dma_wait3A_591 = tpu.memref_squeeze %dma_wait3A_590 : memref<1x1x1x8x128xf32, #tpu.memory_space<hbm>> -> memref<8x128xf32, #tpu.memory_space<hbm>>
    %dma_wait3A_592 = arith.constant 0 : i32
    %dma_wait3A_593 = arith.constant 0 : i32
    %dma_wait3A_594 = tpu.memref_slice %arg9[%dma_wait3A_576, %dma_wait3A_577, %dma_wait3A_592, %dma_wait3A_593] : memref<8x2x8x129xf32, #tpu.memory_space<vmem>> -> memref<1x1x8x128xf32, #tpu.memory_space<vmem>>
    %dma_wait3A_595 = tpu.memref_squeeze %dma_wait3A_594 : memref<1x1x8x128xf32, #tpu.memory_space<vmem>> -> memref<8x128xf32, #tpu.memory_space<vmem>>
    tpu.wait_dma2 semaphore(%arg13 : memref<!tpu.dma_semaphore, #tpu.memory_space<semaphore_mem>>) src(%dma_wait3A_595 : memref<8x128xf32, #tpu.memory_space<vmem>>) dst(%dma_wait3A_591 : memref<8x128xf32, #tpu.memory_space<hbm>>)
    %dma_wait3A_596 = arith.constant 2 : i32
    %dma_wait3A_597 = arith.constant 1 : i32
    %dma_wait3A_598 = arith.constant 0 : i32
    %dma_wait3A_599 = arith.constant 2 : i32
    %dma_wait3A_600 = arith.constant 0 : i32
    %dma_wait3A_601 = arith.constant 0 : i32
    %dma_wait3A_602 = tpu.memref_slice %arg9[%dma_wait3A_596, %dma_wait3A_597, %dma_wait3A_600, %dma_wait3A_601] : memref<8x2x8x129xf32, #tpu.memory_space<vmem>> -> memref<1x1x8x128xf32, #tpu.memory_space<vmem>>
    %dma_wait3A_603 = tpu.memref_squeeze %dma_wait3A_602 : memref<1x1x8x128xf32, #tpu.memory_space<vmem>> -> memref<8x128xf32, #tpu.memory_space<vmem>>
    %dma_wait3A_604 = arith.constant 0 : i32
    %dma_wait3A_605 = arith.constant 0 : i32
    %dma_wait3A_606 = tpu.memref_slice %arg4[%dma_wait3A_598, %dma_wait3A_599, %mul3A_2, %dma_wait3A_604, %dma_wait3A_605] : memref<50x8x128x8x128xf32, #tpu.memory_space<hbm>> -> memref<1x1x1x8x128xf32, #tpu.memory_space<hbm>>
    %dma_wait3A_607 = tpu.memref_squeeze %dma_wait3A_606 : memref<1x1x1x8x128xf32, #tpu.memory_space<hbm>> -> memref<8x128xf32, #tpu.memory_space<hbm>>
    %dma_wait3A_608 = arith.constant 0 : i32
    %dma_wait3A_609 = arith.constant 0 : i32
    %dma_wait3A_610 = tpu.memref_slice %arg4[%dma_wait3A_598, %dma_wait3A_599, %mul3A_2, %dma_wait3A_608, %dma_wait3A_609] : memref<50x8x128x8x128xf32, #tpu.memory_space<hbm>> -> memref<1x1x1x8x128xf32, #tpu.memory_space<hbm>>
    %dma_wait3A_611 = tpu.memref_squeeze %dma_wait3A_610 : memref<1x1x1x8x128xf32, #tpu.memory_space<hbm>> -> memref<8x128xf32, #tpu.memory_space<hbm>>
    %dma_wait3A_612 = arith.constant 0 : i32
    %dma_wait3A_613 = arith.constant 0 : i32
    %dma_wait3A_614 = tpu.memref_slice %arg9[%dma_wait3A_596, %dma_wait3A_597, %dma_wait3A_612, %dma_wait3A_613] : memref<8x2x8x129xf32, #tpu.memory_space<vmem>> -> memref<1x1x8x128xf32, #tpu.memory_space<vmem>>
    %dma_wait3A_615 = tpu.memref_squeeze %dma_wait3A_614 : memref<1x1x8x128xf32, #tpu.memory_space<vmem>> -> memref<8x128xf32, #tpu.memory_space<vmem>>
    tpu.wait_dma2 semaphore(%arg13 : memref<!tpu.dma_semaphore, #tpu.memory_space<semaphore_mem>>) src(%dma_wait3A_615 : memref<8x128xf32, #tpu.memory_space<vmem>>) dst(%dma_wait3A_611 : memref<8x128xf32, #tpu.memory_space<hbm>>)
    %dma_wait3A_616 = arith.constant 3 : i32
    %dma_wait3A_617 = arith.constant 0 : i32
    %dma_wait3A_618 = arith.constant 0 : i32
    %dma_wait3A_619 = arith.constant 3 : i32
    %dma_wait3A_620 = arith.constant 0 : i32
    %dma_wait3A_621 = arith.constant 0 : i32
    %dma_wait3A_622 = tpu.memref_slice %arg9[%dma_wait3A_616, %dma_wait3A_617, %dma_wait3A_620, %dma_wait3A_621] : memref<8x2x8x129xf32, #tpu.memory_space<vmem>> -> memref<1x1x8x128xf32, #tpu.memory_space<vmem>>
    %dma_wait3A_623 = tpu.memref_squeeze %dma_wait3A_622 : memref<1x1x8x128xf32, #tpu.memory_space<vmem>> -> memref<8x128xf32, #tpu.memory_space<vmem>>
    %dma_wait3A_624 = arith.constant 0 : i32
    %dma_wait3A_625 = arith.constant 0 : i32
    %dma_wait3A_626 = tpu.memref_slice %arg4[%dma_wait3A_618, %dma_wait3A_619, %mul3A_2, %dma_wait3A_624, %dma_wait3A_625] : memref<50x8x128x8x128xf32, #tpu.memory_space<hbm>> -> memref<1x1x1x8x128xf32, #tpu.memory_space<hbm>>
    %dma_wait3A_627 = tpu.memref_squeeze %dma_wait3A_626 : memref<1x1x1x8x128xf32, #tpu.memory_space<hbm>> -> memref<8x128xf32, #tpu.memory_space<hbm>>
    %dma_wait3A_628 = arith.constant 0 : i32
    %dma_wait3A_629 = arith.constant 0 : i32
    %dma_wait3A_630 = tpu.memref_slice %arg4[%dma_wait3A_618, %dma_wait3A_619, %mul3A_2, %dma_wait3A_628, %dma_wait3A_629] : memref<50x8x128x8x128xf32, #tpu.memory_space<hbm>> -> memref<1x1x1x8x128xf32, #tpu.memory_space<hbm>>
    %dma_wait3A_631 = tpu.memref_squeeze %dma_wait3A_630 : memref<1x1x1x8x128xf32, #tpu.memory_space<hbm>> -> memref<8x128xf32, #tpu.memory_space<hbm>>
    %dma_wait3A_632 = arith.constant 0 : i32
    %dma_wait3A_633 = arith.constant 0 : i32
    %dma_wait3A_634 = tpu.memref_slice %arg9[%dma_wait3A_616, %dma_wait3A_617, %dma_wait3A_632, %dma_wait3A_633] : memref<8x2x8x129xf32, #tpu.memory_space<vmem>> -> memref<1x1x8x128xf32, #tpu.memory_space<vmem>>
    %dma_wait3A_635 = tpu.memref_squeeze %dma_wait3A_634 : memref<1x1x8x128xf32, #tpu.memory_space<vmem>> -> memref<8x128xf32, #tpu.memory_space<vmem>>
    tpu.wait_dma2 semaphore(%arg13 : memref<!tpu.dma_semaphore, #tpu.memory_space<semaphore_mem>>) src(%dma_wait3A_635 : memref<8x128xf32, #tpu.memory_space<vmem>>) dst(%dma_wait3A_631 : memref<8x128xf32, #tpu.memory_space<hbm>>)
    %dma_wait3A_636 = arith.constant 3 : i32
    %dma_wait3A_637 = arith.constant 1 : i32
    %dma_wait3A_638 = arith.constant 0 : i32
    %dma_wait3A_639 = arith.constant 3 : i32
    %dma_wait3A_640 = arith.constant 0 : i32
    %dma_wait3A_641 = arith.constant 0 : i32
    %dma_wait3A_642 = tpu.memref_slice %arg9[%dma_wait3A_636, %dma_wait3A_637, %dma_wait3A_640, %dma_wait3A_641] : memref<8x2x8x129xf32, #tpu.memory_space<vmem>> -> memref<1x1x8x128xf32, #tpu.memory_space<vmem>>
    %dma_wait3A_643 = tpu.memref_squeeze %dma_wait3A_642 : memref<1x1x8x128xf32, #tpu.memory_space<vmem>> -> memref<8x128xf32, #tpu.memory_space<vmem>>
    %dma_wait3A_644 = arith.constant 0 : i32
    %dma_wait3A_645 = arith.constant 0 : i32
    %dma_wait3A_646 = tpu.memref_slice %arg4[%dma_wait3A_638, %dma_wait3A_639, %mul3A_2, %dma_wait3A_644, %dma_wait3A_645] : memref<50x8x128x8x128xf32, #tpu.memory_space<hbm>> -> memref<1x1x1x8x128xf32, #tpu.memory_space<hbm>>
    %dma_wait3A_647 = tpu.memref_squeeze %dma_wait3A_646 : memref<1x1x1x8x128xf32, #tpu.memory_space<hbm>> -> memref<8x128xf32, #tpu.memory_space<hbm>>
    %dma_wait3A_648 = arith.constant 0 : i32
    %dma_wait3A_649 = arith.constant 0 : i32
    %dma_wait3A_650 = tpu.memref_slice %arg4[%dma_wait3A_638, %dma_wait3A_639, %mul3A_2, %dma_wait3A_648, %dma_wait3A_649] : memref<50x8x128x8x128xf32, #tpu.memory_space<hbm>> -> memref<1x1x1x8x128xf32, #tpu.memory_space<hbm>>
    %dma_wait3A_651 = tpu.memref_squeeze %dma_wait3A_650 : memref<1x1x1x8x128xf32, #tpu.memory_space<hbm>> -> memref<8x128xf32, #tpu.memory_space<hbm>>
    %dma_wait3A_652 = arith.constant 0 : i32
    %dma_wait3A_653 = arith.constant 0 : i32
    %dma_wait3A_654 = tpu.memref_slice %arg9[%dma_wait3A_636, %dma_wait3A_637, %dma_wait3A_652, %dma_wait3A_653] : memref<8x2x8x129xf32, #tpu.memory_space<vmem>> -> memref<1x1x8x128xf32, #tpu.memory_space<vmem>>
    %dma_wait3A_655 = tpu.memref_squeeze %dma_wait3A_654 : memref<1x1x8x128xf32, #tpu.memory_space<vmem>> -> memref<8x128xf32, #tpu.memory_space<vmem>>
    tpu.wait_dma2 semaphore(%arg13 : memref<!tpu.dma_semaphore, #tpu.memory_space<semaphore_mem>>) src(%dma_wait3A_655 : memref<8x128xf32, #tpu.memory_space<vmem>>) dst(%dma_wait3A_651 : memref<8x128xf32, #tpu.memory_space<hbm>>)
    %dma_wait3A_656 = arith.constant 4 : i32
    %dma_wait3A_657 = arith.constant 0 : i32
    %dma_wait3A_658 = arith.constant 0 : i32
    %dma_wait3A_659 = arith.constant 4 : i32
    %dma_wait3A_660 = arith.constant 0 : i32
    %dma_wait3A_661 = arith.constant 0 : i32
    %dma_wait3A_662 = tpu.memref_slice %arg9[%dma_wait3A_656, %dma_wait3A_657, %dma_wait3A_660, %dma_wait3A_661] : memref<8x2x8x129xf32, #tpu.memory_space<vmem>> -> memref<1x1x8x128xf32, #tpu.memory_space<vmem>>
    %dma_wait3A_663 = tpu.memref_squeeze %dma_wait3A_662 : memref<1x1x8x128xf32, #tpu.memory_space<vmem>> -> memref<8x128xf32, #tpu.memory_space<vmem>>
    %dma_wait3A_664 = arith.constant 0 : i32
    %dma_wait3A_665 = arith.constant 0 : i32
    %dma_wait3A_666 = tpu.memref_slice %arg4[%dma_wait3A_658, %dma_wait3A_659, %mul3A_2, %dma_wait3A_664, %dma_wait3A_665] : memref<50x8x128x8x128xf32, #tpu.memory_space<hbm>> -> memref<1x1x1x8x128xf32, #tpu.memory_space<hbm>>
    %dma_wait3A_667 = tpu.memref_squeeze %dma_wait3A_666 : memref<1x1x1x8x128xf32, #tpu.memory_space<hbm>> -> memref<8x128xf32, #tpu.memory_space<hbm>>
    %dma_wait3A_668 = arith.constant 0 : i32
    %dma_wait3A_669 = arith.constant 0 : i32
    %dma_wait3A_670 = tpu.memref_slice %arg4[%dma_wait3A_658, %dma_wait3A_659, %mul3A_2, %dma_wait3A_668, %dma_wait3A_669] : memref<50x8x128x8x128xf32, #tpu.memory_space<hbm>> -> memref<1x1x1x8x128xf32, #tpu.memory_space<hbm>>
    %dma_wait3A_671 = tpu.memref_squeeze %dma_wait3A_670 : memref<1x1x1x8x128xf32, #tpu.memory_space<hbm>> -> memref<8x128xf32, #tpu.memory_space<hbm>>
    %dma_wait3A_672 = arith.constant 0 : i32
    %dma_wait3A_673 = arith.constant 0 : i32
    %dma_wait3A_674 = tpu.memref_slice %arg9[%dma_wait3A_656, %dma_wait3A_657, %dma_wait3A_672, %dma_wait3A_673] : memref<8x2x8x129xf32, #tpu.memory_space<vmem>> -> memref<1x1x8x128xf32, #tpu.memory_space<vmem>>
    %dma_wait3A_675 = tpu.memref_squeeze %dma_wait3A_674 : memref<1x1x8x128xf32, #tpu.memory_space<vmem>> -> memref<8x128xf32, #tpu.memory_space<vmem>>
    tpu.wait_dma2 semaphore(%arg13 : memref<!tpu.dma_semaphore, #tpu.memory_space<semaphore_mem>>) src(%dma_wait3A_675 : memref<8x128xf32, #tpu.memory_space<vmem>>) dst(%dma_wait3A_671 : memref<8x128xf32, #tpu.memory_space<hbm>>)
    %dma_wait3A_676 = arith.constant 4 : i32
    %dma_wait3A_677 = arith.constant 1 : i32
    %dma_wait3A_678 = arith.constant 0 : i32
    %dma_wait3A_679 = arith.constant 4 : i32
    %dma_wait3A_680 = arith.constant 0 : i32
    %dma_wait3A_681 = arith.constant 0 : i32
    %dma_wait3A_682 = tpu.memref_slice %arg9[%dma_wait3A_676, %dma_wait3A_677, %dma_wait3A_680, %dma_wait3A_681] : memref<8x2x8x129xf32, #tpu.memory_space<vmem>> -> memref<1x1x8x128xf32, #tpu.memory_space<vmem>>
    %dma_wait3A_683 = tpu.memref_squeeze %dma_wait3A_682 : memref<1x1x8x128xf32, #tpu.memory_space<vmem>> -> memref<8x128xf32, #tpu.memory_space<vmem>>
    %dma_wait3A_684 = arith.constant 0 : i32
    %dma_wait3A_685 = arith.constant 0 : i32
    %dma_wait3A_686 = tpu.memref_slice %arg4[%dma_wait3A_678, %dma_wait3A_679, %mul3A_2, %dma_wait3A_684, %dma_wait3A_685] : memref<50x8x128x8x128xf32, #tpu.memory_space<hbm>> -> memref<1x1x1x8x128xf32, #tpu.memory_space<hbm>>
    %dma_wait3A_687 = tpu.memref_squeeze %dma_wait3A_686 : memref<1x1x1x8x128xf32, #tpu.memory_space<hbm>> -> memref<8x128xf32, #tpu.memory_space<hbm>>
    %dma_wait3A_688 = arith.constant 0 : i32
    %dma_wait3A_689 = arith.constant 0 : i32
    %dma_wait3A_690 = tpu.memref_slice %arg4[%dma_wait3A_678, %dma_wait3A_679, %mul3A_2, %dma_wait3A_688, %dma_wait3A_689] : memref<50x8x128x8x128xf32, #tpu.memory_space<hbm>> -> memref<1x1x1x8x128xf32, #tpu.memory_space<hbm>>
    %dma_wait3A_691 = tpu.memref_squeeze %dma_wait3A_690 : memref<1x1x1x8x128xf32, #tpu.memory_space<hbm>> -> memref<8x128xf32, #tpu.memory_space<hbm>>
    %dma_wait3A_692 = arith.constant 0 : i32
    %dma_wait3A_693 = arith.constant 0 : i32
    %dma_wait3A_694 = tpu.memref_slice %arg9[%dma_wait3A_676, %dma_wait3A_677, %dma_wait3A_692, %dma_wait3A_693] : memref<8x2x8x129xf32, #tpu.memory_space<vmem>> -> memref<1x1x8x128xf32, #tpu.memory_space<vmem>>
    %dma_wait3A_695 = tpu.memref_squeeze %dma_wait3A_694 : memref<1x1x8x128xf32, #tpu.memory_space<vmem>> -> memref<8x128xf32, #tpu.memory_space<vmem>>
    tpu.wait_dma2 semaphore(%arg13 : memref<!tpu.dma_semaphore, #tpu.memory_space<semaphore_mem>>) src(%dma_wait3A_695 : memref<8x128xf32, #tpu.memory_space<vmem>>) dst(%dma_wait3A_691 : memref<8x128xf32, #tpu.memory_space<hbm>>)
    %dma_wait3A_696 = arith.constant 5 : i32
    %dma_wait3A_697 = arith.constant 0 : i32
    %dma_wait3A_698 = arith.constant 0 : i32
    %dma_wait3A_699 = arith.constant 5 : i32
    %dma_wait3A_700 = arith.constant 0 : i32
    %dma_wait3A_701 = arith.constant 0 : i32
    %dma_wait3A_702 = tpu.memref_slice %arg9[%dma_wait3A_696, %dma_wait3A_697, %dma_wait3A_700, %dma_wait3A_701] : memref<8x2x8x129xf32, #tpu.memory_space<vmem>> -> memref<1x1x8x128xf32, #tpu.memory_space<vmem>>
    %dma_wait3A_703 = tpu.memref_squeeze %dma_wait3A_702 : memref<1x1x8x128xf32, #tpu.memory_space<vmem>> -> memref<8x128xf32, #tpu.memory_space<vmem>>
    %dma_wait3A_704 = arith.constant 0 : i32
    %dma_wait3A_705 = arith.constant 0 : i32
    %dma_wait3A_706 = tpu.memref_slice %arg4[%dma_wait3A_698, %dma_wait3A_699, %mul3A_2, %dma_wait3A_704, %dma_wait3A_705] : memref<50x8x128x8x128xf32, #tpu.memory_space<hbm>> -> memref<1x1x1x8x128xf32, #tpu.memory_space<hbm>>
    %dma_wait3A_707 = tpu.memref_squeeze %dma_wait3A_706 : memref<1x1x1x8x128xf32, #tpu.memory_space<hbm>> -> memref<8x128xf32, #tpu.memory_space<hbm>>
    %dma_wait3A_708 = arith.constant 0 : i32
    %dma_wait3A_709 = arith.constant 0 : i32
    %dma_wait3A_710 = tpu.memref_slice %arg4[%dma_wait3A_698, %dma_wait3A_699, %mul3A_2, %dma_wait3A_708, %dma_wait3A_709] : memref<50x8x128x8x128xf32, #tpu.memory_space<hbm>> -> memref<1x1x1x8x128xf32, #tpu.memory_space<hbm>>
    %dma_wait3A_711 = tpu.memref_squeeze %dma_wait3A_710 : memref<1x1x1x8x128xf32, #tpu.memory_space<hbm>> -> memref<8x128xf32, #tpu.memory_space<hbm>>
    %dma_wait3A_712 = arith.constant 0 : i32
    %dma_wait3A_713 = arith.constant 0 : i32
    %dma_wait3A_714 = tpu.memref_slice %arg9[%dma_wait3A_696, %dma_wait3A_697, %dma_wait3A_712, %dma_wait3A_713] : memref<8x2x8x129xf32, #tpu.memory_space<vmem>> -> memref<1x1x8x128xf32, #tpu.memory_space<vmem>>
    %dma_wait3A_715 = tpu.memref_squeeze %dma_wait3A_714 : memref<1x1x8x128xf32, #tpu.memory_space<vmem>> -> memref<8x128xf32, #tpu.memory_space<vmem>>
    tpu.wait_dma2 semaphore(%arg13 : memref<!tpu.dma_semaphore, #tpu.memory_space<semaphore_mem>>) src(%dma_wait3A_715 : memref<8x128xf32, #tpu.memory_space<vmem>>) dst(%dma_wait3A_711 : memref<8x128xf32, #tpu.memory_space<hbm>>)
    %dma_wait3A_716 = arith.constant 5 : i32
    %dma_wait3A_717 = arith.constant 1 : i32
    %dma_wait3A_718 = arith.constant 0 : i32
    %dma_wait3A_719 = arith.constant 5 : i32
    %dma_wait3A_720 = arith.constant 0 : i32
    %dma_wait3A_721 = arith.constant 0 : i32
    %dma_wait3A_722 = tpu.memref_slice %arg9[%dma_wait3A_716, %dma_wait3A_717, %dma_wait3A_720, %dma_wait3A_721] : memref<8x2x8x129xf32, #tpu.memory_space<vmem>> -> memref<1x1x8x128xf32, #tpu.memory_space<vmem>>
    %dma_wait3A_723 = tpu.memref_squeeze %dma_wait3A_722 : memref<1x1x8x128xf32, #tpu.memory_space<vmem>> -> memref<8x128xf32, #tpu.memory_space<vmem>>
    %dma_wait3A_724 = arith.constant 0 : i32
    %dma_wait3A_725 = arith.constant 0 : i32
    %dma_wait3A_726 = tpu.memref_slice %arg4[%dma_wait3A_718, %dma_wait3A_719, %mul3A_2, %dma_wait3A_724, %dma_wait3A_725] : memref<50x8x128x8x128xf32, #tpu.memory_space<hbm>> -> memref<1x1x1x8x128xf32, #tpu.memory_space<hbm>>
    %dma_wait3A_727 = tpu.memref_squeeze %dma_wait3A_726 : memref<1x1x1x8x128xf32, #tpu.memory_space<hbm>> -> memref<8x128xf32, #tpu.memory_space<hbm>>
    %dma_wait3A_728 = arith.constant 0 : i32
    %dma_wait3A_729 = arith.constant 0 : i32
    %dma_wait3A_730 = tpu.memref_slice %arg4[%dma_wait3A_718, %dma_wait3A_719, %mul3A_2, %dma_wait3A_728, %dma_wait3A_729] : memref<50x8x128x8x128xf32, #tpu.memory_space<hbm>> -> memref<1x1x1x8x128xf32, #tpu.memory_space<hbm>>
    %dma_wait3A_731 = tpu.memref_squeeze %dma_wait3A_730 : memref<1x1x1x8x128xf32, #tpu.memory_space<hbm>> -> memref<8x128xf32, #tpu.memory_space<hbm>>
    %dma_wait3A_732 = arith.constant 0 : i32
    %dma_wait3A_733 = arith.constant 0 : i32
    %dma_wait3A_734 = tpu.memref_slice %arg9[%dma_wait3A_716, %dma_wait3A_717, %dma_wait3A_732, %dma_wait3A_733] : memref<8x2x8x129xf32, #tpu.memory_space<vmem>> -> memref<1x1x8x128xf32, #tpu.memory_space<vmem>>
    %dma_wait3A_735 = tpu.memref_squeeze %dma_wait3A_734 : memref<1x1x8x128xf32, #tpu.memory_space<vmem>> -> memref<8x128xf32, #tpu.memory_space<vmem>>
    tpu.wait_dma2 semaphore(%arg13 : memref<!tpu.dma_semaphore, #tpu.memory_space<semaphore_mem>>) src(%dma_wait3A_735 : memref<8x128xf32, #tpu.memory_space<vmem>>) dst(%dma_wait3A_731 : memref<8x128xf32, #tpu.memory_space<hbm>>)
    %dma_wait3A_736 = arith.constant 6 : i32
    %dma_wait3A_737 = arith.constant 0 : i32
    %dma_wait3A_738 = arith.constant 0 : i32
    %dma_wait3A_739 = arith.constant 6 : i32
    %dma_wait3A_740 = arith.constant 0 : i32
    %dma_wait3A_741 = arith.constant 0 : i32
    %dma_wait3A_742 = tpu.memref_slice %arg9[%dma_wait3A_736, %dma_wait3A_737, %dma_wait3A_740, %dma_wait3A_741] : memref<8x2x8x129xf32, #tpu.memory_space<vmem>> -> memref<1x1x8x128xf32, #tpu.memory_space<vmem>>
    %dma_wait3A_743 = tpu.memref_squeeze %dma_wait3A_742 : memref<1x1x8x128xf32, #tpu.memory_space<vmem>> -> memref<8x128xf32, #tpu.memory_space<vmem>>
    %dma_wait3A_744 = arith.constant 0 : i32
    %dma_wait3A_745 = arith.constant 0 : i32
    %dma_wait3A_746 = tpu.memref_slice %arg4[%dma_wait3A_738, %dma_wait3A_739, %mul3A_2, %dma_wait3A_744, %dma_wait3A_745] : memref<50x8x128x8x128xf32, #tpu.memory_space<hbm>> -> memref<1x1x1x8x128xf32, #tpu.memory_space<hbm>>
    %dma_wait3A_747 = tpu.memref_squeeze %dma_wait3A_746 : memref<1x1x1x8x128xf32, #tpu.memory_space<hbm>> -> memref<8x128xf32, #tpu.memory_space<hbm>>
    %dma_wait3A_748 = arith.constant 0 : i32
    %dma_wait3A_749 = arith.constant 0 : i32
    %dma_wait3A_750 = tpu.memref_slice %arg4[%dma_wait3A_738, %dma_wait3A_739, %mul3A_2, %dma_wait3A_748, %dma_wait3A_749] : memref<50x8x128x8x128xf32, #tpu.memory_space<hbm>> -> memref<1x1x1x8x128xf32, #tpu.memory_space<hbm>>
    %dma_wait3A_751 = tpu.memref_squeeze %dma_wait3A_750 : memref<1x1x1x8x128xf32, #tpu.memory_space<hbm>> -> memref<8x128xf32, #tpu.memory_space<hbm>>
    %dma_wait3A_752 = arith.constant 0 : i32
    %dma_wait3A_753 = arith.constant 0 : i32
    %dma_wait3A_754 = tpu.memref_slice %arg9[%dma_wait3A_736, %dma_wait3A_737, %dma_wait3A_752, %dma_wait3A_753] : memref<8x2x8x129xf32, #tpu.memory_space<vmem>> -> memref<1x1x8x128xf32, #tpu.memory_space<vmem>>
    %dma_wait3A_755 = tpu.memref_squeeze %dma_wait3A_754 : memref<1x1x8x128xf32, #tpu.memory_space<vmem>> -> memref<8x128xf32, #tpu.memory_space<vmem>>
    tpu.wait_dma2 semaphore(%arg13 : memref<!tpu.dma_semaphore, #tpu.memory_space<semaphore_mem>>) src(%dma_wait3A_755 : memref<8x128xf32, #tpu.memory_space<vmem>>) dst(%dma_wait3A_751 : memref<8x128xf32, #tpu.memory_space<hbm>>)
    %dma_wait3A_756 = arith.constant 6 : i32
    %dma_wait3A_757 = arith.constant 1 : i32
    %dma_wait3A_758 = arith.constant 0 : i32
    %dma_wait3A_759 = arith.constant 6 : i32
    %dma_wait3A_760 = arith.constant 0 : i32
    %dma_wait3A_761 = arith.constant 0 : i32
    %dma_wait3A_762 = tpu.memref_slice %arg9[%dma_wait3A_756, %dma_wait3A_757, %dma_wait3A_760, %dma_wait3A_761] : memref<8x2x8x129xf32, #tpu.memory_space<vmem>> -> memref<1x1x8x128xf32, #tpu.memory_space<vmem>>
    %dma_wait3A_763 = tpu.memref_squeeze %dma_wait3A_762 : memref<1x1x8x128xf32, #tpu.memory_space<vmem>> -> memref<8x128xf32, #tpu.memory_space<vmem>>
    %dma_wait3A_764 = arith.constant 0 : i32
    %dma_wait3A_765 = arith.constant 0 : i32
    %dma_wait3A_766 = tpu.memref_slice %arg4[%dma_wait3A_758, %dma_wait3A_759, %mul3A_2, %dma_wait3A_764, %dma_wait3A_765] : memref<50x8x128x8x128xf32, #tpu.memory_space<hbm>> -> memref<1x1x1x8x128xf32, #tpu.memory_space<hbm>>
    %dma_wait3A_767 = tpu.memref_squeeze %dma_wait3A_766 : memref<1x1x1x8x128xf32, #tpu.memory_space<hbm>> -> memref<8x128xf32, #tpu.memory_space<hbm>>
    %dma_wait3A_768 = arith.constant 0 : i32
    %dma_wait3A_769 = arith.constant 0 : i32
    %dma_wait3A_770 = tpu.memref_slice %arg4[%dma_wait3A_758, %dma_wait3A_759, %mul3A_2, %dma_wait3A_768, %dma_wait3A_769] : memref<50x8x128x8x128xf32, #tpu.memory_space<hbm>> -> memref<1x1x1x8x128xf32, #tpu.memory_space<hbm>>
    %dma_wait3A_771 = tpu.memref_squeeze %dma_wait3A_770 : memref<1x1x1x8x128xf32, #tpu.memory_space<hbm>> -> memref<8x128xf32, #tpu.memory_space<hbm>>
    %dma_wait3A_772 = arith.constant 0 : i32
    %dma_wait3A_773 = arith.constant 0 : i32
    %dma_wait3A_774 = tpu.memref_slice %arg9[%dma_wait3A_756, %dma_wait3A_757, %dma_wait3A_772, %dma_wait3A_773] : memref<8x2x8x129xf32, #tpu.memory_space<vmem>> -> memref<1x1x8x128xf32, #tpu.memory_space<vmem>>
    %dma_wait3A_775 = tpu.memref_squeeze %dma_wait3A_774 : memref<1x1x8x128xf32, #tpu.memory_space<vmem>> -> memref<8x128xf32, #tpu.memory_space<vmem>>
    tpu.wait_dma2 semaphore(%arg13 : memref<!tpu.dma_semaphore, #tpu.memory_space<semaphore_mem>>) src(%dma_wait3A_775 : memref<8x128xf32, #tpu.memory_space<vmem>>) dst(%dma_wait3A_771 : memref<8x128xf32, #tpu.memory_space<hbm>>)
    %dma_wait3A_776 = arith.constant 7 : i32
    %dma_wait3A_777 = arith.constant 0 : i32
    %dma_wait3A_778 = arith.constant 0 : i32
    %dma_wait3A_779 = arith.constant 7 : i32
    %dma_wait3A_780 = arith.constant 0 : i32
    %dma_wait3A_781 = arith.constant 0 : i32
    %dma_wait3A_782 = tpu.memref_slice %arg9[%dma_wait3A_776, %dma_wait3A_777, %dma_wait3A_780, %dma_wait3A_781] : memref<8x2x8x129xf32, #tpu.memory_space<vmem>> -> memref<1x1x8x128xf32, #tpu.memory_space<vmem>>
    %dma_wait3A_783 = tpu.memref_squeeze %dma_wait3A_782 : memref<1x1x8x128xf32, #tpu.memory_space<vmem>> -> memref<8x128xf32, #tpu.memory_space<vmem>>
    %dma_wait3A_784 = arith.constant 0 : i32
    %dma_wait3A_785 = arith.constant 0 : i32
    %dma_wait3A_786 = tpu.memref_slice %arg4[%dma_wait3A_778, %dma_wait3A_779, %mul3A_2, %dma_wait3A_784, %dma_wait3A_785] : memref<50x8x128x8x128xf32, #tpu.memory_space<hbm>> -> memref<1x1x1x8x128xf32, #tpu.memory_space<hbm>>
    %dma_wait3A_787 = tpu.memref_squeeze %dma_wait3A_786 : memref<1x1x1x8x128xf32, #tpu.memory_space<hbm>> -> memref<8x128xf32, #tpu.memory_space<hbm>>
    %dma_wait3A_788 = arith.constant 0 : i32
    %dma_wait3A_789 = arith.constant 0 : i32
    %dma_wait3A_790 = tpu.memref_slice %arg4[%dma_wait3A_778, %dma_wait3A_779, %mul3A_2, %dma_wait3A_788, %dma_wait3A_789] : memref<50x8x128x8x128xf32, #tpu.memory_space<hbm>> -> memref<1x1x1x8x128xf32, #tpu.memory_space<hbm>>
    %dma_wait3A_791 = tpu.memref_squeeze %dma_wait3A_790 : memref<1x1x1x8x128xf32, #tpu.memory_space<hbm>> -> memref<8x128xf32, #tpu.memory_space<hbm>>
    %dma_wait3A_792 = arith.constant 0 : i32
    %dma_wait3A_793 = arith.constant 0 : i32
    %dma_wait3A_794 = tpu.memref_slice %arg9[%dma_wait3A_776, %dma_wait3A_777, %dma_wait3A_792, %dma_wait3A_793] : memref<8x2x8x129xf32, #tpu.memory_space<vmem>> -> memref<1x1x8x128xf32, #tpu.memory_space<vmem>>
    %dma_wait3A_795 = tpu.memref_squeeze %dma_wait3A_794 : memref<1x1x8x128xf32, #tpu.memory_space<vmem>> -> memref<8x128xf32, #tpu.memory_space<vmem>>
    tpu.wait_dma2 semaphore(%arg13 : memref<!tpu.dma_semaphore, #tpu.memory_space<semaphore_mem>>) src(%dma_wait3A_795 : memref<8x128xf32, #tpu.memory_space<vmem>>) dst(%dma_wait3A_791 : memref<8x128xf32, #tpu.memory_space<hbm>>)
    %dma_wait3A_796 = arith.constant 7 : i32
    %dma_wait3A_797 = arith.constant 1 : i32
    %dma_wait3A_798 = arith.constant 0 : i32
    %dma_wait3A_799 = arith.constant 7 : i32
    %dma_wait3A_800 = arith.constant 0 : i32
    %dma_wait3A_801 = arith.constant 0 : i32
    %dma_wait3A_802 = tpu.memref_slice %arg9[%dma_wait3A_796, %dma_wait3A_797, %dma_wait3A_800, %dma_wait3A_801] : memref<8x2x8x129xf32, #tpu.memory_space<vmem>> -> memref<1x1x8x128xf32, #tpu.memory_space<vmem>>
    %dma_wait3A_803 = tpu.memref_squeeze %dma_wait3A_802 : memref<1x1x8x128xf32, #tpu.memory_space<vmem>> -> memref<8x128xf32, #tpu.memory_space<vmem>>
    %dma_wait3A_804 = arith.constant 0 : i32
    %dma_wait3A_805 = arith.constant 0 : i32
    %dma_wait3A_806 = tpu.memref_slice %arg4[%dma_wait3A_798, %dma_wait3A_799, %mul3A_2, %dma_wait3A_804, %dma_wait3A_805] : memref<50x8x128x8x128xf32, #tpu.memory_space<hbm>> -> memref<1x1x1x8x128xf32, #tpu.memory_space<hbm>>
    %dma_wait3A_807 = tpu.memref_squeeze %dma_wait3A_806 : memref<1x1x1x8x128xf32, #tpu.memory_space<hbm>> -> memref<8x128xf32, #tpu.memory_space<hbm>>
    %dma_wait3A_808 = arith.constant 0 : i32
    %dma_wait3A_809 = arith.constant 0 : i32
    %dma_wait3A_810 = tpu.memref_slice %arg4[%dma_wait3A_798, %dma_wait3A_799, %mul3A_2, %dma_wait3A_808, %dma_wait3A_809] : memref<50x8x128x8x128xf32, #tpu.memory_space<hbm>> -> memref<1x1x1x8x128xf32, #tpu.memory_space<hbm>>
    %dma_wait3A_811 = tpu.memref_squeeze %dma_wait3A_810 : memref<1x1x1x8x128xf32, #tpu.memory_space<hbm>> -> memref<8x128xf32, #tpu.memory_space<hbm>>
    %dma_wait3A_812 = arith.constant 0 : i32
    %dma_wait3A_813 = arith.constant 0 : i32
    %dma_wait3A_814 = tpu.memref_slice %arg9[%dma_wait3A_796, %dma_wait3A_797, %dma_wait3A_812, %dma_wait3A_813] : memref<8x2x8x129xf32, #tpu.memory_space<vmem>> -> memref<1x1x8x128xf32, #tpu.memory_space<vmem>>
    %dma_wait3A_815 = tpu.memref_squeeze %dma_wait3A_814 : memref<1x1x8x128xf32, #tpu.memory_space<vmem>> -> memref<8x128xf32, #tpu.memory_space<vmem>>
    tpu.wait_dma2 semaphore(%arg13 : memref<!tpu.dma_semaphore, #tpu.memory_space<semaphore_mem>>) src(%dma_wait3A_815 : memref<8x128xf32, #tpu.memory_space<vmem>>) dst(%dma_wait3A_811 : memref<8x128xf32, #tpu.memory_space<hbm>>)
    return
  }
}

</mosaic_0001>

<sc_bundles>
// kernel: kernel.3.cloned.1.call-start
scs
__scs_entry_jumppad:
0x0: {  	(pc) =	sbr.rel $0x88, $3  }
0x1: {  	(tag) =	ssettag $0x0;
	lr =	simm.s32 $0x1  }
0x2: {  	[smem:$0x3F9F] =	sst lr;
	_ =	strace $0xD0000000  }
0x3: {  	_ = 	snop  }
0x4: {  	_ = 	snop  }
0x5: {  	_ = 	snop  }
0x6: {  	_ = 	snop  }
0x7: {  	_ = 	snop  }
__scs_overlays_trampoline_lowered:
0x8: {  	[smem:$0x3FAE] =	sst s0  }
0x9: {  	[smem:$0x3FAF] =	sst s1  }
0xa: {  	[smem:$0x3FB0] =	sst s2  }
0xb: {  	[smem:$0x3FB1] =	sst s3  }
0xc: {  	[smem:$0x3FB2] =	sst s4  }
0xd: {  	[smem:$0x3FB3] =	sst s5  }
0xe: {  	[smem:$0x3FB4] =	sst s6  }
0xf: {  	[smem:$0x3FB5] =	sst s7  }
0x10: {  	[smem:$0x3FB6] =	sst s8  }
0x11: {  	[smem:$0x3FB7] =	sst s9;
	s0 =	simm.s32 @!p0 $0x0  }
0x12: {  	s1 =	sld [smem:$0x3F9D];
	s0 =	simm.s32 @p0 $0x1  }
0x13: {  	[smem:$0x3FB8] =	sst s0;
	s0 =	simm.s32 @!p1 $0x0  }
0x14: {  	s2 =	sld [smem:$0x3F9C];
	s0 =	simm.s32 @p1 $0x1  }
0x15: {  	[smem:$0x3FB9] =	sst s0;
	s0 =	simm.s32 @!p2 $0x0  }
0x16: {  	s3 =	sld [smem:$0x3FDB];
	s0 =	simm.s32 @p2 $0x1  }
0x17: {  	s4 =	simm.s32 $0x1BF5;
	[smem:$0x3FBB] =	sst s0  }
0x18: {  	s0 =	sld [smem:$0x3F9E];
	_ =	swait.ge [sflag:s4], $0x0  }
0x19: {  	s7 =	sld [smem:$0x3F9F]  }
0x1a: {  	s8 =	sadd.s32 $0xFFFFE003, lr  }
0x1b: {  	s9 =	sadd.s32 $0xFFFFFEF7, lr;
	s5 =	simm.s32 $0xFFFFFFFF;
	p2 =	slt.u32 s8, $0xFFFFF086  }
0x1c: {  	p1 =	slt.u32 s9, $0xF7A;
	s5 =	simm.s32 @!p2 $0x0  }
0x1d: {  	s5 =	simm.s32 @p1 $0x1;
	p0 =	seq.s32 s7, s2  }
0x1e: {  	s7 =	smul.u32 @!p0 $0xF7A, s2;
	p2 =	seq.s32 @!p0 s5, $0x0  }
0x1f: {  	s9 =	smul.u32 $0xF7A, s1;
	s8 =	simm.s32 @!p0 $0x1BF5;
	p2 =	por !p2, p0  }
0x20: {  	[sflag:s8] =	ssyncset.s32 @!p0 $0xFFFFF086;
	s6 =	sadd.s32 @!p0 s3, s7;
	s7 =	simm.s32 @!p0 $0x108  }
0x21: {  	s3 =	sadd.s32 s3, s9;
	s6 =	sadd.s32 @!p0 $0x88, s6;
	s7 =	simm.s32 @p2 $0x1082  }
0x22: {  	[simem:s7], [sflag:s8] =	dma.local @!p0 [hbm:s6], $0xF7A  }
0x23: {  	s9 =	sor.u32 $0xD0000000, s2;
	s6 =	simm.s32 $0x108;
	_ =	swait.ge @!p0 [sflag:s8], $0x0  }
0x24: {  	s3 =	sadd.s32 $0x88, s3;
	s6 =	simm.s32 @!p1 $0x1082;
	[sflag:s4] =	ssyncset.s32 $0xFFFFF086  }
0x25: {  	[simem:s6], [sflag:s4] =	dma.local [hbm:s3], $0xF7A  }
0x26: {  	[smem:$0x3F9F] =	sst s1;
	(tag) =	ssettag s2;
	_ =	strace s9  }
0x27: {  	s1 =	sld [smem:$0x3FAF]  }
0x28: {  	s2 =	sld [smem:$0x3FB0]  }
0x29: {  	s4 =	sld [smem:$0x3FB2]  }
0x2a: {  	p0 =	seq.s32 s5, $0x0;
	s5 =	sld [smem:$0x3FB3]  }
0x2b: {  	s6 =	sld [smem:$0x3FB4]  }
0x2c: {  	s7 =	sld [smem:$0x3FB5]  }
0x2d: {  	s3 =	simm.s32 $0x108;
	s8 =	sld [smem:$0x3FB6]  }
0x2e: {  	s3 =	simm.s32 @!p0 $0x1082;
	s9 =	sld [smem:$0x3FB7]  }
0x2f: {  	lr =	sadd.s32 s0, s3;
	s0 =	sld [smem:$0x3FAE]  }
0x30: {  	s3 =	sld [smem:$0x3FB1]  }
0x31: {  	[smem:$0x3FBA] =	sst s10  }
0x32: {  	s10 =	sld [smem:$0x3FB8];
	_ =	sdelay $0x3  }
0x33: {  	p0 =	seq.s32 s10, $0x1;
	s10 =	sld [smem:$0x3FBA];
	_ =	sdelay $0x3  }
0x34: {  	[smem:$0x3FBA] =	sst s10  }
0x35: {  	s10 =	sld [smem:$0x3FB9];
	_ =	sdelay $0x3  }
0x36: {  	p1 =	seq.s32 s10, $0x1;
	s10 =	sld [smem:$0x3FBA];
	_ =	sdelay $0x3  }
0x37: {  	[smem:$0x3FBA] =	sst s10  }
0x38: {  	s10 =	sld [smem:$0x3FBB]  }
0x39: {  	_ = 	snop;
	(pc) =	sbr.ind lr, $3  }
0x3a: {  	_ = 	snop  }
0x3b: {  	_ = 	snop  }
0x3c: {  	p2 =	seq.s32 s10, $0x1;
	s10 =	sld [smem:$0x3FBA]  }
0x3d: {  	_ =	shalt  }
0x3e: {  	_ =	shalt  }
0x3f: {  	_ =	shalt  }
0x40: {  	_ =	shalt  }
0x41: {  	_ =	shalt  }
0x42: {  	_ =	shalt  }
0x43: {  	_ =	shalt  }
0x44: {  	_ =	shalt  }
0x45: {  	_ =	shalt  }
0x46: {  	_ =	shalt  }
0x47: {  	_ =	shalt  }
0x48: {  	_ =	shalt  }
0x49: {  	_ =	shalt  }
0x4a: {  	_ =	shalt  }
0x4b: {  	_ =	shalt  }
0x4c: {  	_ =	shalt  }
0x4d: {  	_ =	shalt  }
0x4e: {  	_ =	shalt  }
0x4f: {  	_ =	shalt  }
0x50: {  	_ =	shalt  }
0x51: {  	_ =	shalt  }
0x52: {  	_ =	shalt  }
0x53: {  	_ =	shalt  }
0x54: {  	_ =	shalt  }
0x55: {  	_ =	shalt  }
0x56: {  	_ =	shalt  }
0x57: {  	_ =	shalt  }
0x58: {  	_ =	shalt  }
0x59: {  	_ =	shalt  }
0x5a: {  	_ =	shalt  }
0x5b: {  	_ =	shalt  }
0x5c: {  	_ =	shalt  }
0x5d: {  	_ =	shalt  }
0x5e: {  	_ =	shalt  }
0x5f: {  	_ =	shalt  }
0x60: {  	_ =	shalt  }
0x61: {  	_ =	shalt  }
0x62: {  	_ =	shalt  }
0x63: {  	_ =	shalt  }
0x64: {  	_ =	shalt  }
0x65: {  	_ =	shalt  }
0x66: {  	_ =	shalt  }
0x67: {  	_ =	shalt  }
0x68: {  	_ =	shalt  }
0x69: {  	_ =	shalt  }
0x6a: {  	_ =	shalt  }
0x6b: {  	_ =	shalt  }
0x6c: {  	_ =	shalt  }
0x6d: {  	_ =	shalt  }
0x6e: {  	_ =	shalt  }
0x6f: {  	_ =	shalt  }
0x70: {  	_ =	shalt  }
0x71: {  	_ =	shalt  }
0x72: {  	_ =	shalt  }
0x73: {  	_ =	shalt  }
0x74: {  	_ =	shalt  }
0x75: {  	_ =	shalt  }
0x76: {  	_ =	shalt  }
0x77: {  	_ =	shalt  }
0x78: {  	_ =	shalt  }
0x79: {  	_ =	shalt  }
0x7a: {  	_ =	shalt  }
0x7b: {  	_ =	shalt  }
0x7c: {  	_ =	shalt  }
0x7d: {  	_ =	shalt  }
0x7e: {  	_ =	shalt  }
0x7f: {  	_ =	shalt  }
0x80: {  	_ =	shalt  }
0x81: {  	_ =	shalt  }
0x82: {  	_ =	shalt  }
0x83: {  	_ =	shalt  }
0x84: {  	_ =	shalt  }
0x85: {  	_ =	shalt  }
0x86: {  	_ =	shalt  }
0x87: {  	_ =	shalt  }
.Lfunc_end0:
.L_simem_size_0:
called_computation_lowered:
.L_overlay_start_0:
0x88: {  	s2 =	sld [smem:$0x3FD9]  }
0x89: {  	s3 =	sld [smem:$0x3FFE];
	_ =	sdelay $0x1  }
0x8a: {  	s1 =	srdreg.scid  }
0x8b: {  	s0 =	sand.u32 $0x1, s1  }
0x8c: {  	s17 =	sshll.u32 s0, $0xA;
	s2 =	sadd.s32 s3, s2  }
0x8d: {  	s2 =	sadd.s32 s2, s17  }
0x8e: {  	[smem:$0x3FC6] =	sst s2  }
0x8f: {  	_ = 	snop  }
0x90: {  	s2 =	sld [smem:$0x3FD0];
	(tm) =	ssettm $0x1  }
0x91: {  	s18 =	sld [smem:$0x3FFB];
	_ =	sdelay $0x3  }
0x92: {  	_ =	strace s18  }
0x93: {  	s3 =	sld [smem:$0x3FFC];
	_ =	sdelay $0x3  }
0x94: {  	_ =	strace s3  }
0x95: {  	s3 =	sld [smem:$0x3FFD];
	_ =	sdelay $0x3  }
0x96: {  	_ =	strace s3  }
0x97: {  	_ =	strace $0x8FFFFFFF  }
0x98: {  	s19 =	sld [smem:$0x3FDB];
	_ =	sdelay $0x1  }
0x99: {  	s4 =	simm.s32 $_scs_section_size  }
0x9a: {  	s5 =	simm.s32 $_size__tile_overlayer_lowered;
	s6 =	simm.s32 $_tile_overlayer_lowered  }
0x9b: {  	s22 =	simm.s32 $0x1BFF;
	s21 =	sshll.u32 s6, $0x1;
	s3 =	sadd.s32 s4, s19  }
0x9c: {  	s7 =	simm.s32 $0x0;
	s20 =	sshll.u32 s5, $0x1;
	s5 =	sadd.s32 s21, s3  }
0x9d: {  	[timem:s7], [sflag:s22] =	dma.local [hbm:s5], s20  }
0x9e: {  	_ =	swait.ge [sflag:s22], s20  }
0x9f: {  	s4 =	ssub.s32 $0x0, s20;
	[sflag:s22] =	ssyncset.done $0x0  }
0xa0: {  	[sflag:s22] =	ssyncadd.s32 s4;
	_ =	sdelay $0x1  }
0xa1: {  	s23 =	simm.s32 $0x1B8B  }
0xa2: {  	_ =	swait.ge [sflag:s23], $0x1  }
0xa3: {  	[sflag:s23] =	ssyncset.done $0x0  }
0xa4: {  	s25 =	simm.s32 $0x1B8E;
	s24 =	sld [smem:$0x3FFE];
	[sflag:s23] =	ssyncadd.s32 $0xFFFFFFFF  }
0xa5: {  	s26 =	simm.s32 $execute0_lowered;
	[smem:$0x3FD2] =	sst s25  }
0xa6: {  	s5 =	sshll.u32 s26, $0x1;
	_ =	strace $0x80000046;
	[dreg:$0x1] =	wrdreg $0xFFFFFFFF  }
0xa7: {  	s28 =	simm.s32 $_size_execute0_lowered;
	s3 =	sadd.s32 s3, s5;
	[dreg:$0x0] =	wrdreg $0x0  }
0xa8: {  	s5 =	sshll.u32 s28, $0x1;
	[dreg:$0x2] =	wrdreg s3  }
0xa9: {  	[dreg:$0x3] =	wrdreg s5  }
0xaa: {  	[dreg:$0x4] =	wrdreg $0xC0  }
0xab: {  	_ =	task [dreg:s7], $0x5FFFF  }
0xac: {  	[dreg:$0x1] =	wrdreg $0xFFFFFFFF  }
0xad: {  	[dreg:$0x0] =	wrdreg $0x60  }
0xae: {  	[dreg:$0x2] =	wrdreg s24  }
0xaf: {  	[dreg:$0x3] =	wrdreg s2  }
0xb0: {  	[dreg:$0x4] =	wrdreg $0x9  }
0xb1: {  	_ =	task.clear_ibuf [dreg:s7], $0x5FFFF;
	_ =	strace $0x90000046  }
0xb2: {  	s29 =	simm.s32 $0x9;
	_ =	strace $0x80000048  }
0xb3: {  	_ =	swait.ge [sflag:s29], $0x1  }
0xb4: {  	[sflag:s29] =	ssyncadd.s32 $0xFFFFFFFF  }
0xb5: {  	_ =	strace $0x90000048  }
0xb6: {  	_ =	sfence  }
0xb7: {  	s30 =	sld [smem:$0x0];
	_ =	sdelay $0x2  }
0xb8: {  	s31 =	sshll.u32 s1, $0xD;
	s1 =	sshrl.u32 s1, $0x2  }
0xb9: {  	s3 =	sand.u32 $0x4000, s31;
	s1 =	sadd.s32 s1, s30  }
0xba: {  	s0 =	sor.u32 s3, s0;
	s1 =	sshll.u32 s1, $0x11  }
0xbb: {  	s0 =	sor.u32 s1, s0  }
0xbc: {  	s0 =	sadd.s32 $0x8F2B, s0  }
0xbd: {  	[sflag:s0] =	ssyncadd.remote.s32 $0x1  }
0xbe: {  	_ =	sfence.sel $0xFFFF  }
0xbf: {  	[dreg:$0x0] =	wrdreg $0xFFFFFFFF;
	(pc) =	sbr.abs _section_cstart, $3  }
0xc0: {  	[dreg:$0x1] =	wrdreg $0xFFFFFFFF  }
0xc1: {  	_ =	task.clear_ibuf [dreg:s7], $0x2FFFF;
	_ =	strace $0x9FFFFFFF  }
0xc2: {  	(tm) =	ssettm $0x7FFFFFFF  }
0xc3: {  	_ =	shalt  }
tec
execute0_lowered:
.L_overlay_start_1:
0x0: {  	(tag) =	ssettag $0x1  }
0x1: {  	v0 =	vimm.s32 $0xC38;
	vm0 =	vcmask $0x300  }
0x2: {  	v1 =	vimm.s32 $0x1D38;
	vm1 =	vcmask $0x704;
	vm2 =	vcmask $0xB08  }
0x3: {  	vm3 =	vcmask $0xF0C;
	vm4 =	vcmask $0x1310;
	vm5 =	vcmask $0x1714  }
0x4: {  	vm6 =	vcmask $0x1B18;
	vm7 =	vcmask $0x1F1C;
	vm8 =	vcmask $0x2320  }
0x5: {  	vm9 =	vcmask $0x2724;
	vm10 =	vcmask $0x2B28;
	vm11 =	vcmask $0x2F2C  }
0x6: {  	vm12 =	vcmask $0x3330;
	vm13 =	vcmask $0x3734;
	vm14 =	vcmask $0x3B38  }
0x7: {  	v2 =	vimm.s32 $0x2E38;
	v3 =	vimm.s32 $0x3F38;
	v4 =	vimm.s32 $0x1078  }
0x8: {  	v5 =	vimm.s32 $0x2178;
	v6 =	vimm.s32 $0x3278;
	v7 =	vimm.s32 $0x4378  }
0x9: {  	v0 =	vsel vm0, $0x0, v0;
	v1 =	vsel vm0, $0x1100, v1;
	v2 =	vsel vm0, $0x2200, v2  }
0xa: {  	v3 =	vsel vm0, $0x3300, v3;
	v4 =	vsel vm0, $0x440, v4;
	v5 =	vsel vm0, $0x1540, v5  }
0xb: {  	v6 =	vsel vm0, $0x2640, v6;
	v7 =	vsel vm0, $0x3740, v7;
	v0 =	vsel vm1, $0x88, v0  }
0xc: {  	v1 =	vsel vm1, $0x1188, v1;
	v2 =	vsel vm1, $0x2288, v2;
	v3 =	vsel vm1, $0x3388, v3  }
0xd: {  	v4 =	vsel vm1, $0x4C8, v4;
	v5 =	vsel vm1, $0x15C8, v5;
	v6 =	vsel vm1, $0x26C8, v6  }
0xe: {  	v7 =	vsel vm1, $0x37C8, v7;
	v0 =	vsel vm2, $0x110, v0;
	v1 =	vsel vm2, $0x1210, v1  }
0xf: {  	v2 =	vsel vm2, $0x2310, v2;
	v3 =	vsel vm2, $0x3410, v3;
	v4 =	vsel vm2, $0x550, v4  }
0x10: {  	v5 =	vsel vm2, $0x1650, v5;
	v6 =	vsel vm2, $0x2750, v6;
	v7 =	vsel vm2, $0x3850, v7  }
0x11: {  	v0 =	vsel vm3, $0x198, v0;
	v1 =	vsel vm3, $0x1298, v1;
	v2 =	vsel vm3, $0x2398, v2  }
0x12: {  	v3 =	vsel vm3, $0x3498, v3;
	v4 =	vsel vm3, $0x5D8, v4;
	v5 =	vsel vm3, $0x16D8, v5  }
0x13: {  	v6 =	vsel vm3, $0x27D8, v6;
	v7 =	vsel vm3, $0x38D8, v7;
	v0 =	vsel vm4, $0x220, v0  }
0x14: {  	v1 =	vsel vm4, $0x1320, v1;
	v2 =	vsel vm4, $0x2420, v2;
	v3 =	vsel vm4, $0x3520, v3  }
0x15: {  	v4 =	vsel vm4, $0x660, v4;
	v5 =	vsel vm4, $0x1760, v5;
	v6 =	vsel vm4, $0x2860, v6  }
0x16: {  	v7 =	vsel vm4, $0x3960, v7;
	v0 =	vsel vm5, $0x2A8, v0;
	v1 =	vsel vm5, $0x13A8, v1  }
0x17: {  	v2 =	vsel vm5, $0x24A8, v2;
	v3 =	vsel vm5, $0x35A8, v3;
	v4 =	vsel vm5, $0x6E8, v4  }
0x18: {  	v5 =	vsel vm5, $0x17E8, v5;
	v6 =	vsel vm5, $0x28E8, v6;
	v7 =	vsel vm5, $0x39E8, v7  }
0x19: {  	v0 =	vsel vm6, $0x330, v0;
	v1 =	vsel vm6, $0x1430, v1;
	v2 =	vsel vm6, $0x2530, v2  }
0x1a: {  	v3 =	vsel vm6, $0x3630, v3;
	v4 =	vsel vm6, $0x770, v4;
	v5 =	vsel vm6, $0x1870, v5  }
0x1b: {  	v6 =	vsel vm6, $0x2970, v6;
	v7 =	vsel vm6, $0x3A70, v7;
	v0 =	vsel vm7, $0x3B8, v0  }
0x1c: {  	v1 =	vsel vm7, $0x14B8, v1;
	v2 =	vsel vm7, $0x25B8, v2;
	v3 =	vsel vm7, $0x36B8, v3  }
0x1d: {  	v4 =	vsel vm7, $0x7F8, v4;
	v5 =	vsel vm7, $0x18F8, v5;
	v6 =	vsel vm7, $0x29F8, v6  }
0x1e: {  	v7 =	vsel vm7, $0x3AF8, v7;
	v0 =	vsel vm8, $0x880, v0;
	v1 =	vsel vm8, $0x1980, v1  }
0x1f: {  	v2 =	vsel vm8, $0x2A80, v2;
	v3 =	vsel vm8, $0x3B80, v3;
	v4 =	vsel vm8, $0xCC0, v4  }
0x20: {  	v5 =	vsel vm8, $0x1DC0, v5;
	v6 =	vsel vm8, $0x2EC0, v6;
	v7 =	vsel vm8, $0x3FC0, v7  }
0x21: {  	v0 =	vsel vm9, $0x908, v0;
	v1 =	vsel vm9, $0x1A08, v1;
	v2 =	vsel vm9, $0x2B08, v2  }
0x22: {  	s0 =	srdreg.scid;
	v3 =	vsel vm9, $0x3C08, v3;
	v4 =	vsel vm9, $0xD48, v4;
	v5 =	vsel vm9, $0x1E48, v5  }
0x23: {  	s1 =	rddreg [dreg:$0x0];
	s3 =	stileid.u32;
	v6 =	vsel vm9, $0x2F48, v6;
	v7 =	vsel vm9, $0x4048, v7;
	v0 =	vsel vm10, $0x990, v0  }
0x24: {  	s2 =	rddreg [dreg:$0x1];
	s21 =	simm.s32 $0x80;
	s24 =	simm.s32 $0x1;
	v1 =	vsel vm10, $0x1A90, v1;
	v2 =	vsel vm10, $0x2B90, v2;
	v3 =	vsel vm10, $0x3C90, v3  }
0x25: {  	s28 =	simm.s32 $0xE400;
	s30 =	simm.s32 $0x2;
	s31 =	simm.s32 $0x12800;
	v4 =	vsel vm10, $0xDD0, v4;
	v5 =	vsel vm10, $0x1ED0, v5;
	v6 =	vsel vm10, $0x2FD0, v6  }
0x26: {  	s23 =	simm.s32 $0x16848;
	s17 =	simm.s32 $0x3;
	s20 =	simm.s32 $0x4;
	v7 =	vsel vm10, $0x40D0, v7;
	v0 =	vsel vm11, $0xA18, v0;
	v1 =	vsel vm11, $0x1B18, v1  }
0x27: {  	s0 =	sand.u32 $0x1, s0;
	s4 =	sshll.u32 s3, $0x3;
	s3 =	simm.s32 $0x0;
	v2 =	vsel vm11, $0x2C18, v2;
	v3 =	vsel vm11, $0x3D18, v3;
	v4 =	vsel vm11, $0xE58, v4  }
0x28: {  	s8 =	sadd.s32 $0x4000, s2;
	s9 =	sadd.s32 $0x8000, s2;
	s10 =	sadd.s32 $0xC000, s2;
	v5 =	vsel vm11, $0x1F58, v5;
	v6 =	vsel vm11, $0x3058, v6;
	v7 =	vsel vm11, $0x4158, v7  }
0x29: {  	s11 =	sadd.s32 $0x10000, s2;
	s12 =	sadd.s32 $0x14000, s2;
	s13 =	sadd.s32 $0x18000, s2;
	v0 =	vsel vm12, $0xAA0, v0;
	v1 =	vsel vm12, $0x1BA0, v1;
	v2 =	vsel vm12, $0x2CA0, v2  }
0x2a: {  	s14 =	sadd.s32 $0x1C000, s2;
	s5 =	sshll.u32 s0, $0x2;
	[smem:$0x7FF] =	sst s3;
	v3 =	vsel vm12, $0x3DA0, v3;
	v4 =	vsel vm12, $0xEE0, v4;
	v5 =	vsel vm12, $0x1FE0, v5  }
0x2b: {  	s0 =	ssub.s32 $0x2, s0;
	s5 =	sor.u32 s5, s4;
	_ =	strace $0x80000047;
	v6 =	vsel vm12, $0x30E0, v6;
	v7 =	vsel vm12, $0x41E0, v7;
	v0 =	vsel vm13, $0xB28, v0  }
0x2c: {  	s26 =	sshrl.u32 s0, $0x1;
	s4 =	sshll.u32 s5, $0x4;
	s5 =	sshll.u32 s5, $0xA;
	v1 =	vsel vm13, $0x1C28, v1;
	v2 =	vsel vm13, $0x2D28, v2;
	v3 =	vsel vm13, $0x3E28, v3  }
0x2d: {  	s0 =	ssub.s32 s0, s26;
	s6 =	sadd.s32 s4, s1;
	s4 =	sadd.s32 $0xF42C00, s1;
	v4 =	vsel vm13, $0xF68, v4;
	v5 =	vsel vm13, $0x2068, v5;
	v6 =	vsel vm13, $0x3168, v6  }
0x2e: {  	s7 =	sor.u32 $0x400, s5;
	s15 =	sor.u32 $0x800, s5;
	s0 =	smax.u32 s0, $0x1;
	v7 =	vsel vm13, $0x4268, v7;
	v0 =	vsel vm14, $0xBB0, v0;
	v1 =	vsel vm14, $0x1CB0, v1  }
0x2f: {  	s16 =	sor.u32 $0xC00, s5;
	s29 =	sadd.s32 $0x600, s6;
	[dreg:$0x4] =	wrdreg s0;
	v2 =	vsel vm14, $0x2DB0, v2;
	v3 =	vsel vm14, $0x3EB0, v3;
	v4 =	vsel vm14, $0xFF0, v4  }
0x30: {  	s1 =	simm.s32 $0x0;
	s6 =	simm.s32 $0x168D0;
	[dreg:$0x3] =	wrdreg s29;
	v5 =	vsel vm14, $0x20F0, v5;
	v6 =	vsel vm14, $0x31F0, v6;
	v7 =	vsel vm14, $0x42F0, v7  }
.LBB2_1:
0x31: {  	[dreg:$0x5] =	wrdreg s1  }
0x32: {  	s0 =	rddreg [dreg:$0x3]  }
0x33: {  	s22 =	simm.s32 $0x200;
	s18 =	simm.s32 $0x4000;
	s25 =	simm.s32 $0x5  }
0x34: {  	[tilespmem:s3], [sflag:$0x5] =	stream.strided.gather [hbm4b:s0+s22], $0x6400, s18, s22, $0x38;
	[tilespmem:$0x16C00] =	vst v63  }
0x35: {  	_ =	swait.ge [sflag:s25], $0x6400  }
0x36: {  	[sflag:s25] =	ssyncset.done $0x0  }
0x37: {  	s26 =	simm.s32 $0x6400;
	[sflag:s25] =	ssyncadd.s32 $0xFFFF9C00  }
0x38: {  	[tilespmem:s26], [sflag:$0x1] =	stream.indirect.gather [hbm4b:s4+s21], $0x40, s3, s21, $0xb8;
	[tilespmem:$0x16C00] =	vst v63  }
0x39: {  	s29 =	simm.s32 $0x8400;
	s25 =	simm.s32 $0x0  }
0x3a: {  	[tilespmem:s29], [sflag:$0x1] =	stream.indirect.gather [hbm4b:s4+s21], $0x40, s21, s21, $0xb8;
	[tilespmem:$0x16C00] =	vst v63  }
.LBB2_2:
0x3b: {  	_ =	swait.ge [sflag:s24], $0x2000  }
0x3c: {  	[sflag:s24] =	ssyncset.done $0x0  }
0x3d: {  	[sflag:s24] =	ssyncadd.s32 $0xFFFFE000  }
0x3e: {  	s0 =	sshll.u32 s25, $0xB;
	_ =	swait.ge [sflag:s24], $0x2000  }
0x3f: {  	s1 =	simm.s32 $0xA400;
	s29 =	sshra.s32 s0, $0x2;
	[sflag:s24] =	ssyncset.done $0x0  }
0x40: {  	p0 =	seq.s32 s25, $0x0;
	s0 =	sor.u32 $0x100, s29;
	[sflag:s24] =	ssyncadd.s32 $0xFFFFE000  }
0x41: {  	[tilespmem:s1], [sflag:$0x2] =	stream.indirect.gather [hbm4b:s4+s21], $0x40, s0, s21, $0xb8;
	[tilespmem:$0x16C00] =	vst v63  }
0x42: {  	s26 =	simm.s32 $0xC400;
	s22 =	sor.u32 $0x180, s29;
	s0 =	simm.s32 @!p0 $0x3  }
0x43: {  	[tilespmem:s26], [sflag:$0x2] =	stream.indirect.gather [hbm4b:s4+s21], $0x40, s22, s21, $0xb8;
	[tilespmem:$0x16C00] =	vst v63  }
0x44: {  	_ =	swait.ge @!p0 [sflag:s0], $0x400  }
0x45: {  	[sflag:s0] =	ssyncset.done @!p0 $0x0  }
0x46: {  	[sflag:s0] =	ssyncadd.s32 @!p0 $0xFFFFFC00  }
0x47: {  	_ =	swait.ge @!p0 [sflag:s0], $0x400  }
0x48: {  	[sflag:s0] =	ssyncset.done @!p0 $0x0  }
0x49: {  	[sflag:s0] =	ssyncadd.s32 @!p0 $0xFFFFFC00  }
0x4a: {  	_ =	swait.ge @!p0 [sflag:s0], $0x400  }
0x4b: {  	[sflag:s0] =	ssyncset.done @!p0 $0x0  }
0x4c: {  	[sflag:s0] =	ssyncadd.s32 @!p0 $0xFFFFFC00  }
0x4d: {  	_ =	swait.ge @!p0 [sflag:s0], $0x400  }
0x4e: {  	[sflag:s0] =	ssyncset.done @!p0 $0x0  }
0x4f: {  	[sflag:s0] =	ssyncadd.s32 @!p0 $0xFFFFFC00  }
0x50: {  	_ =	swait.ge @!p0 [sflag:s0], $0x400  }
0x51: {  	[sflag:s0] =	ssyncset.done @!p0 $0x0  }
0x52: {  	[sflag:s0] =	ssyncadd.s32 @!p0 $0xFFFFFC00  }
0x53: {  	_ =	swait.ge @!p0 [sflag:s0], $0x400  }
0x54: {  	[sflag:s0] =	ssyncset.done @!p0 $0x0  }
0x55: {  	[sflag:s0] =	ssyncadd.s32 @!p0 $0xFFFFFC00  }
0x56: {  	_ =	swait.ge @!p0 [sflag:s0], $0x400  }
0x57: {  	[sflag:s0] =	ssyncset.done @!p0 $0x0  }
0x58: {  	[sflag:s0] =	ssyncadd.s32 @!p0 $0xFFFFFC00  }
0x59: {  	_ =	swait.ge @!p0 [sflag:s0], $0x400  }
0x5a: {  	[sflag:s0] =	ssyncset.done @!p0 $0x0  }
0x5b: {  	[sflag:s0] =	ssyncadd.s32 @!p0 $0xFFFFFC00  }
0x5c: {  	_ =	swait.ge @!p0 [sflag:s0], $0x400  }
0x5d: {  	[sflag:s0] =	ssyncset.done @!p0 $0x0  }
0x5e: {  	[sflag:s0] =	ssyncadd.s32 @!p0 $0xFFFFFC00  }
0x5f: {  	_ =	swait.ge @!p0 [sflag:s0], $0x400  }
0x60: {  	[sflag:s0] =	ssyncset.done @!p0 $0x0  }
0x61: {  	[sflag:s0] =	ssyncadd.s32 @!p0 $0xFFFFFC00  }
0x62: {  	_ =	swait.ge @!p0 [sflag:s0], $0x400  }
0x63: {  	[sflag:s0] =	ssyncset.done @!p0 $0x0  }
0x64: {  	[sflag:s0] =	ssyncadd.s32 @!p0 $0xFFFFFC00  }
0x65: {  	_ =	swait.ge @!p0 [sflag:s0], $0x400  }
0x66: {  	[sflag:s0] =	ssyncset.done @!p0 $0x0  }
0x67: {  	[sflag:s0] =	ssyncadd.s32 @!p0 $0xFFFFFC00  }
0x68: {  	_ =	swait.ge @!p0 [sflag:s0], $0x400  }
0x69: {  	[sflag:s0] =	ssyncset.done @!p0 $0x0  }
0x6a: {  	[sflag:s0] =	ssyncadd.s32 @!p0 $0xFFFFFC00  }
0x6b: {  	_ =	swait.ge @!p0 [sflag:s0], $0x400  }
0x6c: {  	[sflag:s0] =	ssyncset.done @!p0 $0x0  }
0x6d: {  	[sflag:s0] =	ssyncadd.s32 @!p0 $0xFFFFFC00  }
0x6e: {  	_ =	swait.ge @!p0 [sflag:s0], $0x400  }
0x6f: {  	[sflag:s0] =	ssyncset.done @!p0 $0x0  }
0x70: {  	[sflag:s0] =	ssyncadd.s32 @!p0 $0xFFFFFC00  }
0x71: {  	s18 =	simm.s32 $0x0;
	_ =	swait.ge @!p0 [sflag:s0], $0x400  }
0x72: {  	v8 =	vmov s18;
	[sflag:s0] =	ssyncset.done @!p0 $0x0  }
0x73: {  	v11 =	vand.u32 $0x7F, v8;
	s26 =	simm.s32 $0x6420;
	[sflag:s0] =	ssyncadd.s32 @!p0 $0xFFFFFC00  }
0x74: {  	v10 =	vadd.s32 v0, v11;
	v9 =	vld [tilespmem:s26+$0xFFFFFFE0];
	_ =	sdelay $0x1  }
0x75: {  	s19 =	simm.s32 $0x1  }
0x76: {  	v8 =	vmov s19  }
0x77: {  	v8 =	vand.u32 $0x7F, v8;
	s0 =	simm.s32 $0x6460  }
0x78: {  	v12 =	vadd.s32 v0, v8;
	[tilespmem:v10+s28+$0x0] =	vst.idx.msk $0xffff, v9;
	v10 =	vld [tilespmem:s0+$0xFFFFFFE0];
	_ =	sdelay $0x1  }
0x79: {  	v14 =	vadd.s32 v1, v11;
	s22 =	simm.s32 $0x2;
	v13 =	vld [tilespmem:s26+$0xFFFFFFF0]  }
0x7a: {  	v9 =	vmov s22  }
0x7b: {  	s1 =	simm.s32 $0x64A0;
	v9 =	vand.u32 $0x7F, v9  }
0x7c: {  	[tilespmem:v12+s28+$0x0] =	vst.idx.msk $0xffff, v10;
	v10 =	vld [tilespmem:s1+$0xFFFFFFE0];
	v12 =	vadd.s32 v0, v9;
	_ =	sdelay $0x1  }
0x7d: {  	[tilespmem:v14+s28+$0x0] =	vst.idx.msk $0xffff, v13;
	v13 =	vld [tilespmem:s0+$0xFFFFFFF0];
	v14 =	vadd.s32 v1, v8  }
0x7e: {  	s19 =	simm.s32 $0x3;
	v16 =	vadd.s32 v2, v11;
	v15 =	vld [tilespmem:s26+$0x0]  }
0x7f: {  	v18 =	vmov s19  }
0x80: {  	s18 =	simm.s32 $0x64E0;
	[tilespmem:v12+s28+$0x0] =	vst.idx.msk $0xffff, v10;
	v10 =	vand.u32 $0x7F, v18  }
0x81: {  	v17 =	vld [tilespmem:s18+$0xFFFFFFE0];
	v21 =	vadd.s32 v0, v10  }
0x82: {  	v22 =	vadd.s32 v1, v9;
	[tilespmem:v14+s28+$0x0] =	vst.idx.msk $0xffff, v13;
	v19 =	vld [tilespmem:s1+$0xFFFFFFF0]  }
0x83: {  	v18 =	vadd.s32 v2, v8;
	[tilespmem:v16+s28+$0x0] =	vst.idx.msk $0xffff, v15;
	v15 =	vld [tilespmem:s0+$0x0]  }
0x84: {  	s19 =	simm.s32 $0x4;
	v20 =	vmovc v8;
	v13 =	vadd.s32 v3, v11;
	v14 =	vmov v10;
	v16 =	vmov v9;
	v12 =	vld [tilespmem:s26+$0x10];
	s26 =	simm.s32 $0x64E0  }
.LBB2_3:
0x85: {  	v23 =	vmov s19;
	p0 =	sne.s32 s19, $0x7F  }
.Ltmp0:
0x86: {  	s18 =	sadd.s32 $0x40, s18;
	v23 =	vand.u32 $0x7F, v23;
	[tilespmem:v21+s28+$0x0] =	vst.idx.msk $0xffff, v17;
	(pc) =	sbr.rel @p0 .LBB2_3-.Ltmp0, $4  }
0x87: {  	v17 =	vld [tilespmem:s18+$0xFFFFFFE0];
	v21 =	vadd.s32 v0, v23;
	[tilespmem:v22+s28+$0x0] =	vst.idx.msk $0xffff, v19  }
0x88: {  	s19 =	sadd.s32 $0x1, s19;
	v22 =	vadd.s32 v1, v14;
	v19 =	vld [tilespmem:s26+$0xFFFFFFF0];
	[tilespmem:v18+s28+$0x0] =	vst.idx.msk $0xffff, v15  }
0x89: {  	v18 =	vadd.s32 v2, v16;
	v15 =	vld [tilespmem:s1+$0x0];
	[tilespmem:v13+s28+$0x0] =	vst.idx.msk $0xffff, v12  }
0x8a: {  	v13 =	vadd.s32 v3, v20;
	v20 =	vmovc v16;
	v16 =	vmov v14;
	v14 =	vmov v23;
	v12 =	vld [tilespmem:s0+$0x10];
	s0 =	smov.u32 s1;
	s1 =	smov.u32 s26;
	s26 =	smov.u32 s18  }
0x8b: {  	_ =	sdelay $0x3  }
0x8c: {  	[tilespmem:v21+s28+$0x0] =	vst.idx.msk $0xffff, v17  }
0x8d: {  	v61 =	vadd.s32 v1, v14;
	v17 =	vld [tilespmem:s26+$0xFFFFFFF0];
	_ =	sdelay $0x3  }
0x8e: {  	[tilespmem:v22+s28+$0x0] =	vst.idx.msk $0xffff, v19  }
0x8f: {  	v62 =	vadd.s32 v2, v16;
	v19 =	vld [tilespmem:s1+$0x0];
	[tilespmem:v61+s28+$0x0] =	vst.idx.msk $0xffff, v17  }
0x90: {  	v63 =	vadd.s32 v2, v14;
	v17 =	vld [tilespmem:s26+$0x0];
	_ =	sdelay $0x2  }
0x91: {  	[tilespmem:v18+s28+$0x0] =	vst.idx.msk $0xffff, v15  }
0x92: {  	v18 =	vadd.s32 v3, v20;
	v15 =	vld [tilespmem:s0+$0x10];
	[tilespmem:v62+s28+$0x0] =	vst.idx.msk $0xffff, v19  }
0x93: {  	v16 =	vadd.s32 v3, v16;
	v19 =	vld [tilespmem:s1+$0x10];
	[tilespmem:v63+s28+$0x0] =	vst.idx.msk $0xffff, v17  }
0x94: {  	v14 =	vadd.s32 v3, v14;
	v17 =	vld [tilespmem:s26+$0x10];
	_ =	sdelay $0x1  }
0x95: {  	[tilespmem:v13+s28+$0x0] =	vst.idx.msk $0xffff, v12  }
0x96: {  	[tilespmem:v18+s28+$0x0] =	vst.idx.msk $0xffff, v15  }
0x97: {  	[tilespmem:v16+s28+$0x0] =	vst.idx.msk $0xffff, v19  }
0x98: {  	s18 =	simm.s32 $0x8430;
	[tilespmem:v14+s28+$0x0] =	vst.idx.msk $0xffff, v17  }
0x99: {  	v13 =	vadd.s32 v4, v11;
	v12 =	vld [tilespmem:s18+$0xFFFFFFD0];
	_ =	sdelay $0x3  }
0x9a: {  	s1 =	simm.s32 $0x8470  }
0x9b: {  	[tilespmem:v13+s28+$0x0] =	vst.idx.msk $0xffff, v12;
	v12 =	vld [tilespmem:s1+$0xFFFFFFD0];
	v13 =	vadd.s32 v4, v8  }
0x9c: {  	v15 =	vadd.s32 v5, v11;
	v14 =	vld [tilespmem:s18+$0xFFFFFFE0];
	_ =	sdelay $0x2  }
0x9d: {  	s0 =	simm.s32 $0x84B0  }
0x9e: {  	[tilespmem:v13+s28+$0x0] =	vst.idx.msk $0xffff, v12;
	v12 =	vld [tilespmem:s0+$0xFFFFFFD0];
	v13 =	vadd.s32 v4, v9  }
0x9f: {  	v16 =	vadd.s32 v5, v8;
	[tilespmem:v15+s28+$0x0] =	vst.idx.msk $0xffff, v14;
	v14 =	vld [tilespmem:s1+$0xFFFFFFE0]  }
0xa0: {  	v19 =	vadd.s32 v6, v11;
	v18 =	vld [tilespmem:s18+$0xFFFFFFF0];
	_ =	sdelay $0x2  }
0xa1: {  	s26 =	simm.s32 $0x84F0;
	[tilespmem:v13+s28+$0x0] =	vst.idx.msk $0xffff, v12  }
0xa2: {  	v17 =	vadd.s32 v4, v10;
	v15 =	vld [tilespmem:s26+$0xFFFFFFD0];
	[tilespmem:v16+s28+$0x0] =	vst.idx.msk $0xffff, v14  }
0xa3: {  	v16 =	vld [tilespmem:s0+$0xFFFFFFE0];
	[tilespmem:v19+s28+$0x0] =	vst.idx.msk $0xffff, v18;
	v18 =	vadd.s32 v5, v9  }
0xa4: {  	v14 =	vadd.s32 v6, v8;
	v13 =	vld [tilespmem:s1+$0xFFFFFFF0]  }
0xa5: {  	s19 =	simm.s32 $0x4;
	v11 =	vadd.s32 v7, v11;
	v12 =	vld [tilespmem:s18+$0x0];
	s18 =	simm.s32 $0x84F0  }
.LBB2_5:
0xa6: {  	v19 =	vmov s19;
	p0 =	sne.s32 s19, $0x7F  }
.Ltmp1:
0xa7: {  	s26 =	sadd.s32 $0x40, s26;
	v19 =	vand.u32 $0x7F, v19;
	[tilespmem:v17+s28+$0x0] =	vst.idx.msk $0xffff, v15;
	(pc) =	sbr.rel @p0 .LBB2_5-.Ltmp1, $4  }
0xa8: {  	v15 =	vld [tilespmem:s26+$0xFFFFFFD0];
	v17 =	vadd.s32 v4, v19;
	[tilespmem:v18+s28+$0x0] =	vst.idx.msk $0xffff, v16  }
0xa9: {  	s19 =	sadd.s32 $0x1, s19;
	v18 =	vadd.s32 v5, v10;
	v16 =	vld [tilespmem:s18+$0xFFFFFFE0];
	[tilespmem:v14+s28+$0x0] =	vst.idx.msk $0xffff, v13  }
0xaa: {  	v14 =	vadd.s32 v6, v9;
	v13 =	vld [tilespmem:s0+$0xFFFFFFF0];
	[tilespmem:v11+s28+$0x0] =	vst.idx.msk $0xffff, v12  }
0xab: {  	v11 =	vadd.s32 v7, v8;
	v8 =	vmovc v9;
	v9 =	vmov v10;
	v10 =	vmov v19;
	v12 =	vld [tilespmem:s1+$0x0];
	s1 =	smov.u32 s0;
	s0 =	smov.u32 s18;
	s18 =	smov.u32 s26  }
0xac: {  	_ =	sdelay $0x3  }
0xad: {  	[tilespmem:v17+s28+$0x0] =	vst.idx.msk $0xffff, v15  }
0xae: {  	v17 =	vadd.s32 v5, v10;
	v15 =	vld [tilespmem:s18+$0xFFFFFFE0];
	_ =	sdelay $0x3  }
0xaf: {  	[tilespmem:v18+s28+$0x0] =	vst.idx.msk $0xffff, v16  }
0xb0: {  	v18 =	vadd.s32 v6, v9;
	v16 =	vld [tilespmem:s0+$0xFFFFFFF0];
	[tilespmem:v17+s28+$0x0] =	vst.idx.msk $0xffff, v15  }
0xb1: {  	v17 =	vadd.s32 v6, v10;
	v15 =	vld [tilespmem:s18+$0xFFFFFFF0];
	_ =	sdelay $0x2  }
0xb2: {  	[tilespmem:v14+s28+$0x0] =	vst.idx.msk $0xffff, v13  }
0xb3: {  	v8 =	vadd.s32 v7, v8;
	v13 =	vld [tilespmem:s1+$0x0];
	[tilespmem:v18+s28+$0x0] =	vst.idx.msk $0xffff, v16  }
0xb4: {  	v9 =	vadd.s32 v7, v9;
	v14 =	vld [tilespmem:s0+$0x0];
	[tilespmem:v17+s28+$0x0] =	vst.idx.msk $0xffff, v15  }
0xb5: {  	v10 =	vadd.s32 v7, v10;
	v15 =	vld [tilespmem:s18+$0x0];
	_ =	sdelay $0x1  }
0xb6: {  	s26 =	sshll.u32 s25, $0x14;
	[tilespmem:v11+s28+$0x0] =	vst.idx.msk $0xffff, v12  }
0xb7: {  	s19 =	sor.u32 s5, s26;
	[tilespmem:v8+s28+$0x0] =	vst.idx.msk $0xffff, v13  }
0xb8: {  	s1 =	sshrl.u32 s19, $0x3;
	[tilespmem:v9+s28+$0x0] =	vst.idx.msk $0xffff, v14  }
0xb9: {  	s0 =	sadd.s32 s2, s1;
	[tilespmem:v10+s28+$0x0] =	vst.idx.msk $0xffff, v15  }
0xba: {  	[hbm4b:s0+s3] =	stream.linear.scatter [tilespmem:s28], [sflag:$0x3], $0x80, $0x38;
	[tilespmem:$0x16C00] =	vst v63  }
0xbb: {  	s19 =	simm.s32 $0xE488;
	s22 =	sadd.s32 $0x10, s0  }
0xbc: {  	[hbm4b:s22+s3] =	stream.linear.scatter [tilespmem:s19], [sflag:$0x3], $0x80, $0x38;
	[tilespmem:$0x16C00] =	vst v63  }
0xbd: {  	s19 =	sadd.s32 $0x20, s0;
	s22 =	simm.s32 $0xE510  }
0xbe: {  	[hbm4b:s19+s3] =	stream.linear.scatter [tilespmem:s22], [sflag:$0x3], $0x80, $0x38;
	[tilespmem:$0x16C00] =	vst v63  }
0xbf: {  	s19 =	sadd.s32 $0x30, s0;
	s22 =	simm.s32 $0xE598  }
0xc0: {  	[hbm4b:s19+s3] =	stream.linear.scatter [tilespmem:s22], [sflag:$0x3], $0x80, $0x38;
	[tilespmem:$0x16C00] =	vst v63  }
0xc1: {  	s19 =	sadd.s32 $0x40, s0;
	s22 =	simm.s32 $0xE620  }
0xc2: {  	[hbm4b:s19+s3] =	stream.linear.scatter [tilespmem:s22], [sflag:$0x3], $0x80, $0x38;
	[tilespmem:$0x16C00] =	vst v63  }
0xc3: {  	s19 =	sadd.s32 $0x50, s0;
	s22 =	simm.s32 $0xE6A8  }
0xc4: {  	[hbm4b:s19+s3] =	stream.linear.scatter [tilespmem:s22], [sflag:$0x3], $0x80, $0x38;
	[tilespmem:$0x16C00] =	vst v63  }
0xc5: {  	s19 =	sadd.s32 $0x60, s0;
	s22 =	simm.s32 $0xE730  }
0xc6: {  	[hbm4b:s19+s3] =	stream.linear.scatter [tilespmem:s22], [sflag:$0x3], $0x80, $0x38;
	[tilespmem:$0x16C00] =	vst v63  }
0xc7: {  	s0 =	sadd.s32 $0x70, s0;
	s22 =	simm.s32 $0xE7B8;
	s19 =	sor.u32 s7, s26  }
0xc8: {  	[hbm4b:s0+s3] =	stream.linear.scatter [tilespmem:s22], [sflag:$0x3], $0x80, $0x38;
	[tilespmem:$0x16C00] =	vst v63  }
0xc9: {  	s0 =	sshrl.u32 s19, $0x3  }
0xca: {  	s22 =	simm.s32 $0xE840;
	s0 =	sadd.s32 s2, s0  }
0xcb: {  	[hbm4b:s0+s3] =	stream.linear.scatter [tilespmem:s22], [sflag:$0x3], $0x80, $0x38;
	[tilespmem:$0x16C00] =	vst v63  }
0xcc: {  	s19 =	sadd.s32 $0x10, s0;
	s22 =	simm.s32 $0xE8C8  }
0xcd: {  	[hbm4b:s19+s3] =	stream.linear.scatter [tilespmem:s22], [sflag:$0x3], $0x80, $0x38;
	[tilespmem:$0x16C00] =	vst v63  }
0xce: {  	s19 =	sadd.s32 $0x20, s0;
	s22 =	simm.s32 $0xE950  }
0xcf: {  	[hbm4b:s19+s3] =	stream.linear.scatter [tilespmem:s22], [sflag:$0x3], $0x80, $0x38;
	[tilespmem:$0x16C00] =	vst v63  }
0xd0: {  	s19 =	sadd.s32 $0x30, s0;
	s22 =	simm.s32 $0xE9D8  }
0xd1: {  	[hbm4b:s19+s3] =	stream.linear.scatter [tilespmem:s22], [sflag:$0x3], $0x80, $0x38;
	[tilespmem:$0x16C00] =	vst v63  }
0xd2: {  	s19 =	sadd.s32 $0x40, s0;
	s22 =	simm.s32 $0xEA60  }
0xd3: {  	[hbm4b:s19+s3] =	stream.linear.scatter [tilespmem:s22], [sflag:$0x3], $0x80, $0x38;
	[tilespmem:$0x16C00] =	vst v63  }
0xd4: {  	s19 =	sadd.s32 $0x50, s0;
	s22 =	simm.s32 $0xEAE8  }
0xd5: {  	[hbm4b:s19+s3] =	stream.linear.scatter [tilespmem:s22], [sflag:$0x3], $0x80, $0x38;
	[tilespmem:$0x16C00] =	vst v63  }
0xd6: {  	s19 =	sadd.s32 $0x60, s0;
	s22 =	simm.s32 $0xEB70  }
0xd7: {  	[hbm4b:s19+s3] =	stream.linear.scatter [tilespmem:s22], [sflag:$0x3], $0x80, $0x38;
	[tilespmem:$0x16C00] =	vst v63  }
0xd8: {  	s19 =	sadd.s32 $0x70, s0;
	s22 =	simm.s32 $0xEBF8  }
0xd9: {  	[hbm4b:s19+s3] =	stream.linear.scatter [tilespmem:s22], [sflag:$0x3], $0x80, $0x38;
	[tilespmem:$0x16C00] =	vst v63  }
0xda: {  	s18 =	sadd.s32 s1, s8;
	s22 =	simm.s32 $0xEC80  }
0xdb: {  	[hbm4b:s18+s3] =	stream.linear.scatter [tilespmem:s22], [sflag:$0x3], $0x80, $0x38;
	[tilespmem:$0x16C00] =	vst v63  }
0xdc: {  	s19 =	sadd.s32 $0x10, s18;
	s22 =	simm.s32 $0xED08  }
0xdd: {  	[hbm4b:s19+s3] =	stream.linear.scatter [tilespmem:s22], [sflag:$0x3], $0x80, $0x38;
	[tilespmem:$0x16C00] =	vst v63  }
0xde: {  	s19 =	sadd.s32 $0x20, s18;
	s22 =	simm.s32 $0xED90  }
0xdf: {  	[hbm4b:s19+s3] =	stream.linear.scatter [tilespmem:s22], [sflag:$0x3], $0x80, $0x38;
	[tilespmem:$0x16C00] =	vst v63  }
0xe0: {  	s19 =	sadd.s32 $0x30, s18;
	s22 =	simm.s32 $0xEE18  }
0xe1: {  	[hbm4b:s19+s3] =	stream.linear.scatter [tilespmem:s22], [sflag:$0x3], $0x80, $0x38;
	[tilespmem:$0x16C00] =	vst v63  }
0xe2: {  	s19 =	sadd.s32 $0x40, s18;
	s22 =	simm.s32 $0xEEA0  }
0xe3: {  	[hbm4b:s19+s3] =	stream.linear.scatter [tilespmem:s22], [sflag:$0x3], $0x80, $0x38;
	[tilespmem:$0x16C00] =	vst v63  }
0xe4: {  	s19 =	sadd.s32 $0x50, s18;
	s22 =	simm.s32 $0xEF28  }
0xe5: {  	[hbm4b:s19+s3] =	stream.linear.scatter [tilespmem:s22], [sflag:$0x3], $0x80, $0x38;
	[tilespmem:$0x16C00] =	vst v63  }
0xe6: {  	s19 =	sadd.s32 $0x60, s18;
	s22 =	simm.s32 $0xEFB0  }
0xe7: {  	[hbm4b:s19+s3] =	stream.linear.scatter [tilespmem:s22], [sflag:$0x3], $0x80, $0x38;
	[tilespmem:$0x16C00] =	vst v63  }
0xe8: {  	s18 =	sadd.s32 $0x70, s18;
	s22 =	simm.s32 $0xF038  }
0xe9: {  	[hbm4b:s18+s3] =	stream.linear.scatter [tilespmem:s22], [sflag:$0x3], $0x80, $0x38;
	[tilespmem:$0x16C00] =	vst v63  }
0xea: {  	s19 =	sadd.s32 $0x4000, s0;
	s22 =	simm.s32 $0xF0C0  }
0xeb: {  	[hbm4b:s19+s3] =	stream.linear.scatter [tilespmem:s22], [sflag:$0x3], $0x80, $0x38;
	[tilespmem:$0x16C00] =	vst v63  }
0xec: {  	s19 =	sadd.s32 $0x4010, s0;
	s22 =	simm.s32 $0xF148  }
0xed: {  	[hbm4b:s19+s3] =	stream.linear.scatter [tilespmem:s22], [sflag:$0x3], $0x80, $0x38;
	[tilespmem:$0x16C00] =	vst v63  }
0xee: {  	s19 =	sadd.s32 $0x4020, s0;
	s22 =	simm.s32 $0xF1D0  }
0xef: {  	[hbm4b:s19+s3] =	stream.linear.scatter [tilespmem:s22], [sflag:$0x3], $0x80, $0x38;
	[tilespmem:$0x16C00] =	vst v63  }
0xf0: {  	s19 =	sadd.s32 $0x4030, s0;
	s22 =	simm.s32 $0xF258  }
0xf1: {  	[hbm4b:s19+s3] =	stream.linear.scatter [tilespmem:s22], [sflag:$0x3], $0x80, $0x38;
	[tilespmem:$0x16C00] =	vst v63  }
0xf2: {  	s19 =	sadd.s32 $0x4040, s0;
	s22 =	simm.s32 $0xF2E0  }
0xf3: {  	[hbm4b:s19+s3] =	stream.linear.scatter [tilespmem:s22], [sflag:$0x3], $0x80, $0x38;
	[tilespmem:$0x16C00] =	vst v63  }
0xf4: {  	s19 =	sadd.s32 $0x4050, s0;
	s22 =	simm.s32 $0xF368  }
0xf5: {  	[hbm4b:s19+s3] =	stream.linear.scatter [tilespmem:s22], [sflag:$0x3], $0x80, $0x38;
	[tilespmem:$0x16C00] =	vst v63  }
0xf6: {  	s19 =	sadd.s32 $0x4060, s0;
	s22 =	simm.s32 $0xF3F0  }
0xf7: {  	[hbm4b:s19+s3] =	stream.linear.scatter [tilespmem:s22], [sflag:$0x3], $0x80, $0x38;
	[tilespmem:$0x16C00] =	vst v63  }
0xf8: {  	s19 =	sadd.s32 $0x4070, s0;
	s22 =	simm.s32 $0xF478  }
0xf9: {  	[hbm4b:s19+s3] =	stream.linear.scatter [tilespmem:s22], [sflag:$0x3], $0x80, $0x38;
	[tilespmem:$0x16C00] =	vst v63  }
0xfa: {  	s18 =	sadd.s32 s1, s9;
	s22 =	simm.s32 $0xF500  }
0xfb: {  	[hbm4b:s18+s3] =	stream.linear.scatter [tilespmem:s22], [sflag:$0x3], $0x80, $0x38;
	[tilespmem:$0x16C00] =	vst v63  }
0xfc: {  	s19 =	sadd.s32 $0x10, s18;
	s22 =	simm.s32 $0xF588  }
0xfd: {  	[hbm4b:s19+s3] =	stream.linear.scatter [tilespmem:s22], [sflag:$0x3], $0x80, $0x38;
	[tilespmem:$0x16C00] =	vst v63  }
0xfe: {  	s19 =	sadd.s32 $0x20, s18;
	s22 =	simm.s32 $0xF610  }
0xff: {  	[hbm4b:s19+s3] =	stream.linear.scatter [tilespmem:s22], [sflag:$0x3], $0x80, $0x38;
	[tilespmem:$0x16C00] =	vst v63  }
0x100: {  	s19 =	sadd.s32 $0x30, s18;
	s22 =	simm.s32 $0xF698  }
0x101: {  	[hbm4b:s19+s3] =	stream.linear.scatter [tilespmem:s22], [sflag:$0x3], $0x80, $0x38;
	[tilespmem:$0x16C00] =	vst v63  }
0x102: {  	s19 =	sadd.s32 $0x40, s18;
	s22 =	simm.s32 $0xF720  }
0x103: {  	[hbm4b:s19+s3] =	stream.linear.scatter [tilespmem:s22], [sflag:$0x3], $0x80, $0x38;
	[tilespmem:$0x16C00] =	vst v63  }
0x104: {  	s19 =	sadd.s32 $0x50, s18;
	s22 =	simm.s32 $0xF7A8  }
0x105: {  	[hbm4b:s19+s3] =	stream.linear.scatter [tilespmem:s22], [sflag:$0x3], $0x80, $0x38;
	[tilespmem:$0x16C00] =	vst v63  }
0x106: {  	s19 =	sadd.s32 $0x60, s18;
	s22 =	simm.s32 $0xF830  }
0x107: {  	[hbm4b:s19+s3] =	stream.linear.scatter [tilespmem:s22], [sflag:$0x3], $0x80, $0x38;
	[tilespmem:$0x16C00] =	vst v63  }
0x108: {  	s18 =	sadd.s32 $0x70, s18;
	s22 =	simm.s32 $0xF8B8  }
0x109: {  	[hbm4b:s18+s3] =	stream.linear.scatter [tilespmem:s22], [sflag:$0x3], $0x80, $0x38;
	[tilespmem:$0x16C00] =	vst v63  }
0x10a: {  	s19 =	sadd.s32 $0x8000, s0;
	s22 =	simm.s32 $0xF940  }
0x10b: {  	[hbm4b:s19+s3] =	stream.linear.scatter [tilespmem:s22], [sflag:$0x3], $0x80, $0x38;
	[tilespmem:$0x16C00] =	vst v63  }
0x10c: {  	s19 =	sadd.s32 $0x8010, s0;
	s22 =	simm.s32 $0xF9C8  }
0x10d: {  	[hbm4b:s19+s3] =	stream.linear.scatter [tilespmem:s22], [sflag:$0x3], $0x80, $0x38;
	[tilespmem:$0x16C00] =	vst v63  }
0x10e: {  	s19 =	sadd.s32 $0x8020, s0;
	s22 =	simm.s32 $0xFA50  }
0x10f: {  	[hbm4b:s19+s3] =	stream.linear.scatter [tilespmem:s22], [sflag:$0x3], $0x80, $0x38;
	[tilespmem:$0x16C00] =	vst v63  }
0x110: {  	s19 =	sadd.s32 $0x8030, s0;
	s22 =	simm.s32 $0xFAD8  }
0x111: {  	[hbm4b:s19+s3] =	stream.linear.scatter [tilespmem:s22], [sflag:$0x3], $0x80, $0x38;
	[tilespmem:$0x16C00] =	vst v63  }
0x112: {  	s19 =	sadd.s32 $0x8040, s0;
	s22 =	simm.s32 $0xFB60  }
0x113: {  	[hbm4b:s19+s3] =	stream.linear.scatter [tilespmem:s22], [sflag:$0x3], $0x80, $0x38;
	[tilespmem:$0x16C00] =	vst v63  }
0x114: {  	s19 =	sadd.s32 $0x8050, s0;
	s22 =	simm.s32 $0xFBE8  }
0x115: {  	[hbm4b:s19+s3] =	stream.linear.scatter [tilespmem:s22], [sflag:$0x3], $0x80, $0x38;
	[tilespmem:$0x16C00] =	vst v63  }
0x116: {  	s19 =	sadd.s32 $0x8060, s0;
	s22 =	simm.s32 $0xFC70  }
0x117: {  	[hbm4b:s19+s3] =	stream.linear.scatter [tilespmem:s22], [sflag:$0x3], $0x80, $0x38;
	[tilespmem:$0x16C00] =	vst v63  }
0x118: {  	s19 =	sadd.s32 $0x8070, s0;
	s22 =	simm.s32 $0xFCF8  }
0x119: {  	[hbm4b:s19+s3] =	stream.linear.scatter [tilespmem:s22], [sflag:$0x3], $0x80, $0x38;
	[tilespmem:$0x16C00] =	vst v63  }
0x11a: {  	s18 =	sadd.s32 s1, s10;
	s22 =	simm.s32 $0xFD80  }
0x11b: {  	[hbm4b:s18+s3] =	stream.linear.scatter [tilespmem:s22], [sflag:$0x3], $0x80, $0x38;
	[tilespmem:$0x16C00] =	vst v63  }
0x11c: {  	s19 =	sadd.s32 $0x10, s18;
	s22 =	simm.s32 $0xFE08  }
0x11d: {  	[hbm4b:s19+s3] =	stream.linear.scatter [tilespmem:s22], [sflag:$0x3], $0x80, $0x38;
	[tilespmem:$0x16C00] =	vst v63  }
0x11e: {  	s19 =	sadd.s32 $0x20, s18;
	s22 =	simm.s32 $0xFE90  }
0x11f: {  	[hbm4b:s19+s3] =	stream.linear.scatter [tilespmem:s22], [sflag:$0x3], $0x80, $0x38;
	[tilespmem:$0x16C00] =	vst v63  }
0x120: {  	s19 =	sadd.s32 $0x30, s18;
	s22 =	simm.s32 $0xFF18  }
0x121: {  	[hbm4b:s19+s3] =	stream.linear.scatter [tilespmem:s22], [sflag:$0x3], $0x80, $0x38;
	[tilespmem:$0x16C00] =	vst v63  }
0x122: {  	s19 =	sadd.s32 $0x40, s18;
	s22 =	simm.s32 $0xFFA0  }
0x123: {  	[hbm4b:s19+s3] =	stream.linear.scatter [tilespmem:s22], [sflag:$0x3], $0x80, $0x38;
	[tilespmem:$0x16C00] =	vst v63  }
0x124: {  	s19 =	sadd.s32 $0x50, s18;
	s22 =	simm.s32 $0x10028  }
0x125: {  	[hbm4b:s19+s3] =	stream.linear.scatter [tilespmem:s22], [sflag:$0x3], $0x80, $0x38;
	[tilespmem:$0x16C00] =	vst v63  }
0x126: {  	s19 =	sadd.s32 $0x60, s18;
	s22 =	simm.s32 $0x100B0  }
0x127: {  	[hbm4b:s19+s3] =	stream.linear.scatter [tilespmem:s22], [sflag:$0x3], $0x80, $0x38;
	[tilespmem:$0x16C00] =	vst v63  }
0x128: {  	s18 =	sadd.s32 $0x70, s18;
	s22 =	simm.s32 $0x10138  }
0x129: {  	[hbm4b:s18+s3] =	stream.linear.scatter [tilespmem:s22], [sflag:$0x3], $0x80, $0x38;
	[tilespmem:$0x16C00] =	vst v63  }
0x12a: {  	s19 =	sadd.s32 $0xC000, s0;
	s22 =	simm.s32 $0x101C0  }
0x12b: {  	[hbm4b:s19+s3] =	stream.linear.scatter [tilespmem:s22], [sflag:$0x3], $0x80, $0x38;
	[tilespmem:$0x16C00] =	vst v63  }
0x12c: {  	s19 =	sadd.s32 $0xC010, s0;
	s22 =	simm.s32 $0x10248  }
0x12d: {  	[hbm4b:s19+s3] =	stream.linear.scatter [tilespmem:s22], [sflag:$0x3], $0x80, $0x38;
	[tilespmem:$0x16C00] =	vst v63  }
0x12e: {  	s19 =	sadd.s32 $0xC020, s0;
	s22 =	simm.s32 $0x102D0  }
0x12f: {  	[hbm4b:s19+s3] =	stream.linear.scatter [tilespmem:s22], [sflag:$0x3], $0x80, $0x38;
	[tilespmem:$0x16C00] =	vst v63  }
0x130: {  	s19 =	sadd.s32 $0xC030, s0;
	s22 =	simm.s32 $0x10358  }
0x131: {  	[hbm4b:s19+s3] =	stream.linear.scatter [tilespmem:s22], [sflag:$0x3], $0x80, $0x38;
	[tilespmem:$0x16C00] =	vst v63  }
0x132: {  	s19 =	sadd.s32 $0xC040, s0;
	s22 =	simm.s32 $0x103E0  }
0x133: {  	[hbm4b:s19+s3] =	stream.linear.scatter [tilespmem:s22], [sflag:$0x3], $0x80, $0x38;
	[tilespmem:$0x16C00] =	vst v63  }
0x134: {  	s19 =	sadd.s32 $0xC050, s0;
	s22 =	simm.s32 $0x10468  }
0x135: {  	[hbm4b:s19+s3] =	stream.linear.scatter [tilespmem:s22], [sflag:$0x3], $0x80, $0x38;
	[tilespmem:$0x16C00] =	vst v63  }
0x136: {  	s19 =	sadd.s32 $0xC060, s0;
	s22 =	simm.s32 $0x104F0  }
0x137: {  	[hbm4b:s19+s3] =	stream.linear.scatter [tilespmem:s22], [sflag:$0x3], $0x80, $0x38;
	[tilespmem:$0x16C00] =	vst v63  }
0x138: {  	s19 =	sadd.s32 $0xC070, s0;
	s22 =	simm.s32 $0x10578  }
0x139: {  	[hbm4b:s19+s3] =	stream.linear.scatter [tilespmem:s22], [sflag:$0x3], $0x80, $0x38;
	[tilespmem:$0x16C00] =	vst v63  }
0x13a: {  	s18 =	sadd.s32 s1, s11;
	s22 =	simm.s32 $0x10600  }
0x13b: {  	[hbm4b:s18+s3] =	stream.linear.scatter [tilespmem:s22], [sflag:$0x3], $0x80, $0x38;
	[tilespmem:$0x16C00] =	vst v63  }
0x13c: {  	s19 =	sadd.s32 $0x10, s18;
	s22 =	simm.s32 $0x10688  }
0x13d: {  	[hbm4b:s19+s3] =	stream.linear.scatter [tilespmem:s22], [sflag:$0x3], $0x80, $0x38;
	[tilespmem:$0x16C00] =	vst v63  }
0x13e: {  	s19 =	sadd.s32 $0x20, s18;
	s22 =	simm.s32 $0x10710  }
0x13f: {  	[hbm4b:s19+s3] =	stream.linear.scatter [tilespmem:s22], [sflag:$0x3], $0x80, $0x38;
	[tilespmem:$0x16C00] =	vst v63  }
0x140: {  	s19 =	sadd.s32 $0x30, s18;
	s22 =	simm.s32 $0x10798  }
0x141: {  	[hbm4b:s19+s3] =	stream.linear.scatter [tilespmem:s22], [sflag:$0x3], $0x80, $0x38;
	[tilespmem:$0x16C00] =	vst v63  }
0x142: {  	s19 =	sadd.s32 $0x40, s18;
	s22 =	simm.s32 $0x10820  }
0x143: {  	[hbm4b:s19+s3] =	stream.linear.scatter [tilespmem:s22], [sflag:$0x3], $0x80, $0x38;
	[tilespmem:$0x16C00] =	vst v63  }
0x144: {  	s19 =	sadd.s32 $0x50, s18;
	s22 =	simm.s32 $0x108A8  }
0x145: {  	[hbm4b:s19+s3] =	stream.linear.scatter [tilespmem:s22], [sflag:$0x3], $0x80, $0x38;
	[tilespmem:$0x16C00] =	vst v63  }
0x146: {  	s19 =	sadd.s32 $0x60, s18;
	s22 =	simm.s32 $0x10930  }
0x147: {  	[hbm4b:s19+s3] =	stream.linear.scatter [tilespmem:s22], [sflag:$0x3], $0x80, $0x38;
	[tilespmem:$0x16C00] =	vst v63  }
0x148: {  	s18 =	sadd.s32 $0x70, s18;
	s22 =	simm.s32 $0x109B8  }
0x149: {  	[hbm4b:s18+s3] =	stream.linear.scatter [tilespmem:s22], [sflag:$0x3], $0x80, $0x38;
	[tilespmem:$0x16C00] =	vst v63  }
0x14a: {  	s18 =	sadd.s32 $0x10000, s0;
	s22 =	simm.s32 $0x10A40  }
0x14b: {  	[hbm4b:s18+s3] =	stream.linear.scatter [tilespmem:s22], [sflag:$0x3], $0x80, $0x38;
	[tilespmem:$0x16C00] =	vst v63  }
0x14c: {  	s19 =	sadd.s32 $0x10, s18;
	s22 =	simm.s32 $0x10AC8  }
0x14d: {  	[hbm4b:s19+s3] =	stream.linear.scatter [tilespmem:s22], [sflag:$0x3], $0x80, $0x38;
	[tilespmem:$0x16C00] =	vst v63  }
0x14e: {  	s19 =	sadd.s32 $0x20, s18;
	s22 =	simm.s32 $0x10B50  }
0x14f: {  	[hbm4b:s19+s3] =	stream.linear.scatter [tilespmem:s22], [sflag:$0x3], $0x80, $0x38;
	[tilespmem:$0x16C00] =	vst v63  }
0x150: {  	s19 =	sadd.s32 $0x30, s18;
	s22 =	simm.s32 $0x10BD8  }
0x151: {  	[hbm4b:s19+s3] =	stream.linear.scatter [tilespmem:s22], [sflag:$0x3], $0x80, $0x38;
	[tilespmem:$0x16C00] =	vst v63  }
0x152: {  	s19 =	sadd.s32 $0x40, s18;
	s22 =	simm.s32 $0x10C60  }
0x153: {  	[hbm4b:s19+s3] =	stream.linear.scatter [tilespmem:s22], [sflag:$0x3], $0x80, $0x38;
	[tilespmem:$0x16C00] =	vst v63  }
0x154: {  	s19 =	sadd.s32 $0x50, s18;
	s22 =	simm.s32 $0x10CE8  }
0x155: {  	[hbm4b:s19+s3] =	stream.linear.scatter [tilespmem:s22], [sflag:$0x3], $0x80, $0x38;
	[tilespmem:$0x16C00] =	vst v63  }
0x156: {  	s19 =	sadd.s32 $0x60, s18;
	s22 =	simm.s32 $0x10D70  }
0x157: {  	[hbm4b:s19+s3] =	stream.linear.scatter [tilespmem:s22], [sflag:$0x3], $0x80, $0x38;
	[tilespmem:$0x16C00] =	vst v63  }
0x158: {  	s18 =	sadd.s32 $0x70, s18;
	s22 =	simm.s32 $0x10DF8  }
0x159: {  	[hbm4b:s18+s3] =	stream.linear.scatter [tilespmem:s22], [sflag:$0x3], $0x80, $0x38;
	[tilespmem:$0x16C00] =	vst v63  }
0x15a: {  	s18 =	sadd.s32 s1, s12;
	s22 =	simm.s32 $0x10E80  }
0x15b: {  	[hbm4b:s18+s3] =	stream.linear.scatter [tilespmem:s22], [sflag:$0x3], $0x80, $0x38;
	[tilespmem:$0x16C00] =	vst v63  }
0x15c: {  	s19 =	sadd.s32 $0x10, s18;
	s22 =	simm.s32 $0x10F08  }
0x15d: {  	[hbm4b:s19+s3] =	stream.linear.scatter [tilespmem:s22], [sflag:$0x3], $0x80, $0x38;
	[tilespmem:$0x16C00] =	vst v63  }
0x15e: {  	s19 =	sadd.s32 $0x20, s18;
	s22 =	simm.s32 $0x10F90  }
0x15f: {  	[hbm4b:s19+s3] =	stream.linear.scatter [tilespmem:s22], [sflag:$0x3], $0x80, $0x38;
	[tilespmem:$0x16C00] =	vst v63  }
0x160: {  	s19 =	sadd.s32 $0x30, s18;
	s22 =	simm.s32 $0x11018  }
0x161: {  	[hbm4b:s19+s3] =	stream.linear.scatter [tilespmem:s22], [sflag:$0x3], $0x80, $0x38;
	[tilespmem:$0x16C00] =	vst v63  }
0x162: {  	s19 =	sadd.s32 $0x40, s18;
	s22 =	simm.s32 $0x110A0  }
0x163: {  	[hbm4b:s19+s3] =	stream.linear.scatter [tilespmem:s22], [sflag:$0x3], $0x80, $0x38;
	[tilespmem:$0x16C00] =	vst v63  }
0x164: {  	s19 =	sadd.s32 $0x50, s18;
	s22 =	simm.s32 $0x11128  }
0x165: {  	[hbm4b:s19+s3] =	stream.linear.scatter [tilespmem:s22], [sflag:$0x3], $0x80, $0x38;
	[tilespmem:$0x16C00] =	vst v63  }
0x166: {  	s19 =	sadd.s32 $0x60, s18;
	s22 =	simm.s32 $0x111B0  }
0x167: {  	[hbm4b:s19+s3] =	stream.linear.scatter [tilespmem:s22], [sflag:$0x3], $0x80, $0x38;
	[tilespmem:$0x16C00] =	vst v63  }
0x168: {  	s18 =	sadd.s32 $0x70, s18;
	s22 =	simm.s32 $0x11238  }
0x169: {  	[hbm4b:s18+s3] =	stream.linear.scatter [tilespmem:s22], [sflag:$0x3], $0x80, $0x38;
	[tilespmem:$0x16C00] =	vst v63  }
0x16a: {  	s18 =	sadd.s32 $0x14000, s0;
	s22 =	simm.s32 $0x112C0  }
0x16b: {  	[hbm4b:s18+s3] =	stream.linear.scatter [tilespmem:s22], [sflag:$0x3], $0x80, $0x38;
	[tilespmem:$0x16C00] =	vst v63  }
0x16c: {  	s19 =	sadd.s32 $0x10, s18;
	s22 =	simm.s32 $0x11348  }
0x16d: {  	[hbm4b:s19+s3] =	stream.linear.scatter [tilespmem:s22], [sflag:$0x3], $0x80, $0x38;
	[tilespmem:$0x16C00] =	vst v63  }
0x16e: {  	s19 =	sadd.s32 $0x20, s18;
	s22 =	simm.s32 $0x113D0  }
0x16f: {  	[hbm4b:s19+s3] =	stream.linear.scatter [tilespmem:s22], [sflag:$0x3], $0x80, $0x38;
	[tilespmem:$0x16C00] =	vst v63  }
0x170: {  	s19 =	sadd.s32 $0x30, s18;
	s22 =	simm.s32 $0x11458  }
0x171: {  	[hbm4b:s19+s3] =	stream.linear.scatter [tilespmem:s22], [sflag:$0x3], $0x80, $0x38;
	[tilespmem:$0x16C00] =	vst v63  }
0x172: {  	s19 =	sadd.s32 $0x40, s18;
	s22 =	simm.s32 $0x114E0  }
0x173: {  	[hbm4b:s19+s3] =	stream.linear.scatter [tilespmem:s22], [sflag:$0x3], $0x80, $0x38;
	[tilespmem:$0x16C00] =	vst v63  }
0x174: {  	s19 =	sadd.s32 $0x50, s18;
	s22 =	simm.s32 $0x11568  }
0x175: {  	[hbm4b:s19+s3] =	stream.linear.scatter [tilespmem:s22], [sflag:$0x3], $0x80, $0x38;
	[tilespmem:$0x16C00] =	vst v63  }
0x176: {  	s19 =	sadd.s32 $0x60, s18;
	s22 =	simm.s32 $0x115F0  }
0x177: {  	[hbm4b:s19+s3] =	stream.linear.scatter [tilespmem:s22], [sflag:$0x3], $0x80, $0x38;
	[tilespmem:$0x16C00] =	vst v63  }
0x178: {  	s18 =	sadd.s32 $0x70, s18;
	s22 =	simm.s32 $0x11678  }
0x179: {  	[hbm4b:s18+s3] =	stream.linear.scatter [tilespmem:s22], [sflag:$0x3], $0x80, $0x38;
	[tilespmem:$0x16C00] =	vst v63  }
0x17a: {  	s18 =	sadd.s32 s1, s13;
	s22 =	simm.s32 $0x11700  }
0x17b: {  	[hbm4b:s18+s3] =	stream.linear.scatter [tilespmem:s22], [sflag:$0x3], $0x80, $0x38;
	[tilespmem:$0x16C00] =	vst v63  }
0x17c: {  	s19 =	sadd.s32 $0x10, s18;
	s22 =	simm.s32 $0x11788  }
0x17d: {  	[hbm4b:s19+s3] =	stream.linear.scatter [tilespmem:s22], [sflag:$0x3], $0x80, $0x38;
	[tilespmem:$0x16C00] =	vst v63  }
0x17e: {  	s19 =	sadd.s32 $0x20, s18;
	s22 =	simm.s32 $0x11810  }
0x17f: {  	[hbm4b:s19+s3] =	stream.linear.scatter [tilespmem:s22], [sflag:$0x3], $0x80, $0x38;
	[tilespmem:$0x16C00] =	vst v63  }
0x180: {  	s19 =	sadd.s32 $0x30, s18;
	s22 =	simm.s32 $0x11898  }
0x181: {  	[hbm4b:s19+s3] =	stream.linear.scatter [tilespmem:s22], [sflag:$0x3], $0x80, $0x38;
	[tilespmem:$0x16C00] =	vst v63  }
0x182: {  	s19 =	sadd.s32 $0x40, s18;
	s22 =	simm.s32 $0x11920  }
0x183: {  	[hbm4b:s19+s3] =	stream.linear.scatter [tilespmem:s22], [sflag:$0x3], $0x80, $0x38;
	[tilespmem:$0x16C00] =	vst v63  }
0x184: {  	s19 =	sadd.s32 $0x50, s18;
	s22 =	simm.s32 $0x119A8  }
0x185: {  	[hbm4b:s19+s3] =	stream.linear.scatter [tilespmem:s22], [sflag:$0x3], $0x80, $0x38;
	[tilespmem:$0x16C00] =	vst v63  }
0x186: {  	s19 =	sadd.s32 $0x60, s18;
	s22 =	simm.s32 $0x11A30  }
0x187: {  	[hbm4b:s19+s3] =	stream.linear.scatter [tilespmem:s22], [sflag:$0x3], $0x80, $0x38;
	[tilespmem:$0x16C00] =	vst v63  }
0x188: {  	s18 =	sadd.s32 $0x70, s18;
	s22 =	simm.s32 $0x11AB8  }
0x189: {  	[hbm4b:s18+s3] =	stream.linear.scatter [tilespmem:s22], [sflag:$0x3], $0x80, $0x38;
	[tilespmem:$0x16C00] =	vst v63  }
0x18a: {  	s18 =	sadd.s32 $0x18000, s0;
	s22 =	simm.s32 $0x11B40  }
0x18b: {  	[hbm4b:s18+s3] =	stream.linear.scatter [tilespmem:s22], [sflag:$0x3], $0x80, $0x38;
	[tilespmem:$0x16C00] =	vst v63  }
0x18c: {  	s19 =	sadd.s32 $0x10, s18;
	s22 =	simm.s32 $0x11BC8  }
0x18d: {  	[hbm4b:s19+s3] =	stream.linear.scatter [tilespmem:s22], [sflag:$0x3], $0x80, $0x38;
	[tilespmem:$0x16C00] =	vst v63  }
0x18e: {  	s19 =	sadd.s32 $0x20, s18;
	s22 =	simm.s32 $0x11C50  }
0x18f: {  	[hbm4b:s19+s3] =	stream.linear.scatter [tilespmem:s22], [sflag:$0x3], $0x80, $0x38;
	[tilespmem:$0x16C00] =	vst v63  }
0x190: {  	s19 =	sadd.s32 $0x30, s18;
	s22 =	simm.s32 $0x11CD8  }
0x191: {  	[hbm4b:s19+s3] =	stream.linear.scatter [tilespmem:s22], [sflag:$0x3], $0x80, $0x38;
	[tilespmem:$0x16C00] =	vst v63  }
0x192: {  	s19 =	sadd.s32 $0x40, s18;
	s22 =	simm.s32 $0x11D60  }
0x193: {  	[hbm4b:s19+s3] =	stream.linear.scatter [tilespmem:s22], [sflag:$0x3], $0x80, $0x38;
	[tilespmem:$0x16C00] =	vst v63  }
0x194: {  	s19 =	sadd.s32 $0x50, s18;
	s22 =	simm.s32 $0x11DE8  }
0x195: {  	[hbm4b:s19+s3] =	stream.linear.scatter [tilespmem:s22], [sflag:$0x3], $0x80, $0x38;
	[tilespmem:$0x16C00] =	vst v63  }
0x196: {  	s19 =	sadd.s32 $0x60, s18;
	s22 =	simm.s32 $0x11E70  }
0x197: {  	[hbm4b:s19+s3] =	stream.linear.scatter [tilespmem:s22], [sflag:$0x3], $0x80, $0x38;
	[tilespmem:$0x16C00] =	vst v63  }
0x198: {  	s18 =	sadd.s32 $0x70, s18;
	s22 =	simm.s32 $0x11EF8  }
0x199: {  	[hbm4b:s18+s3] =	stream.linear.scatter [tilespmem:s22], [sflag:$0x3], $0x80, $0x38;
	[tilespmem:$0x16C00] =	vst v63  }
0x19a: {  	s1 =	sadd.s32 s1, s14;
	s22 =	simm.s32 $0x11F80  }
0x19b: {  	[hbm4b:s1+s3] =	stream.linear.scatter [tilespmem:s22], [sflag:$0x3], $0x80, $0x38;
	[tilespmem:$0x16C00] =	vst v63  }
0x19c: {  	s19 =	sadd.s32 $0x10, s1;
	s22 =	simm.s32 $0x12008  }
0x19d: {  	[hbm4b:s19+s3] =	stream.linear.scatter [tilespmem:s22], [sflag:$0x3], $0x80, $0x38;
	[tilespmem:$0x16C00] =	vst v63  }
0x19e: {  	s19 =	sadd.s32 $0x20, s1;
	s22 =	simm.s32 $0x12090  }
0x19f: {  	[hbm4b:s19+s3] =	stream.linear.scatter [tilespmem:s22], [sflag:$0x3], $0x80, $0x38;
	[tilespmem:$0x16C00] =	vst v63  }
0x1a0: {  	s19 =	sadd.s32 $0x30, s1;
	s22 =	simm.s32 $0x12118  }
0x1a1: {  	[hbm4b:s19+s3] =	stream.linear.scatter [tilespmem:s22], [sflag:$0x3], $0x80, $0x38;
	[tilespmem:$0x16C00] =	vst v63  }
0x1a2: {  	s19 =	sadd.s32 $0x40, s1;
	s22 =	simm.s32 $0x121A0  }
0x1a3: {  	[hbm4b:s19+s3] =	stream.linear.scatter [tilespmem:s22], [sflag:$0x3], $0x80, $0x38;
	[tilespmem:$0x16C00] =	vst v63  }
0x1a4: {  	s19 =	sadd.s32 $0x50, s1;
	s22 =	simm.s32 $0x12228  }
0x1a5: {  	[hbm4b:s19+s3] =	stream.linear.scatter [tilespmem:s22], [sflag:$0x3], $0x80, $0x38;
	[tilespmem:$0x16C00] =	vst v63  }
0x1a6: {  	s19 =	sadd.s32 $0x60, s1;
	s22 =	simm.s32 $0x122B0  }
0x1a7: {  	[hbm4b:s19+s3] =	stream.linear.scatter [tilespmem:s22], [sflag:$0x3], $0x80, $0x38;
	[tilespmem:$0x16C00] =	vst v63  }
0x1a8: {  	s1 =	sadd.s32 $0x70, s1;
	s22 =	simm.s32 $0x12338  }
0x1a9: {  	[hbm4b:s1+s3] =	stream.linear.scatter [tilespmem:s22], [sflag:$0x3], $0x80, $0x38;
	[tilespmem:$0x16C00] =	vst v63  }
0x1aa: {  	s0 =	sadd.s32 $0x1C000, s0;
	s18 =	simm.s32 $0x123C0  }
0x1ab: {  	[hbm4b:s0+s3] =	stream.linear.scatter [tilespmem:s18], [sflag:$0x3], $0x80, $0x38;
	[tilespmem:$0x16C00] =	vst v63  }
0x1ac: {  	s19 =	sadd.s32 $0x10, s0;
	s22 =	simm.s32 $0x12448  }
0x1ad: {  	[hbm4b:s19+s3] =	stream.linear.scatter [tilespmem:s22], [sflag:$0x3], $0x80, $0x38;
	[tilespmem:$0x16C00] =	vst v63  }
0x1ae: {  	s19 =	sadd.s32 $0x20, s0;
	s22 =	simm.s32 $0x124D0  }
0x1af: {  	[hbm4b:s19+s3] =	stream.linear.scatter [tilespmem:s22], [sflag:$0x3], $0x80, $0x38;
	[tilespmem:$0x16C00] =	vst v63  }
0x1b0: {  	s19 =	sadd.s32 $0x30, s0;
	s22 =	simm.s32 $0x12558  }
0x1b1: {  	[hbm4b:s19+s3] =	stream.linear.scatter [tilespmem:s22], [sflag:$0x3], $0x80, $0x38;
	[tilespmem:$0x16C00] =	vst v63  }
0x1b2: {  	s19 =	sadd.s32 $0x40, s0;
	s22 =	simm.s32 $0x125E0  }
0x1b3: {  	[hbm4b:s19+s3] =	stream.linear.scatter [tilespmem:s22], [sflag:$0x3], $0x80, $0x38;
	[tilespmem:$0x16C00] =	vst v63  }
0x1b4: {  	s19 =	sadd.s32 $0x50, s0;
	s22 =	simm.s32 $0x12668  }
0x1b5: {  	[hbm4b:s19+s3] =	stream.linear.scatter [tilespmem:s22], [sflag:$0x3], $0x80, $0x38;
	[tilespmem:$0x16C00] =	vst v63  }
0x1b6: {  	s18 =	sadd.s32 $0x60, s0;
	s19 =	simm.s32 $0x126F0  }
0x1b7: {  	[hbm4b:s18+s3] =	stream.linear.scatter [tilespmem:s19], [sflag:$0x3], $0x80, $0x38;
	[tilespmem:$0x16C00] =	vst v63  }
0x1b8: {  	s0 =	sadd.s32 $0x70, s0;
	s22 =	simm.s32 $0x12778  }
0x1b9: {  	[hbm4b:s0+s3] =	stream.linear.scatter [tilespmem:s22], [sflag:$0x3], $0x80, $0x38;
	[tilespmem:$0x16C00] =	vst v63  }
0x1ba: {  	_ =	swait.ge [sflag:s30], $0x2000  }
0x1bb: {  	[sflag:s30] =	ssyncset.done $0x0  }
0x1bc: {  	[sflag:s30] =	ssyncadd.s32 $0xFFFFE000  }
0x1bd: {  	p0 =	seq.s32 s25, $0x31;
	_ =	swait.ge [sflag:s30], $0x2000  }
0x1be: {  	s1 =	simm.s32 @!p0 $0x80;
	[sflag:s30] =	ssyncset.done $0x0  }
0x1bf: {  	s18 =	simm.s32 @!p0 $0x6400;
	s0 =	sadd.s32 @!p0 $0x200, s29;
	[sflag:s30] =	ssyncadd.s32 $0xFFFFE000  }
0x1c0: {  	[tilespmem:s18], [sflag:$0x1] =	stream.indirect.gather @!p0 [hbm4b:s4+s1], $0x40, s0, s1, $0xb8;
	[tilespmem:$0x16C00] =	vst v63  }
0x1c1: {  	p1 =	seq.s32 @!p0 s25, $0x0;
	s0 =	sadd.s32 @!p0 $0x280, s29;
	s18 =	simm.s32 @!p0 $0x8400  }
0x1c2: {  	[tilespmem:s18], [sflag:$0x1] =	stream.indirect.gather @!p0 [hbm4b:s4+s1], $0x40, s0, s1, $0xb8;
	[tilespmem:$0x16C00] =	vst v63  }
0x1c3: {  	p0 =	por p0, !p1  }
0x1c4: {  	_ =	swait.ge @p0 [sflag:s20], $0x400  }
0x1c5: {  	[sflag:s20] =	ssyncset.done @p0 $0x0  }
0x1c6: {  	[sflag:s20] =	ssyncadd.s32 @p0 $0xFFFFFC00  }
0x1c7: {  	_ =	swait.ge @p0 [sflag:s20], $0x400  }
0x1c8: {  	[sflag:s20] =	ssyncset.done @p0 $0x0  }
0x1c9: {  	[sflag:s20] =	ssyncadd.s32 @p0 $0xFFFFFC00  }
0x1ca: {  	_ =	swait.ge @p0 [sflag:s20], $0x400  }
0x1cb: {  	[sflag:s20] =	ssyncset.done @p0 $0x0  }
0x1cc: {  	[sflag:s20] =	ssyncadd.s32 @p0 $0xFFFFFC00  }
0x1cd: {  	_ =	swait.ge @p0 [sflag:s20], $0x400  }
0x1ce: {  	[sflag:s20] =	ssyncset.done @p0 $0x0  }
0x1cf: {  	[sflag:s20] =	ssyncadd.s32 @p0 $0xFFFFFC00  }
0x1d0: {  	_ =	swait.ge @p0 [sflag:s20], $0x400  }
0x1d1: {  	[sflag:s20] =	ssyncset.done @p0 $0x0  }
0x1d2: {  	[sflag:s20] =	ssyncadd.s32 @p0 $0xFFFFFC00  }
0x1d3: {  	_ =	swait.ge @p0 [sflag:s20], $0x400  }
0x1d4: {  	[sflag:s20] =	ssyncset.done @p0 $0x0  }
0x1d5: {  	[sflag:s20] =	ssyncadd.s32 @p0 $0xFFFFFC00  }
0x1d6: {  	_ =	swait.ge @p0 [sflag:s20], $0x400  }
0x1d7: {  	[sflag:s20] =	ssyncset.done @p0 $0x0  }
0x1d8: {  	[sflag:s20] =	ssyncadd.s32 @p0 $0xFFFFFC00  }
0x1d9: {  	_ =	swait.ge @p0 [sflag:s20], $0x400  }
0x1da: {  	[sflag:s20] =	ssyncset.done @p0 $0x0  }
0x1db: {  	[sflag:s20] =	ssyncadd.s32 @p0 $0xFFFFFC00  }
0x1dc: {  	_ =	swait.ge @p0 [sflag:s20], $0x400  }
0x1dd: {  	[sflag:s20] =	ssyncset.done @p0 $0x0  }
0x1de: {  	[sflag:s20] =	ssyncadd.s32 @p0 $0xFFFFFC00  }
0x1df: {  	_ =	swait.ge @p0 [sflag:s20], $0x400  }
0x1e0: {  	[sflag:s20] =	ssyncset.done @p0 $0x0  }
0x1e1: {  	[sflag:s20] =	ssyncadd.s32 @p0 $0xFFFFFC00  }
0x1e2: {  	_ =	swait.ge @p0 [sflag:s20], $0x400  }
0x1e3: {  	[sflag:s20] =	ssyncset.done @p0 $0x0  }
0x1e4: {  	[sflag:s20] =	ssyncadd.s32 @p0 $0xFFFFFC00  }
0x1e5: {  	_ =	swait.ge @p0 [sflag:s20], $0x400  }
0x1e6: {  	[sflag:s20] =	ssyncset.done @p0 $0x0  }
0x1e7: {  	[sflag:s20] =	ssyncadd.s32 @p0 $0xFFFFFC00  }
0x1e8: {  	_ =	swait.ge @p0 [sflag:s20], $0x400  }
0x1e9: {  	[sflag:s20] =	ssyncset.done @p0 $0x0  }
0x1ea: {  	[sflag:s20] =	ssyncadd.s32 @p0 $0xFFFFFC00  }
0x1eb: {  	_ =	swait.ge @p0 [sflag:s20], $0x400  }
0x1ec: {  	[sflag:s20] =	ssyncset.done @p0 $0x0  }
0x1ed: {  	[sflag:s20] =	ssyncadd.s32 @p0 $0xFFFFFC00  }
0x1ee: {  	_ =	swait.ge @p0 [sflag:s20], $0x400  }
0x1ef: {  	[sflag:s20] =	ssyncset.done @p0 $0x0  }
0x1f0: {  	[sflag:s20] =	ssyncadd.s32 @p0 $0xFFFFFC00  }
0x1f1: {  	s1 =	simm.s32 $0x0;
	_ =	swait.ge @p0 [sflag:s20], $0x400  }
0x1f2: {  	v8 =	vmov s1;
	[sflag:s20] =	ssyncset.done @p0 $0x0  }
0x1f3: {  	s29 =	simm.s32 $0xA420;
	v11 =	vand.u32 $0x7F, v8;
	[sflag:s20] =	ssyncadd.s32 @p0 $0xFFFFFC00  }
0x1f4: {  	v10 =	vadd.s32 v0, v11;
	v9 =	vld [tilespmem:s29+$0xFFFFFFE0];
	_ =	sdelay $0x1  }
0x1f5: {  	s18 =	simm.s32 $0x1  }
0x1f6: {  	v8 =	vmov s18  }
0x1f7: {  	s0 =	simm.s32 $0xA460;
	v8 =	vand.u32 $0x7F, v8  }
0x1f8: {  	v12 =	vadd.s32 v0, v8;
	[tilespmem:v10+s31+$0x0] =	vst.idx.msk $0xffff, v9;
	v10 =	vld [tilespmem:s0+$0xFFFFFFE0];
	_ =	sdelay $0x1  }
0x1f9: {  	s19 =	simm.s32 $0x2;
	v14 =	vadd.s32 v1, v11;
	v13 =	vld [tilespmem:s29+$0xFFFFFFF0]  }
0x1fa: {  	v9 =	vmov s19  }
0x1fb: {  	s1 =	simm.s32 $0xA4A0;
	v9 =	vand.u32 $0x7F, v9  }
0x1fc: {  	[tilespmem:v12+s31+$0x0] =	vst.idx.msk $0xffff, v10;
	v10 =	vld [tilespmem:s1+$0xFFFFFFE0];
	v12 =	vadd.s32 v0, v9;
	_ =	sdelay $0x1  }
0x1fd: {  	[tilespmem:v14+s31+$0x0] =	vst.idx.msk $0xffff, v13;
	v13 =	vld [tilespmem:s0+$0xFFFFFFF0];
	v14 =	vadd.s32 v1, v8  }
0x1fe: {  	s22 =	simm.s32 $0x3;
	v16 =	vadd.s32 v2, v11;
	v15 =	vld [tilespmem:s29+$0x0]  }
0x1ff: {  	v18 =	vmov s22  }
0x200: {  	s18 =	simm.s32 $0xA4E0;
	[tilespmem:v12+s31+$0x0] =	vst.idx.msk $0xffff, v10;
	v10 =	vand.u32 $0x7F, v18  }
0x201: {  	v17 =	vld [tilespmem:s18+$0xFFFFFFE0];
	v21 =	vadd.s32 v0, v10  }
0x202: {  	v22 =	vadd.s32 v1, v9;
	[tilespmem:v14+s31+$0x0] =	vst.idx.msk $0xffff, v13;
	v19 =	vld [tilespmem:s1+$0xFFFFFFF0]  }
0x203: {  	v18 =	vadd.s32 v2, v8;
	[tilespmem:v16+s31+$0x0] =	vst.idx.msk $0xffff, v15;
	v15 =	vld [tilespmem:s0+$0x0]  }
0x204: {  	v20 =	vmovc v8;
	s19 =	simm.s32 $0x4;
	v13 =	vadd.s32 v3, v11;
	v14 =	vmov v10;
	v16 =	vmov v9;
	v12 =	vld [tilespmem:s29+$0x10];
	s29 =	simm.s32 $0xA4E0  }
.LBB2_7:
0x205: {  	v23 =	vmov s19;
	p0 =	sne.s32 s19, $0x7F  }
.Ltmp2:
0x206: {  	s18 =	sadd.s32 $0x40, s18;
	v23 =	vand.u32 $0x7F, v23;
	[tilespmem:v21+s31+$0x0] =	vst.idx.msk $0xffff, v17;
	(pc) =	sbr.rel @p0 .LBB2_7-.Ltmp2, $4  }
0x207: {  	v17 =	vld [tilespmem:s18+$0xFFFFFFE0];
	v21 =	vadd.s32 v0, v23;
	[tilespmem:v22+s31+$0x0] =	vst.idx.msk $0xffff, v19  }
0x208: {  	s19 =	sadd.s32 $0x1, s19;
	v22 =	vadd.s32 v1, v14;
	v19 =	vld [tilespmem:s29+$0xFFFFFFF0];
	[tilespmem:v18+s31+$0x0] =	vst.idx.msk $0xffff, v15  }
0x209: {  	v18 =	vadd.s32 v2, v16;
	v15 =	vld [tilespmem:s1+$0x0];
	[tilespmem:v13+s31+$0x0] =	vst.idx.msk $0xffff, v12  }
0x20a: {  	v13 =	vadd.s32 v3, v20;
	v20 =	vmovc v16;
	v16 =	vmov v14;
	v14 =	vmov v23;
	v12 =	vld [tilespmem:s0+$0x10];
	s0 =	smov.u32 s1;
	s1 =	smov.u32 s29;
	s29 =	smov.u32 s18  }
0x20b: {  	_ =	sdelay $0x3  }
0x20c: {  	[tilespmem:v21+s31+$0x0] =	vst.idx.msk $0xffff, v17  }
0x20d: {  	v61 =	vadd.s32 v1, v14;
	v17 =	vld [tilespmem:s29+$0xFFFFFFF0];
	_ =	sdelay $0x3  }
0x20e: {  	[tilespmem:v22+s31+$0x0] =	vst.idx.msk $0xffff, v19  }
0x20f: {  	v62 =	vadd.s32 v2, v16;
	v19 =	vld [tilespmem:s1+$0x0];
	[tilespmem:v61+s31+$0x0] =	vst.idx.msk $0xffff, v17  }
0x210: {  	v63 =	vadd.s32 v2, v14;
	v17 =	vld [tilespmem:s29+$0x0];
	_ =	sdelay $0x2  }
0x211: {  	[tilespmem:v18+s31+$0x0] =	vst.idx.msk $0xffff, v15  }
0x212: {  	v18 =	vadd.s32 v3, v20;
	v15 =	vld [tilespmem:s0+$0x10];
	[tilespmem:v62+s31+$0x0] =	vst.idx.msk $0xffff, v19  }
0x213: {  	v16 =	vadd.s32 v3, v16;
	v19 =	vld [tilespmem:s1+$0x10];
	[tilespmem:v63+s31+$0x0] =	vst.idx.msk $0xffff, v17  }
0x214: {  	v14 =	vadd.s32 v3, v14;
	v17 =	vld [tilespmem:s29+$0x10];
	_ =	sdelay $0x1  }
0x215: {  	[tilespmem:v13+s31+$0x0] =	vst.idx.msk $0xffff, v12  }
0x216: {  	[tilespmem:v18+s31+$0x0] =	vst.idx.msk $0xffff, v15  }
0x217: {  	[tilespmem:v16+s31+$0x0] =	vst.idx.msk $0xffff, v19  }
0x218: {  	s18 =	simm.s32 $0xC430;
	[tilespmem:v14+s31+$0x0] =	vst.idx.msk $0xffff, v17  }
0x219: {  	v13 =	vadd.s32 v4, v11;
	v12 =	vld [tilespmem:s18+$0xFFFFFFD0];
	_ =	sdelay $0x3  }
0x21a: {  	s1 =	simm.s32 $0xC470  }
0x21b: {  	[tilespmem:v13+s31+$0x0] =	vst.idx.msk $0xffff, v12;
	v12 =	vld [tilespmem:s1+$0xFFFFFFD0];
	v13 =	vadd.s32 v4, v8  }
0x21c: {  	v15 =	vadd.s32 v5, v11;
	v14 =	vld [tilespmem:s18+$0xFFFFFFE0];
	_ =	sdelay $0x2  }
0x21d: {  	s0 =	simm.s32 $0xC4B0  }
0x21e: {  	[tilespmem:v13+s31+$0x0] =	vst.idx.msk $0xffff, v12;
	v12 =	vld [tilespmem:s0+$0xFFFFFFD0];
	v13 =	vadd.s32 v4, v9  }
0x21f: {  	v16 =	vadd.s32 v5, v8;
	[tilespmem:v15+s31+$0x0] =	vst.idx.msk $0xffff, v14;
	v14 =	vld [tilespmem:s1+$0xFFFFFFE0]  }
0x220: {  	v19 =	vadd.s32 v6, v11;
	v18 =	vld [tilespmem:s18+$0xFFFFFFF0];
	_ =	sdelay $0x2  }
0x221: {  	s29 =	simm.s32 $0xC4F0;
	[tilespmem:v13+s31+$0x0] =	vst.idx.msk $0xffff, v12  }
0x222: {  	v17 =	vadd.s32 v4, v10;
	v15 =	vld [tilespmem:s29+$0xFFFFFFD0];
	[tilespmem:v16+s31+$0x0] =	vst.idx.msk $0xffff, v14  }
0x223: {  	v16 =	vld [tilespmem:s0+$0xFFFFFFE0];
	[tilespmem:v19+s31+$0x0] =	vst.idx.msk $0xffff, v18;
	v18 =	vadd.s32 v5, v9  }
0x224: {  	v14 =	vadd.s32 v6, v8;
	v13 =	vld [tilespmem:s1+$0xFFFFFFF0]  }
0x225: {  	s19 =	simm.s32 $0x4;
	v11 =	vadd.s32 v7, v11;
	v12 =	vld [tilespmem:s18+$0x0];
	s18 =	simm.s32 $0xC4F0  }
.LBB2_9:
0x226: {  	v19 =	vmov s19;
	p0 =	sne.s32 s19, $0x7F  }
.Ltmp3:
0x227: {  	s29 =	sadd.s32 $0x40, s29;
	v19 =	vand.u32 $0x7F, v19;
	[tilespmem:v17+s31+$0x0] =	vst.idx.msk $0xffff, v15;
	(pc) =	sbr.rel @p0 .LBB2_9-.Ltmp3, $4  }
0x228: {  	v15 =	vld [tilespmem:s29+$0xFFFFFFD0];
	v17 =	vadd.s32 v4, v19;
	[tilespmem:v18+s31+$0x0] =	vst.idx.msk $0xffff, v16  }
0x229: {  	s19 =	sadd.s32 $0x1, s19;
	v18 =	vadd.s32 v5, v10;
	v16 =	vld [tilespmem:s18+$0xFFFFFFE0];
	[tilespmem:v14+s31+$0x0] =	vst.idx.msk $0xffff, v13  }
0x22a: {  	v14 =	vadd.s32 v6, v9;
	v13 =	vld [tilespmem:s0+$0xFFFFFFF0];
	[tilespmem:v11+s31+$0x0] =	vst.idx.msk $0xffff, v12  }
0x22b: {  	v11 =	vadd.s32 v7, v8;
	v8 =	vmovc v9;
	v9 =	vmov v10;
	v10 =	vmov v19;
	v12 =	vld [tilespmem:s1+$0x0];
	s1 =	smov.u32 s0;
	s0 =	smov.u32 s18;
	s18 =	smov.u32 s29  }
0x22c: {  	_ =	sdelay $0x3  }
0x22d: {  	[tilespmem:v17+s31+$0x0] =	vst.idx.msk $0xffff, v15  }
0x22e: {  	v58 =	vadd.s32 v5, v10;
	v15 =	vld [tilespmem:s18+$0xFFFFFFE0];
	_ =	sdelay $0x3  }
0x22f: {  	[tilespmem:v18+s31+$0x0] =	vst.idx.msk $0xffff, v16  }
0x230: {  	v59 =	vadd.s32 v6, v9;
	v16 =	vld [tilespmem:s0+$0xFFFFFFF0];
	[tilespmem:v58+s31+$0x0] =	vst.idx.msk $0xffff, v15  }
0x231: {  	v60 =	vadd.s32 v6, v10;
	v15 =	vld [tilespmem:s18+$0xFFFFFFF0];
	_ =	sdelay $0x2  }
0x232: {  	[tilespmem:v14+s31+$0x0] =	vst.idx.msk $0xffff, v13  }
0x233: {  	v8 =	vadd.s32 v7, v8;
	v13 =	vld [tilespmem:s1+$0x0];
	[tilespmem:v59+s31+$0x0] =	vst.idx.msk $0xffff, v16  }
0x234: {  	v62 =	vadd.s32 v7, v9;
	v61 =	vld [tilespmem:s0+$0x0];
	[tilespmem:v60+s31+$0x0] =	vst.idx.msk $0xffff, v15  }
0x235: {  	v63 =	vadd.s32 v7, v10;
	v15 =	vld [tilespmem:s18+$0x0];
	_ =	sdelay $0x1  }
0x236: {  	[tilespmem:v11+s31+$0x0] =	vst.idx.msk $0xffff, v12  }
0x237: {  	[tilespmem:v8+s31+$0x0] =	vst.idx.msk $0xffff, v13;
	s18 =	sor.u32 s15, s26  }
0x238: {  	[tilespmem:v62+s31+$0x0] =	vst.idx.msk $0xffff, v61;
	s29 =	sshrl.u32 s18, $0x3  }
0x239: {  	s0 =	sadd.s32 s2, s29;
	[tilespmem:v63+s31+$0x0] =	vst.idx.msk $0xffff, v15  }
0x23a: {  	[hbm4b:s0+s3] =	stream.linear.scatter [tilespmem:s31], [sflag:$0x4], $0x80, $0x38;
	[tilespmem:$0x16C00] =	vst v63  }
0x23b: {  	s22 =	simm.s32 $0x12888;
	s19 =	sadd.s32 $0x10, s0  }
0x23c: {  	[hbm4b:s19+s3] =	stream.linear.scatter [tilespmem:s22], [sflag:$0x4], $0x80, $0x38;
	[tilespmem:$0x16C00] =	vst v63  }
0x23d: {  	s19 =	sadd.s32 $0x20, s0;
	s22 =	simm.s32 $0x12910  }
0x23e: {  	[hbm4b:s19+s3] =	stream.linear.scatter [tilespmem:s22], [sflag:$0x4], $0x80, $0x38;
	[tilespmem:$0x16C00] =	vst v63  }
0x23f: {  	s19 =	sadd.s32 $0x30, s0;
	s22 =	simm.s32 $0x12998  }
0x240: {  	[hbm4b:s19+s3] =	stream.linear.scatter [tilespmem:s22], [sflag:$0x4], $0x80, $0x38;
	[tilespmem:$0x16C00] =	vst v63  }
0x241: {  	s19 =	sadd.s32 $0x40, s0;
	s22 =	simm.s32 $0x12A20  }
0x242: {  	[hbm4b:s19+s3] =	stream.linear.scatter [tilespmem:s22], [sflag:$0x4], $0x80, $0x38;
	[tilespmem:$0x16C00] =	vst v63  }
0x243: {  	s19 =	sadd.s32 $0x50, s0;
	s22 =	simm.s32 $0x12AA8  }
0x244: {  	[hbm4b:s19+s3] =	stream.linear.scatter [tilespmem:s22], [sflag:$0x4], $0x80, $0x38;
	[tilespmem:$0x16C00] =	vst v63  }
0x245: {  	s1 =	sor.u32 s16, s26;
	s18 =	sadd.s32 $0x60, s0;
	s19 =	simm.s32 $0x12B30  }
0x246: {  	[hbm4b:s18+s3] =	stream.linear.scatter [tilespmem:s19], [sflag:$0x4], $0x80, $0x38;
	[tilespmem:$0x16C00] =	vst v63  }
0x247: {  	s26 =	sshrl.u32 s1, $0x3;
	s0 =	sadd.s32 $0x70, s0;
	s22 =	simm.s32 $0x12BB8  }
0x248: {  	[hbm4b:s0+s3] =	stream.linear.scatter [tilespmem:s22], [sflag:$0x4], $0x80, $0x38;
	[tilespmem:$0x16C00] =	vst v63  }
0x249: {  	s18 =	simm.s32 $0x12C40;
	s0 =	sadd.s32 s2, s26  }
0x24a: {  	[hbm4b:s0+s3] =	stream.linear.scatter [tilespmem:s18], [sflag:$0x4], $0x80, $0x38;
	[tilespmem:$0x16C00] =	vst v63  }
0x24b: {  	s22 =	simm.s32 $0x12CC8;
	s19 =	sadd.s32 $0x10, s0  }
0x24c: {  	[hbm4b:s19+s3] =	stream.linear.scatter [tilespmem:s22], [sflag:$0x4], $0x80, $0x38;
	[tilespmem:$0x16C00] =	vst v63  }
0x24d: {  	s19 =	sadd.s32 $0x20, s0;
	s22 =	simm.s32 $0x12D50  }
0x24e: {  	[hbm4b:s19+s3] =	stream.linear.scatter [tilespmem:s22], [sflag:$0x4], $0x80, $0x38;
	[tilespmem:$0x16C00] =	vst v63  }
0x24f: {  	s19 =	sadd.s32 $0x30, s0;
	s22 =	simm.s32 $0x12DD8  }
0x250: {  	[hbm4b:s19+s3] =	stream.linear.scatter [tilespmem:s22], [sflag:$0x4], $0x80, $0x38;
	[tilespmem:$0x16C00] =	vst v63  }
0x251: {  	s19 =	sadd.s32 $0x40, s0;
	s22 =	simm.s32 $0x12E60  }
0x252: {  	[hbm4b:s19+s3] =	stream.linear.scatter [tilespmem:s22], [sflag:$0x4], $0x80, $0x38;
	[tilespmem:$0x16C00] =	vst v63  }
0x253: {  	s19 =	sadd.s32 $0x50, s0;
	s22 =	simm.s32 $0x12EE8  }
0x254: {  	[hbm4b:s19+s3] =	stream.linear.scatter [tilespmem:s22], [sflag:$0x4], $0x80, $0x38;
	[tilespmem:$0x16C00] =	vst v63  }
0x255: {  	s18 =	sadd.s32 $0x60, s0;
	s19 =	simm.s32 $0x12F70  }
0x256: {  	[hbm4b:s18+s3] =	stream.linear.scatter [tilespmem:s19], [sflag:$0x4], $0x80, $0x38;
	[tilespmem:$0x16C00] =	vst v63  }
0x257: {  	s1 =	sor.u32 $0x4000, s29;
	s0 =	sadd.s32 $0x70, s0;
	s22 =	simm.s32 $0x12FF8  }
0x258: {  	[hbm4b:s0+s3] =	stream.linear.scatter [tilespmem:s22], [sflag:$0x4], $0x80, $0x38;
	[tilespmem:$0x16C00] =	vst v63  }
0x259: {  	s18 =	simm.s32 $0x13080;
	s0 =	sadd.s32 s2, s1  }
0x25a: {  	[hbm4b:s0+s3] =	stream.linear.scatter [tilespmem:s18], [sflag:$0x4], $0x80, $0x38;
	[tilespmem:$0x16C00] =	vst v63  }
0x25b: {  	s22 =	simm.s32 $0x13108;
	s19 =	sadd.s32 $0x10, s0  }
0x25c: {  	[hbm4b:s19+s3] =	stream.linear.scatter [tilespmem:s22], [sflag:$0x4], $0x80, $0x38;
	[tilespmem:$0x16C00] =	vst v63  }
0x25d: {  	s19 =	sadd.s32 $0x20, s0;
	s22 =	simm.s32 $0x13190  }
0x25e: {  	[hbm4b:s19+s3] =	stream.linear.scatter [tilespmem:s22], [sflag:$0x4], $0x80, $0x38;
	[tilespmem:$0x16C00] =	vst v63  }
0x25f: {  	s19 =	sadd.s32 $0x30, s0;
	s22 =	simm.s32 $0x13218  }
0x260: {  	[hbm4b:s19+s3] =	stream.linear.scatter [tilespmem:s22], [sflag:$0x4], $0x80, $0x38;
	[tilespmem:$0x16C00] =	vst v63  }
0x261: {  	s19 =	sadd.s32 $0x40, s0;
	s22 =	simm.s32 $0x132A0  }
0x262: {  	[hbm4b:s19+s3] =	stream.linear.scatter [tilespmem:s22], [sflag:$0x4], $0x80, $0x38;
	[tilespmem:$0x16C00] =	vst v63  }
0x263: {  	s19 =	sadd.s32 $0x50, s0;
	s22 =	simm.s32 $0x13328  }
0x264: {  	[hbm4b:s19+s3] =	stream.linear.scatter [tilespmem:s22], [sflag:$0x4], $0x80, $0x38;
	[tilespmem:$0x16C00] =	vst v63  }
0x265: {  	s18 =	sadd.s32 $0x60, s0;
	s19 =	simm.s32 $0x133B0  }
0x266: {  	[hbm4b:s18+s3] =	stream.linear.scatter [tilespmem:s19], [sflag:$0x4], $0x80, $0x38;
	[tilespmem:$0x16C00] =	vst v63  }
0x267: {  	s1 =	sor.u32 $0x4000, s26;
	s0 =	sadd.s32 $0x70, s0;
	s22 =	simm.s32 $0x13438  }
0x268: {  	[hbm4b:s0+s3] =	stream.linear.scatter [tilespmem:s22], [sflag:$0x4], $0x80, $0x38;
	[tilespmem:$0x16C00] =	vst v63  }
0x269: {  	s18 =	simm.s32 $0x134C0;
	s0 =	sadd.s32 s2, s1  }
0x26a: {  	[hbm4b:s0+s3] =	stream.linear.scatter [tilespmem:s18], [sflag:$0x4], $0x80, $0x38;
	[tilespmem:$0x16C00] =	vst v63  }
0x26b: {  	s22 =	simm.s32 $0x13548;
	s19 =	sadd.s32 $0x10, s0  }
0x26c: {  	[hbm4b:s19+s3] =	stream.linear.scatter [tilespmem:s22], [sflag:$0x4], $0x80, $0x38;
	[tilespmem:$0x16C00] =	vst v63  }
0x26d: {  	s19 =	sadd.s32 $0x20, s0;
	s22 =	simm.s32 $0x135D0  }
0x26e: {  	[hbm4b:s19+s3] =	stream.linear.scatter [tilespmem:s22], [sflag:$0x4], $0x80, $0x38;
	[tilespmem:$0x16C00] =	vst v63  }
0x26f: {  	s19 =	sadd.s32 $0x30, s0;
	s22 =	simm.s32 $0x13658  }
0x270: {  	[hbm4b:s19+s3] =	stream.linear.scatter [tilespmem:s22], [sflag:$0x4], $0x80, $0x38;
	[tilespmem:$0x16C00] =	vst v63  }
0x271: {  	s19 =	sadd.s32 $0x40, s0;
	s22 =	simm.s32 $0x136E0  }
0x272: {  	[hbm4b:s19+s3] =	stream.linear.scatter [tilespmem:s22], [sflag:$0x4], $0x80, $0x38;
	[tilespmem:$0x16C00] =	vst v63  }
0x273: {  	s19 =	sadd.s32 $0x50, s0;
	s22 =	simm.s32 $0x13768  }
0x274: {  	[hbm4b:s19+s3] =	stream.linear.scatter [tilespmem:s22], [sflag:$0x4], $0x80, $0x38;
	[tilespmem:$0x16C00] =	vst v63  }
0x275: {  	s18 =	sadd.s32 $0x60, s0;
	s19 =	simm.s32 $0x137F0  }
0x276: {  	[hbm4b:s18+s3] =	stream.linear.scatter [tilespmem:s19], [sflag:$0x4], $0x80, $0x38;
	[tilespmem:$0x16C00] =	vst v63  }
0x277: {  	s1 =	sor.u32 $0x8000, s29;
	s0 =	sadd.s32 $0x70, s0;
	s22 =	simm.s32 $0x13878  }
0x278: {  	[hbm4b:s0+s3] =	stream.linear.scatter [tilespmem:s22], [sflag:$0x4], $0x80, $0x38;
	[tilespmem:$0x16C00] =	vst v63  }
0x279: {  	s18 =	simm.s32 $0x13900;
	s0 =	sadd.s32 s2, s1  }
0x27a: {  	[hbm4b:s0+s3] =	stream.linear.scatter [tilespmem:s18], [sflag:$0x4], $0x80, $0x38;
	[tilespmem:$0x16C00] =	vst v63  }
0x27b: {  	s22 =	simm.s32 $0x13988;
	s19 =	sadd.s32 $0x10, s0  }
0x27c: {  	[hbm4b:s19+s3] =	stream.linear.scatter [tilespmem:s22], [sflag:$0x4], $0x80, $0x38;
	[tilespmem:$0x16C00] =	vst v63  }
0x27d: {  	s19 =	sadd.s32 $0x20, s0;
	s22 =	simm.s32 $0x13A10  }
0x27e: {  	[hbm4b:s19+s3] =	stream.linear.scatter [tilespmem:s22], [sflag:$0x4], $0x80, $0x38;
	[tilespmem:$0x16C00] =	vst v63  }
0x27f: {  	s19 =	sadd.s32 $0x30, s0;
	s22 =	simm.s32 $0x13A98  }
0x280: {  	[hbm4b:s19+s3] =	stream.linear.scatter [tilespmem:s22], [sflag:$0x4], $0x80, $0x38;
	[tilespmem:$0x16C00] =	vst v63  }
0x281: {  	s19 =	sadd.s32 $0x40, s0;
	s22 =	simm.s32 $0x13B20  }
0x282: {  	[hbm4b:s19+s3] =	stream.linear.scatter [tilespmem:s22], [sflag:$0x4], $0x80, $0x38;
	[tilespmem:$0x16C00] =	vst v63  }
0x283: {  	s19 =	sadd.s32 $0x50, s0;
	s22 =	simm.s32 $0x13BA8  }
0x284: {  	[hbm4b:s19+s3] =	stream.linear.scatter [tilespmem:s22], [sflag:$0x4], $0x80, $0x38;
	[tilespmem:$0x16C00] =	vst v63  }
0x285: {  	s18 =	sadd.s32 $0x60, s0;
	s19 =	simm.s32 $0x13C30  }
0x286: {  	[hbm4b:s18+s3] =	stream.linear.scatter [tilespmem:s19], [sflag:$0x4], $0x80, $0x38;
	[tilespmem:$0x16C00] =	vst v63  }
0x287: {  	s1 =	sor.u32 $0x8000, s26;
	s0 =	sadd.s32 $0x70, s0;
	s22 =	simm.s32 $0x13CB8  }
0x288: {  	[hbm4b:s0+s3] =	stream.linear.scatter [tilespmem:s22], [sflag:$0x4], $0x80, $0x38;
	[tilespmem:$0x16C00] =	vst v63  }
0x289: {  	s18 =	simm.s32 $0x13D40;
	s0 =	sadd.s32 s2, s1  }
0x28a: {  	[hbm4b:s0+s3] =	stream.linear.scatter [tilespmem:s18], [sflag:$0x4], $0x80, $0x38;
	[tilespmem:$0x16C00] =	vst v63  }
0x28b: {  	s22 =	simm.s32 $0x13DC8;
	s19 =	sadd.s32 $0x10, s0  }
0x28c: {  	[hbm4b:s19+s3] =	stream.linear.scatter [tilespmem:s22], [sflag:$0x4], $0x80, $0x38;
	[tilespmem:$0x16C00] =	vst v63  }
0x28d: {  	s19 =	sadd.s32 $0x20, s0;
	s22 =	simm.s32 $0x13E50  }
0x28e: {  	[hbm4b:s19+s3] =	stream.linear.scatter [tilespmem:s22], [sflag:$0x4], $0x80, $0x38;
	[tilespmem:$0x16C00] =	vst v63  }
0x28f: {  	s19 =	sadd.s32 $0x30, s0;
	s22 =	simm.s32 $0x13ED8  }
0x290: {  	[hbm4b:s19+s3] =	stream.linear.scatter [tilespmem:s22], [sflag:$0x4], $0x80, $0x38;
	[tilespmem:$0x16C00] =	vst v63  }
0x291: {  	s19 =	sadd.s32 $0x40, s0;
	s22 =	simm.s32 $0x13F60  }
0x292: {  	[hbm4b:s19+s3] =	stream.linear.scatter [tilespmem:s22], [sflag:$0x4], $0x80, $0x38;
	[tilespmem:$0x16C00] =	vst v63  }
0x293: {  	s19 =	sadd.s32 $0x50, s0;
	s22 =	simm.s32 $0x13FE8  }
0x294: {  	[hbm4b:s19+s3] =	stream.linear.scatter [tilespmem:s22], [sflag:$0x4], $0x80, $0x38;
	[tilespmem:$0x16C00] =	vst v63  }
0x295: {  	s18 =	sadd.s32 $0x60, s0;
	s19 =	simm.s32 $0x14070  }
0x296: {  	[hbm4b:s18+s3] =	stream.linear.scatter [tilespmem:s19], [sflag:$0x4], $0x80, $0x38;
	[tilespmem:$0x16C00] =	vst v63  }
0x297: {  	s1 =	sor.u32 $0xC000, s29;
	s0 =	sadd.s32 $0x70, s0;
	s22 =	simm.s32 $0x140F8  }
0x298: {  	[hbm4b:s0+s3] =	stream.linear.scatter [tilespmem:s22], [sflag:$0x4], $0x80, $0x38;
	[tilespmem:$0x16C00] =	vst v63  }
0x299: {  	s18 =	simm.s32 $0x14180;
	s0 =	sadd.s32 s2, s1  }
0x29a: {  	[hbm4b:s0+s3] =	stream.linear.scatter [tilespmem:s18], [sflag:$0x4], $0x80, $0x38;
	[tilespmem:$0x16C00] =	vst v63  }
0x29b: {  	s22 =	simm.s32 $0x14208;
	s19 =	sadd.s32 $0x10, s0  }
0x29c: {  	[hbm4b:s19+s3] =	stream.linear.scatter [tilespmem:s22], [sflag:$0x4], $0x80, $0x38;
	[tilespmem:$0x16C00] =	vst v63  }
0x29d: {  	s19 =	sadd.s32 $0x20, s0;
	s22 =	simm.s32 $0x14290  }
0x29e: {  	[hbm4b:s19+s3] =	stream.linear.scatter [tilespmem:s22], [sflag:$0x4], $0x80, $0x38;
	[tilespmem:$0x16C00] =	vst v63  }
0x29f: {  	s19 =	sadd.s32 $0x30, s0;
	s22 =	simm.s32 $0x14318  }
0x2a0: {  	[hbm4b:s19+s3] =	stream.linear.scatter [tilespmem:s22], [sflag:$0x4], $0x80, $0x38;
	[tilespmem:$0x16C00] =	vst v63  }
0x2a1: {  	s19 =	sadd.s32 $0x40, s0;
	s22 =	simm.s32 $0x143A0  }
0x2a2: {  	[hbm4b:s19+s3] =	stream.linear.scatter [tilespmem:s22], [sflag:$0x4], $0x80, $0x38;
	[tilespmem:$0x16C00] =	vst v63  }
0x2a3: {  	s19 =	sadd.s32 $0x50, s0;
	s22 =	simm.s32 $0x14428  }
0x2a4: {  	[hbm4b:s19+s3] =	stream.linear.scatter [tilespmem:s22], [sflag:$0x4], $0x80, $0x38;
	[tilespmem:$0x16C00] =	vst v63  }
0x2a5: {  	s18 =	sadd.s32 $0x60, s0;
	s19 =	simm.s32 $0x144B0  }
0x2a6: {  	[hbm4b:s18+s3] =	stream.linear.scatter [tilespmem:s19], [sflag:$0x4], $0x80, $0x38;
	[tilespmem:$0x16C00] =	vst v63  }
0x2a7: {  	s1 =	sor.u32 $0xC000, s26;
	s0 =	sadd.s32 $0x70, s0;
	s22 =	simm.s32 $0x14538  }
0x2a8: {  	[hbm4b:s0+s3] =	stream.linear.scatter [tilespmem:s22], [sflag:$0x4], $0x80, $0x38;
	[tilespmem:$0x16C00] =	vst v63  }
0x2a9: {  	s18 =	simm.s32 $0x145C0;
	s0 =	sadd.s32 s2, s1  }
0x2aa: {  	[hbm4b:s0+s3] =	stream.linear.scatter [tilespmem:s18], [sflag:$0x4], $0x80, $0x38;
	[tilespmem:$0x16C00] =	vst v63  }
0x2ab: {  	s22 =	simm.s32 $0x14648;
	s19 =	sadd.s32 $0x10, s0  }
0x2ac: {  	[hbm4b:s19+s3] =	stream.linear.scatter [tilespmem:s22], [sflag:$0x4], $0x80, $0x38;
	[tilespmem:$0x16C00] =	vst v63  }
0x2ad: {  	s19 =	sadd.s32 $0x20, s0;
	s22 =	simm.s32 $0x146D0  }
0x2ae: {  	[hbm4b:s19+s3] =	stream.linear.scatter [tilespmem:s22], [sflag:$0x4], $0x80, $0x38;
	[tilespmem:$0x16C00] =	vst v63  }
0x2af: {  	s19 =	sadd.s32 $0x30, s0;
	s22 =	simm.s32 $0x14758  }
0x2b0: {  	[hbm4b:s19+s3] =	stream.linear.scatter [tilespmem:s22], [sflag:$0x4], $0x80, $0x38;
	[tilespmem:$0x16C00] =	vst v63  }
0x2b1: {  	s19 =	sadd.s32 $0x40, s0;
	s22 =	simm.s32 $0x147E0  }
0x2b2: {  	[hbm4b:s19+s3] =	stream.linear.scatter [tilespmem:s22], [sflag:$0x4], $0x80, $0x38;
	[tilespmem:$0x16C00] =	vst v63  }
0x2b3: {  	s19 =	sadd.s32 $0x50, s0;
	s22 =	simm.s32 $0x14868  }
0x2b4: {  	[hbm4b:s19+s3] =	stream.linear.scatter [tilespmem:s22], [sflag:$0x4], $0x80, $0x38;
	[tilespmem:$0x16C00] =	vst v63  }
0x2b5: {  	s18 =	sadd.s32 $0x60, s0;
	s19 =	simm.s32 $0x148F0  }
0x2b6: {  	[hbm4b:s18+s3] =	stream.linear.scatter [tilespmem:s19], [sflag:$0x4], $0x80, $0x38;
	[tilespmem:$0x16C00] =	vst v63  }
0x2b7: {  	s1 =	sor.u32 $0x10000, s29;
	s0 =	sadd.s32 $0x70, s0;
	s22 =	simm.s32 $0x14978  }
0x2b8: {  	[hbm4b:s0+s3] =	stream.linear.scatter [tilespmem:s22], [sflag:$0x4], $0x80, $0x38;
	[tilespmem:$0x16C00] =	vst v63  }
0x2b9: {  	s18 =	simm.s32 $0x14A00;
	s0 =	sadd.s32 s2, s1  }
0x2ba: {  	[hbm4b:s0+s3] =	stream.linear.scatter [tilespmem:s18], [sflag:$0x4], $0x80, $0x38;
	[tilespmem:$0x16C00] =	vst v63  }
0x2bb: {  	s22 =	simm.s32 $0x14A88;
	s19 =	sadd.s32 $0x10, s0  }
0x2bc: {  	[hbm4b:s19+s3] =	stream.linear.scatter [tilespmem:s22], [sflag:$0x4], $0x80, $0x38;
	[tilespmem:$0x16C00] =	vst v63  }
0x2bd: {  	s19 =	sadd.s32 $0x20, s0;
	s22 =	simm.s32 $0x14B10  }
0x2be: {  	[hbm4b:s19+s3] =	stream.linear.scatter [tilespmem:s22], [sflag:$0x4], $0x80, $0x38;
	[tilespmem:$0x16C00] =	vst v63  }
0x2bf: {  	s19 =	sadd.s32 $0x30, s0;
	s22 =	simm.s32 $0x14B98  }
0x2c0: {  	[hbm4b:s19+s3] =	stream.linear.scatter [tilespmem:s22], [sflag:$0x4], $0x80, $0x38;
	[tilespmem:$0x16C00] =	vst v63  }
0x2c1: {  	s19 =	sadd.s32 $0x40, s0;
	s22 =	simm.s32 $0x14C20  }
0x2c2: {  	[hbm4b:s19+s3] =	stream.linear.scatter [tilespmem:s22], [sflag:$0x4], $0x80, $0x38;
	[tilespmem:$0x16C00] =	vst v63  }
0x2c3: {  	s19 =	sadd.s32 $0x50, s0;
	s22 =	simm.s32 $0x14CA8  }
0x2c4: {  	[hbm4b:s19+s3] =	stream.linear.scatter [tilespmem:s22], [sflag:$0x4], $0x80, $0x38;
	[tilespmem:$0x16C00] =	vst v63  }
0x2c5: {  	s18 =	sadd.s32 $0x60, s0;
	s19 =	simm.s32 $0x14D30  }
0x2c6: {  	[hbm4b:s18+s3] =	stream.linear.scatter [tilespmem:s19], [sflag:$0x4], $0x80, $0x38;
	[tilespmem:$0x16C00] =	vst v63  }
0x2c7: {  	s1 =	sor.u32 $0x10000, s26;
	s0 =	sadd.s32 $0x70, s0;
	s22 =	simm.s32 $0x14DB8  }
0x2c8: {  	[hbm4b:s0+s3] =	stream.linear.scatter [tilespmem:s22], [sflag:$0x4], $0x80, $0x38;
	[tilespmem:$0x16C00] =	vst v63  }
0x2c9: {  	s18 =	simm.s32 $0x14E40;
	s0 =	sadd.s32 s2, s1  }
0x2ca: {  	[hbm4b:s0+s3] =	stream.linear.scatter [tilespmem:s18], [sflag:$0x4], $0x80, $0x38;
	[tilespmem:$0x16C00] =	vst v63  }
0x2cb: {  	s22 =	simm.s32 $0x14EC8;
	s19 =	sadd.s32 $0x10, s0  }
0x2cc: {  	[hbm4b:s19+s3] =	stream.linear.scatter [tilespmem:s22], [sflag:$0x4], $0x80, $0x38;
	[tilespmem:$0x16C00] =	vst v63  }
0x2cd: {  	s19 =	sadd.s32 $0x20, s0;
	s22 =	simm.s32 $0x14F50  }
0x2ce: {  	[hbm4b:s19+s3] =	stream.linear.scatter [tilespmem:s22], [sflag:$0x4], $0x80, $0x38;
	[tilespmem:$0x16C00] =	vst v63  }
0x2cf: {  	s19 =	sadd.s32 $0x30, s0;
	s22 =	simm.s32 $0x14FD8  }
0x2d0: {  	[hbm4b:s19+s3] =	stream.linear.scatter [tilespmem:s22], [sflag:$0x4], $0x80, $0x38;
	[tilespmem:$0x16C00] =	vst v63  }
0x2d1: {  	s19 =	sadd.s32 $0x40, s0;
	s22 =	simm.s32 $0x15060  }
0x2d2: {  	[hbm4b:s19+s3] =	stream.linear.scatter [tilespmem:s22], [sflag:$0x4], $0x80, $0x38;
	[tilespmem:$0x16C00] =	vst v63  }
0x2d3: {  	s19 =	sadd.s32 $0x50, s0;
	s22 =	simm.s32 $0x150E8  }
0x2d4: {  	[hbm4b:s19+s3] =	stream.linear.scatter [tilespmem:s22], [sflag:$0x4], $0x80, $0x38;
	[tilespmem:$0x16C00] =	vst v63  }
0x2d5: {  	s18 =	sadd.s32 $0x60, s0;
	s19 =	simm.s32 $0x15170  }
0x2d6: {  	[hbm4b:s18+s3] =	stream.linear.scatter [tilespmem:s19], [sflag:$0x4], $0x80, $0x38;
	[tilespmem:$0x16C00] =	vst v63  }
0x2d7: {  	s1 =	sor.u32 $0x14000, s29;
	s0 =	sadd.s32 $0x70, s0;
	s22 =	simm.s32 $0x151F8  }
0x2d8: {  	[hbm4b:s0+s3] =	stream.linear.scatter [tilespmem:s22], [sflag:$0x4], $0x80, $0x38;
	[tilespmem:$0x16C00] =	vst v63  }
0x2d9: {  	s18 =	simm.s32 $0x15280;
	s0 =	sadd.s32 s2, s1  }
0x2da: {  	[hbm4b:s0+s3] =	stream.linear.scatter [tilespmem:s18], [sflag:$0x4], $0x80, $0x38;
	[tilespmem:$0x16C00] =	vst v63  }
0x2db: {  	s22 =	simm.s32 $0x15308;
	s19 =	sadd.s32 $0x10, s0  }
0x2dc: {  	[hbm4b:s19+s3] =	stream.linear.scatter [tilespmem:s22], [sflag:$0x4], $0x80, $0x38;
	[tilespmem:$0x16C00] =	vst v63  }
0x2dd: {  	s19 =	sadd.s32 $0x20, s0;
	s22 =	simm.s32 $0x15390  }
0x2de: {  	[hbm4b:s19+s3] =	stream.linear.scatter [tilespmem:s22], [sflag:$0x4], $0x80, $0x38;
	[tilespmem:$0x16C00] =	vst v63  }
0x2df: {  	s19 =	sadd.s32 $0x30, s0;
	s22 =	simm.s32 $0x15418  }
0x2e0: {  	[hbm4b:s19+s3] =	stream.linear.scatter [tilespmem:s22], [sflag:$0x4], $0x80, $0x38;
	[tilespmem:$0x16C00] =	vst v63  }
0x2e1: {  	s19 =	sadd.s32 $0x40, s0;
	s22 =	simm.s32 $0x154A0  }
0x2e2: {  	[hbm4b:s19+s3] =	stream.linear.scatter [tilespmem:s22], [sflag:$0x4], $0x80, $0x38;
	[tilespmem:$0x16C00] =	vst v63  }
0x2e3: {  	s19 =	sadd.s32 $0x50, s0;
	s22 =	simm.s32 $0x15528  }
0x2e4: {  	[hbm4b:s19+s3] =	stream.linear.scatter [tilespmem:s22], [sflag:$0x4], $0x80, $0x38;
	[tilespmem:$0x16C00] =	vst v63  }
0x2e5: {  	s18 =	sadd.s32 $0x60, s0;
	s19 =	simm.s32 $0x155B0  }
0x2e6: {  	[hbm4b:s18+s3] =	stream.linear.scatter [tilespmem:s19], [sflag:$0x4], $0x80, $0x38;
	[tilespmem:$0x16C00] =	vst v63  }
0x2e7: {  	s1 =	sor.u32 $0x14000, s26;
	s0 =	sadd.s32 $0x70, s0;
	s22 =	simm.s32 $0x15638  }
0x2e8: {  	[hbm4b:s0+s3] =	stream.linear.scatter [tilespmem:s22], [sflag:$0x4], $0x80, $0x38;
	[tilespmem:$0x16C00] =	vst v63  }
0x2e9: {  	s18 =	simm.s32 $0x156C0;
	s0 =	sadd.s32 s2, s1  }
0x2ea: {  	[hbm4b:s0+s3] =	stream.linear.scatter [tilespmem:s18], [sflag:$0x4], $0x80, $0x38;
	[tilespmem:$0x16C00] =	vst v63  }
0x2eb: {  	s22 =	simm.s32 $0x15748;
	s19 =	sadd.s32 $0x10, s0  }
0x2ec: {  	[hbm4b:s19+s3] =	stream.linear.scatter [tilespmem:s22], [sflag:$0x4], $0x80, $0x38;
	[tilespmem:$0x16C00] =	vst v63  }
0x2ed: {  	s19 =	sadd.s32 $0x20, s0;
	s22 =	simm.s32 $0x157D0  }
0x2ee: {  	[hbm4b:s19+s3] =	stream.linear.scatter [tilespmem:s22], [sflag:$0x4], $0x80, $0x38;
	[tilespmem:$0x16C00] =	vst v63  }
0x2ef: {  	s19 =	sadd.s32 $0x30, s0;
	s22 =	simm.s32 $0x15858  }
0x2f0: {  	[hbm4b:s19+s3] =	stream.linear.scatter [tilespmem:s22], [sflag:$0x4], $0x80, $0x38;
	[tilespmem:$0x16C00] =	vst v63  }
0x2f1: {  	s19 =	sadd.s32 $0x40, s0;
	s22 =	simm.s32 $0x158E0  }
0x2f2: {  	[hbm4b:s19+s3] =	stream.linear.scatter [tilespmem:s22], [sflag:$0x4], $0x80, $0x38;
	[tilespmem:$0x16C00] =	vst v63  }
0x2f3: {  	s19 =	sadd.s32 $0x50, s0;
	s22 =	simm.s32 $0x15968  }
0x2f4: {  	[hbm4b:s19+s3] =	stream.linear.scatter [tilespmem:s22], [sflag:$0x4], $0x80, $0x38;
	[tilespmem:$0x16C00] =	vst v63  }
0x2f5: {  	s18 =	sadd.s32 $0x60, s0;
	s19 =	simm.s32 $0x159F0  }
0x2f6: {  	[hbm4b:s18+s3] =	stream.linear.scatter [tilespmem:s19], [sflag:$0x4], $0x80, $0x38;
	[tilespmem:$0x16C00] =	vst v63  }
0x2f7: {  	s1 =	sor.u32 $0x18000, s29;
	s0 =	sadd.s32 $0x70, s0;
	s22 =	simm.s32 $0x15A78  }
0x2f8: {  	[hbm4b:s0+s3] =	stream.linear.scatter [tilespmem:s22], [sflag:$0x4], $0x80, $0x38;
	[tilespmem:$0x16C00] =	vst v63  }
0x2f9: {  	s18 =	simm.s32 $0x15B00;
	s0 =	sadd.s32 s2, s1  }
0x2fa: {  	[hbm4b:s0+s3] =	stream.linear.scatter [tilespmem:s18], [sflag:$0x4], $0x80, $0x38;
	[tilespmem:$0x16C00] =	vst v63  }
0x2fb: {  	s22 =	simm.s32 $0x15B88;
	s19 =	sadd.s32 $0x10, s0  }
0x2fc: {  	[hbm4b:s19+s3] =	stream.linear.scatter [tilespmem:s22], [sflag:$0x4], $0x80, $0x38;
	[tilespmem:$0x16C00] =	vst v63  }
0x2fd: {  	s19 =	sadd.s32 $0x20, s0;
	s22 =	simm.s32 $0x15C10  }
0x2fe: {  	[hbm4b:s19+s3] =	stream.linear.scatter [tilespmem:s22], [sflag:$0x4], $0x80, $0x38;
	[tilespmem:$0x16C00] =	vst v63  }
0x2ff: {  	s19 =	sadd.s32 $0x30, s0;
	s22 =	simm.s32 $0x15C98  }
0x300: {  	[hbm4b:s19+s3] =	stream.linear.scatter [tilespmem:s22], [sflag:$0x4], $0x80, $0x38;
	[tilespmem:$0x16C00] =	vst v63  }
0x301: {  	s19 =	sadd.s32 $0x40, s0;
	s22 =	simm.s32 $0x15D20  }
0x302: {  	[hbm4b:s19+s3] =	stream.linear.scatter [tilespmem:s22], [sflag:$0x4], $0x80, $0x38;
	[tilespmem:$0x16C00] =	vst v63  }
0x303: {  	s19 =	sadd.s32 $0x50, s0;
	s22 =	simm.s32 $0x15DA8  }
0x304: {  	[hbm4b:s19+s3] =	stream.linear.scatter [tilespmem:s22], [sflag:$0x4], $0x80, $0x38;
	[tilespmem:$0x16C00] =	vst v63  }
0x305: {  	s18 =	sadd.s32 $0x60, s0;
	s19 =	simm.s32 $0x15E30  }
0x306: {  	[hbm4b:s18+s3] =	stream.linear.scatter [tilespmem:s19], [sflag:$0x4], $0x80, $0x38;
	[tilespmem:$0x16C00] =	vst v63  }
0x307: {  	s1 =	sor.u32 $0x18000, s26;
	s0 =	sadd.s32 $0x70, s0;
	s22 =	simm.s32 $0x15EB8  }
0x308: {  	[hbm4b:s0+s3] =	stream.linear.scatter [tilespmem:s22], [sflag:$0x4], $0x80, $0x38;
	[tilespmem:$0x16C00] =	vst v63  }
0x309: {  	s18 =	simm.s32 $0x15F40;
	s0 =	sadd.s32 s2, s1  }
0x30a: {  	[hbm4b:s0+s3] =	stream.linear.scatter [tilespmem:s18], [sflag:$0x4], $0x80, $0x38;
	[tilespmem:$0x16C00] =	vst v63  }
0x30b: {  	s22 =	simm.s32 $0x15FC8;
	s19 =	sadd.s32 $0x10, s0  }
0x30c: {  	[hbm4b:s19+s3] =	stream.linear.scatter [tilespmem:s22], [sflag:$0x4], $0x80, $0x38;
	[tilespmem:$0x16C00] =	vst v63  }
0x30d: {  	s19 =	sadd.s32 $0x20, s0;
	s22 =	simm.s32 $0x16050  }
0x30e: {  	[hbm4b:s19+s3] =	stream.linear.scatter [tilespmem:s22], [sflag:$0x4], $0x80, $0x38;
	[tilespmem:$0x16C00] =	vst v63  }
0x30f: {  	s19 =	sadd.s32 $0x30, s0;
	s22 =	simm.s32 $0x160D8  }
0x310: {  	[hbm4b:s19+s3] =	stream.linear.scatter [tilespmem:s22], [sflag:$0x4], $0x80, $0x38;
	[tilespmem:$0x16C00] =	vst v63  }
0x311: {  	s19 =	sadd.s32 $0x40, s0;
	s22 =	simm.s32 $0x16160  }
0x312: {  	[hbm4b:s19+s3] =	stream.linear.scatter [tilespmem:s22], [sflag:$0x4], $0x80, $0x38;
	[tilespmem:$0x16C00] =	vst v63  }
0x313: {  	s19 =	sadd.s32 $0x50, s0;
	s22 =	simm.s32 $0x161E8  }
0x314: {  	[hbm4b:s19+s3] =	stream.linear.scatter [tilespmem:s22], [sflag:$0x4], $0x80, $0x38;
	[tilespmem:$0x16C00] =	vst v63  }
0x315: {  	s19 =	sadd.s32 $0x60, s0;
	s22 =	simm.s32 $0x16270  }
0x316: {  	[hbm4b:s19+s3] =	stream.linear.scatter [tilespmem:s22], [sflag:$0x4], $0x80, $0x38;
	[tilespmem:$0x16C00] =	vst v63  }
0x317: {  	s0 =	sadd.s32 $0x70, s0;
	s19 =	simm.s32 $0x162F8;
	s22 =	sor.u32 $0x1C000, s29  }
0x318: {  	[hbm4b:s0+s3] =	stream.linear.scatter [tilespmem:s19], [sflag:$0x4], $0x80, $0x38;
	[tilespmem:$0x16C00] =	vst v63  }
0x319: {  	s29 =	simm.s32 $0x16380;
	s0 =	sadd.s32 s2, s22  }
0x31a: {  	[hbm4b:s0+s3] =	stream.linear.scatter [tilespmem:s29], [sflag:$0x4], $0x80, $0x38;
	[tilespmem:$0x16C00] =	vst v63  }
0x31b: {  	s19 =	simm.s32 $0x16408;
	s18 =	sadd.s32 $0x10, s0  }
0x31c: {  	[hbm4b:s18+s3] =	stream.linear.scatter [tilespmem:s19], [sflag:$0x4], $0x80, $0x38;
	[tilespmem:$0x16C00] =	vst v63  }
0x31d: {  	s22 =	sadd.s32 $0x20, s0;
	s29 =	simm.s32 $0x16490  }
0x31e: {  	[hbm4b:s22+s3] =	stream.linear.scatter [tilespmem:s29], [sflag:$0x4], $0x80, $0x38;
	[tilespmem:$0x16C00] =	vst v63  }
0x31f: {  	s18 =	sadd.s32 $0x30, s0;
	s19 =	simm.s32 $0x16518  }
0x320: {  	[hbm4b:s18+s3] =	stream.linear.scatter [tilespmem:s19], [sflag:$0x4], $0x80, $0x38;
	[tilespmem:$0x16C00] =	vst v63  }
0x321: {  	s22 =	sadd.s32 $0x40, s0;
	s29 =	simm.s32 $0x165A0  }
0x322: {  	[hbm4b:s22+s3] =	stream.linear.scatter [tilespmem:s29], [sflag:$0x4], $0x80, $0x38;
	[tilespmem:$0x16C00] =	vst v63  }
0x323: {  	s18 =	sadd.s32 $0x50, s0;
	s19 =	simm.s32 $0x16628  }
0x324: {  	[hbm4b:s18+s3] =	stream.linear.scatter [tilespmem:s19], [sflag:$0x4], $0x80, $0x38;
	[tilespmem:$0x16C00] =	vst v63  }
0x325: {  	s22 =	sadd.s32 $0x60, s0;
	s29 =	simm.s32 $0x166B0  }
0x326: {  	[hbm4b:s22+s3] =	stream.linear.scatter [tilespmem:s29], [sflag:$0x4], $0x80, $0x38;
	[tilespmem:$0x16C00] =	vst v63  }
0x327: {  	s0 =	sadd.s32 $0x70, s0;
	s19 =	simm.s32 $0x16738;
	s22 =	sor.u32 $0x1C000, s26  }
0x328: {  	[hbm4b:s0+s3] =	stream.linear.scatter [tilespmem:s19], [sflag:$0x4], $0x80, $0x38;
	[tilespmem:$0x16C00] =	vst v63  }
0x329: {  	s26 =	simm.s32 $0x167C0;
	s0 =	sadd.s32 s2, s22  }
0x32a: {  	[hbm4b:s0+s3] =	stream.linear.scatter [tilespmem:s26], [sflag:$0x4], $0x80, $0x38;
	[tilespmem:$0x16C00] =	vst v63  }
0x32b: {  	s29 =	sadd.s32 $0x10, s0  }
0x32c: {  	[hbm4b:s29+s3] =	stream.linear.scatter [tilespmem:s23], [sflag:$0x4], $0x80, $0x38;
	[tilespmem:$0x16C00] =	vst v63  }
0x32d: {  	s18 =	sadd.s32 $0x20, s0  }
0x32e: {  	[hbm4b:s18+s3] =	stream.linear.scatter [tilespmem:s6], [sflag:$0x4], $0x80, $0x38;
	[tilespmem:$0x16C00] =	vst v63  }
0x32f: {  	s22 =	simm.s32 $0x16958;
	s19 =	sadd.s32 $0x30, s0  }
0x330: {  	[hbm4b:s19+s3] =	stream.linear.scatter [tilespmem:s22], [sflag:$0x4], $0x80, $0x38;
	[tilespmem:$0x16C00] =	vst v63  }
0x331: {  	s25 =	sadd.s32 $0x1, s25;
	s26 =	sadd.s32 $0x40, s0;
	s29 =	simm.s32 $0x169E0  }
0x332: {  	[hbm4b:s26+s3] =	stream.linear.scatter [tilespmem:s29], [sflag:$0x4], $0x80, $0x38;
	[tilespmem:$0x16C00] =	vst v63  }
0x333: {  	p0 =	sne.s32 s25, $0x32;
	s18 =	sadd.s32 $0x50, s0;
	s19 =	simm.s32 $0x16A68  }
0x334: {  	[hbm4b:s18+s3] =	stream.linear.scatter [tilespmem:s19], [sflag:$0x4], $0x80, $0x38;
	[tilespmem:$0x16C00] =	vst v63  }
.Ltmp4:
0x335: {  	_ = 	snop;
	(pc) =	sbr.rel @p0 .LBB2_2-.Ltmp4, $4  }
0x336: {  	s22 =	sadd.s32 $0x60, s0;
	s26 =	simm.s32 $0x16AF0  }
0x337: {  	[hbm4b:s22+s3] =	stream.linear.scatter [tilespmem:s26], [sflag:$0x4], $0x80, $0x38;
	[tilespmem:$0x16C00] =	vst v63  }
0x338: {  	s0 =	sadd.s32 $0x70, s0;
	s29 =	simm.s32 $0x16B78  }
0x339: {  	[hbm4b:s0+s3] =	stream.linear.scatter [tilespmem:s29], [sflag:$0x4], $0x80, $0x38;
	[tilespmem:$0x16C00] =	vst v63  }
0x33a: {  	_ =	swait.ge [sflag:s17], $0x400  }
0x33b: {  	[sflag:s17] =	ssyncset.done $0x0  }
0x33c: {  	[sflag:s17] =	ssyncadd.s32 $0xFFFFFC00  }
0x33d: {  	_ =	swait.ge [sflag:s17], $0x400  }
0x33e: {  	[sflag:s17] =	ssyncset.done $0x0  }
0x33f: {  	[sflag:s17] =	ssyncadd.s32 $0xFFFFFC00  }
0x340: {  	_ =	swait.ge [sflag:s17], $0x400  }
0x341: {  	[sflag:s17] =	ssyncset.done $0x0  }
0x342: {  	[sflag:s17] =	ssyncadd.s32 $0xFFFFFC00  }
0x343: {  	_ =	swait.ge [sflag:s17], $0x400  }
0x344: {  	[sflag:s17] =	ssyncset.done $0x0  }
0x345: {  	[sflag:s17] =	ssyncadd.s32 $0xFFFFFC00  }
0x346: {  	_ =	swait.ge [sflag:s17], $0x400  }
0x347: {  	[sflag:s17] =	ssyncset.done $0x0  }
0x348: {  	[sflag:s17] =	ssyncadd.s32 $0xFFFFFC00  }
0x349: {  	_ =	swait.ge [sflag:s17], $0x400  }
0x34a: {  	[sflag:s17] =	ssyncset.done $0x0  }
0x34b: {  	[sflag:s17] =	ssyncadd.s32 $0xFFFFFC00  }
0x34c: {  	_ =	swait.ge [sflag:s17], $0x400  }
0x34d: {  	[sflag:s17] =	ssyncset.done $0x0  }
0x34e: {  	[sflag:s17] =	ssyncadd.s32 $0xFFFFFC00  }
0x34f: {  	_ =	swait.ge [sflag:s17], $0x400  }
0x350: {  	[sflag:s17] =	ssyncset.done $0x0  }
0x351: {  	[sflag:s17] =	ssyncadd.s32 $0xFFFFFC00  }
0x352: {  	_ =	swait.ge [sflag:s17], $0x400  }
0x353: {  	[sflag:s17] =	ssyncset.done $0x0  }
0x354: {  	[sflag:s17] =	ssyncadd.s32 $0xFFFFFC00  }
0x355: {  	_ =	swait.ge [sflag:s17], $0x400  }
0x356: {  	[sflag:s17] =	ssyncset.done $0x0  }
0x357: {  	[sflag:s17] =	ssyncadd.s32 $0xFFFFFC00  }
0x358: {  	_ =	swait.ge [sflag:s17], $0x400  }
0x359: {  	[sflag:s17] =	ssyncset.done $0x0  }
0x35a: {  	[sflag:s17] =	ssyncadd.s32 $0xFFFFFC00  }
0x35b: {  	_ =	swait.ge [sflag:s17], $0x400  }
0x35c: {  	[sflag:s17] =	ssyncset.done $0x0  }
0x35d: {  	[sflag:s17] =	ssyncadd.s32 $0xFFFFFC00  }
0x35e: {  	_ =	swait.ge [sflag:s17], $0x400  }
0x35f: {  	[sflag:s17] =	ssyncset.done $0x0  }
0x360: {  	[sflag:s17] =	ssyncadd.s32 $0xFFFFFC00  }
0x361: {  	_ =	swait.ge [sflag:s17], $0x400  }
0x362: {  	[sflag:s17] =	ssyncset.done $0x0  }
0x363: {  	[sflag:s17] =	ssyncadd.s32 $0xFFFFFC00  }
0x364: {  	_ =	swait.ge [sflag:s17], $0x400  }
0x365: {  	[sflag:s17] =	ssyncset.done $0x0  }
0x366: {  	[sflag:s17] =	ssyncadd.s32 $0xFFFFFC00  }
0x367: {  	_ =	swait.ge [sflag:s17], $0x400  }
0x368: {  	[sflag:s17] =	ssyncset.done $0x0  }
0x369: {  	[sflag:s17] =	ssyncadd.s32 $0xFFFFFC00  }
0x36a: {  	_ =	swait.ge [sflag:s20], $0x400  }
0x36b: {  	[sflag:s20] =	ssyncset.done $0x0  }
0x36c: {  	[sflag:s20] =	ssyncadd.s32 $0xFFFFFC00  }
0x36d: {  	_ =	swait.ge [sflag:s20], $0x400  }
0x36e: {  	[sflag:s20] =	ssyncset.done $0x0  }
0x36f: {  	[sflag:s20] =	ssyncadd.s32 $0xFFFFFC00  }
0x370: {  	_ =	swait.ge [sflag:s20], $0x400  }
0x371: {  	[sflag:s20] =	ssyncset.done $0x0  }
0x372: {  	[sflag:s20] =	ssyncadd.s32 $0xFFFFFC00  }
0x373: {  	_ =	swait.ge [sflag:s20], $0x400  }
0x374: {  	[sflag:s20] =	ssyncset.done $0x0  }
0x375: {  	[sflag:s20] =	ssyncadd.s32 $0xFFFFFC00  }
0x376: {  	_ =	swait.ge [sflag:s20], $0x400  }
0x377: {  	[sflag:s20] =	ssyncset.done $0x0  }
0x378: {  	[sflag:s20] =	ssyncadd.s32 $0xFFFFFC00  }
0x379: {  	_ =	swait.ge [sflag:s20], $0x400  }
0x37a: {  	[sflag:s20] =	ssyncset.done $0x0  }
0x37b: {  	[sflag:s20] =	ssyncadd.s32 $0xFFFFFC00  }
0x37c: {  	_ =	swait.ge [sflag:s20], $0x400  }
0x37d: {  	[sflag:s20] =	ssyncset.done $0x0  }
0x37e: {  	[sflag:s20] =	ssyncadd.s32 $0xFFFFFC00  }
0x37f: {  	_ =	swait.ge [sflag:s20], $0x400  }
0x380: {  	[sflag:s20] =	ssyncset.done $0x0  }
0x381: {  	[sflag:s20] =	ssyncadd.s32 $0xFFFFFC00  }
0x382: {  	_ =	swait.ge [sflag:s20], $0x400  }
0x383: {  	[sflag:s20] =	ssyncset.done $0x0  }
0x384: {  	[sflag:s20] =	ssyncadd.s32 $0xFFFFFC00  }
0x385: {  	_ =	swait.ge [sflag:s20], $0x400  }
0x386: {  	[sflag:s20] =	ssyncset.done $0x0  }
0x387: {  	[sflag:s20] =	ssyncadd.s32 $0xFFFFFC00  }
0x388: {  	_ =	swait.ge [sflag:s20], $0x400  }
0x389: {  	[sflag:s20] =	ssyncset.done $0x0  }
0x38a: {  	[sflag:s20] =	ssyncadd.s32 $0xFFFFFC00  }
0x38b: {  	_ =	swait.ge [sflag:s20], $0x400  }
0x38c: {  	[sflag:s20] =	ssyncset.done $0x0  }
0x38d: {  	[sflag:s20] =	ssyncadd.s32 $0xFFFFFC00  }
0x38e: {  	_ =	swait.ge [sflag:s20], $0x400  }
0x38f: {  	[sflag:s20] =	ssyncset.done $0x0  }
0x390: {  	[sflag:s20] =	ssyncadd.s32 $0xFFFFFC00  }
0x391: {  	_ =	swait.ge [sflag:s20], $0x400  }
0x392: {  	[sflag:s20] =	ssyncset.done $0x0  }
0x393: {  	[sflag:s20] =	ssyncadd.s32 $0xFFFFFC00  }
0x394: {  	_ =	swait.ge [sflag:s20], $0x400  }
0x395: {  	[sflag:s20] =	ssyncset.done $0x0  }
0x396: {  	[sflag:s20] =	ssyncadd.s32 $0xFFFFFC00  }
0x397: {  	_ =	swait.ge [sflag:s20], $0x400  }
0x398: {  	s1 =	rddreg [dreg:$0x5]  }
0x399: {  	s0 =	rddreg [dreg:$0x4];
	s1 =	sadd.s32 $0x1, s1  }
0x39a: {  	p0 =	sne.s32 s1, s0  }
.Ltmp5:
0x39b: {  	_ = 	snop;
	(pc) =	sbr.rel @p0 .LBB2_1-.Ltmp5, $3  }
0x39c: {  	_ =	sdelay $0x1  }
0x39d: {  	[sflag:s20] =	ssyncset.done $0x0  }
0x39e: {  	[sflag:s20] =	ssyncadd.s32 $0xFFFFFC00  }
0x39f: {  	_ =	sfence.sel $0x180000  }
0x3a0: {  	[bflag:$0x0] =	sbarrier.arrive $0xFFFF  }
0x3a1: {  	_ =	strace $0x90000047  }
0x3a2: {  	s0 =	stileid.u32;
	[bflag:$0x2] =	sbarrier.arrive $0xFFFF  }
0x3a3: {  	p0 =	sne.s32 s0, $0x0;
	s0 =	rddreg [dreg:$0x2]  }
0x3a4: {  	s0 =	sadd.s32 @!p0 $0x100000, s0  }
0x3a5: {  	[sflag:s0] =	ssyncadd.tile.s32 @!p0 $0x1;
	_ =	shalt  }
.Lfunc_end2:
_tile_overlayer_lowered:
.L_overlay_start_2:
0x3a6: {  	(tag) =	ssettag $0x2  }
0x3a7: {  	s0 =	rddreg [dreg:$0x0];
	s2 =	stileid.u32  }
0x3a8: {  	s1 =	rddreg [dreg:$0x1];
	p0 =	sne.s32 s2, $0x0  }
0x3a9: {  	s3 =	rddreg [dreg:$0x2];
	[bflag:$0x3] =	sbarrier.arrive $0xFFFF;
	s2 =	simm.s32 @!p0 $0x1C05  }
0x3aa: {  	[timem:s3], [sflag:s2] =	dma.local @!p0 [hbm:s0], s1  }
0x3ab: {  	s0 =	simm.s32 @!p0 $0x5  }
0x3ac: {  	_ =	swait.ge @!p0 [sflag:s0], s1  }
0x3ad: {  	s1 =	ssub.s32 @!p0 $0x0, s1;
	[sflag:s0] =	ssyncset.done @!p0 $0x0  }
0x3ae: {  	[sflag:s0] =	ssyncadd.s32 @!p0 s1  }
0x3af: {  	[bflag:$0x3] =	sbarrier.arrive $0xFFFF  }
0x3b0: {  	_ =	shalt  }

</sc_bundles>
